<compile_context>
chip_gen: v7x
topology: tpu7x:2x2x1
jax: 0.10.2.dev20260603
libtpu: 0.0.44.dev20260713+nightly
codegen_flags: <defaults>
</compile_context>

<pallas_src>
import functools

import jax
import jax.numpy as jnp
from jax import lax
from jax.experimental import pallas as pl
from jax.experimental.pallas import tpu as pltpu
from jax.experimental.pallas import tpu_sc as plsc

N = 10000
E = 320000
H = 128
OUT = 128
NG = 64
NEMB = 100

NC = 2
NS = 16
NW = NC * NS
NPAD = 10240
ROWS_PER_TILE = NPAD // NS
EDGES_PER_TILE = E // NW
CHUNK = 80
NCHUNKS = EDGES_PER_TILE // CHUNK


def _f32dot(a, b, dims):
    return lax.dot_general(a, b, (dims, ((), ())),
                           preferred_element_type=jnp.float32)


def _layer_tail(h, gamma, beta, lw, lb, W, asrc, adst):
    mean = jnp.mean(h, axis=0, keepdims=True)
    var = jnp.mean(h * h, axis=0, keepdims=True) - mean * mean
    hn = (h - mean) * lax.rsqrt(var + 1e-5) * gamma + beta
    hl = jnp.maximum(_f32dot(hn, lw, ((1,), (1,))) + lb, 0.0)
    z = _f32dot(hl, W, ((1,), (1,)))
    ssrc = _f32dot(z, asrc, ((1,), (1,)))
    sdst = _f32dot(z, adst, ((1,), (1,)))
    b = jnp.max(ssrc) + jnp.max(sdst)
    b = jnp.where(b >= 0.0, b, 0.2 * b)
    ssrc_pad = jnp.concatenate(
        [ssrc, jnp.zeros((NPAD - N, 1), jnp.float32)], axis=0)
    sdst_pad = jnp.concatenate(
        [sdst, jnp.full((NPAD - N, 1), b, jnp.float32)], axis=0)
    return z, ssrc_pad, sdst_pad


def _merge(accs, dens, cb):
    acc = accs[0] + accs[1]
    den = lax.dot_general(dens, jnp.ones((NW, 1), jnp.float32),
                          (((0,), (0,)), ((), ())),
                          preferred_element_type=jnp.float32)
    return acc[:N] / (den[:N] + 1e-16) + cb


def _pre0_body(xb_ref, emb_ref, g_ref, be_ref, lw_ref, lb_ref, w_ref,
               as_ref, ad_ref, z_out, ss_out, sd_out):
    iota = lax.broadcasted_iota(jnp.int32, (N, NEMB), 1)
    oh = jnp.where(iota == xb_ref[...], 1.0, 0.0).astype(jnp.float32)
    h = _f32dot(oh, emb_ref[...], ((1,), (0,)))
    z, ss, sd = _layer_tail(h, g_ref[...], be_ref[...], lw_ref[...],
                            lb_ref[...], w_ref[...], as_ref[...], ad_ref[...])
    z_out[...] = z
    ss_out[...] = ss
    sd_out[...] = sd


def _mid_body(accs_ref, dens_ref, cb_ref, g_ref, be_ref, lw_ref, lb_ref,
              w_ref, as_ref, ad_ref, z_out, ss_out, sd_out):
    h = _merge(accs_ref[...], dens_ref[...], cb_ref[...])
    z, ss, sd = _layer_tail(h, g_ref[...], be_ref[...], lw_ref[...],
                            lb_ref[...], w_ref[...], as_ref[...], ad_ref[...])
    z_out[...] = z
    ss_out[...] = ss
    sd_out[...] = sd


def _post_body(accs_ref, dens_ref, cb_ref, batch_ref, row_ref, rob_ref,
               out_ref):
    h = _merge(accs_ref[...], dens_ref[...], cb_ref[...])
    y = _f32dot(h, row_ref[...], ((1,), (1,)))
    seg = lax.broadcasted_iota(jnp.int32, (NG, N), 0)
    oh = jnp.where(seg == batch_ref[...], 1.0, 0.0).astype(jnp.float32)
    out = _f32dot(oh, y, ((1,), (0,)))
    cnt = jnp.sum(oh, axis=1, keepdims=True)
    out_ref[...] = out + cnt * rob_ref[...]


def _tc_call(body, out_shapes, *args):
    flat_shapes = jax.tree.leaves(out_shapes)
    return pl.pallas_call(
        body,
        out_shape=out_shapes,
        in_specs=[pl.BlockSpec(memory_space=pltpu.VMEM) for _ in args],
        out_specs=jax.tree.map(
            lambda _: pl.BlockSpec(memory_space=pltpu.VMEM), out_shapes),
    )(*args)


_LAYER_OUT = (jax.ShapeDtypeStruct((N, H), jnp.float32),
              jax.ShapeDtypeStruct((NPAD, 1), jnp.float32),
              jax.ShapeDtypeStruct((NPAD, 1), jnp.float32))


def _sc_ex_body(ssrc_hbm, sdst_hbm, src_hbm, dst_hbm, ex_out, den_out,
                ssrc_v, sdst_v, src_t, dst_t, ex_all, den_v,
                sem_a, sem_b, sem_c, sem_d):
    c = lax.axis_index("c")
    s = lax.axis_index("s")
    wid = s * NC + c
    pltpu.async_copy(src_hbm.at[wid], src_t, sem_a)
    pltpu.async_copy(dst_hbm.at[wid], dst_t, sem_b)
    pltpu.async_copy(ssrc_hbm, ssrc_v, sem_c)
    pltpu.async_copy(sdst_hbm, sdst_v, sem_d)

    @plsc.parallel_loop(0, NPAD // 16, step=1, unroll=8)
    def _(i):
        den_v[pl.ds(i * 16, 16)] = jnp.zeros((16,), jnp.float32)

    pltpu.make_async_copy(src_hbm.at[wid], src_t, sem_a).wait()
    pltpu.make_async_copy(dst_hbm.at[wid], dst_t, sem_b).wait()
    pltpu.make_async_copy(ssrc_hbm, ssrc_v, sem_c).wait()
    pltpu.make_async_copy(sdst_hbm, sdst_v, sem_d).wait()
    bvec = sdst_v[pl.ds(NPAD - 16, 16)]

    def ex_body(i, carry):
        for j in range(CHUNK // 16):
            sv = src_t[i, pl.ds(j * 16, 16)]
            dv = dst_t[i, pl.ds(j * 16, 16)]
            e = plsc.load_gather(ssrc_v, [sv]) + plsc.load_gather(sdst_v, [dv])
            e = jnp.where(e >= 0.0, e, 0.2 * e)
            ex = jnp.exp(e - bvec)
            ex_all[pl.ds(i * CHUNK + j * 16, 16)] = ex
            plsc.addupdate_scatter(den_v, [dv], ex)
        return carry

    lax.fori_loop(0, NCHUNKS, ex_body, 0, unroll=False)
    pltpu.sync_copy(ex_all,
                    ex_out.at[pl.ds(wid * EDGES_PER_TILE, EDGES_PER_TILE)])
    pltpu.sync_copy(den_v, den_out.at[c].at[s])


_sc_ex = pl.kernel(
    _sc_ex_body,
    out_type=(jax.ShapeDtypeStruct((E,), jnp.float32),
              jax.ShapeDtypeStruct((NC, NS, NPAD), jnp.float32)),
    mesh=plsc.VectorSubcoreMesh(core_axis_name="c", subcore_axis_name="s"),
    compiler_params=pltpu.CompilerParams(needs_layout_passes=False),
    scratch_types=[
        pltpu.VMEM((NPAD,), jnp.float32),
        pltpu.VMEM((NPAD,), jnp.float32),
        pltpu.VMEM((NCHUNKS, CHUNK), jnp.int32),
        pltpu.VMEM((NCHUNKS, CHUNK), jnp.int32),
        pltpu.VMEM((EDGES_PER_TILE,), jnp.float32),
        pltpu.VMEM((NPAD,), jnp.float32),
        pltpu.SemaphoreType.DMA,
        pltpu.SemaphoreType.DMA,
        pltpu.SemaphoreType.DMA,
        pltpu.SemaphoreType.DMA,
    ],
)

ROWS_BIG = 640


def _sc_scatter_body(z_hbm, ex_hbm, src_hbm, dst_hbm, zero128_hbm, acc_out,
                     src_t, dst_a, dst_b, dst_c, exb_a, exb_b, exb_c,
                     buf_a, buf_b, buf_c, acc_sh,
                     gsem_a, gsem_b, gsem_c, dsem_a, dsem_b, dsem_c,
                     esem_a, esem_b, esem_c, ssem_a, ssem_b, ssem_c):
    c = lax.axis_index("c")
    s = lax.axis_index("s")
    wid = s * NC + c
    ebase = wid * EDGES_PER_TILE
    pltpu.sync_copy(src_hbm.at[pl.ds(ebase, EDGES_PER_TILE)], src_t)
    rbase = s * ROWS_BIG

    @pl.when(s < NS - 1)
    def _():
        pltpu.sync_copy(zero128_hbm, acc_sh.at[pl.ds(rbase, ROWS_BIG)])

    @pl.when(s == NS - 1)
    def _():
        pltpu.sync_copy(zero128_hbm.at[pl.ds(0, N - ROWS_BIG * (NS - 1))],
                        acc_sh.at[pl.ds(ROWS_BIG * (NS - 1),
                                        N - ROWS_BIG * (NS - 1))])

    def gidx(cidx):
        return src_t.at[pl.ds(cidx * CHUNK, CHUNK)]

    plsc.subcore_barrier()

    def scale(buf, exb):
        @plsc.parallel_loop(0, CHUNK, step=1, unroll=4)
        def _(k):
            exv = plsc.load_gather(exb, [jnp.full((16,), k, jnp.int32)])
            for j in range(H // 16):
                sl = pl.ds(j * 16, 16)
                buf[k, sl] = buf[k, sl] * exv

    def prefetch(cidx, buf, dstb, exb, gs, ds, es):
        pltpu.async_copy(dst_hbm.at[pl.ds(ebase + cidx * CHUNK, CHUNK)],
                         dstb, ds)
        pltpu.async_copy(ex_hbm.at[pl.ds(ebase + cidx * CHUNK, CHUNK)],
                         exb, es)
        pltpu.async_copy(z_hbm.at[gidx(cidx)], buf, gs)

    def step(cidx, buf, dstb, exb, gs, ds, es, ss):
        pltpu.make_async_copy(z_hbm.at[gidx(cidx)], buf, gs).wait()
        pltpu.make_async_copy(ex_hbm.at[pl.ds(0, CHUNK)], exb, es).wait()
        scale(buf, exb)
        pltpu.make_async_copy(dst_hbm.at[pl.ds(0, CHUNK)], dstb, ds).wait()
        pltpu.async_copy(buf, acc_sh.at[dstb], ss, add=True)

    def drain(ss):
        pltpu.make_async_copy(buf_a, acc_sh.at[pl.ds(0, CHUNK)], ss).wait()

    bufs = (buf_a, buf_b, buf_c)
    dsts = (dst_a, dst_b, dst_c)
    exbs = (exb_a, exb_b, exb_c)
    gsems = (gsem_a, gsem_b, gsem_c)
    dsems = (dsem_a, dsem_b, dsem_c)
    esems = (esem_a, esem_b, esem_c)
    ssems = (ssem_a, ssem_b, ssem_c)

    def pf(cidx, x):
        prefetch(cidx, bufs[x], dsts[x], exbs[x], gsems[x], dsems[x],
                 esems[x])

    def st(cidx, x):
        step(cidx, bufs[x], dsts[x], exbs[x], gsems[x], dsems[x], esems[x],
             ssems[x])

    pf(0, 0)
    pf(1, 1)

    NG3 = (NCHUNKS - 2) // 3

    def group_body(g, carry):
        for u in range(3):
            cidx = 3 * g + u
            pfb = (u + 2) % 3
            st(cidx, u)
            if u == 0:
                @pl.when(g > 0)
                def _():
                    drain(ssems[pfb])
            else:
                drain(ssems[pfb])
            pf(cidx + 2, pfb)
        return carry

    lax.fori_loop(0, NG3, group_body, 0, unroll=False)
    st(3 * NG3, 0)
    st(3 * NG3 + 1, 1)
    drain(ssem_c)
    drain(ssem_a)
    drain(ssem_b)
    plsc.subcore_barrier()

    @pl.when(s < NS - 1)
    def _():
        pltpu.sync_copy(acc_sh.at[pl.ds(rbase, ROWS_BIG)],
                        acc_out.at[c].at[pl.ds(rbase, ROWS_BIG)])

    @pl.when(s == NS - 1)
    def _():
        nlast = N - ROWS_BIG * (NS - 1)
        pltpu.sync_copy(acc_sh.at[pl.ds(ROWS_BIG * (NS - 1), nlast)],
                        acc_out.at[c].at[pl.ds(ROWS_BIG * (NS - 1), nlast)])


_sc_scatter = pl.kernel(
    _sc_scatter_body,
    out_type=jax.ShapeDtypeStruct((NC, N, H), jnp.float32),
    mesh=plsc.VectorSubcoreMesh(core_axis_name="c", subcore_axis_name="s"),
    compiler_params=pltpu.CompilerParams(needs_layout_passes=False),
    scratch_types=(
        [pltpu.VMEM((EDGES_PER_TILE,), jnp.int32)]
        + [pltpu.VMEM((CHUNK,), jnp.int32)] * 3
        + [pltpu.VMEM((CHUNK,), jnp.float32)] * 3
        + [pltpu.VMEM((CHUNK, H), jnp.float32)] * 3
        + [pltpu.VMEM_SHARED((N, H), jnp.float32)]
        + [pltpu.SemaphoreType.DMA] * 12
    ),
)


def kernel(x, edge_index, batch, embed, gamma0, beta0, lin_w0, lin_b0, W0,
           a_src0, a_dst0, conv_b0, gamma1, beta1, lin_w1, lin_b1, W1,
           a_src1, a_dst1, conv_b1, ro_w, ro_b):
    src1 = edge_index[0].astype(jnp.int32)
    dst1 = edge_index[1].astype(jnp.int32)
    src = src1.reshape(NW, NCHUNKS, CHUNK)
    dst = dst1.reshape(NW, NCHUNKS, CHUNK)
    xb = x.reshape(N, 1).astype(jnp.int32)
    zero128 = jnp.zeros((ROWS_BIG, H), jnp.float32)

    z0, ss0, sd0 = _tc_call(
        _pre0_body, _LAYER_OUT, xb, embed, gamma0.reshape(1, H),
        beta0.reshape(1, H), lin_w0, lin_b0.reshape(1, H), W0,
        a_src0.reshape(1, H), a_dst0.reshape(1, H))
    ex0, dens0 = _sc_ex(ss0.reshape(NPAD), sd0.reshape(NPAD), src, dst)
    accs0 = _sc_scatter(z0, ex0, src1, dst1, zero128)
    z1, ss1, sd1 = _tc_call(
        _mid_body, _LAYER_OUT, accs0, dens0.reshape(NW, NPAD),
        conv_b0.reshape(1, H), gamma1.reshape(1, H), beta1.reshape(1, H),
        lin_w1, lin_b1.reshape(1, H), W1, a_src1.reshape(1, H),
        a_dst1.reshape(1, H))
    ex1, dens1 = _sc_ex(ss1.reshape(NPAD), sd1.reshape(NPAD), src, dst)
    accs1 = _sc_scatter(z1, ex1, src1, dst1, zero128)
    out = _tc_call(
        _post_body, jax.ShapeDtypeStruct((NG, OUT), jnp.float32),
        accs1, dens1.reshape(NW, NPAD), conv_b1.reshape(1, H),
        batch.reshape(1, N).astype(jnp.int32), ro_w, ro_b.reshape(1, OUT))
    return out

# --- scband reference (transcript-rebuilt; emitter-appended) ---
"""Pipeline reference for scband-baseline-gat-35553739276823 (READ-ONLY COPY).

The authoritative reference and input builder live on the scoring server;
editing this copy changes nothing except your own understanding.
"""

import jax, jax.numpy as jnp
import numpy as np

N = 10000
E = 320000
H = 128
OUT = 128
NG = 64


def setup_inputs(seed: int = 0):
    key = jax.random.key(seed)
    ks = jax.random.split(key, 16)
    inp = {}
    inp["x"] = jax.random.randint(ks[0], (N,), 0, 100)
    inp["edge_index"] = jax.random.randint(ks[1], (2, E), 0, N)
    inp["batch"] = jnp.sort(jax.random.randint(ks[2], (N,), 0, NG))
    inp["embed"] = jax.random.normal(ks[3], (100, H), dtype=jnp.float32) * 0.02
    s = 1.0 / np.sqrt(H)
    ki = 4
    for l in range(2):
        inp["gamma%d" % l] = jnp.ones((H,), jnp.float32)
        inp["beta%d" % l] = jnp.zeros((H,), jnp.float32)
        inp["lin_w%d" % l] = jax.random.normal(ks[ki], (H, H), dtype=jnp.float32) * s
        ki += 1
        inp["lin_b%d" % l] = jnp.zeros((H,), jnp.float32)
        inp["W%d" % l] = jax.random.normal(ks[ki], (H, H), dtype=jnp.float32) * s
        ki += 1
        inp["a_src%d" % l] = jax.random.normal(ks[ki], (H,), dtype=jnp.float32) * 0.1
        ki += 1
        inp["a_dst%d" % l] = jax.random.normal(ks[ki], (H,), dtype=jnp.float32) * 0.1
        ki += 1
        inp["conv_b%d" % l] = jnp.zeros((H,), jnp.float32)
    inp["ro_w"] = jax.random.normal(ks[ki], (OUT, H), dtype=jnp.float32) * s
    inp["ro_b"] = jnp.zeros((OUT,), jnp.float32)
    return inp


def _gat(h, src, dst, W, a_src, a_dst, b):
    z = h @ W.T
    e = jax.nn.leaky_relu((z @ a_src)[src] + (z @ a_dst)[dst], 0.2)
    m = jax.ops.segment_max(e, dst, num_segments=N)
    m = jnp.where(jnp.isfinite(m), m, 0.0)
    ex = jnp.exp(e - m[dst])
    denom = jax.ops.segment_sum(ex, dst, num_segments=N)
    alpha = ex / (denom[dst] + 1e-16)
    out = jax.ops.segment_sum(alpha[:, None] * z[src], dst, num_segments=N)
    return out + b


def _forward(x, edge_index, batch, embed, layer_params, ro_w, ro_b):
    src = edge_index[0]
    dst = edge_index[1]
    h = embed[x]
    for (gamma, beta, lw, lb, W, asrc, adst, cb) in layer_params:
        mean = jnp.mean(h, axis=0)
        var = jnp.var(h, axis=0)
        h = (h - mean) / jnp.sqrt(var + 1e-5) * gamma + beta
        h = jax.nn.relu(h @ lw.T + lb)
        h = _gat(h, src, dst, W, asrc, adst, cb)
    y = h @ ro_w.T + ro_b
    return jax.ops.segment_sum(y, batch, num_segments=NG)


def reference(x, edge_index, batch, embed, gamma0, beta0, lin_w0, lin_b0, W0, a_src0, a_dst0, conv_b0, gamma1, beta1, lin_w1, lin_b1, W1, a_src1, a_dst1, conv_b1, ro_w, ro_b):
    lp = [
        (gamma0, beta0, lin_w0, lin_b0, W0, a_src0, a_dst0, conv_b0),
        (gamma1, beta1, lin_w1, lin_b1, W1, a_src1, a_dst1, conv_b1),
    ]
    return _forward(x, edge_index, batch, embed, lp, ro_w, ro_b)

if __name__ == "__main__":
    import jax
    _d = setup_inputs()
    print(jax.jit(kernel)(*tuple(_d.values())))

</pallas_src>

<mosaic_0001>
#map = affine_map<(d0, d1) -> (0, 0)>
#map1 = affine_map<(d0, d1) -> (0)>
#map2 = affine_map<(d0, d1) -> (0, 0, 0)>
module attributes {stable_mosaic.version = 14 : i64} {
  func.func @_sc_scatter_body(%arg0: i32, %arg1: i32, %arg2: memref<10000x128xf32, #tpu.memory_space<hbm>>, %arg3: memref<320000xf32, #tpu.memory_space<hbm>>, %arg4: memref<320000xi32, #tpu.memory_space<hbm>>, %arg5: memref<320000xi32, #tpu.memory_space<hbm>>, %arg6: memref<640x128xf32, #tpu.memory_space<hbm>>, %arg7: memref<2x10000x128xf32, #tpu.memory_space<hbm>>, %arg8: memref<10000xi32, #tpu.memory_space<vmem>>, %arg9: memref<80xi32, #tpu.memory_space<vmem>>, %arg10: memref<80xi32, #tpu.memory_space<vmem>>, %arg11: memref<80xi32, #tpu.memory_space<vmem>>, %arg12: memref<80xf32, #tpu.memory_space<vmem>>, %arg13: memref<80xf32, #tpu.memory_space<vmem>>, %arg14: memref<80xf32, #tpu.memory_space<vmem>>, %arg15: memref<80x128xf32, #tpu.memory_space<vmem>>, %arg16: memref<80x128xf32, #tpu.memory_space<vmem>>, %arg17: memref<80x128xf32, #tpu.memory_space<vmem>>, %arg18: memref<10000x128xf32, #tpu.memory_space<vmem_shared>>, %arg19: memref<!tpu.dma_semaphore, #tpu.memory_space<semaphore_mem>>, %arg20: memref<!tpu.dma_semaphore, #tpu.memory_space<semaphore_mem>>, %arg21: memref<!tpu.dma_semaphore, #tpu.memory_space<semaphore_mem>>, %arg22: memref<!tpu.dma_semaphore, #tpu.memory_space<semaphore_mem>>, %arg23: memref<!tpu.dma_semaphore, #tpu.memory_space<semaphore_mem>>, %arg24: memref<!tpu.dma_semaphore, #tpu.memory_space<semaphore_mem>>, %arg25: memref<!tpu.dma_semaphore, #tpu.memory_space<semaphore_mem>>, %arg26: memref<!tpu.dma_semaphore, #tpu.memory_space<semaphore_mem>>, %arg27: memref<!tpu.dma_semaphore, #tpu.memory_space<semaphore_mem>>, %arg28: memref<!tpu.dma_semaphore, #tpu.memory_space<semaphore_mem>>, %arg29: memref<!tpu.dma_semaphore, #tpu.memory_space<semaphore_mem>>, %arg30: memref<!tpu.dma_semaphore, #tpu.memory_space<semaphore_mem>>) attributes {dimension_semantics = [#tpu.dimension_semantics<core_parallel>, #tpu.dimension_semantics<subcore_parallel>], iteration_bounds = array<i64: 2, 16>, scalar_prefetch = 0 : i64, scratch_operands = 23 : i64, tpu.core_type = #tpu.core_type<sc_vector_subcore>, window_params = [{transform_indices = #map}, {transform_indices = #map1}, {transform_indices = #map1}, {transform_indices = #map1}, {transform_indices = #map}, {transform_indices = #map2}]} {
    %mul3A = arith.constant 2 : i32
    %mul3A_0 = arith.muli %arg1, %mul3A : i32
    %add3A = arith.addi %mul3A_0, %arg0 : i32
    %mul3A_1 = arith.constant 10000 : i32
    %mul3A_2 = arith.muli %add3A, %mul3A_1 : i32
    "tpu.region"() ({
      %run_scoped3A = tpu.sem_alloc : memref<!tpu.dma_semaphore, #tpu.memory_space<semaphore_mem>>
      %dma_start3A_106 = tpu.memref_slice %arg4[%mul3A_2] : memref<320000xi32, #tpu.memory_space<hbm>> -> memref<10000xi32, #tpu.memory_space<hbm>>
      %dma_start3A_107 = tpu.memref_slice %arg4[%mul3A_2] : memref<320000xi32, #tpu.memory_space<hbm>> -> memref<10000xi32, #tpu.memory_space<hbm>>
      tpu.enqueue_dma source(%dma_start3A_107 : memref<10000xi32, #tpu.memory_space<hbm>>) target(%arg8 : memref<10000xi32, #tpu.memory_space<vmem>>) target_semaphore(%run_scoped3A : memref<!tpu.dma_semaphore, #tpu.memory_space<semaphore_mem>>)
      %dma_wait3A_108 = tpu.memref_slice %arg4[%mul3A_2] : memref<320000xi32, #tpu.memory_space<hbm>> -> memref<10000xi32, #tpu.memory_space<hbm>>
      %dma_wait3A_109 = tpu.memref_slice %arg4[%mul3A_2] : memref<320000xi32, #tpu.memory_space<hbm>> -> memref<10000xi32, #tpu.memory_space<hbm>>
      tpu.wait_dma2 semaphore(%run_scoped3A : memref<!tpu.dma_semaphore, #tpu.memory_space<semaphore_mem>>) src(%dma_wait3A_109 : memref<10000xi32, #tpu.memory_space<hbm>>) dst(%arg8 : memref<10000xi32, #tpu.memory_space<vmem>>)
      tpu.yield
    }) : () -> ()
    %mul3A_3 = arith.constant 640 : i32
    %mul3A_4 = arith.muli %arg1, %mul3A_3 : i32
    %lt3A = arith.constant 15 : i32
    %lt3A_5 = arith.cmpi slt, %arg1, %lt3A : i32
    %convert_element_type3A = arith.extui %lt3A_5 : i1 to i32
    %cond3A = arith.constant 0 : i32
    %cond3A_6 = arith.cmpi ne, %convert_element_type3A, %cond3A : i32
    scf.if %cond3A_6 {
      "tpu.region"() ({
        %run_scoped3A = tpu.sem_alloc : memref<!tpu.dma_semaphore, #tpu.memory_space<semaphore_mem>>
        %dma_start3A_106 = arith.constant 0 : i32
        %dma_start3A_107 = tpu.memref_slice %arg18[%mul3A_4, %dma_start3A_106] : memref<10000x128xf32, #tpu.memory_space<vmem_shared>> -> memref<640x128xf32, #tpu.memory_space<vmem_shared>>
        tpu.enqueue_dma source(%arg6 : memref<640x128xf32, #tpu.memory_space<hbm>>) target(%dma_start3A_107 : memref<640x128xf32, #tpu.memory_space<vmem_shared>>) target_semaphore(%run_scoped3A : memref<!tpu.dma_semaphore, #tpu.memory_space<semaphore_mem>>)
        %dma_wait3A_108 = arith.constant 0 : i32
        %dma_wait3A_109 = tpu.memref_slice %arg18[%mul3A_4, %dma_wait3A_108] : memref<10000x128xf32, #tpu.memory_space<vmem_shared>> -> memref<640x128xf32, #tpu.memory_space<vmem_shared>>
        tpu.wait_dma2 semaphore(%run_scoped3A : memref<!tpu.dma_semaphore, #tpu.memory_space<semaphore_mem>>) src(%arg6 : memref<640x128xf32, #tpu.memory_space<hbm>>) dst(%dma_wait3A_109 : memref<640x128xf32, #tpu.memory_space<vmem_shared>>)
        tpu.yield
      }) : () -> ()
    } else {
    }
    %eq3A = arith.constant 15 : i32
    %eq3A_7 = arith.cmpi eq, %arg1, %eq3A : i32
    %convert_element_type3A_8 = arith.extui %eq3A_7 : i1 to i32
    %cond3A_9 = arith.constant 0 : i32
    %cond3A_10 = arith.cmpi ne, %convert_element_type3A_8, %cond3A_9 : i32
    scf.if %cond3A_10 {
      "tpu.region"() ({
        %run_scoped3A = tpu.sem_alloc : memref<!tpu.dma_semaphore, #tpu.memory_space<semaphore_mem>>
        %dma_start3A_106 = arith.constant 9600 : i32
        %dma_start3A_107 = arith.constant 0 : i32
        %dma_start3A_108 = tpu.memref_slice %arg18[%dma_start3A_106, %dma_start3A_107] : memref<10000x128xf32, #tpu.memory_space<vmem_shared>> -> memref<400x128xf32, #tpu.memory_space<vmem_shared>>
        %dma_start3A_109 = arith.constant 0 : i32
        %dma_start3A_110 = arith.constant 0 : i32
        %dma_start3A_111 = tpu.memref_slice %arg6[%dma_start3A_109, %dma_start3A_110] : memref<640x128xf32, #tpu.memory_space<hbm>> -> memref<400x128xf32, #tpu.memory_space<hbm>>
        tpu.enqueue_dma source(%dma_start3A_111 : memref<400x128xf32, #tpu.memory_space<hbm>>) target(%dma_start3A_108 : memref<400x128xf32, #tpu.memory_space<vmem_shared>>) target_semaphore(%run_scoped3A : memref<!tpu.dma_semaphore, #tpu.memory_space<semaphore_mem>>)
        %dma_wait3A_112 = arith.constant 9600 : i32
        %dma_wait3A_113 = arith.constant 0 : i32
        %dma_wait3A_114 = tpu.memref_slice %arg18[%dma_wait3A_112, %dma_wait3A_113] : memref<10000x128xf32, #tpu.memory_space<vmem_shared>> -> memref<400x128xf32, #tpu.memory_space<vmem_shared>>
        %dma_wait3A_115 = arith.constant 0 : i32
        %dma_wait3A_116 = arith.constant 0 : i32
        %dma_wait3A_117 = tpu.memref_slice %arg6[%dma_wait3A_115, %dma_wait3A_116] : memref<640x128xf32, #tpu.memory_space<hbm>> -> memref<400x128xf32, #tpu.memory_space<hbm>>
        tpu.wait_dma2 semaphore(%run_scoped3A : memref<!tpu.dma_semaphore, #tpu.memory_space<semaphore_mem>>) src(%dma_wait3A_117 : memref<400x128xf32, #tpu.memory_space<hbm>>) dst(%dma_wait3A_114 : memref<400x128xf32, #tpu.memory_space<vmem_shared>>)
        tpu.yield
      }) : () -> ()
    } else {
    }
    %barrier3A = arith.constant 0 : index
    tpu.barrier barrier_id(%barrier3A)
    %add3A_11 = arith.constant 0 : i32
    %add3A_12 = arith.addi %mul3A_2, %add3A_11 : i32
    %dma_start3A = tpu.memref_slice %arg5[%add3A_12] : memref<320000xi32, #tpu.memory_space<hbm>> -> memref<80xi32, #tpu.memory_space<hbm>>
    %dma_start3A_13 = tpu.memref_slice %arg5[%add3A_12] : memref<320000xi32, #tpu.memory_space<hbm>> -> memref<80xi32, #tpu.memory_space<hbm>>
    tpu.enqueue_dma source(%dma_start3A_13 : memref<80xi32, #tpu.memory_space<hbm>>) target(%arg9 : memref<80xi32, #tpu.memory_space<vmem>>) target_semaphore(%arg22 : memref<!tpu.dma_semaphore, #tpu.memory_space<semaphore_mem>>)
    %add3A_14 = arith.constant 0 : i32
    %add3A_15 = arith.addi %mul3A_2, %add3A_14 : i32
    %dma_start3A_16 = tpu.memref_slice %arg3[%add3A_15] : memref<320000xf32, #tpu.memory_space<hbm>> -> memref<80xf32, #tpu.memory_space<hbm>>
    %dma_start3A_17 = tpu.memref_slice %arg3[%add3A_15] : memref<320000xf32, #tpu.memory_space<hbm>> -> memref<80xf32, #tpu.memory_space<hbm>>
    tpu.enqueue_dma source(%dma_start3A_17 : memref<80xf32, #tpu.memory_space<hbm>>) target(%arg12 : memref<80xf32, #tpu.memory_space<vmem>>) target_semaphore(%arg25 : memref<!tpu.dma_semaphore, #tpu.memory_space<semaphore_mem>>)
    %dma_start3A_18 = arith.constant 0 : i32
    %dma_start3A_19 = tpu.memref_slice %arg8[%dma_start3A_18] : memref<10000xi32, #tpu.memory_space<vmem>> -> memref<80xi32, #tpu.memory_space<vmem>>
    %dma_start3A_20 = arith.constant 0 : i32
    %dma_start3A_21 = arith.constant 0 : i32
    %dma_start3A_22 = tpu.memref_slice %arg2[%dma_start3A_20, %dma_start3A_21] : memref<10000x128xf32, #tpu.memory_space<hbm>> -> memref<10000x128xf32, #tpu.memory_space<hbm>>
    tpu.enqueue_indirect_dma source(%dma_start3A_22 : memref<10000x128xf32, #tpu.memory_space<hbm>>) target(%arg15 : memref<80x128xf32, #tpu.memory_space<vmem>>) offsets(%dma_start3A_19 : memref<80xi32, #tpu.memory_space<vmem>>) semaphore(%arg19 : memref<!tpu.dma_semaphore, #tpu.memory_space<semaphore_mem>>)
    %add3A_23 = arith.constant 80 : i32
    %add3A_24 = arith.addi %mul3A_2, %add3A_23 : i32
    %dma_start3A_25 = tpu.memref_slice %arg5[%add3A_24] : memref<320000xi32, #tpu.memory_space<hbm>> -> memref<80xi32, #tpu.memory_space<hbm>>
    %dma_start3A_26 = tpu.memref_slice %arg5[%add3A_24] : memref<320000xi32, #tpu.memory_space<hbm>> -> memref<80xi32, #tpu.memory_space<hbm>>
    tpu.enqueue_dma source(%dma_start3A_26 : memref<80xi32, #tpu.memory_space<hbm>>) target(%arg10 : memref<80xi32, #tpu.memory_space<vmem>>) target_semaphore(%arg23 : memref<!tpu.dma_semaphore, #tpu.memory_space<semaphore_mem>>)
    %add3A_27 = arith.constant 80 : i32
    %add3A_28 = arith.addi %mul3A_2, %add3A_27 : i32
    %dma_start3A_29 = tpu.memref_slice %arg3[%add3A_28] : memref<320000xf32, #tpu.memory_space<hbm>> -> memref<80xf32, #tpu.memory_space<hbm>>
    %dma_start3A_30 = tpu.memref_slice %arg3[%add3A_28] : memref<320000xf32, #tpu.memory_space<hbm>> -> memref<80xf32, #tpu.memory_space<hbm>>
    tpu.enqueue_dma source(%dma_start3A_30 : memref<80xf32, #tpu.memory_space<hbm>>) target(%arg13 : memref<80xf32, #tpu.memory_space<vmem>>) target_semaphore(%arg26 : memref<!tpu.dma_semaphore, #tpu.memory_space<semaphore_mem>>)
    %dma_start3A_31 = arith.constant 80 : i32
    %dma_start3A_32 = tpu.memref_slice %arg8[%dma_start3A_31] : memref<10000xi32, #tpu.memory_space<vmem>> -> memref<80xi32, #tpu.memory_space<vmem>>
    %dma_start3A_33 = arith.constant 0 : i32
    %dma_start3A_34 = arith.constant 0 : i32
    %dma_start3A_35 = tpu.memref_slice %arg2[%dma_start3A_33, %dma_start3A_34] : memref<10000x128xf32, #tpu.memory_space<hbm>> -> memref<10000x128xf32, #tpu.memory_space<hbm>>
    tpu.enqueue_indirect_dma source(%dma_start3A_35 : memref<10000x128xf32, #tpu.memory_space<hbm>>) target(%arg16 : memref<80x128xf32, #tpu.memory_space<vmem>>) offsets(%dma_start3A_32 : memref<80xi32, #tpu.memory_space<vmem>>) semaphore(%arg20 : memref<!tpu.dma_semaphore, #tpu.memory_space<semaphore_mem>>)
    %scan3A = arith.constant 0 : i32
    %scan3A_36 = arith.constant 0 : i32
    %scan3A_37 = arith.constant 41 : i32
    %scan3A_38 = arith.addi %scan3A_36, %scan3A_37 : i32
    %scan3A_39 = arith.constant 1 : i32
    scf.for %scan3A_106 = %scan3A_36 to %scan3A_38 step %scan3A_39  : i32 {
      %mul3A_107 = arith.constant 3 : i32
      %mul3A_108 = arith.muli %mul3A_107, %scan3A_106 : i32
      %add3A_109 = arith.constant 0 : i32
      %add3A_110 = arith.addi %mul3A_108, %add3A_109 : i32
      %mul3A_111 = arith.constant 80 : i32
      %mul3A_112 = arith.muli %add3A_110, %mul3A_111 : i32
      %dma_wait3A_113 = tpu.memref_slice %arg8[%mul3A_112] : memref<10000xi32, #tpu.memory_space<vmem>> -> memref<80xi32, #tpu.memory_space<vmem>>
      %dma_wait3A_114 = arith.constant 0 : i32
      %dma_wait3A_115 = arith.constant 0 : i32
      %dma_wait3A_116 = tpu.memref_slice %arg2[%dma_wait3A_114, %dma_wait3A_115] : memref<10000x128xf32, #tpu.memory_space<hbm>> -> memref<10000x128xf32, #tpu.memory_space<hbm>>
      tpu.wait_indirect_dma semaphore(%arg19 : memref<!tpu.dma_semaphore, #tpu.memory_space<semaphore_mem>>) src(%dma_wait3A_116 : memref<10000x128xf32, #tpu.memory_space<hbm>>) dst(%arg15 : memref<80x128xf32, #tpu.memory_space<vmem>>)
      %dma_wait3A_117 = arith.constant 0 : i32
      %dma_wait3A_118 = tpu.memref_slice %arg3[%dma_wait3A_117] : memref<320000xf32, #tpu.memory_space<hbm>> -> memref<80xf32, #tpu.memory_space<hbm>>
      %dma_wait3A_119 = arith.constant 0 : i32
      %dma_wait3A_120 = tpu.memref_slice %arg3[%dma_wait3A_119] : memref<320000xf32, #tpu.memory_space<hbm>> -> memref<80xf32, #tpu.memory_space<hbm>>
      tpu.wait_dma2 semaphore(%arg25 : memref<!tpu.dma_semaphore, #tpu.memory_space<semaphore_mem>>) src(%dma_wait3A_120 : memref<80xf32, #tpu.memory_space<hbm>>) dst(%arg12 : memref<80xf32, #tpu.memory_space<vmem>>)
      %parallel_loop3A_121 = arith.constant 0 : i32
      %parallel_loop3A_122 = arith.constant 80 : i32
      %parallel_loop3A_123 = arith.constant 1 : i32
      scf.for %parallel_loop3A_249 = %parallel_loop3A_121 to %parallel_loop3A_122 step %parallel_loop3A_123  : i32 {
        %parallel_loop3A_250 = vector.broadcast %parallel_loop3A_249 : i32 to vector<16xi32>
        %parallel_loop3A_251 = tpu.vector_load_idx %arg12[%parallel_loop3A_250] : memref<80xf32, #tpu.memory_space<vmem>>[vector<16xi32>], vector<16xf32>,
        %parallel_loop3A_252 = arith.index_cast %parallel_loop3A_249 : i32 to index
        %parallel_loop3A_253 = arith.constant 0 : index
        %parallel_loop3A_254 = tpu.vector_load %arg15[%parallel_loop3A_252, %parallel_loop3A_253] {strides = array<i32>} : memref<80x128xf32, #tpu.memory_space<vmem>>, vector<16xf32>,
        %parallel_loop3A_255 = arith.mulf %parallel_loop3A_254, %parallel_loop3A_251 : vector<16xf32>
        %parallel_loop3A_256 = arith.index_cast %parallel_loop3A_249 : i32 to index
        %parallel_loop3A_257 = arith.constant 0 : index
        %parallel_loop3A_258 = tpu.vector_load %arg15[%parallel_loop3A_256, %parallel_loop3A_257] {strides = array<i32>} : memref<80x128xf32, #tpu.memory_space<vmem>>, vector<16xf32>,
        tpu.vector_store %arg15[%parallel_loop3A_256, %parallel_loop3A_257], %parallel_loop3A_255 {strides = array<i32>} : memref<80x128xf32, #tpu.memory_space<vmem>>, vector<16xf32>,
        %parallel_loop3A_259 = arith.index_cast %parallel_loop3A_249 : i32 to index
        %parallel_loop3A_260 = arith.constant 16 : index
        %parallel_loop3A_261 = tpu.vector_load %arg15[%parallel_loop3A_259, %parallel_loop3A_260] {strides = array<i32>} : memref<80x128xf32, #tpu.memory_space<vmem>>, vector<16xf32>,
        %parallel_loop3A_262 = arith.mulf %parallel_loop3A_261, %parallel_loop3A_251 : vector<16xf32>
        %parallel_loop3A_263 = arith.index_cast %parallel_loop3A_249 : i32 to index
        %parallel_loop3A_264 = arith.constant 16 : index
        %parallel_loop3A_265 = tpu.vector_load %arg15[%parallel_loop3A_263, %parallel_loop3A_264] {strides = array<i32>} : memref<80x128xf32, #tpu.memory_space<vmem>>, vector<16xf32>,
        tpu.vector_store %arg15[%parallel_loop3A_263, %parallel_loop3A_264], %parallel_loop3A_262 {strides = array<i32>} : memref<80x128xf32, #tpu.memory_space<vmem>>, vector<16xf32>,
        %parallel_loop3A_266 = arith.index_cast %parallel_loop3A_249 : i32 to index
        %parallel_loop3A_267 = arith.constant 32 : index
        %parallel_loop3A_268 = tpu.vector_load %arg15[%parallel_loop3A_266, %parallel_loop3A_267] {strides = array<i32>} : memref<80x128xf32, #tpu.memory_space<vmem>>, vector<16xf32>,
        %parallel_loop3A_269 = arith.mulf %parallel_loop3A_268, %parallel_loop3A_251 : vector<16xf32>
        %parallel_loop3A_270 = arith.index_cast %parallel_loop3A_249 : i32 to index
        %parallel_loop3A_271 = arith.constant 32 : index
        %parallel_loop3A_272 = tpu.vector_load %arg15[%parallel_loop3A_270, %parallel_loop3A_271] {strides = array<i32>} : memref<80x128xf32, #tpu.memory_space<vmem>>, vector<16xf32>,
        tpu.vector_store %arg15[%parallel_loop3A_270, %parallel_loop3A_271], %parallel_loop3A_269 {strides = array<i32>} : memref<80x128xf32, #tpu.memory_space<vmem>>, vector<16xf32>,
        %parallel_loop3A_273 = arith.index_cast %parallel_loop3A_249 : i32 to index
        %parallel_loop3A_274 = arith.constant 48 : index
        %parallel_loop3A_275 = tpu.vector_load %arg15[%parallel_loop3A_273, %parallel_loop3A_274] {strides = array<i32>} : memref<80x128xf32, #tpu.memory_space<vmem>>, vector<16xf32>,
        %parallel_loop3A_276 = arith.mulf %parallel_loop3A_275, %parallel_loop3A_251 : vector<16xf32>
        %parallel_loop3A_277 = arith.index_cast %parallel_loop3A_249 : i32 to index
        %parallel_loop3A_278 = arith.constant 48 : index
        %parallel_loop3A_279 = tpu.vector_load %arg15[%parallel_loop3A_277, %parallel_loop3A_278] {strides = array<i32>} : memref<80x128xf32, #tpu.memory_space<vmem>>, vector<16xf32>,
        tpu.vector_store %arg15[%parallel_loop3A_277, %parallel_loop3A_278], %parallel_loop3A_276 {strides = array<i32>} : memref<80x128xf32, #tpu.memory_space<vmem>>, vector<16xf32>,
        %parallel_loop3A_280 = arith.index_cast %parallel_loop3A_249 : i32 to index
        %parallel_loop3A_281 = arith.constant 64 : index
        %parallel_loop3A_282 = tpu.vector_load %arg15[%parallel_loop3A_280, %parallel_loop3A_281] {strides = array<i32>} : memref<80x128xf32, #tpu.memory_space<vmem>>, vector<16xf32>,
        %parallel_loop3A_283 = arith.mulf %parallel_loop3A_282, %parallel_loop3A_251 : vector<16xf32>
        %parallel_loop3A_284 = arith.index_cast %parallel_loop3A_249 : i32 to index
        %parallel_loop3A_285 = arith.constant 64 : index
        %parallel_loop3A_286 = tpu.vector_load %arg15[%parallel_loop3A_284, %parallel_loop3A_285] {strides = array<i32>} : memref<80x128xf32, #tpu.memory_space<vmem>>, vector<16xf32>,
        tpu.vector_store %arg15[%parallel_loop3A_284, %parallel_loop3A_285], %parallel_loop3A_283 {strides = array<i32>} : memref<80x128xf32, #tpu.memory_space<vmem>>, vector<16xf32>,
        %parallel_loop3A_287 = arith.index_cast %parallel_loop3A_249 : i32 to index
        %parallel_loop3A_288 = arith.constant 80 : index
        %parallel_loop3A_289 = tpu.vector_load %arg15[%parallel_loop3A_287, %parallel_loop3A_288] {strides = array<i32>} : memref<80x128xf32, #tpu.memory_space<vmem>>, vector<16xf32>,
        %parallel_loop3A_290 = arith.mulf %parallel_loop3A_289, %parallel_loop3A_251 : vector<16xf32>
        %parallel_loop3A_291 = arith.index_cast %parallel_loop3A_249 : i32 to index
        %parallel_loop3A_292 = arith.constant 80 : index
        %parallel_loop3A_293 = tpu.vector_load %arg15[%parallel_loop3A_291, %parallel_loop3A_292] {strides = array<i32>} : memref<80x128xf32, #tpu.memory_space<vmem>>, vector<16xf32>,
        tpu.vector_store %arg15[%parallel_loop3A_291, %parallel_loop3A_292], %parallel_loop3A_290 {strides = array<i32>} : memref<80x128xf32, #tpu.memory_space<vmem>>, vector<16xf32>,
        %parallel_loop3A_294 = arith.index_cast %parallel_loop3A_249 : i32 to index
        %parallel_loop3A_295 = arith.constant 96 : index
        %parallel_loop3A_296 = tpu.vector_load %arg15[%parallel_loop3A_294, %parallel_loop3A_295] {strides = array<i32>} : memref<80x128xf32, #tpu.memory_space<vmem>>, vector<16xf32>,
        %parallel_loop3A_297 = arith.mulf %parallel_loop3A_296, %parallel_loop3A_251 : vector<16xf32>
        %parallel_loop3A_298 = arith.index_cast %parallel_loop3A_249 : i32 to index
        %parallel_loop3A_299 = arith.constant 96 : index
        %parallel_loop3A_300 = tpu.vector_load %arg15[%parallel_loop3A_298, %parallel_loop3A_299] {strides = array<i32>} : memref<80x128xf32, #tpu.memory_space<vmem>>, vector<16xf32>,
        tpu.vector_store %arg15[%parallel_loop3A_298, %parallel_loop3A_299], %parallel_loop3A_297 {strides = array<i32>} : memref<80x128xf32, #tpu.memory_space<vmem>>, vector<16xf32>,
        %parallel_loop3A_301 = arith.index_cast %parallel_loop3A_249 : i32 to index
        %parallel_loop3A_302 = arith.constant 112 : index
        %parallel_loop3A_303 = tpu.vector_load %arg15[%parallel_loop3A_301, %parallel_loop3A_302] {strides = array<i32>} : memref<80x128xf32, #tpu.memory_space<vmem>>, vector<16xf32>,
        %parallel_loop3A_304 = arith.mulf %parallel_loop3A_303, %parallel_loop3A_251 : vector<16xf32>
        %parallel_loop3A_305 = arith.index_cast %parallel_loop3A_249 : i32 to index
        %parallel_loop3A_306 = arith.constant 112 : index
        %parallel_loop3A_307 = tpu.vector_load %arg15[%parallel_loop3A_305, %parallel_loop3A_306] {strides = array<i32>} : memref<80x128xf32, #tpu.memory_space<vmem>>, vector<16xf32>,
        tpu.vector_store %arg15[%parallel_loop3A_305, %parallel_loop3A_306], %parallel_loop3A_304 {strides = array<i32>} : memref<80x128xf32, #tpu.memory_space<vmem>>, vector<16xf32>,
      } {sc.loop_unroll_factor = 4 : i64, sc.parallel_access}
      %dma_wait3A_124 = arith.constant 0 : i32
      %dma_wait3A_125 = tpu.memref_slice %arg5[%dma_wait3A_124] : memref<320000xi32, #tpu.memory_space<hbm>> -> memref<80xi32, #tpu.memory_space<hbm>>
      %dma_wait3A_126 = arith.constant 0 : i32
      %dma_wait3A_127 = tpu.memref_slice %arg5[%dma_wait3A_126] : memref<320000xi32, #tpu.memory_space<hbm>> -> memref<80xi32, #tpu.memory_space<hbm>>
      tpu.wait_dma2 semaphore(%arg22 : memref<!tpu.dma_semaphore, #tpu.memory_space<semaphore_mem>>) src(%dma_wait3A_127 : memref<80xi32, #tpu.memory_space<hbm>>) dst(%arg9 : memref<80xi32, #tpu.memory_space<vmem>>)
      %dma_start3A_128 = arith.constant 0 : i32
      %dma_start3A_129 = arith.constant 0 : i32
      %dma_start3A_130 = tpu.memref_slice %arg18[%dma_start3A_128, %dma_start3A_129] : memref<10000x128xf32, #tpu.memory_space<vmem_shared>> -> memref<10000x128xf32, #tpu.memory_space<vmem_shared>>
      tpu.enqueue_indirect_dma source(%arg15 : memref<80x128xf32, #tpu.memory_space<vmem>>) target(%dma_start3A_130 : memref<10000x128xf32, #tpu.memory_space<vmem_shared>>) offsets(%arg9 : memref<80xi32, #tpu.memory_space<vmem>>) semaphore(%arg28 : memref<!tpu.dma_semaphore, #tpu.memory_space<semaphore_mem>>) {add = true}
      %gt3A = arith.constant 0 : i32
      %gt3A_131 = arith.cmpi sgt, %scan3A_106, %gt3A : i32
      %convert_element_type3A_132 = arith.extui %gt3A_131 : i1 to i32
      %cond3A_133 = arith.constant 0 : i32
      %cond3A_134 = arith.cmpi ne, %convert_element_type3A_132, %cond3A_133 : i32
      scf.if %cond3A_134 {
        %dma_wait3A_249 = arith.constant 0 : i32
        %dma_wait3A_250 = arith.constant 0 : i32
        %dma_wait3A_251 = tpu.memref_slice %arg18[%dma_wait3A_249, %dma_wait3A_250] : memref<10000x128xf32, #tpu.memory_space<vmem_shared>> -> memref<80x128xf32, #tpu.memory_space<vmem_shared>>
        %dma_wait3A_252 = arith.constant 0 : i32
        %dma_wait3A_253 = arith.constant 0 : i32
        %dma_wait3A_254 = tpu.memref_slice %arg18[%dma_wait3A_252, %dma_wait3A_253] : memref<10000x128xf32, #tpu.memory_space<vmem_shared>> -> memref<80x128xf32, #tpu.memory_space<vmem_shared>>
        tpu.wait_dma2 semaphore(%arg30 : memref<!tpu.dma_semaphore, #tpu.memory_space<semaphore_mem>>) src(%arg15 : memref<80x128xf32, #tpu.memory_space<vmem>>) dst(%dma_wait3A_254 : memref<80x128xf32, #tpu.memory_space<vmem_shared>>)
      } else {
      }
      %add3A_135 = arith.constant 2 : i32
      %add3A_136 = arith.addi %add3A_110, %add3A_135 : i32
      %mul3A_137 = arith.constant 80 : i32
      %mul3A_138 = arith.muli %add3A_136, %mul3A_137 : i32
      %add3A_139 = arith.addi %mul3A_2, %mul3A_138 : i32
      %dma_start3A_140 = tpu.memref_slice %arg5[%add3A_139] : memref<320000xi32, #tpu.memory_space<hbm>> -> memref<80xi32, #tpu.memory_space<hbm>>
      %dma_start3A_141 = tpu.memref_slice %arg5[%add3A_139] : memref<320000xi32, #tpu.memory_space<hbm>> -> memref<80xi32, #tpu.memory_space<hbm>>
      tpu.enqueue_dma source(%dma_start3A_141 : memref<80xi32, #tpu.memory_space<hbm>>) target(%arg11 : memref<80xi32, #tpu.memory_space<vmem>>) target_semaphore(%arg24 : memref<!tpu.dma_semaphore, #tpu.memory_space<semaphore_mem>>)
      %mul3A_142 = arith.constant 80 : i32
      %mul3A_143 = arith.muli %add3A_136, %mul3A_142 : i32
      %add3A_144 = arith.addi %mul3A_2, %mul3A_143 : i32
      %dma_start3A_145 = tpu.memref_slice %arg3[%add3A_144] : memref<320000xf32, #tpu.memory_space<hbm>> -> memref<80xf32, #tpu.memory_space<hbm>>
      %dma_start3A_146 = tpu.memref_slice %arg3[%add3A_144] : memref<320000xf32, #tpu.memory_space<hbm>> -> memref<80xf32, #tpu.memory_space<hbm>>
      tpu.enqueue_dma source(%dma_start3A_146 : memref<80xf32, #tpu.memory_space<hbm>>) target(%arg14 : memref<80xf32, #tpu.memory_space<vmem>>) target_semaphore(%arg27 : memref<!tpu.dma_semaphore, #tpu.memory_space<semaphore_mem>>)
      %mul3A_147 = arith.constant 80 : i32
      %mul3A_148 = arith.muli %add3A_136, %mul3A_147 : i32
      %dma_start3A_149 = tpu.memref_slice %arg8[%mul3A_148] : memref<10000xi32, #tpu.memory_space<vmem>> -> memref<80xi32, #tpu.memory_space<vmem>>
      %dma_start3A_150 = arith.constant 0 : i32
      %dma_start3A_151 = arith.constant 0 : i32
      %dma_start3A_152 = tpu.memref_slice %arg2[%dma_start3A_150, %dma_start3A_151] : memref<10000x128xf32, #tpu.memory_space<hbm>> -> memref<10000x128xf32, #tpu.memory_space<hbm>>
      tpu.enqueue_indirect_dma source(%dma_start3A_152 : memref<10000x128xf32, #tpu.memory_space<hbm>>) target(%arg17 : memref<80x128xf32, #tpu.memory_space<vmem>>) offsets(%dma_start3A_149 : memref<80xi32, #tpu.memory_space<vmem>>) semaphore(%arg21 : memref<!tpu.dma_semaphore, #tpu.memory_space<semaphore_mem>>)
      %mul3A_153 = arith.constant 3 : i32
      %mul3A_154 = arith.muli %mul3A_153, %scan3A_106 : i32
      %add3A_155 = arith.constant 1 : i32
      %add3A_156 = arith.addi %mul3A_154, %add3A_155 : i32
      %mul3A_157 = arith.constant 80 : i32
      %mul3A_158 = arith.muli %add3A_156, %mul3A_157 : i32
      %dma_wait3A_159 = tpu.memref_slice %arg8[%mul3A_158] : memref<10000xi32, #tpu.memory_space<vmem>> -> memref<80xi32, #tpu.memory_space<vmem>>
      %dma_wait3A_160 = arith.constant 0 : i32
      %dma_wait3A_161 = arith.constant 0 : i32
      %dma_wait3A_162 = tpu.memref_slice %arg2[%dma_wait3A_160, %dma_wait3A_161] : memref<10000x128xf32, #tpu.memory_space<hbm>> -> memref<10000x128xf32, #tpu.memory_space<hbm>>
      tpu.wait_indirect_dma semaphore(%arg20 : memref<!tpu.dma_semaphore, #tpu.memory_space<semaphore_mem>>) src(%dma_wait3A_162 : memref<10000x128xf32, #tpu.memory_space<hbm>>) dst(%arg16 : memref<80x128xf32, #tpu.memory_space<vmem>>)
      %dma_wait3A_163 = arith.constant 0 : i32
      %dma_wait3A_164 = tpu.memref_slice %arg3[%dma_wait3A_163] : memref<320000xf32, #tpu.memory_space<hbm>> -> memref<80xf32, #tpu.memory_space<hbm>>
      %dma_wait3A_165 = arith.constant 0 : i32
      %dma_wait3A_166 = tpu.memref_slice %arg3[%dma_wait3A_165] : memref<320000xf32, #tpu.memory_space<hbm>> -> memref<80xf32, #tpu.memory_space<hbm>>
      tpu.wait_dma2 semaphore(%arg26 : memref<!tpu.dma_semaphore, #tpu.memory_space<semaphore_mem>>) src(%dma_wait3A_166 : memref<80xf32, #tpu.memory_space<hbm>>) dst(%arg13 : memref<80xf32, #tpu.memory_space<vmem>>)
      %parallel_loop3A_167 = arith.constant 0 : i32
      %parallel_loop3A_168 = arith.constant 80 : i32
      %parallel_loop3A_169 = arith.constant 1 : i32
      scf.for %parallel_loop3A_249 = %parallel_loop3A_167 to %parallel_loop3A_168 step %parallel_loop3A_169  : i32 {
        %parallel_loop3A_250 = vector.broadcast %parallel_loop3A_249 : i32 to vector<16xi32>
        %parallel_loop3A_251 = tpu.vector_load_idx %arg13[%parallel_loop3A_250] : memref<80xf32, #tpu.memory_space<vmem>>[vector<16xi32>], vector<16xf32>,
        %parallel_loop3A_252 = arith.index_cast %parallel_loop3A_249 : i32 to index
        %parallel_loop3A_253 = arith.constant 0 : index
        %parallel_loop3A_254 = tpu.vector_load %arg16[%parallel_loop3A_252, %parallel_loop3A_253] {strides = array<i32>} : memref<80x128xf32, #tpu.memory_space<vmem>>, vector<16xf32>,
        %parallel_loop3A_255 = arith.mulf %parallel_loop3A_254, %parallel_loop3A_251 : vector<16xf32>
        %parallel_loop3A_256 = arith.index_cast %parallel_loop3A_249 : i32 to index
        %parallel_loop3A_257 = arith.constant 0 : index
        %parallel_loop3A_258 = tpu.vector_load %arg16[%parallel_loop3A_256, %parallel_loop3A_257] {strides = array<i32>} : memref<80x128xf32, #tpu.memory_space<vmem>>, vector<16xf32>,
        tpu.vector_store %arg16[%parallel_loop3A_256, %parallel_loop3A_257], %parallel_loop3A_255 {strides = array<i32>} : memref<80x128xf32, #tpu.memory_space<vmem>>, vector<16xf32>,
        %parallel_loop3A_259 = arith.index_cast %parallel_loop3A_249 : i32 to index
        %parallel_loop3A_260 = arith.constant 16 : index
        %parallel_loop3A_261 = tpu.vector_load %arg16[%parallel_loop3A_259, %parallel_loop3A_260] {strides = array<i32>} : memref<80x128xf32, #tpu.memory_space<vmem>>, vector<16xf32>,
        %parallel_loop3A_262 = arith.mulf %parallel_loop3A_261, %parallel_loop3A_251 : vector<16xf32>
        %parallel_loop3A_263 = arith.index_cast %parallel_loop3A_249 : i32 to index
        %parallel_loop3A_264 = arith.constant 16 : index
        %parallel_loop3A_265 = tpu.vector_load %arg16[%parallel_loop3A_263, %parallel_loop3A_264] {strides = array<i32>} : memref<80x128xf32, #tpu.memory_space<vmem>>, vector<16xf32>,
        tpu.vector_store %arg16[%parallel_loop3A_263, %parallel_loop3A_264], %parallel_loop3A_262 {strides = array<i32>} : memref<80x128xf32, #tpu.memory_space<vmem>>, vector<16xf32>,
        %parallel_loop3A_266 = arith.index_cast %parallel_loop3A_249 : i32 to index
        %parallel_loop3A_267 = arith.constant 32 : index
        %parallel_loop3A_268 = tpu.vector_load %arg16[%parallel_loop3A_266, %parallel_loop3A_267] {strides = array<i32>} : memref<80x128xf32, #tpu.memory_space<vmem>>, vector<16xf32>,
        %parallel_loop3A_269 = arith.mulf %parallel_loop3A_268, %parallel_loop3A_251 : vector<16xf32>
        %parallel_loop3A_270 = arith.index_cast %parallel_loop3A_249 : i32 to index
        %parallel_loop3A_271 = arith.constant 32 : index
        %parallel_loop3A_272 = tpu.vector_load %arg16[%parallel_loop3A_270, %parallel_loop3A_271] {strides = array<i32>} : memref<80x128xf32, #tpu.memory_space<vmem>>, vector<16xf32>,
        tpu.vector_store %arg16[%parallel_loop3A_270, %parallel_loop3A_271], %parallel_loop3A_269 {strides = array<i32>} : memref<80x128xf32, #tpu.memory_space<vmem>>, vector<16xf32>,
        %parallel_loop3A_273 = arith.index_cast %parallel_loop3A_249 : i32 to index
        %parallel_loop3A_274 = arith.constant 48 : index
        %parallel_loop3A_275 = tpu.vector_load %arg16[%parallel_loop3A_273, %parallel_loop3A_274] {strides = array<i32>} : memref<80x128xf32, #tpu.memory_space<vmem>>, vector<16xf32>,
        %parallel_loop3A_276 = arith.mulf %parallel_loop3A_275, %parallel_loop3A_251 : vector<16xf32>
        %parallel_loop3A_277 = arith.index_cast %parallel_loop3A_249 : i32 to index
        %parallel_loop3A_278 = arith.constant 48 : index
        %parallel_loop3A_279 = tpu.vector_load %arg16[%parallel_loop3A_277, %parallel_loop3A_278] {strides = array<i32>} : memref<80x128xf32, #tpu.memory_space<vmem>>, vector<16xf32>,
        tpu.vector_store %arg16[%parallel_loop3A_277, %parallel_loop3A_278], %parallel_loop3A_276 {strides = array<i32>} : memref<80x128xf32, #tpu.memory_space<vmem>>, vector<16xf32>,
        %parallel_loop3A_280 = arith.index_cast %parallel_loop3A_249 : i32 to index
        %parallel_loop3A_281 = arith.constant 64 : index
        %parallel_loop3A_282 = tpu.vector_load %arg16[%parallel_loop3A_280, %parallel_loop3A_281] {strides = array<i32>} : memref<80x128xf32, #tpu.memory_space<vmem>>, vector<16xf32>,
        %parallel_loop3A_283 = arith.mulf %parallel_loop3A_282, %parallel_loop3A_251 : vector<16xf32>
        %parallel_loop3A_284 = arith.index_cast %parallel_loop3A_249 : i32 to index
        %parallel_loop3A_285 = arith.constant 64 : index
        %parallel_loop3A_286 = tpu.vector_load %arg16[%parallel_loop3A_284, %parallel_loop3A_285] {strides = array<i32>} : memref<80x128xf32, #tpu.memory_space<vmem>>, vector<16xf32>,
        tpu.vector_store %arg16[%parallel_loop3A_284, %parallel_loop3A_285], %parallel_loop3A_283 {strides = array<i32>} : memref<80x128xf32, #tpu.memory_space<vmem>>, vector<16xf32>,
        %parallel_loop3A_287 = arith.index_cast %parallel_loop3A_249 : i32 to index
        %parallel_loop3A_288 = arith.constant 80 : index
        %parallel_loop3A_289 = tpu.vector_load %arg16[%parallel_loop3A_287, %parallel_loop3A_288] {strides = array<i32>} : memref<80x128xf32, #tpu.memory_space<vmem>>, vector<16xf32>,
        %parallel_loop3A_290 = arith.mulf %parallel_loop3A_289, %parallel_loop3A_251 : vector<16xf32>
        %parallel_loop3A_291 = arith.index_cast %parallel_loop3A_249 : i32 to index
        %parallel_loop3A_292 = arith.constant 80 : index
        %parallel_loop3A_293 = tpu.vector_load %arg16[%parallel_loop3A_291, %parallel_loop3A_292] {strides = array<i32>} : memref<80x128xf32, #tpu.memory_space<vmem>>, vector<16xf32>,
        tpu.vector_store %arg16[%parallel_loop3A_291, %parallel_loop3A_292], %parallel_loop3A_290 {strides = array<i32>} : memref<80x128xf32, #tpu.memory_space<vmem>>, vector<16xf32>,
        %parallel_loop3A_294 = arith.index_cast %parallel_loop3A_249 : i32 to index
        %parallel_loop3A_295 = arith.constant 96 : index
        %parallel_loop3A_296 = tpu.vector_load %arg16[%parallel_loop3A_294, %parallel_loop3A_295] {strides = array<i32>} : memref<80x128xf32, #tpu.memory_space<vmem>>, vector<16xf32>,
        %parallel_loop3A_297 = arith.mulf %parallel_loop3A_296, %parallel_loop3A_251 : vector<16xf32>
        %parallel_loop3A_298 = arith.index_cast %parallel_loop3A_249 : i32 to index
        %parallel_loop3A_299 = arith.constant 96 : index
        %parallel_loop3A_300 = tpu.vector_load %arg16[%parallel_loop3A_298, %parallel_loop3A_299] {strides = array<i32>} : memref<80x128xf32, #tpu.memory_space<vmem>>, vector<16xf32>,
        tpu.vector_store %arg16[%parallel_loop3A_298, %parallel_loop3A_299], %parallel_loop3A_297 {strides = array<i32>} : memref<80x128xf32, #tpu.memory_space<vmem>>, vector<16xf32>,
        %parallel_loop3A_301 = arith.index_cast %parallel_loop3A_249 : i32 to index
        %parallel_loop3A_302 = arith.constant 112 : index
        %parallel_loop3A_303 = tpu.vector_load %arg16[%parallel_loop3A_301, %parallel_loop3A_302] {strides = array<i32>} : memref<80x128xf32, #tpu.memory_space<vmem>>, vector<16xf32>,
        %parallel_loop3A_304 = arith.mulf %parallel_loop3A_303, %parallel_loop3A_251 : vector<16xf32>
        %parallel_loop3A_305 = arith.index_cast %parallel_loop3A_249 : i32 to index
        %parallel_loop3A_306 = arith.constant 112 : index
        %parallel_loop3A_307 = tpu.vector_load %arg16[%parallel_loop3A_305, %parallel_loop3A_306] {strides = array<i32>} : memref<80x128xf32, #tpu.memory_space<vmem>>, vector<16xf32>,
        tpu.vector_store %arg16[%parallel_loop3A_305, %parallel_loop3A_306], %parallel_loop3A_304 {strides = array<i32>} : memref<80x128xf32, #tpu.memory_space<vmem>>, vector<16xf32>,
      } {sc.loop_unroll_factor = 4 : i64, sc.parallel_access}
      %dma_wait3A_170 = arith.constant 0 : i32
      %dma_wait3A_171 = tpu.memref_slice %arg5[%dma_wait3A_170] : memref<320000xi32, #tpu.memory_space<hbm>> -> memref<80xi32, #tpu.memory_space<hbm>>
      %dma_wait3A_172 = arith.constant 0 : i32
      %dma_wait3A_173 = tpu.memref_slice %arg5[%dma_wait3A_172] : memref<320000xi32, #tpu.memory_space<hbm>> -> memref<80xi32, #tpu.memory_space<hbm>>
      tpu.wait_dma2 semaphore(%arg23 : memref<!tpu.dma_semaphore, #tpu.memory_space<semaphore_mem>>) src(%dma_wait3A_173 : memref<80xi32, #tpu.memory_space<hbm>>) dst(%arg10 : memref<80xi32, #tpu.memory_space<vmem>>)
      %dma_start3A_174 = arith.constant 0 : i32
      %dma_start3A_175 = arith.constant 0 : i32
      %dma_start3A_176 = tpu.memref_slice %arg18[%dma_start3A_174, %dma_start3A_175] : memref<10000x128xf32, #tpu.memory_space<vmem_shared>> -> memref<10000x128xf32, #tpu.memory_space<vmem_shared>>
      tpu.enqueue_indirect_dma source(%arg16 : memref<80x128xf32, #tpu.memory_space<vmem>>) target(%dma_start3A_176 : memref<10000x128xf32, #tpu.memory_space<vmem_shared>>) offsets(%arg10 : memref<80xi32, #tpu.memory_space<vmem>>) semaphore(%arg29 : memref<!tpu.dma_semaphore, #tpu.memory_space<semaphore_mem>>) {add = true}
      %dma_wait3A_177 = arith.constant 0 : i32
      %dma_wait3A_178 = arith.constant 0 : i32
      %dma_wait3A_179 = tpu.memref_slice %arg18[%dma_wait3A_177, %dma_wait3A_178] : memref<10000x128xf32, #tpu.memory_space<vmem_shared>> -> memref<80x128xf32, #tpu.memory_space<vmem_shared>>
      %dma_wait3A_180 = arith.constant 0 : i32
      %dma_wait3A_181 = arith.constant 0 : i32
      %dma_wait3A_182 = tpu.memref_slice %arg18[%dma_wait3A_180, %dma_wait3A_181] : memref<10000x128xf32, #tpu.memory_space<vmem_shared>> -> memref<80x128xf32, #tpu.memory_space<vmem_shared>>
      tpu.wait_dma2 semaphore(%arg28 : memref<!tpu.dma_semaphore, #tpu.memory_space<semaphore_mem>>) src(%arg15 : memref<80x128xf32, #tpu.memory_space<vmem>>) dst(%dma_wait3A_182 : memref<80x128xf32, #tpu.memory_space<vmem_shared>>)
      %add3A_183 = arith.constant 2 : i32
      %add3A_184 = arith.addi %add3A_156, %add3A_183 : i32
      %mul3A_185 = arith.constant 80 : i32
      %mul3A_186 = arith.muli %add3A_184, %mul3A_185 : i32
      %add3A_187 = arith.addi %mul3A_2, %mul3A_186 : i32
      %dma_start3A_188 = tpu.memref_slice %arg5[%add3A_187] : memref<320000xi32, #tpu.memory_space<hbm>> -> memref<80xi32, #tpu.memory_space<hbm>>
      %dma_start3A_189 = tpu.memref_slice %arg5[%add3A_187] : memref<320000xi32, #tpu.memory_space<hbm>> -> memref<80xi32, #tpu.memory_space<hbm>>
      tpu.enqueue_dma source(%dma_start3A_189 : memref<80xi32, #tpu.memory_space<hbm>>) target(%arg9 : memref<80xi32, #tpu.memory_space<vmem>>) target_semaphore(%arg22 : memref<!tpu.dma_semaphore, #tpu.memory_space<semaphore_mem>>)
      %mul3A_190 = arith.constant 80 : i32
      %mul3A_191 = arith.muli %add3A_184, %mul3A_190 : i32
      %add3A_192 = arith.addi %mul3A_2, %mul3A_191 : i32
      %dma_start3A_193 = tpu.memref_slice %arg3[%add3A_192] : memref<320000xf32, #tpu.memory_space<hbm>> -> memref<80xf32, #tpu.memory_space<hbm>>
      %dma_start3A_194 = tpu.memref_slice %arg3[%add3A_192] : memref<320000xf32, #tpu.memory_space<hbm>> -> memref<80xf32, #tpu.memory_space<hbm>>
      tpu.enqueue_dma source(%dma_start3A_194 : memref<80xf32, #tpu.memory_space<hbm>>) target(%arg12 : memref<80xf32, #tpu.memory_space<vmem>>) target_semaphore(%arg25 : memref<!tpu.dma_semaphore, #tpu.memory_space<semaphore_mem>>)
      %mul3A_195 = arith.constant 80 : i32
      %mul3A_196 = arith.muli %add3A_184, %mul3A_195 : i32
      %dma_start3A_197 = tpu.memref_slice %arg8[%mul3A_196] : memref<10000xi32, #tpu.memory_space<vmem>> -> memref<80xi32, #tpu.memory_space<vmem>>
      %dma_start3A_198 = arith.constant 0 : i32
      %dma_start3A_199 = arith.constant 0 : i32
      %dma_start3A_200 = tpu.memref_slice %arg2[%dma_start3A_198, %dma_start3A_199] : memref<10000x128xf32, #tpu.memory_space<hbm>> -> memref<10000x128xf32, #tpu.memory_space<hbm>>
      tpu.enqueue_indirect_dma source(%dma_start3A_200 : memref<10000x128xf32, #tpu.memory_space<hbm>>) target(%arg15 : memref<80x128xf32, #tpu.memory_space<vmem>>) offsets(%dma_start3A_197 : memref<80xi32, #tpu.memory_space<vmem>>) semaphore(%arg19 : memref<!tpu.dma_semaphore, #tpu.memory_space<semaphore_mem>>)
      %mul3A_201 = arith.constant 3 : i32
      %mul3A_202 = arith.muli %mul3A_201, %scan3A_106 : i32
      %add3A_203 = arith.constant 2 : i32
      %add3A_204 = arith.addi %mul3A_202, %add3A_203 : i32
      %mul3A_205 = arith.constant 80 : i32
      %mul3A_206 = arith.muli %add3A_204, %mul3A_205 : i32
      %dma_wait3A_207 = tpu.memref_slice %arg8[%mul3A_206] : memref<10000xi32, #tpu.memory_space<vmem>> -> memref<80xi32, #tpu.memory_space<vmem>>
      %dma_wait3A_208 = arith.constant 0 : i32
      %dma_wait3A_209 = arith.constant 0 : i32
      %dma_wait3A_210 = tpu.memref_slice %arg2[%dma_wait3A_208, %dma_wait3A_209] : memref<10000x128xf32, #tpu.memory_space<hbm>> -> memref<10000x128xf32, #tpu.memory_space<hbm>>
      tpu.wait_indirect_dma semaphore(%arg21 : memref<!tpu.dma_semaphore, #tpu.memory_space<semaphore_mem>>) src(%dma_wait3A_210 : memref<10000x128xf32, #tpu.memory_space<hbm>>) dst(%arg17 : memref<80x128xf32, #tpu.memory_space<vmem>>)
      %dma_wait3A_211 = arith.constant 0 : i32
      %dma_wait3A_212 = tpu.memref_slice %arg3[%dma_wait3A_211] : memref<320000xf32, #tpu.memory_space<hbm>> -> memref<80xf32, #tpu.memory_space<hbm>>
      %dma_wait3A_213 = arith.constant 0 : i32
      %dma_wait3A_214 = tpu.memref_slice %arg3[%dma_wait3A_213] : memref<320000xf32, #tpu.memory_space<hbm>> -> memref<80xf32, #tpu.memory_space<hbm>>
      tpu.wait_dma2 semaphore(%arg27 : memref<!tpu.dma_semaphore, #tpu.memory_space<semaphore_mem>>) src(%dma_wait3A_214 : memref<80xf32, #tpu.memory_space<hbm>>) dst(%arg14 : memref<80xf32, #tpu.memory_space<vmem>>)
      %parallel_loop3A_215 = arith.constant 0 : i32
      %parallel_loop3A_216 = arith.constant 80 : i32
      %parallel_loop3A_217 = arith.constant 1 : i32
      scf.for %parallel_loop3A_249 = %parallel_loop3A_215 to %parallel_loop3A_216 step %parallel_loop3A_217  : i32 {
        %parallel_loop3A_250 = vector.broadcast %parallel_loop3A_249 : i32 to vector<16xi32>
        %parallel_loop3A_251 = tpu.vector_load_idx %arg14[%parallel_loop3A_250] : memref<80xf32, #tpu.memory_space<vmem>>[vector<16xi32>], vector<16xf32>,
        %parallel_loop3A_252 = arith.index_cast %parallel_loop3A_249 : i32 to index
        %parallel_loop3A_253 = arith.constant 0 : index
        %parallel_loop3A_254 = tpu.vector_load %arg17[%parallel_loop3A_252, %parallel_loop3A_253] {strides = array<i32>} : memref<80x128xf32, #tpu.memory_space<vmem>>, vector<16xf32>,
        %parallel_loop3A_255 = arith.mulf %parallel_loop3A_254, %parallel_loop3A_251 : vector<16xf32>
        %parallel_loop3A_256 = arith.index_cast %parallel_loop3A_249 : i32 to index
        %parallel_loop3A_257 = arith.constant 0 : index
        %parallel_loop3A_258 = tpu.vector_load %arg17[%parallel_loop3A_256, %parallel_loop3A_257] {strides = array<i32>} : memref<80x128xf32, #tpu.memory_space<vmem>>, vector<16xf32>,
        tpu.vector_store %arg17[%parallel_loop3A_256, %parallel_loop3A_257], %parallel_loop3A_255 {strides = array<i32>} : memref<80x128xf32, #tpu.memory_space<vmem>>, vector<16xf32>,
        %parallel_loop3A_259 = arith.index_cast %parallel_loop3A_249 : i32 to index
        %parallel_loop3A_260 = arith.constant 16 : index
        %parallel_loop3A_261 = tpu.vector_load %arg17[%parallel_loop3A_259, %parallel_loop3A_260] {strides = array<i32>} : memref<80x128xf32, #tpu.memory_space<vmem>>, vector<16xf32>,
        %parallel_loop3A_262 = arith.mulf %parallel_loop3A_261, %parallel_loop3A_251 : vector<16xf32>
        %parallel_loop3A_263 = arith.index_cast %parallel_loop3A_249 : i32 to index
        %parallel_loop3A_264 = arith.constant 16 : index
        %parallel_loop3A_265 = tpu.vector_load %arg17[%parallel_loop3A_263, %parallel_loop3A_264] {strides = array<i32>} : memref<80x128xf32, #tpu.memory_space<vmem>>, vector<16xf32>,
        tpu.vector_store %arg17[%parallel_loop3A_263, %parallel_loop3A_264], %parallel_loop3A_262 {strides = array<i32>} : memref<80x128xf32, #tpu.memory_space<vmem>>, vector<16xf32>,
        %parallel_loop3A_266 = arith.index_cast %parallel_loop3A_249 : i32 to index
        %parallel_loop3A_267 = arith.constant 32 : index
        %parallel_loop3A_268 = tpu.vector_load %arg17[%parallel_loop3A_266, %parallel_loop3A_267] {strides = array<i32>} : memref<80x128xf32, #tpu.memory_space<vmem>>, vector<16xf32>,
        %parallel_loop3A_269 = arith.mulf %parallel_loop3A_268, %parallel_loop3A_251 : vector<16xf32>
        %parallel_loop3A_270 = arith.index_cast %parallel_loop3A_249 : i32 to index
        %parallel_loop3A_271 = arith.constant 32 : index
        %parallel_loop3A_272 = tpu.vector_load %arg17[%parallel_loop3A_270, %parallel_loop3A_271] {strides = array<i32>} : memref<80x128xf32, #tpu.memory_space<vmem>>, vector<16xf32>,
        tpu.vector_store %arg17[%parallel_loop3A_270, %parallel_loop3A_271], %parallel_loop3A_269 {strides = array<i32>} : memref<80x128xf32, #tpu.memory_space<vmem>>, vector<16xf32>,
        %parallel_loop3A_273 = arith.index_cast %parallel_loop3A_249 : i32 to index
        %parallel_loop3A_274 = arith.constant 48 : index
        %parallel_loop3A_275 = tpu.vector_load %arg17[%parallel_loop3A_273, %parallel_loop3A_274] {strides = array<i32>} : memref<80x128xf32, #tpu.memory_space<vmem>>, vector<16xf32>,
        %parallel_loop3A_276 = arith.mulf %parallel_loop3A_275, %parallel_loop3A_251 : vector<16xf32>
        %parallel_loop3A_277 = arith.index_cast %parallel_loop3A_249 : i32 to index
        %parallel_loop3A_278 = arith.constant 48 : index
        %parallel_loop3A_279 = tpu.vector_load %arg17[%parallel_loop3A_277, %parallel_loop3A_278] {strides = array<i32>} : memref<80x128xf32, #tpu.memory_space<vmem>>, vector<16xf32>,
        tpu.vector_store %arg17[%parallel_loop3A_277, %parallel_loop3A_278], %parallel_loop3A_276 {strides = array<i32>} : memref<80x128xf32, #tpu.memory_space<vmem>>, vector<16xf32>,
        %parallel_loop3A_280 = arith.index_cast %parallel_loop3A_249 : i32 to index
        %parallel_loop3A_281 = arith.constant 64 : index
        %parallel_loop3A_282 = tpu.vector_load %arg17[%parallel_loop3A_280, %parallel_loop3A_281] {strides = array<i32>} : memref<80x128xf32, #tpu.memory_space<vmem>>, vector<16xf32>,
        %parallel_loop3A_283 = arith.mulf %parallel_loop3A_282, %parallel_loop3A_251 : vector<16xf32>
        %parallel_loop3A_284 = arith.index_cast %parallel_loop3A_249 : i32 to index
        %parallel_loop3A_285 = arith.constant 64 : index
        %parallel_loop3A_286 = tpu.vector_load %arg17[%parallel_loop3A_284, %parallel_loop3A_285] {strides = array<i32>} : memref<80x128xf32, #tpu.memory_space<vmem>>, vector<16xf32>,
        tpu.vector_store %arg17[%parallel_loop3A_284, %parallel_loop3A_285], %parallel_loop3A_283 {strides = array<i32>} : memref<80x128xf32, #tpu.memory_space<vmem>>, vector<16xf32>,
        %parallel_loop3A_287 = arith.index_cast %parallel_loop3A_249 : i32 to index
        %parallel_loop3A_288 = arith.constant 80 : index
        %parallel_loop3A_289 = tpu.vector_load %arg17[%parallel_loop3A_287, %parallel_loop3A_288] {strides = array<i32>} : memref<80x128xf32, #tpu.memory_space<vmem>>, vector<16xf32>,
        %parallel_loop3A_290 = arith.mulf %parallel_loop3A_289, %parallel_loop3A_251 : vector<16xf32>
        %parallel_loop3A_291 = arith.index_cast %parallel_loop3A_249 : i32 to index
        %parallel_loop3A_292 = arith.constant 80 : index
        %parallel_loop3A_293 = tpu.vector_load %arg17[%parallel_loop3A_291, %parallel_loop3A_292] {strides = array<i32>} : memref<80x128xf32, #tpu.memory_space<vmem>>, vector<16xf32>,
        tpu.vector_store %arg17[%parallel_loop3A_291, %parallel_loop3A_292], %parallel_loop3A_290 {strides = array<i32>} : memref<80x128xf32, #tpu.memory_space<vmem>>, vector<16xf32>,
        %parallel_loop3A_294 = arith.index_cast %parallel_loop3A_249 : i32 to index
        %parallel_loop3A_295 = arith.constant 96 : index
        %parallel_loop3A_296 = tpu.vector_load %arg17[%parallel_loop3A_294, %parallel_loop3A_295] {strides = array<i32>} : memref<80x128xf32, #tpu.memory_space<vmem>>, vector<16xf32>,
        %parallel_loop3A_297 = arith.mulf %parallel_loop3A_296, %parallel_loop3A_251 : vector<16xf32>
        %parallel_loop3A_298 = arith.index_cast %parallel_loop3A_249 : i32 to index
        %parallel_loop3A_299 = arith.constant 96 : index
        %parallel_loop3A_300 = tpu.vector_load %arg17[%parallel_loop3A_298, %parallel_loop3A_299] {strides = array<i32>} : memref<80x128xf32, #tpu.memory_space<vmem>>, vector<16xf32>,
        tpu.vector_store %arg17[%parallel_loop3A_298, %parallel_loop3A_299], %parallel_loop3A_297 {strides = array<i32>} : memref<80x128xf32, #tpu.memory_space<vmem>>, vector<16xf32>,
        %parallel_loop3A_301 = arith.index_cast %parallel_loop3A_249 : i32 to index
        %parallel_loop3A_302 = arith.constant 112 : index
        %parallel_loop3A_303 = tpu.vector_load %arg17[%parallel_loop3A_301, %parallel_loop3A_302] {strides = array<i32>} : memref<80x128xf32, #tpu.memory_space<vmem>>, vector<16xf32>,
        %parallel_loop3A_304 = arith.mulf %parallel_loop3A_303, %parallel_loop3A_251 : vector<16xf32>
        %parallel_loop3A_305 = arith.index_cast %parallel_loop3A_249 : i32 to index
        %parallel_loop3A_306 = arith.constant 112 : index
        %parallel_loop3A_307 = tpu.vector_load %arg17[%parallel_loop3A_305, %parallel_loop3A_306] {strides = array<i32>} : memref<80x128xf32, #tpu.memory_space<vmem>>, vector<16xf32>,
        tpu.vector_store %arg17[%parallel_loop3A_305, %parallel_loop3A_306], %parallel_loop3A_304 {strides = array<i32>} : memref<80x128xf32, #tpu.memory_space<vmem>>, vector<16xf32>,
      } {sc.loop_unroll_factor = 4 : i64, sc.parallel_access}
      %dma_wait3A_218 = arith.constant 0 : i32
      %dma_wait3A_219 = tpu.memref_slice %arg5[%dma_wait3A_218] : memref<320000xi32, #tpu.memory_space<hbm>> -> memref<80xi32, #tpu.memory_space<hbm>>
      %dma_wait3A_220 = arith.constant 0 : i32
      %dma_wait3A_221 = tpu.memref_slice %arg5[%dma_wait3A_220] : memref<320000xi32, #tpu.memory_space<hbm>> -> memref<80xi32, #tpu.memory_space<hbm>>
      tpu.wait_dma2 semaphore(%arg24 : memref<!tpu.dma_semaphore, #tpu.memory_space<semaphore_mem>>) src(%dma_wait3A_221 : memref<80xi32, #tpu.memory_space<hbm>>) dst(%arg11 : memref<80xi32, #tpu.memory_space<vmem>>)
      %dma_start3A_222 = arith.constant 0 : i32
      %dma_start3A_223 = arith.constant 0 : i32
      %dma_start3A_224 = tpu.memref_slice %arg18[%dma_start3A_222, %dma_start3A_223] : memref<10000x128xf32, #tpu.memory_space<vmem_shared>> -> memref<10000x128xf32, #tpu.memory_space<vmem_shared>>
      tpu.enqueue_indirect_dma source(%arg17 : memref<80x128xf32, #tpu.memory_space<vmem>>) target(%dma_start3A_224 : memref<10000x128xf32, #tpu.memory_space<vmem_shared>>) offsets(%arg11 : memref<80xi32, #tpu.memory_space<vmem>>) semaphore(%arg30 : memref<!tpu.dma_semaphore, #tpu.memory_space<semaphore_mem>>) {add = true}
      %dma_wait3A_225 = arith.constant 0 : i32
      %dma_wait3A_226 = arith.constant 0 : i32
      %dma_wait3A_227 = tpu.memref_slice %arg18[%dma_wait3A_225, %dma_wait3A_226] : memref<10000x128xf32, #tpu.memory_space<vmem_shared>> -> memref<80x128xf32, #tpu.memory_space<vmem_shared>>
      %dma_wait3A_228 = arith.constant 0 : i32
      %dma_wait3A_229 = arith.constant 0 : i32
      %dma_wait3A_230 = tpu.memref_slice %arg18[%dma_wait3A_228, %dma_wait3A_229] : memref<10000x128xf32, #tpu.memory_space<vmem_shared>> -> memref<80x128xf32, #tpu.memory_space<vmem_shared>>
      tpu.wait_dma2 semaphore(%arg29 : memref<!tpu.dma_semaphore, #tpu.memory_space<semaphore_mem>>) src(%arg15 : memref<80x128xf32, #tpu.memory_space<vmem>>) dst(%dma_wait3A_230 : memref<80x128xf32, #tpu.memory_space<vmem_shared>>)
      %add3A_231 = arith.constant 2 : i32
      %add3A_232 = arith.addi %add3A_204, %add3A_231 : i32
      %mul3A_233 = arith.constant 80 : i32
      %mul3A_234 = arith.muli %add3A_232, %mul3A_233 : i32
      %add3A_235 = arith.addi %mul3A_2, %mul3A_234 : i32
      %dma_start3A_236 = tpu.memref_slice %arg5[%add3A_235] : memref<320000xi32, #tpu.memory_space<hbm>> -> memref<80xi32, #tpu.memory_space<hbm>>
      %dma_start3A_237 = tpu.memref_slice %arg5[%add3A_235] : memref<320000xi32, #tpu.memory_space<hbm>> -> memref<80xi32, #tpu.memory_space<hbm>>
      tpu.enqueue_dma source(%dma_start3A_237 : memref<80xi32, #tpu.memory_space<hbm>>) target(%arg10 : memref<80xi32, #tpu.memory_space<vmem>>) target_semaphore(%arg23 : memref<!tpu.dma_semaphore, #tpu.memory_space<semaphore_mem>>)
      %mul3A_238 = arith.constant 80 : i32
      %mul3A_239 = arith.muli %add3A_232, %mul3A_238 : i32
      %add3A_240 = arith.addi %mul3A_2, %mul3A_239 : i32
      %dma_start3A_241 = tpu.memref_slice %arg3[%add3A_240] : memref<320000xf32, #tpu.memory_space<hbm>> -> memref<80xf32, #tpu.memory_space<hbm>>
      %dma_start3A_242 = tpu.memref_slice %arg3[%add3A_240] : memref<320000xf32, #tpu.memory_space<hbm>> -> memref<80xf32, #tpu.memory_space<hbm>>
      tpu.enqueue_dma source(%dma_start3A_242 : memref<80xf32, #tpu.memory_space<hbm>>) target(%arg13 : memref<80xf32, #tpu.memory_space<vmem>>) target_semaphore(%arg26 : memref<!tpu.dma_semaphore, #tpu.memory_space<semaphore_mem>>)
      %mul3A_243 = arith.constant 80 : i32
      %mul3A_244 = arith.muli %add3A_232, %mul3A_243 : i32
      %dma_start3A_245 = tpu.memref_slice %arg8[%mul3A_244] : memref<10000xi32, #tpu.memory_space<vmem>> -> memref<80xi32, #tpu.memory_space<vmem>>
      %dma_start3A_246 = arith.constant 0 : i32
      %dma_start3A_247 = arith.constant 0 : i32
      %dma_start3A_248 = tpu.memref_slice %arg2[%dma_start3A_246, %dma_start3A_247] : memref<10000x128xf32, #tpu.memory_space<hbm>> -> memref<10000x128xf32, #tpu.memory_space<hbm>>
      tpu.enqueue_indirect_dma source(%dma_start3A_248 : memref<10000x128xf32, #tpu.memory_space<hbm>>) target(%arg16 : memref<80x128xf32, #tpu.memory_space<vmem>>) offsets(%dma_start3A_245 : memref<80xi32, #tpu.memory_space<vmem>>) semaphore(%arg20 : memref<!tpu.dma_semaphore, #tpu.memory_space<semaphore_mem>>)
    }
    %scan3A_40 = arith.constant 41 : i32
    %dma_wait3A = arith.constant 9840 : i32
    %dma_wait3A_41 = tpu.memref_slice %arg8[%dma_wait3A] : memref<10000xi32, #tpu.memory_space<vmem>> -> memref<80xi32, #tpu.memory_space<vmem>>
    %dma_wait3A_42 = arith.constant 0 : i32
    %dma_wait3A_43 = arith.constant 0 : i32
    %dma_wait3A_44 = tpu.memref_slice %arg2[%dma_wait3A_42, %dma_wait3A_43] : memref<10000x128xf32, #tpu.memory_space<hbm>> -> memref<10000x128xf32, #tpu.memory_space<hbm>>
    tpu.wait_indirect_dma semaphore(%arg19 : memref<!tpu.dma_semaphore, #tpu.memory_space<semaphore_mem>>) src(%dma_wait3A_44 : memref<10000x128xf32, #tpu.memory_space<hbm>>) dst(%arg15 : memref<80x128xf32, #tpu.memory_space<vmem>>)
    %dma_wait3A_45 = arith.constant 0 : i32
    %dma_wait3A_46 = tpu.memref_slice %arg3[%dma_wait3A_45] : memref<320000xf32, #tpu.memory_space<hbm>> -> memref<80xf32, #tpu.memory_space<hbm>>
    %dma_wait3A_47 = arith.constant 0 : i32
    %dma_wait3A_48 = tpu.memref_slice %arg3[%dma_wait3A_47] : memref<320000xf32, #tpu.memory_space<hbm>> -> memref<80xf32, #tpu.memory_space<hbm>>
    tpu.wait_dma2 semaphore(%arg25 : memref<!tpu.dma_semaphore, #tpu.memory_space<semaphore_mem>>) src(%dma_wait3A_48 : memref<80xf32, #tpu.memory_space<hbm>>) dst(%arg12 : memref<80xf32, #tpu.memory_space<vmem>>)
    %parallel_loop3A = arith.constant 0 : i32
    %parallel_loop3A_49 = arith.constant 80 : i32
    %parallel_loop3A_50 = arith.constant 1 : i32
    scf.for %parallel_loop3A_106 = %parallel_loop3A to %parallel_loop3A_49 step %parallel_loop3A_50  : i32 {
      %parallel_loop3A_107 = vector.broadcast %parallel_loop3A_106 : i32 to vector<16xi32>
      %parallel_loop3A_108 = tpu.vector_load_idx %arg12[%parallel_loop3A_107] : memref<80xf32, #tpu.memory_space<vmem>>[vector<16xi32>], vector<16xf32>,
      %parallel_loop3A_109 = arith.index_cast %parallel_loop3A_106 : i32 to index
      %parallel_loop3A_110 = arith.constant 0 : index
      %parallel_loop3A_111 = tpu.vector_load %arg15[%parallel_loop3A_109, %parallel_loop3A_110] {strides = array<i32>} : memref<80x128xf32, #tpu.memory_space<vmem>>, vector<16xf32>,
      %parallel_loop3A_112 = arith.mulf %parallel_loop3A_111, %parallel_loop3A_108 : vector<16xf32>
      %parallel_loop3A_113 = arith.index_cast %parallel_loop3A_106 : i32 to index
      %parallel_loop3A_114 = arith.constant 0 : index
      %parallel_loop3A_115 = tpu.vector_load %arg15[%parallel_loop3A_113, %parallel_loop3A_114] {strides = array<i32>} : memref<80x128xf32, #tpu.memory_space<vmem>>, vector<16xf32>,
      tpu.vector_store %arg15[%parallel_loop3A_113, %parallel_loop3A_114], %parallel_loop3A_112 {strides = array<i32>} : memref<80x128xf32, #tpu.memory_space<vmem>>, vector<16xf32>,
      %parallel_loop3A_116 = arith.index_cast %parallel_loop3A_106 : i32 to index
      %parallel_loop3A_117 = arith.constant 16 : index
      %parallel_loop3A_118 = tpu.vector_load %arg15[%parallel_loop3A_116, %parallel_loop3A_117] {strides = array<i32>} : memref<80x128xf32, #tpu.memory_space<vmem>>, vector<16xf32>,
      %parallel_loop3A_119 = arith.mulf %parallel_loop3A_118, %parallel_loop3A_108 : vector<16xf32>
      %parallel_loop3A_120 = arith.index_cast %parallel_loop3A_106 : i32 to index
      %parallel_loop3A_121 = arith.constant 16 : index
      %parallel_loop3A_122 = tpu.vector_load %arg15[%parallel_loop3A_120, %parallel_loop3A_121] {strides = array<i32>} : memref<80x128xf32, #tpu.memory_space<vmem>>, vector<16xf32>,
      tpu.vector_store %arg15[%parallel_loop3A_120, %parallel_loop3A_121], %parallel_loop3A_119 {strides = array<i32>} : memref<80x128xf32, #tpu.memory_space<vmem>>, vector<16xf32>,
      %parallel_loop3A_123 = arith.index_cast %parallel_loop3A_106 : i32 to index
      %parallel_loop3A_124 = arith.constant 32 : index
      %parallel_loop3A_125 = tpu.vector_load %arg15[%parallel_loop3A_123, %parallel_loop3A_124] {strides = array<i32>} : memref<80x128xf32, #tpu.memory_space<vmem>>, vector<16xf32>,
      %parallel_loop3A_126 = arith.mulf %parallel_loop3A_125, %parallel_loop3A_108 : vector<16xf32>
      %parallel_loop3A_127 = arith.index_cast %parallel_loop3A_106 : i32 to index
      %parallel_loop3A_128 = arith.constant 32 : index
      %parallel_loop3A_129 = tpu.vector_load %arg15[%parallel_loop3A_127, %parallel_loop3A_128] {strides = array<i32>} : memref<80x128xf32, #tpu.memory_space<vmem>>, vector<16xf32>,
      tpu.vector_store %arg15[%parallel_loop3A_127, %parallel_loop3A_128], %parallel_loop3A_126 {strides = array<i32>} : memref<80x128xf32, #tpu.memory_space<vmem>>, vector<16xf32>,
      %parallel_loop3A_130 = arith.index_cast %parallel_loop3A_106 : i32 to index
      %parallel_loop3A_131 = arith.constant 48 : index
      %parallel_loop3A_132 = tpu.vector_load %arg15[%parallel_loop3A_130, %parallel_loop3A_131] {strides = array<i32>} : memref<80x128xf32, #tpu.memory_space<vmem>>, vector<16xf32>,
      %parallel_loop3A_133 = arith.mulf %parallel_loop3A_132, %parallel_loop3A_108 : vector<16xf32>
      %parallel_loop3A_134 = arith.index_cast %parallel_loop3A_106 : i32 to index
      %parallel_loop3A_135 = arith.constant 48 : index
      %parallel_loop3A_136 = tpu.vector_load %arg15[%parallel_loop3A_134, %parallel_loop3A_135] {strides = array<i32>} : memref<80x128xf32, #tpu.memory_space<vmem>>, vector<16xf32>,
      tpu.vector_store %arg15[%parallel_loop3A_134, %parallel_loop3A_135], %parallel_loop3A_133 {strides = array<i32>} : memref<80x128xf32, #tpu.memory_space<vmem>>, vector<16xf32>,
      %parallel_loop3A_137 = arith.index_cast %parallel_loop3A_106 : i32 to index
      %parallel_loop3A_138 = arith.constant 64 : index
      %parallel_loop3A_139 = tpu.vector_load %arg15[%parallel_loop3A_137, %parallel_loop3A_138] {strides = array<i32>} : memref<80x128xf32, #tpu.memory_space<vmem>>, vector<16xf32>,
      %parallel_loop3A_140 = arith.mulf %parallel_loop3A_139, %parallel_loop3A_108 : vector<16xf32>
      %parallel_loop3A_141 = arith.index_cast %parallel_loop3A_106 : i32 to index
      %parallel_loop3A_142 = arith.constant 64 : index
      %parallel_loop3A_143 = tpu.vector_load %arg15[%parallel_loop3A_141, %parallel_loop3A_142] {strides = array<i32>} : memref<80x128xf32, #tpu.memory_space<vmem>>, vector<16xf32>,
      tpu.vector_store %arg15[%parallel_loop3A_141, %parallel_loop3A_142], %parallel_loop3A_140 {strides = array<i32>} : memref<80x128xf32, #tpu.memory_space<vmem>>, vector<16xf32>,
      %parallel_loop3A_144 = arith.index_cast %parallel_loop3A_106 : i32 to index
      %parallel_loop3A_145 = arith.constant 80 : index
      %parallel_loop3A_146 = tpu.vector_load %arg15[%parallel_loop3A_144, %parallel_loop3A_145] {strides = array<i32>} : memref<80x128xf32, #tpu.memory_space<vmem>>, vector<16xf32>,
      %parallel_loop3A_147 = arith.mulf %parallel_loop3A_146, %parallel_loop3A_108 : vector<16xf32>
      %parallel_loop3A_148 = arith.index_cast %parallel_loop3A_106 : i32 to index
      %parallel_loop3A_149 = arith.constant 80 : index
      %parallel_loop3A_150 = tpu.vector_load %arg15[%parallel_loop3A_148, %parallel_loop3A_149] {strides = array<i32>} : memref<80x128xf32, #tpu.memory_space<vmem>>, vector<16xf32>,
      tpu.vector_store %arg15[%parallel_loop3A_148, %parallel_loop3A_149], %parallel_loop3A_147 {strides = array<i32>} : memref<80x128xf32, #tpu.memory_space<vmem>>, vector<16xf32>,
      %parallel_loop3A_151 = arith.index_cast %parallel_loop3A_106 : i32 to index
      %parallel_loop3A_152 = arith.constant 96 : index
      %parallel_loop3A_153 = tpu.vector_load %arg15[%parallel_loop3A_151, %parallel_loop3A_152] {strides = array<i32>} : memref<80x128xf32, #tpu.memory_space<vmem>>, vector<16xf32>,
      %parallel_loop3A_154 = arith.mulf %parallel_loop3A_153, %parallel_loop3A_108 : vector<16xf32>
      %parallel_loop3A_155 = arith.index_cast %parallel_loop3A_106 : i32 to index
      %parallel_loop3A_156 = arith.constant 96 : index
      %parallel_loop3A_157 = tpu.vector_load %arg15[%parallel_loop3A_155, %parallel_loop3A_156] {strides = array<i32>} : memref<80x128xf32, #tpu.memory_space<vmem>>, vector<16xf32>,
      tpu.vector_store %arg15[%parallel_loop3A_155, %parallel_loop3A_156], %parallel_loop3A_154 {strides = array<i32>} : memref<80x128xf32, #tpu.memory_space<vmem>>, vector<16xf32>,
      %parallel_loop3A_158 = arith.index_cast %parallel_loop3A_106 : i32 to index
      %parallel_loop3A_159 = arith.constant 112 : index
      %parallel_loop3A_160 = tpu.vector_load %arg15[%parallel_loop3A_158, %parallel_loop3A_159] {strides = array<i32>} : memref<80x128xf32, #tpu.memory_space<vmem>>, vector<16xf32>,
      %parallel_loop3A_161 = arith.mulf %parallel_loop3A_160, %parallel_loop3A_108 : vector<16xf32>
      %parallel_loop3A_162 = arith.index_cast %parallel_loop3A_106 : i32 to index
      %parallel_loop3A_163 = arith.constant 112 : index
      %parallel_loop3A_164 = tpu.vector_load %arg15[%parallel_loop3A_162, %parallel_loop3A_163] {strides = array<i32>} : memref<80x128xf32, #tpu.memory_space<vmem>>, vector<16xf32>,
      tpu.vector_store %arg15[%parallel_loop3A_162, %parallel_loop3A_163], %parallel_loop3A_161 {strides = array<i32>} : memref<80x128xf32, #tpu.memory_space<vmem>>, vector<16xf32>,
    } {sc.loop_unroll_factor = 4 : i64, sc.parallel_access}
    %dma_wait3A_51 = arith.constant 0 : i32
    %dma_wait3A_52 = tpu.memref_slice %arg5[%dma_wait3A_51] : memref<320000xi32, #tpu.memory_space<hbm>> -> memref<80xi32, #tpu.memory_space<hbm>>
    %dma_wait3A_53 = arith.constant 0 : i32
    %dma_wait3A_54 = tpu.memref_slice %arg5[%dma_wait3A_53] : memref<320000xi32, #tpu.memory_space<hbm>> -> memref<80xi32, #tpu.memory_space<hbm>>
    tpu.wait_dma2 semaphore(%arg22 : memref<!tpu.dma_semaphore, #tpu.memory_space<semaphore_mem>>) src(%dma_wait3A_54 : memref<80xi32, #tpu.memory_space<hbm>>) dst(%arg9 : memref<80xi32, #tpu.memory_space<vmem>>)
    %dma_start3A_55 = arith.constant 0 : i32
    %dma_start3A_56 = arith.constant 0 : i32
    %dma_start3A_57 = tpu.memref_slice %arg18[%dma_start3A_55, %dma_start3A_56] : memref<10000x128xf32, #tpu.memory_space<vmem_shared>> -> memref<10000x128xf32, #tpu.memory_space<vmem_shared>>
    tpu.enqueue_indirect_dma source(%arg15 : memref<80x128xf32, #tpu.memory_space<vmem>>) target(%dma_start3A_57 : memref<10000x128xf32, #tpu.memory_space<vmem_shared>>) offsets(%arg9 : memref<80xi32, #tpu.memory_space<vmem>>) semaphore(%arg28 : memref<!tpu.dma_semaphore, #tpu.memory_space<semaphore_mem>>) {add = true}
    %dma_wait3A_58 = arith.constant 9920 : i32
    %dma_wait3A_59 = tpu.memref_slice %arg8[%dma_wait3A_58] : memref<10000xi32, #tpu.memory_space<vmem>> -> memref<80xi32, #tpu.memory_space<vmem>>
    %dma_wait3A_60 = arith.constant 0 : i32
    %dma_wait3A_61 = arith.constant 0 : i32
    %dma_wait3A_62 = tpu.memref_slice %arg2[%dma_wait3A_60, %dma_wait3A_61] : memref<10000x128xf32, #tpu.memory_space<hbm>> -> memref<10000x128xf32, #tpu.memory_space<hbm>>
    tpu.wait_indirect_dma semaphore(%arg20 : memref<!tpu.dma_semaphore, #tpu.memory_space<semaphore_mem>>) src(%dma_wait3A_62 : memref<10000x128xf32, #tpu.memory_space<hbm>>) dst(%arg16 : memref<80x128xf32, #tpu.memory_space<vmem>>)
    %dma_wait3A_63 = arith.constant 0 : i32
    %dma_wait3A_64 = tpu.memref_slice %arg3[%dma_wait3A_63] : memref<320000xf32, #tpu.memory_space<hbm>> -> memref<80xf32, #tpu.memory_space<hbm>>
    %dma_wait3A_65 = arith.constant 0 : i32
    %dma_wait3A_66 = tpu.memref_slice %arg3[%dma_wait3A_65] : memref<320000xf32, #tpu.memory_space<hbm>> -> memref<80xf32, #tpu.memory_space<hbm>>
    tpu.wait_dma2 semaphore(%arg26 : memref<!tpu.dma_semaphore, #tpu.memory_space<semaphore_mem>>) src(%dma_wait3A_66 : memref<80xf32, #tpu.memory_space<hbm>>) dst(%arg13 : memref<80xf32, #tpu.memory_space<vmem>>)
    %parallel_loop3A_67 = arith.constant 0 : i32
    %parallel_loop3A_68 = arith.constant 80 : i32
    %parallel_loop3A_69 = arith.constant 1 : i32
    scf.for %parallel_loop3A_106 = %parallel_loop3A_67 to %parallel_loop3A_68 step %parallel_loop3A_69  : i32 {
      %parallel_loop3A_107 = vector.broadcast %parallel_loop3A_106 : i32 to vector<16xi32>
      %parallel_loop3A_108 = tpu.vector_load_idx %arg13[%parallel_loop3A_107] : memref<80xf32, #tpu.memory_space<vmem>>[vector<16xi32>], vector<16xf32>,
      %parallel_loop3A_109 = arith.index_cast %parallel_loop3A_106 : i32 to index
      %parallel_loop3A_110 = arith.constant 0 : index
      %parallel_loop3A_111 = tpu.vector_load %arg16[%parallel_loop3A_109, %parallel_loop3A_110] {strides = array<i32>} : memref<80x128xf32, #tpu.memory_space<vmem>>, vector<16xf32>,
      %parallel_loop3A_112 = arith.mulf %parallel_loop3A_111, %parallel_loop3A_108 : vector<16xf32>
      %parallel_loop3A_113 = arith.index_cast %parallel_loop3A_106 : i32 to index
      %parallel_loop3A_114 = arith.constant 0 : index
      %parallel_loop3A_115 = tpu.vector_load %arg16[%parallel_loop3A_113, %parallel_loop3A_114] {strides = array<i32>} : memref<80x128xf32, #tpu.memory_space<vmem>>, vector<16xf32>,
      tpu.vector_store %arg16[%parallel_loop3A_113, %parallel_loop3A_114], %parallel_loop3A_112 {strides = array<i32>} : memref<80x128xf32, #tpu.memory_space<vmem>>, vector<16xf32>,
      %parallel_loop3A_116 = arith.index_cast %parallel_loop3A_106 : i32 to index
      %parallel_loop3A_117 = arith.constant 16 : index
      %parallel_loop3A_118 = tpu.vector_load %arg16[%parallel_loop3A_116, %parallel_loop3A_117] {strides = array<i32>} : memref<80x128xf32, #tpu.memory_space<vmem>>, vector<16xf32>,
      %parallel_loop3A_119 = arith.mulf %parallel_loop3A_118, %parallel_loop3A_108 : vector<16xf32>
      %parallel_loop3A_120 = arith.index_cast %parallel_loop3A_106 : i32 to index
      %parallel_loop3A_121 = arith.constant 16 : index
      %parallel_loop3A_122 = tpu.vector_load %arg16[%parallel_loop3A_120, %parallel_loop3A_121] {strides = array<i32>} : memref<80x128xf32, #tpu.memory_space<vmem>>, vector<16xf32>,
      tpu.vector_store %arg16[%parallel_loop3A_120, %parallel_loop3A_121], %parallel_loop3A_119 {strides = array<i32>} : memref<80x128xf32, #tpu.memory_space<vmem>>, vector<16xf32>,
      %parallel_loop3A_123 = arith.index_cast %parallel_loop3A_106 : i32 to index
      %parallel_loop3A_124 = arith.constant 32 : index
      %parallel_loop3A_125 = tpu.vector_load %arg16[%parallel_loop3A_123, %parallel_loop3A_124] {strides = array<i32>} : memref<80x128xf32, #tpu.memory_space<vmem>>, vector<16xf32>,
      %parallel_loop3A_126 = arith.mulf %parallel_loop3A_125, %parallel_loop3A_108 : vector<16xf32>
      %parallel_loop3A_127 = arith.index_cast %parallel_loop3A_106 : i32 to index
      %parallel_loop3A_128 = arith.constant 32 : index
      %parallel_loop3A_129 = tpu.vector_load %arg16[%parallel_loop3A_127, %parallel_loop3A_128] {strides = array<i32>} : memref<80x128xf32, #tpu.memory_space<vmem>>, vector<16xf32>,
      tpu.vector_store %arg16[%parallel_loop3A_127, %parallel_loop3A_128], %parallel_loop3A_126 {strides = array<i32>} : memref<80x128xf32, #tpu.memory_space<vmem>>, vector<16xf32>,
      %parallel_loop3A_130 = arith.index_cast %parallel_loop3A_106 : i32 to index
      %parallel_loop3A_131 = arith.constant 48 : index
      %parallel_loop3A_132 = tpu.vector_load %arg16[%parallel_loop3A_130, %parallel_loop3A_131] {strides = array<i32>} : memref<80x128xf32, #tpu.memory_space<vmem>>, vector<16xf32>,
      %parallel_loop3A_133 = arith.mulf %parallel_loop3A_132, %parallel_loop3A_108 : vector<16xf32>
      %parallel_loop3A_134 = arith.index_cast %parallel_loop3A_106 : i32 to index
      %parallel_loop3A_135 = arith.constant 48 : index
      %parallel_loop3A_136 = tpu.vector_load %arg16[%parallel_loop3A_134, %parallel_loop3A_135] {strides = array<i32>} : memref<80x128xf32, #tpu.memory_space<vmem>>, vector<16xf32>,
      tpu.vector_store %arg16[%parallel_loop3A_134, %parallel_loop3A_135], %parallel_loop3A_133 {strides = array<i32>} : memref<80x128xf32, #tpu.memory_space<vmem>>, vector<16xf32>,
      %parallel_loop3A_137 = arith.index_cast %parallel_loop3A_106 : i32 to index
      %parallel_loop3A_138 = arith.constant 64 : index
      %parallel_loop3A_139 = tpu.vector_load %arg16[%parallel_loop3A_137, %parallel_loop3A_138] {strides = array<i32>} : memref<80x128xf32, #tpu.memory_space<vmem>>, vector<16xf32>,
      %parallel_loop3A_140 = arith.mulf %parallel_loop3A_139, %parallel_loop3A_108 : vector<16xf32>
      %parallel_loop3A_141 = arith.index_cast %parallel_loop3A_106 : i32 to index
      %parallel_loop3A_142 = arith.constant 64 : index
      %parallel_loop3A_143 = tpu.vector_load %arg16[%parallel_loop3A_141, %parallel_loop3A_142] {strides = array<i32>} : memref<80x128xf32, #tpu.memory_space<vmem>>, vector<16xf32>,
      tpu.vector_store %arg16[%parallel_loop3A_141, %parallel_loop3A_142], %parallel_loop3A_140 {strides = array<i32>} : memref<80x128xf32, #tpu.memory_space<vmem>>, vector<16xf32>,
      %parallel_loop3A_144 = arith.index_cast %parallel_loop3A_106 : i32 to index
      %parallel_loop3A_145 = arith.constant 80 : index
      %parallel_loop3A_146 = tpu.vector_load %arg16[%parallel_loop3A_144, %parallel_loop3A_145] {strides = array<i32>} : memref<80x128xf32, #tpu.memory_space<vmem>>, vector<16xf32>,
      %parallel_loop3A_147 = arith.mulf %parallel_loop3A_146, %parallel_loop3A_108 : vector<16xf32>
      %parallel_loop3A_148 = arith.index_cast %parallel_loop3A_106 : i32 to index
      %parallel_loop3A_149 = arith.constant 80 : index
      %parallel_loop3A_150 = tpu.vector_load %arg16[%parallel_loop3A_148, %parallel_loop3A_149] {strides = array<i32>} : memref<80x128xf32, #tpu.memory_space<vmem>>, vector<16xf32>,
      tpu.vector_store %arg16[%parallel_loop3A_148, %parallel_loop3A_149], %parallel_loop3A_147 {strides = array<i32>} : memref<80x128xf32, #tpu.memory_space<vmem>>, vector<16xf32>,
      %parallel_loop3A_151 = arith.index_cast %parallel_loop3A_106 : i32 to index
      %parallel_loop3A_152 = arith.constant 96 : index
      %parallel_loop3A_153 = tpu.vector_load %arg16[%parallel_loop3A_151, %parallel_loop3A_152] {strides = array<i32>} : memref<80x128xf32, #tpu.memory_space<vmem>>, vector<16xf32>,
      %parallel_loop3A_154 = arith.mulf %parallel_loop3A_153, %parallel_loop3A_108 : vector<16xf32>
      %parallel_loop3A_155 = arith.index_cast %parallel_loop3A_106 : i32 to index
      %parallel_loop3A_156 = arith.constant 96 : index
      %parallel_loop3A_157 = tpu.vector_load %arg16[%parallel_loop3A_155, %parallel_loop3A_156] {strides = array<i32>} : memref<80x128xf32, #tpu.memory_space<vmem>>, vector<16xf32>,
      tpu.vector_store %arg16[%parallel_loop3A_155, %parallel_loop3A_156], %parallel_loop3A_154 {strides = array<i32>} : memref<80x128xf32, #tpu.memory_space<vmem>>, vector<16xf32>,
      %parallel_loop3A_158 = arith.index_cast %parallel_loop3A_106 : i32 to index
      %parallel_loop3A_159 = arith.constant 112 : index
      %parallel_loop3A_160 = tpu.vector_load %arg16[%parallel_loop3A_158, %parallel_loop3A_159] {strides = array<i32>} : memref<80x128xf32, #tpu.memory_space<vmem>>, vector<16xf32>,
      %parallel_loop3A_161 = arith.mulf %parallel_loop3A_160, %parallel_loop3A_108 : vector<16xf32>
      %parallel_loop3A_162 = arith.index_cast %parallel_loop3A_106 : i32 to index
      %parallel_loop3A_163 = arith.constant 112 : index
      %parallel_loop3A_164 = tpu.vector_load %arg16[%parallel_loop3A_162, %parallel_loop3A_163] {strides = array<i32>} : memref<80x128xf32, #tpu.memory_space<vmem>>, vector<16xf32>,
      tpu.vector_store %arg16[%parallel_loop3A_162, %parallel_loop3A_163], %parallel_loop3A_161 {strides = array<i32>} : memref<80x128xf32, #tpu.memory_space<vmem>>, vector<16xf32>,
    } {sc.loop_unroll_factor = 4 : i64, sc.parallel_access}
    %dma_wait3A_70 = arith.constant 0 : i32
    %dma_wait3A_71 = tpu.memref_slice %arg5[%dma_wait3A_70] : memref<320000xi32, #tpu.memory_space<hbm>> -> memref<80xi32, #tpu.memory_space<hbm>>
    %dma_wait3A_72 = arith.constant 0 : i32
    %dma_wait3A_73 = tpu.memref_slice %arg5[%dma_wait3A_72] : memref<320000xi32, #tpu.memory_space<hbm>> -> memref<80xi32, #tpu.memory_space<hbm>>
    tpu.wait_dma2 semaphore(%arg23 : memref<!tpu.dma_semaphore, #tpu.memory_space<semaphore_mem>>) src(%dma_wait3A_73 : memref<80xi32, #tpu.memory_space<hbm>>) dst(%arg10 : memref<80xi32, #tpu.memory_space<vmem>>)
    %dma_start3A_74 = arith.constant 0 : i32
    %dma_start3A_75 = arith.constant 0 : i32
    %dma_start3A_76 = tpu.memref_slice %arg18[%dma_start3A_74, %dma_start3A_75] : memref<10000x128xf32, #tpu.memory_space<vmem_shared>> -> memref<10000x128xf32, #tpu.memory_space<vmem_shared>>
    tpu.enqueue_indirect_dma source(%arg16 : memref<80x128xf32, #tpu.memory_space<vmem>>) target(%dma_start3A_76 : memref<10000x128xf32, #tpu.memory_space<vmem_shared>>) offsets(%arg10 : memref<80xi32, #tpu.memory_space<vmem>>) semaphore(%arg29 : memref<!tpu.dma_semaphore, #tpu.memory_space<semaphore_mem>>) {add = true}
    %dma_wait3A_77 = arith.constant 0 : i32
    %dma_wait3A_78 = arith.constant 0 : i32
    %dma_wait3A_79 = tpu.memref_slice %arg18[%dma_wait3A_77, %dma_wait3A_78] : memref<10000x128xf32, #tpu.memory_space<vmem_shared>> -> memref<80x128xf32, #tpu.memory_space<vmem_shared>>
    %dma_wait3A_80 = arith.constant 0 : i32
    %dma_wait3A_81 = arith.constant 0 : i32
    %dma_wait3A_82 = tpu.memref_slice %arg18[%dma_wait3A_80, %dma_wait3A_81] : memref<10000x128xf32, #tpu.memory_space<vmem_shared>> -> memref<80x128xf32, #tpu.memory_space<vmem_shared>>
    tpu.wait_dma2 semaphore(%arg30 : memref<!tpu.dma_semaphore, #tpu.memory_space<semaphore_mem>>) src(%arg15 : memref<80x128xf32, #tpu.memory_space<vmem>>) dst(%dma_wait3A_82 : memref<80x128xf32, #tpu.memory_space<vmem_shared>>)
    %dma_wait3A_83 = arith.constant 0 : i32
    %dma_wait3A_84 = arith.constant 0 : i32
    %dma_wait3A_85 = tpu.memref_slice %arg18[%dma_wait3A_83, %dma_wait3A_84] : memref<10000x128xf32, #tpu.memory_space<vmem_shared>> -> memref<80x128xf32, #tpu.memory_space<vmem_shared>>
    %dma_wait3A_86 = arith.constant 0 : i32
    %dma_wait3A_87 = arith.constant 0 : i32
    %dma_wait3A_88 = tpu.memref_slice %arg18[%dma_wait3A_86, %dma_wait3A_87] : memref<10000x128xf32, #tpu.memory_space<vmem_shared>> -> memref<80x128xf32, #tpu.memory_space<vmem_shared>>
    tpu.wait_dma2 semaphore(%arg28 : memref<!tpu.dma_semaphore, #tpu.memory_space<semaphore_mem>>) src(%arg15 : memref<80x128xf32, #tpu.memory_space<vmem>>) dst(%dma_wait3A_88 : memref<80x128xf32, #tpu.memory_space<vmem_shared>>)
    %dma_wait3A_89 = arith.constant 0 : i32
    %dma_wait3A_90 = arith.constant 0 : i32
    %dma_wait3A_91 = tpu.memref_slice %arg18[%dma_wait3A_89, %dma_wait3A_90] : memref<10000x128xf32, #tpu.memory_space<vmem_shared>> -> memref<80x128xf32, #tpu.memory_space<vmem_shared>>
    %dma_wait3A_92 = arith.constant 0 : i32
    %dma_wait3A_93 = arith.constant 0 : i32
    %dma_wait3A_94 = tpu.memref_slice %arg18[%dma_wait3A_92, %dma_wait3A_93] : memref<10000x128xf32, #tpu.memory_space<vmem_shared>> -> memref<80x128xf32, #tpu.memory_space<vmem_shared>>
    tpu.wait_dma2 semaphore(%arg29 : memref<!tpu.dma_semaphore, #tpu.memory_space<semaphore_mem>>) src(%arg15 : memref<80x128xf32, #tpu.memory_space<vmem>>) dst(%dma_wait3A_94 : memref<80x128xf32, #tpu.memory_space<vmem_shared>>)
    %barrier3A_95 = arith.constant 0 : index
    tpu.barrier barrier_id(%barrier3A_95)
    %lt3A_96 = arith.constant 15 : i32
    %lt3A_97 = arith.cmpi slt, %arg1, %lt3A_96 : i32
    %convert_element_type3A_98 = arith.extui %lt3A_97 : i1 to i32
    %cond3A_99 = arith.constant 0 : i32
    %cond3A_100 = arith.cmpi ne, %convert_element_type3A_98, %cond3A_99 : i32
    scf.if %cond3A_100 {
      "tpu.region"() ({
        %run_scoped3A = tpu.sem_alloc : memref<!tpu.dma_semaphore, #tpu.memory_space<semaphore_mem>>
        %dma_start3A_106 = arith.constant 0 : i32
        %dma_start3A_107 = arith.constant 0 : i32
        %dma_start3A_108 = tpu.memref_slice %arg7[%arg0, %dma_start3A_106, %dma_start3A_107] : memref<2x10000x128xf32, #tpu.memory_space<hbm>> -> memref<1x10000x128xf32, #tpu.memory_space<hbm>>
        %dma_start3A_109 = tpu.memref_squeeze %dma_start3A_108 : memref<1x10000x128xf32, #tpu.memory_space<hbm>> -> memref<10000x128xf32, #tpu.memory_space<hbm>>
        %dma_start3A_110 = arith.constant 0 : i32
        %dma_start3A_111 = tpu.memref_slice %dma_start3A_109[%mul3A_4, %dma_start3A_110] : memref<10000x128xf32, #tpu.memory_space<hbm>> -> memref<640x128xf32, #tpu.memory_space<hbm>>
        %dma_start3A_112 = arith.constant 0 : i32
        %dma_start3A_113 = tpu.memref_slice %arg18[%mul3A_4, %dma_start3A_112] : memref<10000x128xf32, #tpu.memory_space<vmem_shared>> -> memref<640x128xf32, #tpu.memory_space<vmem_shared>>
        tpu.enqueue_dma source(%dma_start3A_113 : memref<640x128xf32, #tpu.memory_space<vmem_shared>>) target(%dma_start3A_111 : memref<640x128xf32, #tpu.memory_space<hbm>>) target_semaphore(%run_scoped3A : memref<!tpu.dma_semaphore, #tpu.memory_space<semaphore_mem>>)
        %dma_wait3A_114 = arith.constant 0 : i32
        %dma_wait3A_115 = arith.constant 0 : i32
        %dma_wait3A_116 = tpu.memref_slice %arg7[%arg0, %dma_wait3A_114, %dma_wait3A_115] : memref<2x10000x128xf32, #tpu.memory_space<hbm>> -> memref<1x10000x128xf32, #tpu.memory_space<hbm>>
        %dma_wait3A_117 = tpu.memref_squeeze %dma_wait3A_116 : memref<1x10000x128xf32, #tpu.memory_space<hbm>> -> memref<10000x128xf32, #tpu.memory_space<hbm>>
        %dma_wait3A_118 = arith.constant 0 : i32
        %dma_wait3A_119 = tpu.memref_slice %dma_wait3A_117[%mul3A_4, %dma_wait3A_118] : memref<10000x128xf32, #tpu.memory_space<hbm>> -> memref<640x128xf32, #tpu.memory_space<hbm>>
        %dma_wait3A_120 = arith.constant 0 : i32
        %dma_wait3A_121 = tpu.memref_slice %arg18[%mul3A_4, %dma_wait3A_120] : memref<10000x128xf32, #tpu.memory_space<vmem_shared>> -> memref<640x128xf32, #tpu.memory_space<vmem_shared>>
        tpu.wait_dma2 semaphore(%run_scoped3A : memref<!tpu.dma_semaphore, #tpu.memory_space<semaphore_mem>>) src(%dma_wait3A_121 : memref<640x128xf32, #tpu.memory_space<vmem_shared>>) dst(%dma_wait3A_119 : memref<640x128xf32, #tpu.memory_space<hbm>>)
        tpu.yield
      }) : () -> ()
    } else {
    }
    %eq3A_101 = arith.constant 15 : i32
    %eq3A_102 = arith.cmpi eq, %arg1, %eq3A_101 : i32
    %convert_element_type3A_103 = arith.extui %eq3A_102 : i1 to i32
    %cond3A_104 = arith.constant 0 : i32
    %cond3A_105 = arith.cmpi ne, %convert_element_type3A_103, %cond3A_104 : i32
    scf.if %cond3A_105 {
      "tpu.region"() ({
        %run_scoped3A = tpu.sem_alloc : memref<!tpu.dma_semaphore, #tpu.memory_space<semaphore_mem>>
        %dma_start3A_106 = arith.constant 0 : i32
        %dma_start3A_107 = arith.constant 0 : i32
        %dma_start3A_108 = tpu.memref_slice %arg7[%arg0, %dma_start3A_106, %dma_start3A_107] : memref<2x10000x128xf32, #tpu.memory_space<hbm>> -> memref<1x10000x128xf32, #tpu.memory_space<hbm>>
        %dma_start3A_109 = tpu.memref_squeeze %dma_start3A_108 : memref<1x10000x128xf32, #tpu.memory_space<hbm>> -> memref<10000x128xf32, #tpu.memory_space<hbm>>
        %dma_start3A_110 = arith.constant 9600 : i32
        %dma_start3A_111 = arith.constant 0 : i32
        %dma_start3A_112 = tpu.memref_slice %dma_start3A_109[%dma_start3A_110, %dma_start3A_111] : memref<10000x128xf32, #tpu.memory_space<hbm>> -> memref<400x128xf32, #tpu.memory_space<hbm>>
        %dma_start3A_113 = arith.constant 9600 : i32
        %dma_start3A_114 = arith.constant 0 : i32
        %dma_start3A_115 = tpu.memref_slice %arg18[%dma_start3A_113, %dma_start3A_114] : memref<10000x128xf32, #tpu.memory_space<vmem_shared>> -> memref<400x128xf32, #tpu.memory_space<vmem_shared>>
        tpu.enqueue_dma source(%dma_start3A_115 : memref<400x128xf32, #tpu.memory_space<vmem_shared>>) target(%dma_start3A_112 : memref<400x128xf32, #tpu.memory_space<hbm>>) target_semaphore(%run_scoped3A : memref<!tpu.dma_semaphore, #tpu.memory_space<semaphore_mem>>)
        %dma_wait3A_116 = arith.constant 0 : i32
        %dma_wait3A_117 = arith.constant 0 : i32
        %dma_wait3A_118 = tpu.memref_slice %arg7[%arg0, %dma_wait3A_116, %dma_wait3A_117] : memref<2x10000x128xf32, #tpu.memory_space<hbm>> -> memref<1x10000x128xf32, #tpu.memory_space<hbm>>
        %dma_wait3A_119 = tpu.memref_squeeze %dma_wait3A_118 : memref<1x10000x128xf32, #tpu.memory_space<hbm>> -> memref<10000x128xf32, #tpu.memory_space<hbm>>
        %dma_wait3A_120 = arith.constant 9600 : i32
        %dma_wait3A_121 = arith.constant 0 : i32
        %dma_wait3A_122 = tpu.memref_slice %dma_wait3A_119[%dma_wait3A_120, %dma_wait3A_121] : memref<10000x128xf32, #tpu.memory_space<hbm>> -> memref<400x128xf32, #tpu.memory_space<hbm>>
        %dma_wait3A_123 = arith.constant 9600 : i32
        %dma_wait3A_124 = arith.constant 0 : i32
        %dma_wait3A_125 = tpu.memref_slice %arg18[%dma_wait3A_123, %dma_wait3A_124] : memref<10000x128xf32, #tpu.memory_space<vmem_shared>> -> memref<400x128xf32, #tpu.memory_space<vmem_shared>>
        tpu.wait_dma2 semaphore(%run_scoped3A : memref<!tpu.dma_semaphore, #tpu.memory_space<semaphore_mem>>) src(%dma_wait3A_125 : memref<400x128xf32, #tpu.memory_space<vmem_shared>>) dst(%dma_wait3A_122 : memref<400x128xf32, #tpu.memory_space<hbm>>)
        tpu.yield
      }) : () -> ()
    } else {
    }
    return
  }
}

#map = affine_map<(d0, d1) -> (0, 0)>
#map1 = affine_map<(d0, d1) -> (0)>
#map2 = affine_map<(d0, d1) -> (0, 0, 0)>
module attributes {stable_mosaic.version = 14 : i64} {
  func.func @_sc_scatter_body(%arg0: i32, %arg1: i32, %arg2: memref<10000x128xf32, #tpu.memory_space<hbm>>, %arg3: memref<320000xf32, #tpu.memory_space<hbm>>, %arg4: memref<320000xi32, #tpu.memory_space<hbm>>, %arg5: memref<320000xi32, #tpu.memory_space<hbm>>, %arg6: memref<640x128xf32, #tpu.memory_space<hbm>>, %arg7: memref<2x10000x128xf32, #tpu.memory_space<hbm>>, %arg8: memref<10000xi32, #tpu.memory_space<vmem>>, %arg9: memref<80xi32, #tpu.memory_space<vmem>>, %arg10: memref<80xi32, #tpu.memory_space<vmem>>, %arg11: memref<80xi32, #tpu.memory_space<vmem>>, %arg12: memref<80xf32, #tpu.memory_space<vmem>>, %arg13: memref<80xf32, #tpu.memory_space<vmem>>, %arg14: memref<80xf32, #tpu.memory_space<vmem>>, %arg15: memref<80x128xf32, #tpu.memory_space<vmem>>, %arg16: memref<80x128xf32, #tpu.memory_space<vmem>>, %arg17: memref<80x128xf32, #tpu.memory_space<vmem>>, %arg18: memref<10000x128xf32, #tpu.memory_space<vmem_shared>>, %arg19: memref<!tpu.dma_semaphore, #tpu.memory_space<semaphore_mem>>, %arg20: memref<!tpu.dma_semaphore, #tpu.memory_space<semaphore_mem>>, %arg21: memref<!tpu.dma_semaphore, #tpu.memory_space<semaphore_mem>>, %arg22: memref<!tpu.dma_semaphore, #tpu.memory_space<semaphore_mem>>, %arg23: memref<!tpu.dma_semaphore, #tpu.memory_space<semaphore_mem>>, %arg24: memref<!tpu.dma_semaphore, #tpu.memory_space<semaphore_mem>>, %arg25: memref<!tpu.dma_semaphore, #tpu.memory_space<semaphore_mem>>, %arg26: memref<!tpu.dma_semaphore, #tpu.memory_space<semaphore_mem>>, %arg27: memref<!tpu.dma_semaphore, #tpu.memory_space<semaphore_mem>>, %arg28: memref<!tpu.dma_semaphore, #tpu.memory_space<semaphore_mem>>, %arg29: memref<!tpu.dma_semaphore, #tpu.memory_space<semaphore_mem>>, %arg30: memref<!tpu.dma_semaphore, #tpu.memory_space<semaphore_mem>>) attributes {dimension_semantics = [#tpu.dimension_semantics<core_parallel>, #tpu.dimension_semantics<subcore_parallel>], iteration_bounds = array<i64: 2, 16>, scalar_prefetch = 0 : i64, scratch_operands = 23 : i64, tpu.core_type = #tpu.core_type<sc_vector_subcore>, window_params = [{transform_indices = #map}, {transform_indices = #map1}, {transform_indices = #map1}, {transform_indices = #map1}, {transform_indices = #map}, {transform_indices = #map2}]} {
    %mul3A = arith.constant 2 : i32
    %mul3A_0 = arith.muli %arg1, %mul3A : i32
    %add3A = arith.addi %mul3A_0, %arg0 : i32
    %mul3A_1 = arith.constant 10000 : i32
    %mul3A_2 = arith.muli %add3A, %mul3A_1 : i32
    "tpu.region"() ({
      %run_scoped3A = tpu.sem_alloc : memref<!tpu.dma_semaphore, #tpu.memory_space<semaphore_mem>>
      %dma_start3A_106 = tpu.memref_slice %arg4[%mul3A_2] : memref<320000xi32, #tpu.memory_space<hbm>> -> memref<10000xi32, #tpu.memory_space<hbm>>
      %dma_start3A_107 = tpu.memref_slice %arg4[%mul3A_2] : memref<320000xi32, #tpu.memory_space<hbm>> -> memref<10000xi32, #tpu.memory_space<hbm>>
      tpu.enqueue_dma source(%dma_start3A_107 : memref<10000xi32, #tpu.memory_space<hbm>>) target(%arg8 : memref<10000xi32, #tpu.memory_space<vmem>>) target_semaphore(%run_scoped3A : memref<!tpu.dma_semaphore, #tpu.memory_space<semaphore_mem>>)
      %dma_wait3A_108 = tpu.memref_slice %arg4[%mul3A_2] : memref<320000xi32, #tpu.memory_space<hbm>> -> memref<10000xi32, #tpu.memory_space<hbm>>
      %dma_wait3A_109 = tpu.memref_slice %arg4[%mul3A_2] : memref<320000xi32, #tpu.memory_space<hbm>> -> memref<10000xi32, #tpu.memory_space<hbm>>
      tpu.wait_dma2 semaphore(%run_scoped3A : memref<!tpu.dma_semaphore, #tpu.memory_space<semaphore_mem>>) src(%dma_wait3A_109 : memref<10000xi32, #tpu.memory_space<hbm>>) dst(%arg8 : memref<10000xi32, #tpu.memory_space<vmem>>)
      tpu.yield
    }) : () -> ()
    %mul3A_3 = arith.constant 640 : i32
    %mul3A_4 = arith.muli %arg1, %mul3A_3 : i32
    %lt3A = arith.constant 15 : i32
    %lt3A_5 = arith.cmpi slt, %arg1, %lt3A : i32
    %convert_element_type3A = arith.extui %lt3A_5 : i1 to i32
    %cond3A = arith.constant 0 : i32
    %cond3A_6 = arith.cmpi ne, %convert_element_type3A, %cond3A : i32
    scf.if %cond3A_6 {
      "tpu.region"() ({
        %run_scoped3A = tpu.sem_alloc : memref<!tpu.dma_semaphore, #tpu.memory_space<semaphore_mem>>
        %dma_start3A_106 = arith.constant 0 : i32
        %dma_start3A_107 = tpu.memref_slice %arg18[%mul3A_4, %dma_start3A_106] : memref<10000x128xf32, #tpu.memory_space<vmem_shared>> -> memref<640x128xf32, #tpu.memory_space<vmem_shared>>
        tpu.enqueue_dma source(%arg6 : memref<640x128xf32, #tpu.memory_space<hbm>>) target(%dma_start3A_107 : memref<640x128xf32, #tpu.memory_space<vmem_shared>>) target_semaphore(%run_scoped3A : memref<!tpu.dma_semaphore, #tpu.memory_space<semaphore_mem>>)
        %dma_wait3A_108 = arith.constant 0 : i32
        %dma_wait3A_109 = tpu.memref_slice %arg18[%mul3A_4, %dma_wait3A_108] : memref<10000x128xf32, #tpu.memory_space<vmem_shared>> -> memref<640x128xf32, #tpu.memory_space<vmem_shared>>
        tpu.wait_dma2 semaphore(%run_scoped3A : memref<!tpu.dma_semaphore, #tpu.memory_space<semaphore_mem>>) src(%arg6 : memref<640x128xf32, #tpu.memory_space<hbm>>) dst(%dma_wait3A_109 : memref<640x128xf32, #tpu.memory_space<vmem_shared>>)
        tpu.yield
      }) : () -> ()
    } else {
    }
    %eq3A = arith.constant 15 : i32
    %eq3A_7 = arith.cmpi eq, %arg1, %eq3A : i32
    %convert_element_type3A_8 = arith.extui %eq3A_7 : i1 to i32
    %cond3A_9 = arith.constant 0 : i32
    %cond3A_10 = arith.cmpi ne, %convert_element_type3A_8, %cond3A_9 : i32
    scf.if %cond3A_10 {
      "tpu.region"() ({
        %run_scoped3A = tpu.sem_alloc : memref<!tpu.dma_semaphore, #tpu.memory_space<semaphore_mem>>
        %dma_start3A_106 = arith.constant 9600 : i32
        %dma_start3A_107 = arith.constant 0 : i32
        %dma_start3A_108 = tpu.memref_slice %arg18[%dma_start3A_106, %dma_start3A_107] : memref<10000x128xf32, #tpu.memory_space<vmem_shared>> -> memref<400x128xf32, #tpu.memory_space<vmem_shared>>
        %dma_start3A_109 = arith.constant 0 : i32
        %dma_start3A_110 = arith.constant 0 : i32
        %dma_start3A_111 = tpu.memref_slice %arg6[%dma_start3A_109, %dma_start3A_110] : memref<640x128xf32, #tpu.memory_space<hbm>> -> memref<400x128xf32, #tpu.memory_space<hbm>>
        tpu.enqueue_dma source(%dma_start3A_111 : memref<400x128xf32, #tpu.memory_space<hbm>>) target(%dma_start3A_108 : memref<400x128xf32, #tpu.memory_space<vmem_shared>>) target_semaphore(%run_scoped3A : memref<!tpu.dma_semaphore, #tpu.memory_space<semaphore_mem>>)
        %dma_wait3A_112 = arith.constant 9600 : i32
        %dma_wait3A_113 = arith.constant 0 : i32
        %dma_wait3A_114 = tpu.memref_slice %arg18[%dma_wait3A_112, %dma_wait3A_113] : memref<10000x128xf32, #tpu.memory_space<vmem_shared>> -> memref<400x128xf32, #tpu.memory_space<vmem_shared>>
        %dma_wait3A_115 = arith.constant 0 : i32
        %dma_wait3A_116 = arith.constant 0 : i32
        %dma_wait3A_117 = tpu.memref_slice %arg6[%dma_wait3A_115, %dma_wait3A_116] : memref<640x128xf32, #tpu.memory_space<hbm>> -> memref<400x128xf32, #tpu.memory_space<hbm>>
        tpu.wait_dma2 semaphore(%run_scoped3A : memref<!tpu.dma_semaphore, #tpu.memory_space<semaphore_mem>>) src(%dma_wait3A_117 : memref<400x128xf32, #tpu.memory_space<hbm>>) dst(%dma_wait3A_114 : memref<400x128xf32, #tpu.memory_space<vmem_shared>>)
        tpu.yield
      }) : () -> ()
    } else {
    }
    %barrier3A = arith.constant 0 : index
    tpu.barrier barrier_id(%barrier3A)
    %add3A_11 = arith.constant 0 : i32
    %add3A_12 = arith.addi %mul3A_2, %add3A_11 : i32
    %dma_start3A = tpu.memref_slice %arg5[%add3A_12] : memref<320000xi32, #tpu.memory_space<hbm>> -> memref<80xi32, #tpu.memory_space<hbm>>
    %dma_start3A_13 = tpu.memref_slice %arg5[%add3A_12] : memref<320000xi32, #tpu.memory_space<hbm>> -> memref<80xi32, #tpu.memory_space<hbm>>
    tpu.enqueue_dma source(%dma_start3A_13 : memref<80xi32, #tpu.memory_space<hbm>>) target(%arg9 : memref<80xi32, #tpu.memory_space<vmem>>) target_semaphore(%arg22 : memref<!tpu.dma_semaphore, #tpu.memory_space<semaphore_mem>>)
    %add3A_14 = arith.constant 0 : i32
    %add3A_15 = arith.addi %mul3A_2, %add3A_14 : i32
    %dma_start3A_16 = tpu.memref_slice %arg3[%add3A_15] : memref<320000xf32, #tpu.memory_space<hbm>> -> memref<80xf32, #tpu.memory_space<hbm>>
    %dma_start3A_17 = tpu.memref_slice %arg3[%add3A_15] : memref<320000xf32, #tpu.memory_space<hbm>> -> memref<80xf32, #tpu.memory_space<hbm>>
    tpu.enqueue_dma source(%dma_start3A_17 : memref<80xf32, #tpu.memory_space<hbm>>) target(%arg12 : memref<80xf32, #tpu.memory_space<vmem>>) target_semaphore(%arg25 : memref<!tpu.dma_semaphore, #tpu.memory_space<semaphore_mem>>)
    %dma_start3A_18 = arith.constant 0 : i32
    %dma_start3A_19 = tpu.memref_slice %arg8[%dma_start3A_18] : memref<10000xi32, #tpu.memory_space<vmem>> -> memref<80xi32, #tpu.memory_space<vmem>>
    %dma_start3A_20 = arith.constant 0 : i32
    %dma_start3A_21 = arith.constant 0 : i32
    %dma_start3A_22 = tpu.memref_slice %arg2[%dma_start3A_20, %dma_start3A_21] : memref<10000x128xf32, #tpu.memory_space<hbm>> -> memref<10000x128xf32, #tpu.memory_space<hbm>>
    tpu.enqueue_indirect_dma source(%dma_start3A_22 : memref<10000x128xf32, #tpu.memory_space<hbm>>) target(%arg15 : memref<80x128xf32, #tpu.memory_space<vmem>>) offsets(%dma_start3A_19 : memref<80xi32, #tpu.memory_space<vmem>>) semaphore(%arg19 : memref<!tpu.dma_semaphore, #tpu.memory_space<semaphore_mem>>)
    %add3A_23 = arith.constant 80 : i32
    %add3A_24 = arith.addi %mul3A_2, %add3A_23 : i32
    %dma_start3A_25 = tpu.memref_slice %arg5[%add3A_24] : memref<320000xi32, #tpu.memory_space<hbm>> -> memref<80xi32, #tpu.memory_space<hbm>>
    %dma_start3A_26 = tpu.memref_slice %arg5[%add3A_24] : memref<320000xi32, #tpu.memory_space<hbm>> -> memref<80xi32, #tpu.memory_space<hbm>>
    tpu.enqueue_dma source(%dma_start3A_26 : memref<80xi32, #tpu.memory_space<hbm>>) target(%arg10 : memref<80xi32, #tpu.memory_space<vmem>>) target_semaphore(%arg23 : memref<!tpu.dma_semaphore, #tpu.memory_space<semaphore_mem>>)
    %add3A_27 = arith.constant 80 : i32
    %add3A_28 = arith.addi %mul3A_2, %add3A_27 : i32
    %dma_start3A_29 = tpu.memref_slice %arg3[%add3A_28] : memref<320000xf32, #tpu.memory_space<hbm>> -> memref<80xf32, #tpu.memory_space<hbm>>
    %dma_start3A_30 = tpu.memref_slice %arg3[%add3A_28] : memref<320000xf32, #tpu.memory_space<hbm>> -> memref<80xf32, #tpu.memory_space<hbm>>
    tpu.enqueue_dma source(%dma_start3A_30 : memref<80xf32, #tpu.memory_space<hbm>>) target(%arg13 : memref<80xf32, #tpu.memory_space<vmem>>) target_semaphore(%arg26 : memref<!tpu.dma_semaphore, #tpu.memory_space<semaphore_mem>>)
    %dma_start3A_31 = arith.constant 80 : i32
    %dma_start3A_32 = tpu.memref_slice %arg8[%dma_start3A_31] : memref<10000xi32, #tpu.memory_space<vmem>> -> memref<80xi32, #tpu.memory_space<vmem>>
    %dma_start3A_33 = arith.constant 0 : i32
    %dma_start3A_34 = arith.constant 0 : i32
    %dma_start3A_35 = tpu.memref_slice %arg2[%dma_start3A_33, %dma_start3A_34] : memref<10000x128xf32, #tpu.memory_space<hbm>> -> memref<10000x128xf32, #tpu.memory_space<hbm>>
    tpu.enqueue_indirect_dma source(%dma_start3A_35 : memref<10000x128xf32, #tpu.memory_space<hbm>>) target(%arg16 : memref<80x128xf32, #tpu.memory_space<vmem>>) offsets(%dma_start3A_32 : memref<80xi32, #tpu.memory_space<vmem>>) semaphore(%arg20 : memref<!tpu.dma_semaphore, #tpu.memory_space<semaphore_mem>>)
    %scan3A = arith.constant 0 : i32
    %scan3A_36 = arith.constant 0 : i32
    %scan3A_37 = arith.constant 41 : i32
    %scan3A_38 = arith.addi %scan3A_36, %scan3A_37 : i32
    %scan3A_39 = arith.constant 1 : i32
    scf.for %scan3A_106 = %scan3A_36 to %scan3A_38 step %scan3A_39  : i32 {
      %mul3A_107 = arith.constant 3 : i32
      %mul3A_108 = arith.muli %mul3A_107, %scan3A_106 : i32
      %add3A_109 = arith.constant 0 : i32
      %add3A_110 = arith.addi %mul3A_108, %add3A_109 : i32
      %mul3A_111 = arith.constant 80 : i32
      %mul3A_112 = arith.muli %add3A_110, %mul3A_111 : i32
      %dma_wait3A_113 = tpu.memref_slice %arg8[%mul3A_112] : memref<10000xi32, #tpu.memory_space<vmem>> -> memref<80xi32, #tpu.memory_space<vmem>>
      %dma_wait3A_114 = arith.constant 0 : i32
      %dma_wait3A_115 = arith.constant 0 : i32
      %dma_wait3A_116 = tpu.memref_slice %arg2[%dma_wait3A_114, %dma_wait3A_115] : memref<10000x128xf32, #tpu.memory_space<hbm>> -> memref<10000x128xf32, #tpu.memory_space<hbm>>
      tpu.wait_indirect_dma semaphore(%arg19 : memref<!tpu.dma_semaphore, #tpu.memory_space<semaphore_mem>>) src(%dma_wait3A_116 : memref<10000x128xf32, #tpu.memory_space<hbm>>) dst(%arg15 : memref<80x128xf32, #tpu.memory_space<vmem>>)
      %dma_wait3A_117 = arith.constant 0 : i32
      %dma_wait3A_118 = tpu.memref_slice %arg3[%dma_wait3A_117] : memref<320000xf32, #tpu.memory_space<hbm>> -> memref<80xf32, #tpu.memory_space<hbm>>
      %dma_wait3A_119 = arith.constant 0 : i32
      %dma_wait3A_120 = tpu.memref_slice %arg3[%dma_wait3A_119] : memref<320000xf32, #tpu.memory_space<hbm>> -> memref<80xf32, #tpu.memory_space<hbm>>
      tpu.wait_dma2 semaphore(%arg25 : memref<!tpu.dma_semaphore, #tpu.memory_space<semaphore_mem>>) src(%dma_wait3A_120 : memref<80xf32, #tpu.memory_space<hbm>>) dst(%arg12 : memref<80xf32, #tpu.memory_space<vmem>>)
      %parallel_loop3A_121 = arith.constant 0 : i32
      %parallel_loop3A_122 = arith.constant 80 : i32
      %parallel_loop3A_123 = arith.constant 1 : i32
      scf.for %parallel_loop3A_249 = %parallel_loop3A_121 to %parallel_loop3A_122 step %parallel_loop3A_123  : i32 {
        %parallel_loop3A_250 = vector.broadcast %parallel_loop3A_249 : i32 to vector<16xi32>
        %parallel_loop3A_251 = tpu.vector_load_idx %arg12[%parallel_loop3A_250] : memref<80xf32, #tpu.memory_space<vmem>>[vector<16xi32>], vector<16xf32>,
        %parallel_loop3A_252 = arith.index_cast %parallel_loop3A_249 : i32 to index
        %parallel_loop3A_253 = arith.constant 0 : index
        %parallel_loop3A_254 = tpu.vector_load %arg15[%parallel_loop3A_252, %parallel_loop3A_253] {strides = array<i32>} : memref<80x128xf32, #tpu.memory_space<vmem>>, vector<16xf32>,
        %parallel_loop3A_255 = arith.mulf %parallel_loop3A_254, %parallel_loop3A_251 : vector<16xf32>
        %parallel_loop3A_256 = arith.index_cast %parallel_loop3A_249 : i32 to index
        %parallel_loop3A_257 = arith.constant 0 : index
        %parallel_loop3A_258 = tpu.vector_load %arg15[%parallel_loop3A_256, %parallel_loop3A_257] {strides = array<i32>} : memref<80x128xf32, #tpu.memory_space<vmem>>, vector<16xf32>,
        tpu.vector_store %arg15[%parallel_loop3A_256, %parallel_loop3A_257], %parallel_loop3A_255 {strides = array<i32>} : memref<80x128xf32, #tpu.memory_space<vmem>>, vector<16xf32>,
        %parallel_loop3A_259 = arith.index_cast %parallel_loop3A_249 : i32 to index
        %parallel_loop3A_260 = arith.constant 16 : index
        %parallel_loop3A_261 = tpu.vector_load %arg15[%parallel_loop3A_259, %parallel_loop3A_260] {strides = array<i32>} : memref<80x128xf32, #tpu.memory_space<vmem>>, vector<16xf32>,
        %parallel_loop3A_262 = arith.mulf %parallel_loop3A_261, %parallel_loop3A_251 : vector<16xf32>
        %parallel_loop3A_263 = arith.index_cast %parallel_loop3A_249 : i32 to index
        %parallel_loop3A_264 = arith.constant 16 : index
        %parallel_loop3A_265 = tpu.vector_load %arg15[%parallel_loop3A_263, %parallel_loop3A_264] {strides = array<i32>} : memref<80x128xf32, #tpu.memory_space<vmem>>, vector<16xf32>,
        tpu.vector_store %arg15[%parallel_loop3A_263, %parallel_loop3A_264], %parallel_loop3A_262 {strides = array<i32>} : memref<80x128xf32, #tpu.memory_space<vmem>>, vector<16xf32>,
        %parallel_loop3A_266 = arith.index_cast %parallel_loop3A_249 : i32 to index
        %parallel_loop3A_267 = arith.constant 32 : index
        %parallel_loop3A_268 = tpu.vector_load %arg15[%parallel_loop3A_266, %parallel_loop3A_267] {strides = array<i32>} : memref<80x128xf32, #tpu.memory_space<vmem>>, vector<16xf32>,
        %parallel_loop3A_269 = arith.mulf %parallel_loop3A_268, %parallel_loop3A_251 : vector<16xf32>
        %parallel_loop3A_270 = arith.index_cast %parallel_loop3A_249 : i32 to index
        %parallel_loop3A_271 = arith.constant 32 : index
        %parallel_loop3A_272 = tpu.vector_load %arg15[%parallel_loop3A_270, %parallel_loop3A_271] {strides = array<i32>} : memref<80x128xf32, #tpu.memory_space<vmem>>, vector<16xf32>,
        tpu.vector_store %arg15[%parallel_loop3A_270, %parallel_loop3A_271], %parallel_loop3A_269 {strides = array<i32>} : memref<80x128xf32, #tpu.memory_space<vmem>>, vector<16xf32>,
        %parallel_loop3A_273 = arith.index_cast %parallel_loop3A_249 : i32 to index
        %parallel_loop3A_274 = arith.constant 48 : index
        %parallel_loop3A_275 = tpu.vector_load %arg15[%parallel_loop3A_273, %parallel_loop3A_274] {strides = array<i32>} : memref<80x128xf32, #tpu.memory_space<vmem>>, vector<16xf32>,
        %parallel_loop3A_276 = arith.mulf %parallel_loop3A_275, %parallel_loop3A_251 : vector<16xf32>
        %parallel_loop3A_277 = arith.index_cast %parallel_loop3A_249 : i32 to index
        %parallel_loop3A_278 = arith.constant 48 : index
        %parallel_loop3A_279 = tpu.vector_load %arg15[%parallel_loop3A_277, %parallel_loop3A_278] {strides = array<i32>} : memref<80x128xf32, #tpu.memory_space<vmem>>, vector<16xf32>,
        tpu.vector_store %arg15[%parallel_loop3A_277, %parallel_loop3A_278], %parallel_loop3A_276 {strides = array<i32>} : memref<80x128xf32, #tpu.memory_space<vmem>>, vector<16xf32>,
        %parallel_loop3A_280 = arith.index_cast %parallel_loop3A_249 : i32 to index
        %parallel_loop3A_281 = arith.constant 64 : index
        %parallel_loop3A_282 = tpu.vector_load %arg15[%parallel_loop3A_280, %parallel_loop3A_281] {strides = array<i32>} : memref<80x128xf32, #tpu.memory_space<vmem>>, vector<16xf32>,
        %parallel_loop3A_283 = arith.mulf %parallel_loop3A_282, %parallel_loop3A_251 : vector<16xf32>
        %parallel_loop3A_284 = arith.index_cast %parallel_loop3A_249 : i32 to index
        %parallel_loop3A_285 = arith.constant 64 : index
        %parallel_loop3A_286 = tpu.vector_load %arg15[%parallel_loop3A_284, %parallel_loop3A_285] {strides = array<i32>} : memref<80x128xf32, #tpu.memory_space<vmem>>, vector<16xf32>,
        tpu.vector_store %arg15[%parallel_loop3A_284, %parallel_loop3A_285], %parallel_loop3A_283 {strides = array<i32>} : memref<80x128xf32, #tpu.memory_space<vmem>>, vector<16xf32>,
        %parallel_loop3A_287 = arith.index_cast %parallel_loop3A_249 : i32 to index
        %parallel_loop3A_288 = arith.constant 80 : index
        %parallel_loop3A_289 = tpu.vector_load %arg15[%parallel_loop3A_287, %parallel_loop3A_288] {strides = array<i32>} : memref<80x128xf32, #tpu.memory_space<vmem>>, vector<16xf32>,
        %parallel_loop3A_290 = arith.mulf %parallel_loop3A_289, %parallel_loop3A_251 : vector<16xf32>
        %parallel_loop3A_291 = arith.index_cast %parallel_loop3A_249 : i32 to index
        %parallel_loop3A_292 = arith.constant 80 : index
        %parallel_loop3A_293 = tpu.vector_load %arg15[%parallel_loop3A_291, %parallel_loop3A_292] {strides = array<i32>} : memref<80x128xf32, #tpu.memory_space<vmem>>, vector<16xf32>,
        tpu.vector_store %arg15[%parallel_loop3A_291, %parallel_loop3A_292], %parallel_loop3A_290 {strides = array<i32>} : memref<80x128xf32, #tpu.memory_space<vmem>>, vector<16xf32>,
        %parallel_loop3A_294 = arith.index_cast %parallel_loop3A_249 : i32 to index
        %parallel_loop3A_295 = arith.constant 96 : index
        %parallel_loop3A_296 = tpu.vector_load %arg15[%parallel_loop3A_294, %parallel_loop3A_295] {strides = array<i32>} : memref<80x128xf32, #tpu.memory_space<vmem>>, vector<16xf32>,
        %parallel_loop3A_297 = arith.mulf %parallel_loop3A_296, %parallel_loop3A_251 : vector<16xf32>
        %parallel_loop3A_298 = arith.index_cast %parallel_loop3A_249 : i32 to index
        %parallel_loop3A_299 = arith.constant 96 : index
        %parallel_loop3A_300 = tpu.vector_load %arg15[%parallel_loop3A_298, %parallel_loop3A_299] {strides = array<i32>} : memref<80x128xf32, #tpu.memory_space<vmem>>, vector<16xf32>,
        tpu.vector_store %arg15[%parallel_loop3A_298, %parallel_loop3A_299], %parallel_loop3A_297 {strides = array<i32>} : memref<80x128xf32, #tpu.memory_space<vmem>>, vector<16xf32>,
        %parallel_loop3A_301 = arith.index_cast %parallel_loop3A_249 : i32 to index
        %parallel_loop3A_302 = arith.constant 112 : index
        %parallel_loop3A_303 = tpu.vector_load %arg15[%parallel_loop3A_301, %parallel_loop3A_302] {strides = array<i32>} : memref<80x128xf32, #tpu.memory_space<vmem>>, vector<16xf32>,
        %parallel_loop3A_304 = arith.mulf %parallel_loop3A_303, %parallel_loop3A_251 : vector<16xf32>
        %parallel_loop3A_305 = arith.index_cast %parallel_loop3A_249 : i32 to index
        %parallel_loop3A_306 = arith.constant 112 : index
        %parallel_loop3A_307 = tpu.vector_load %arg15[%parallel_loop3A_305, %parallel_loop3A_306] {strides = array<i32>} : memref<80x128xf32, #tpu.memory_space<vmem>>, vector<16xf32>,
        tpu.vector_store %arg15[%parallel_loop3A_305, %parallel_loop3A_306], %parallel_loop3A_304 {strides = array<i32>} : memref<80x128xf32, #tpu.memory_space<vmem>>, vector<16xf32>,
      } {sc.loop_unroll_factor = 4 : i64, sc.parallel_access}
      %dma_wait3A_124 = arith.constant 0 : i32
      %dma_wait3A_125 = tpu.memref_slice %arg5[%dma_wait3A_124] : memref<320000xi32, #tpu.memory_space<hbm>> -> memref<80xi32, #tpu.memory_space<hbm>>
      %dma_wait3A_126 = arith.constant 0 : i32
      %dma_wait3A_127 = tpu.memref_slice %arg5[%dma_wait3A_126] : memref<320000xi32, #tpu.memory_space<hbm>> -> memref<80xi32, #tpu.memory_space<hbm>>
      tpu.wait_dma2 semaphore(%arg22 : memref<!tpu.dma_semaphore, #tpu.memory_space<semaphore_mem>>) src(%dma_wait3A_127 : memref<80xi32, #tpu.memory_space<hbm>>) dst(%arg9 : memref<80xi32, #tpu.memory_space<vmem>>)
      %dma_start3A_128 = arith.constant 0 : i32
      %dma_start3A_129 = arith.constant 0 : i32
      %dma_start3A_130 = tpu.memref_slice %arg18[%dma_start3A_128, %dma_start3A_129] : memref<10000x128xf32, #tpu.memory_space<vmem_shared>> -> memref<10000x128xf32, #tpu.memory_space<vmem_shared>>
      tpu.enqueue_indirect_dma source(%arg15 : memref<80x128xf32, #tpu.memory_space<vmem>>) target(%dma_start3A_130 : memref<10000x128xf32, #tpu.memory_space<vmem_shared>>) offsets(%arg9 : memref<80xi32, #tpu.memory_space<vmem>>) semaphore(%arg28 : memref<!tpu.dma_semaphore, #tpu.memory_space<semaphore_mem>>) {add = true}
      %gt3A = arith.constant 0 : i32
      %gt3A_131 = arith.cmpi sgt, %scan3A_106, %gt3A : i32
      %convert_element_type3A_132 = arith.extui %gt3A_131 : i1 to i32
      %cond3A_133 = arith.constant 0 : i32
      %cond3A_134 = arith.cmpi ne, %convert_element_type3A_132, %cond3A_133 : i32
      scf.if %cond3A_134 {
        %dma_wait3A_249 = arith.constant 0 : i32
        %dma_wait3A_250 = arith.constant 0 : i32
        %dma_wait3A_251 = tpu.memref_slice %arg18[%dma_wait3A_249, %dma_wait3A_250] : memref<10000x128xf32, #tpu.memory_space<vmem_shared>> -> memref<80x128xf32, #tpu.memory_space<vmem_shared>>
        %dma_wait3A_252 = arith.constant 0 : i32
        %dma_wait3A_253 = arith.constant 0 : i32
        %dma_wait3A_254 = tpu.memref_slice %arg18[%dma_wait3A_252, %dma_wait3A_253] : memref<10000x128xf32, #tpu.memory_space<vmem_shared>> -> memref<80x128xf32, #tpu.memory_space<vmem_shared>>
        tpu.wait_dma2 semaphore(%arg30 : memref<!tpu.dma_semaphore, #tpu.memory_space<semaphore_mem>>) src(%arg15 : memref<80x128xf32, #tpu.memory_space<vmem>>) dst(%dma_wait3A_254 : memref<80x128xf32, #tpu.memory_space<vmem_shared>>)
      } else {
      }
      %add3A_135 = arith.constant 2 : i32
      %add3A_136 = arith.addi %add3A_110, %add3A_135 : i32
      %mul3A_137 = arith.constant 80 : i32
      %mul3A_138 = arith.muli %add3A_136, %mul3A_137 : i32
      %add3A_139 = arith.addi %mul3A_2, %mul3A_138 : i32
      %dma_start3A_140 = tpu.memref_slice %arg5[%add3A_139] : memref<320000xi32, #tpu.memory_space<hbm>> -> memref<80xi32, #tpu.memory_space<hbm>>
      %dma_start3A_141 = tpu.memref_slice %arg5[%add3A_139] : memref<320000xi32, #tpu.memory_space<hbm>> -> memref<80xi32, #tpu.memory_space<hbm>>
      tpu.enqueue_dma source(%dma_start3A_141 : memref<80xi32, #tpu.memory_space<hbm>>) target(%arg11 : memref<80xi32, #tpu.memory_space<vmem>>) target_semaphore(%arg24 : memref<!tpu.dma_semaphore, #tpu.memory_space<semaphore_mem>>)
      %mul3A_142 = arith.constant 80 : i32
      %mul3A_143 = arith.muli %add3A_136, %mul3A_142 : i32
      %add3A_144 = arith.addi %mul3A_2, %mul3A_143 : i32
      %dma_start3A_145 = tpu.memref_slice %arg3[%add3A_144] : memref<320000xf32, #tpu.memory_space<hbm>> -> memref<80xf32, #tpu.memory_space<hbm>>
      %dma_start3A_146 = tpu.memref_slice %arg3[%add3A_144] : memref<320000xf32, #tpu.memory_space<hbm>> -> memref<80xf32, #tpu.memory_space<hbm>>
      tpu.enqueue_dma source(%dma_start3A_146 : memref<80xf32, #tpu.memory_space<hbm>>) target(%arg14 : memref<80xf32, #tpu.memory_space<vmem>>) target_semaphore(%arg27 : memref<!tpu.dma_semaphore, #tpu.memory_space<semaphore_mem>>)
      %mul3A_147 = arith.constant 80 : i32
      %mul3A_148 = arith.muli %add3A_136, %mul3A_147 : i32
      %dma_start3A_149 = tpu.memref_slice %arg8[%mul3A_148] : memref<10000xi32, #tpu.memory_space<vmem>> -> memref<80xi32, #tpu.memory_space<vmem>>
      %dma_start3A_150 = arith.constant 0 : i32
      %dma_start3A_151 = arith.constant 0 : i32
      %dma_start3A_152 = tpu.memref_slice %arg2[%dma_start3A_150, %dma_start3A_151] : memref<10000x128xf32, #tpu.memory_space<hbm>> -> memref<10000x128xf32, #tpu.memory_space<hbm>>
      tpu.enqueue_indirect_dma source(%dma_start3A_152 : memref<10000x128xf32, #tpu.memory_space<hbm>>) target(%arg17 : memref<80x128xf32, #tpu.memory_space<vmem>>) offsets(%dma_start3A_149 : memref<80xi32, #tpu.memory_space<vmem>>) semaphore(%arg21 : memref<!tpu.dma_semaphore, #tpu.memory_space<semaphore_mem>>)
      %mul3A_153 = arith.constant 3 : i32
      %mul3A_154 = arith.muli %mul3A_153, %scan3A_106 : i32
      %add3A_155 = arith.constant 1 : i32
      %add3A_156 = arith.addi %mul3A_154, %add3A_155 : i32
      %mul3A_157 = arith.constant 80 : i32
      %mul3A_158 = arith.muli %add3A_156, %mul3A_157 : i32
      %dma_wait3A_159 = tpu.memref_slice %arg8[%mul3A_158] : memref<10000xi32, #tpu.memory_space<vmem>> -> memref<80xi32, #tpu.memory_space<vmem>>
      %dma_wait3A_160 = arith.constant 0 : i32
      %dma_wait3A_161 = arith.constant 0 : i32
      %dma_wait3A_162 = tpu.memref_slice %arg2[%dma_wait3A_160, %dma_wait3A_161] : memref<10000x128xf32, #tpu.memory_space<hbm>> -> memref<10000x128xf32, #tpu.memory_space<hbm>>
      tpu.wait_indirect_dma semaphore(%arg20 : memref<!tpu.dma_semaphore, #tpu.memory_space<semaphore_mem>>) src(%dma_wait3A_162 : memref<10000x128xf32, #tpu.memory_space<hbm>>) dst(%arg16 : memref<80x128xf32, #tpu.memory_space<vmem>>)
      %dma_wait3A_163 = arith.constant 0 : i32
      %dma_wait3A_164 = tpu.memref_slice %arg3[%dma_wait3A_163] : memref<320000xf32, #tpu.memory_space<hbm>> -> memref<80xf32, #tpu.memory_space<hbm>>
      %dma_wait3A_165 = arith.constant 0 : i32
      %dma_wait3A_166 = tpu.memref_slice %arg3[%dma_wait3A_165] : memref<320000xf32, #tpu.memory_space<hbm>> -> memref<80xf32, #tpu.memory_space<hbm>>
      tpu.wait_dma2 semaphore(%arg26 : memref<!tpu.dma_semaphore, #tpu.memory_space<semaphore_mem>>) src(%dma_wait3A_166 : memref<80xf32, #tpu.memory_space<hbm>>) dst(%arg13 : memref<80xf32, #tpu.memory_space<vmem>>)
      %parallel_loop3A_167 = arith.constant 0 : i32
      %parallel_loop3A_168 = arith.constant 80 : i32
      %parallel_loop3A_169 = arith.constant 1 : i32
      scf.for %parallel_loop3A_249 = %parallel_loop3A_167 to %parallel_loop3A_168 step %parallel_loop3A_169  : i32 {
        %parallel_loop3A_250 = vector.broadcast %parallel_loop3A_249 : i32 to vector<16xi32>
        %parallel_loop3A_251 = tpu.vector_load_idx %arg13[%parallel_loop3A_250] : memref<80xf32, #tpu.memory_space<vmem>>[vector<16xi32>], vector<16xf32>,
        %parallel_loop3A_252 = arith.index_cast %parallel_loop3A_249 : i32 to index
        %parallel_loop3A_253 = arith.constant 0 : index
        %parallel_loop3A_254 = tpu.vector_load %arg16[%parallel_loop3A_252, %parallel_loop3A_253] {strides = array<i32>} : memref<80x128xf32, #tpu.memory_space<vmem>>, vector<16xf32>,
        %parallel_loop3A_255 = arith.mulf %parallel_loop3A_254, %parallel_loop3A_251 : vector<16xf32>
        %parallel_loop3A_256 = arith.index_cast %parallel_loop3A_249 : i32 to index
        %parallel_loop3A_257 = arith.constant 0 : index
        %parallel_loop3A_258 = tpu.vector_load %arg16[%parallel_loop3A_256, %parallel_loop3A_257] {strides = array<i32>} : memref<80x128xf32, #tpu.memory_space<vmem>>, vector<16xf32>,
        tpu.vector_store %arg16[%parallel_loop3A_256, %parallel_loop3A_257], %parallel_loop3A_255 {strides = array<i32>} : memref<80x128xf32, #tpu.memory_space<vmem>>, vector<16xf32>,
        %parallel_loop3A_259 = arith.index_cast %parallel_loop3A_249 : i32 to index
        %parallel_loop3A_260 = arith.constant 16 : index
        %parallel_loop3A_261 = tpu.vector_load %arg16[%parallel_loop3A_259, %parallel_loop3A_260] {strides = array<i32>} : memref<80x128xf32, #tpu.memory_space<vmem>>, vector<16xf32>,
        %parallel_loop3A_262 = arith.mulf %parallel_loop3A_261, %parallel_loop3A_251 : vector<16xf32>
        %parallel_loop3A_263 = arith.index_cast %parallel_loop3A_249 : i32 to index
        %parallel_loop3A_264 = arith.constant 16 : index
        %parallel_loop3A_265 = tpu.vector_load %arg16[%parallel_loop3A_263, %parallel_loop3A_264] {strides = array<i32>} : memref<80x128xf32, #tpu.memory_space<vmem>>, vector<16xf32>,
        tpu.vector_store %arg16[%parallel_loop3A_263, %parallel_loop3A_264], %parallel_loop3A_262 {strides = array<i32>} : memref<80x128xf32, #tpu.memory_space<vmem>>, vector<16xf32>,
        %parallel_loop3A_266 = arith.index_cast %parallel_loop3A_249 : i32 to index
        %parallel_loop3A_267 = arith.constant 32 : index
        %parallel_loop3A_268 = tpu.vector_load %arg16[%parallel_loop3A_266, %parallel_loop3A_267] {strides = array<i32>} : memref<80x128xf32, #tpu.memory_space<vmem>>, vector<16xf32>,
        %parallel_loop3A_269 = arith.mulf %parallel_loop3A_268, %parallel_loop3A_251 : vector<16xf32>
        %parallel_loop3A_270 = arith.index_cast %parallel_loop3A_249 : i32 to index
        %parallel_loop3A_271 = arith.constant 32 : index
        %parallel_loop3A_272 = tpu.vector_load %arg16[%parallel_loop3A_270, %parallel_loop3A_271] {strides = array<i32>} : memref<80x128xf32, #tpu.memory_space<vmem>>, vector<16xf32>,
        tpu.vector_store %arg16[%parallel_loop3A_270, %parallel_loop3A_271], %parallel_loop3A_269 {strides = array<i32>} : memref<80x128xf32, #tpu.memory_space<vmem>>, vector<16xf32>,
        %parallel_loop3A_273 = arith.index_cast %parallel_loop3A_249 : i32 to index
        %parallel_loop3A_274 = arith.constant 48 : index
        %parallel_loop3A_275 = tpu.vector_load %arg16[%parallel_loop3A_273, %parallel_loop3A_274] {strides = array<i32>} : memref<80x128xf32, #tpu.memory_space<vmem>>, vector<16xf32>,
        %parallel_loop3A_276 = arith.mulf %parallel_loop3A_275, %parallel_loop3A_251 : vector<16xf32>
        %parallel_loop3A_277 = arith.index_cast %parallel_loop3A_249 : i32 to index
        %parallel_loop3A_278 = arith.constant 48 : index
        %parallel_loop3A_279 = tpu.vector_load %arg16[%parallel_loop3A_277, %parallel_loop3A_278] {strides = array<i32>} : memref<80x128xf32, #tpu.memory_space<vmem>>, vector<16xf32>,
        tpu.vector_store %arg16[%parallel_loop3A_277, %parallel_loop3A_278], %parallel_loop3A_276 {strides = array<i32>} : memref<80x128xf32, #tpu.memory_space<vmem>>, vector<16xf32>,
        %parallel_loop3A_280 = arith.index_cast %parallel_loop3A_249 : i32 to index
        %parallel_loop3A_281 = arith.constant 64 : index
        %parallel_loop3A_282 = tpu.vector_load %arg16[%parallel_loop3A_280, %parallel_loop3A_281] {strides = array<i32>} : memref<80x128xf32, #tpu.memory_space<vmem>>, vector<16xf32>,
        %parallel_loop3A_283 = arith.mulf %parallel_loop3A_282, %parallel_loop3A_251 : vector<16xf32>
        %parallel_loop3A_284 = arith.index_cast %parallel_loop3A_249 : i32 to index
        %parallel_loop3A_285 = arith.constant 64 : index
        %parallel_loop3A_286 = tpu.vector_load %arg16[%parallel_loop3A_284, %parallel_loop3A_285] {strides = array<i32>} : memref<80x128xf32, #tpu.memory_space<vmem>>, vector<16xf32>,
        tpu.vector_store %arg16[%parallel_loop3A_284, %parallel_loop3A_285], %parallel_loop3A_283 {strides = array<i32>} : memref<80x128xf32, #tpu.memory_space<vmem>>, vector<16xf32>,
        %parallel_loop3A_287 = arith.index_cast %parallel_loop3A_249 : i32 to index
        %parallel_loop3A_288 = arith.constant 80 : index
        %parallel_loop3A_289 = tpu.vector_load %arg16[%parallel_loop3A_287, %parallel_loop3A_288] {strides = array<i32>} : memref<80x128xf32, #tpu.memory_space<vmem>>, vector<16xf32>,
        %parallel_loop3A_290 = arith.mulf %parallel_loop3A_289, %parallel_loop3A_251 : vector<16xf32>
        %parallel_loop3A_291 = arith.index_cast %parallel_loop3A_249 : i32 to index
        %parallel_loop3A_292 = arith.constant 80 : index
        %parallel_loop3A_293 = tpu.vector_load %arg16[%parallel_loop3A_291, %parallel_loop3A_292] {strides = array<i32>} : memref<80x128xf32, #tpu.memory_space<vmem>>, vector<16xf32>,
        tpu.vector_store %arg16[%parallel_loop3A_291, %parallel_loop3A_292], %parallel_loop3A_290 {strides = array<i32>} : memref<80x128xf32, #tpu.memory_space<vmem>>, vector<16xf32>,
        %parallel_loop3A_294 = arith.index_cast %parallel_loop3A_249 : i32 to index
        %parallel_loop3A_295 = arith.constant 96 : index
        %parallel_loop3A_296 = tpu.vector_load %arg16[%parallel_loop3A_294, %parallel_loop3A_295] {strides = array<i32>} : memref<80x128xf32, #tpu.memory_space<vmem>>, vector<16xf32>,
        %parallel_loop3A_297 = arith.mulf %parallel_loop3A_296, %parallel_loop3A_251 : vector<16xf32>
        %parallel_loop3A_298 = arith.index_cast %parallel_loop3A_249 : i32 to index
        %parallel_loop3A_299 = arith.constant 96 : index
        %parallel_loop3A_300 = tpu.vector_load %arg16[%parallel_loop3A_298, %parallel_loop3A_299] {strides = array<i32>} : memref<80x128xf32, #tpu.memory_space<vmem>>, vector<16xf32>,
        tpu.vector_store %arg16[%parallel_loop3A_298, %parallel_loop3A_299], %parallel_loop3A_297 {strides = array<i32>} : memref<80x128xf32, #tpu.memory_space<vmem>>, vector<16xf32>,
        %parallel_loop3A_301 = arith.index_cast %parallel_loop3A_249 : i32 to index
        %parallel_loop3A_302 = arith.constant 112 : index
        %parallel_loop3A_303 = tpu.vector_load %arg16[%parallel_loop3A_301, %parallel_loop3A_302] {strides = array<i32>} : memref<80x128xf32, #tpu.memory_space<vmem>>, vector<16xf32>,
        %parallel_loop3A_304 = arith.mulf %parallel_loop3A_303, %parallel_loop3A_251 : vector<16xf32>
        %parallel_loop3A_305 = arith.index_cast %parallel_loop3A_249 : i32 to index
        %parallel_loop3A_306 = arith.constant 112 : index
        %parallel_loop3A_307 = tpu.vector_load %arg16[%parallel_loop3A_305, %parallel_loop3A_306] {strides = array<i32>} : memref<80x128xf32, #tpu.memory_space<vmem>>, vector<16xf32>,
        tpu.vector_store %arg16[%parallel_loop3A_305, %parallel_loop3A_306], %parallel_loop3A_304 {strides = array<i32>} : memref<80x128xf32, #tpu.memory_space<vmem>>, vector<16xf32>,
      } {sc.loop_unroll_factor = 4 : i64, sc.parallel_access}
      %dma_wait3A_170 = arith.constant 0 : i32
      %dma_wait3A_171 = tpu.memref_slice %arg5[%dma_wait3A_170] : memref<320000xi32, #tpu.memory_space<hbm>> -> memref<80xi32, #tpu.memory_space<hbm>>
      %dma_wait3A_172 = arith.constant 0 : i32
      %dma_wait3A_173 = tpu.memref_slice %arg5[%dma_wait3A_172] : memref<320000xi32, #tpu.memory_space<hbm>> -> memref<80xi32, #tpu.memory_space<hbm>>
      tpu.wait_dma2 semaphore(%arg23 : memref<!tpu.dma_semaphore, #tpu.memory_space<semaphore_mem>>) src(%dma_wait3A_173 : memref<80xi32, #tpu.memory_space<hbm>>) dst(%arg10 : memref<80xi32, #tpu.memory_space<vmem>>)
      %dma_start3A_174 = arith.constant 0 : i32
      %dma_start3A_175 = arith.constant 0 : i32
      %dma_start3A_176 = tpu.memref_slice %arg18[%dma_start3A_174, %dma_start3A_175] : memref<10000x128xf32, #tpu.memory_space<vmem_shared>> -> memref<10000x128xf32, #tpu.memory_space<vmem_shared>>
      tpu.enqueue_indirect_dma source(%arg16 : memref<80x128xf32, #tpu.memory_space<vmem>>) target(%dma_start3A_176 : memref<10000x128xf32, #tpu.memory_space<vmem_shared>>) offsets(%arg10 : memref<80xi32, #tpu.memory_space<vmem>>) semaphore(%arg29 : memref<!tpu.dma_semaphore, #tpu.memory_space<semaphore_mem>>) {add = true}
      %dma_wait3A_177 = arith.constant 0 : i32
      %dma_wait3A_178 = arith.constant 0 : i32
      %dma_wait3A_179 = tpu.memref_slice %arg18[%dma_wait3A_177, %dma_wait3A_178] : memref<10000x128xf32, #tpu.memory_space<vmem_shared>> -> memref<80x128xf32, #tpu.memory_space<vmem_shared>>
      %dma_wait3A_180 = arith.constant 0 : i32
      %dma_wait3A_181 = arith.constant 0 : i32
      %dma_wait3A_182 = tpu.memref_slice %arg18[%dma_wait3A_180, %dma_wait3A_181] : memref<10000x128xf32, #tpu.memory_space<vmem_shared>> -> memref<80x128xf32, #tpu.memory_space<vmem_shared>>
      tpu.wait_dma2 semaphore(%arg28 : memref<!tpu.dma_semaphore, #tpu.memory_space<semaphore_mem>>) src(%arg15 : memref<80x128xf32, #tpu.memory_space<vmem>>) dst(%dma_wait3A_182 : memref<80x128xf32, #tpu.memory_space<vmem_shared>>)
      %add3A_183 = arith.constant 2 : i32
      %add3A_184 = arith.addi %add3A_156, %add3A_183 : i32
      %mul3A_185 = arith.constant 80 : i32
      %mul3A_186 = arith.muli %add3A_184, %mul3A_185 : i32
      %add3A_187 = arith.addi %mul3A_2, %mul3A_186 : i32
      %dma_start3A_188 = tpu.memref_slice %arg5[%add3A_187] : memref<320000xi32, #tpu.memory_space<hbm>> -> memref<80xi32, #tpu.memory_space<hbm>>
      %dma_start3A_189 = tpu.memref_slice %arg5[%add3A_187] : memref<320000xi32, #tpu.memory_space<hbm>> -> memref<80xi32, #tpu.memory_space<hbm>>
      tpu.enqueue_dma source(%dma_start3A_189 : memref<80xi32, #tpu.memory_space<hbm>>) target(%arg9 : memref<80xi32, #tpu.memory_space<vmem>>) target_semaphore(%arg22 : memref<!tpu.dma_semaphore, #tpu.memory_space<semaphore_mem>>)
      %mul3A_190 = arith.constant 80 : i32
      %mul3A_191 = arith.muli %add3A_184, %mul3A_190 : i32
      %add3A_192 = arith.addi %mul3A_2, %mul3A_191 : i32
      %dma_start3A_193 = tpu.memref_slice %arg3[%add3A_192] : memref<320000xf32, #tpu.memory_space<hbm>> -> memref<80xf32, #tpu.memory_space<hbm>>
      %dma_start3A_194 = tpu.memref_slice %arg3[%add3A_192] : memref<320000xf32, #tpu.memory_space<hbm>> -> memref<80xf32, #tpu.memory_space<hbm>>
      tpu.enqueue_dma source(%dma_start3A_194 : memref<80xf32, #tpu.memory_space<hbm>>) target(%arg12 : memref<80xf32, #tpu.memory_space<vmem>>) target_semaphore(%arg25 : memref<!tpu.dma_semaphore, #tpu.memory_space<semaphore_mem>>)
      %mul3A_195 = arith.constant 80 : i32
      %mul3A_196 = arith.muli %add3A_184, %mul3A_195 : i32
      %dma_start3A_197 = tpu.memref_slice %arg8[%mul3A_196] : memref<10000xi32, #tpu.memory_space<vmem>> -> memref<80xi32, #tpu.memory_space<vmem>>
      %dma_start3A_198 = arith.constant 0 : i32
      %dma_start3A_199 = arith.constant 0 : i32
      %dma_start3A_200 = tpu.memref_slice %arg2[%dma_start3A_198, %dma_start3A_199] : memref<10000x128xf32, #tpu.memory_space<hbm>> -> memref<10000x128xf32, #tpu.memory_space<hbm>>
      tpu.enqueue_indirect_dma source(%dma_start3A_200 : memref<10000x128xf32, #tpu.memory_space<hbm>>) target(%arg15 : memref<80x128xf32, #tpu.memory_space<vmem>>) offsets(%dma_start3A_197 : memref<80xi32, #tpu.memory_space<vmem>>) semaphore(%arg19 : memref<!tpu.dma_semaphore, #tpu.memory_space<semaphore_mem>>)
      %mul3A_201 = arith.constant 3 : i32
      %mul3A_202 = arith.muli %mul3A_201, %scan3A_106 : i32
      %add3A_203 = arith.constant 2 : i32
      %add3A_204 = arith.addi %mul3A_202, %add3A_203 : i32
      %mul3A_205 = arith.constant 80 : i32
      %mul3A_206 = arith.muli %add3A_204, %mul3A_205 : i32
      %dma_wait3A_207 = tpu.memref_slice %arg8[%mul3A_206] : memref<10000xi32, #tpu.memory_space<vmem>> -> memref<80xi32, #tpu.memory_space<vmem>>
      %dma_wait3A_208 = arith.constant 0 : i32
      %dma_wait3A_209 = arith.constant 0 : i32
      %dma_wait3A_210 = tpu.memref_slice %arg2[%dma_wait3A_208, %dma_wait3A_209] : memref<10000x128xf32, #tpu.memory_space<hbm>> -> memref<10000x128xf32, #tpu.memory_space<hbm>>
      tpu.wait_indirect_dma semaphore(%arg21 : memref<!tpu.dma_semaphore, #tpu.memory_space<semaphore_mem>>) src(%dma_wait3A_210 : memref<10000x128xf32, #tpu.memory_space<hbm>>) dst(%arg17 : memref<80x128xf32, #tpu.memory_space<vmem>>)
      %dma_wait3A_211 = arith.constant 0 : i32
      %dma_wait3A_212 = tpu.memref_slice %arg3[%dma_wait3A_211] : memref<320000xf32, #tpu.memory_space<hbm>> -> memref<80xf32, #tpu.memory_space<hbm>>
      %dma_wait3A_213 = arith.constant 0 : i32
      %dma_wait3A_214 = tpu.memref_slice %arg3[%dma_wait3A_213] : memref<320000xf32, #tpu.memory_space<hbm>> -> memref<80xf32, #tpu.memory_space<hbm>>
      tpu.wait_dma2 semaphore(%arg27 : memref<!tpu.dma_semaphore, #tpu.memory_space<semaphore_mem>>) src(%dma_wait3A_214 : memref<80xf32, #tpu.memory_space<hbm>>) dst(%arg14 : memref<80xf32, #tpu.memory_space<vmem>>)
      %parallel_loop3A_215 = arith.constant 0 : i32
      %parallel_loop3A_216 = arith.constant 80 : i32
      %parallel_loop3A_217 = arith.constant 1 : i32
      scf.for %parallel_loop3A_249 = %parallel_loop3A_215 to %parallel_loop3A_216 step %parallel_loop3A_217  : i32 {
        %parallel_loop3A_250 = vector.broadcast %parallel_loop3A_249 : i32 to vector<16xi32>
        %parallel_loop3A_251 = tpu.vector_load_idx %arg14[%parallel_loop3A_250] : memref<80xf32, #tpu.memory_space<vmem>>[vector<16xi32>], vector<16xf32>,
        %parallel_loop3A_252 = arith.index_cast %parallel_loop3A_249 : i32 to index
        %parallel_loop3A_253 = arith.constant 0 : index
        %parallel_loop3A_254 = tpu.vector_load %arg17[%parallel_loop3A_252, %parallel_loop3A_253] {strides = array<i32>} : memref<80x128xf32, #tpu.memory_space<vmem>>, vector<16xf32>,
        %parallel_loop3A_255 = arith.mulf %parallel_loop3A_254, %parallel_loop3A_251 : vector<16xf32>
        %parallel_loop3A_256 = arith.index_cast %parallel_loop3A_249 : i32 to index
        %parallel_loop3A_257 = arith.constant 0 : index
        %parallel_loop3A_258 = tpu.vector_load %arg17[%parallel_loop3A_256, %parallel_loop3A_257] {strides = array<i32>} : memref<80x128xf32, #tpu.memory_space<vmem>>, vector<16xf32>,
        tpu.vector_store %arg17[%parallel_loop3A_256, %parallel_loop3A_257], %parallel_loop3A_255 {strides = array<i32>} : memref<80x128xf32, #tpu.memory_space<vmem>>, vector<16xf32>,
        %parallel_loop3A_259 = arith.index_cast %parallel_loop3A_249 : i32 to index
        %parallel_loop3A_260 = arith.constant 16 : index
        %parallel_loop3A_261 = tpu.vector_load %arg17[%parallel_loop3A_259, %parallel_loop3A_260] {strides = array<i32>} : memref<80x128xf32, #tpu.memory_space<vmem>>, vector<16xf32>,
        %parallel_loop3A_262 = arith.mulf %parallel_loop3A_261, %parallel_loop3A_251 : vector<16xf32>
        %parallel_loop3A_263 = arith.index_cast %parallel_loop3A_249 : i32 to index
        %parallel_loop3A_264 = arith.constant 16 : index
        %parallel_loop3A_265 = tpu.vector_load %arg17[%parallel_loop3A_263, %parallel_loop3A_264] {strides = array<i32>} : memref<80x128xf32, #tpu.memory_space<vmem>>, vector<16xf32>,
        tpu.vector_store %arg17[%parallel_loop3A_263, %parallel_loop3A_264], %parallel_loop3A_262 {strides = array<i32>} : memref<80x128xf32, #tpu.memory_space<vmem>>, vector<16xf32>,
        %parallel_loop3A_266 = arith.index_cast %parallel_loop3A_249 : i32 to index
        %parallel_loop3A_267 = arith.constant 32 : index
        %parallel_loop3A_268 = tpu.vector_load %arg17[%parallel_loop3A_266, %parallel_loop3A_267] {strides = array<i32>} : memref<80x128xf32, #tpu.memory_space<vmem>>, vector<16xf32>,
        %parallel_loop3A_269 = arith.mulf %parallel_loop3A_268, %parallel_loop3A_251 : vector<16xf32>
        %parallel_loop3A_270 = arith.index_cast %parallel_loop3A_249 : i32 to index
        %parallel_loop3A_271 = arith.constant 32 : index
        %parallel_loop3A_272 = tpu.vector_load %arg17[%parallel_loop3A_270, %parallel_loop3A_271] {strides = array<i32>} : memref<80x128xf32, #tpu.memory_space<vmem>>, vector<16xf32>,
        tpu.vector_store %arg17[%parallel_loop3A_270, %parallel_loop3A_271], %parallel_loop3A_269 {strides = array<i32>} : memref<80x128xf32, #tpu.memory_space<vmem>>, vector<16xf32>,
        %parallel_loop3A_273 = arith.index_cast %parallel_loop3A_249 : i32 to index
        %parallel_loop3A_274 = arith.constant 48 : index
        %parallel_loop3A_275 = tpu.vector_load %arg17[%parallel_loop3A_273, %parallel_loop3A_274] {strides = array<i32>} : memref<80x128xf32, #tpu.memory_space<vmem>>, vector<16xf32>,
        %parallel_loop3A_276 = arith.mulf %parallel_loop3A_275, %parallel_loop3A_251 : vector<16xf32>
        %parallel_loop3A_277 = arith.index_cast %parallel_loop3A_249 : i32 to index
        %parallel_loop3A_278 = arith.constant 48 : index
        %parallel_loop3A_279 = tpu.vector_load %arg17[%parallel_loop3A_277, %parallel_loop3A_278] {strides = array<i32>} : memref<80x128xf32, #tpu.memory_space<vmem>>, vector<16xf32>,
        tpu.vector_store %arg17[%parallel_loop3A_277, %parallel_loop3A_278], %parallel_loop3A_276 {strides = array<i32>} : memref<80x128xf32, #tpu.memory_space<vmem>>, vector<16xf32>,
        %parallel_loop3A_280 = arith.index_cast %parallel_loop3A_249 : i32 to index
        %parallel_loop3A_281 = arith.constant 64 : index
        %parallel_loop3A_282 = tpu.vector_load %arg17[%parallel_loop3A_280, %parallel_loop3A_281] {strides = array<i32>} : memref<80x128xf32, #tpu.memory_space<vmem>>, vector<16xf32>,
        %parallel_loop3A_283 = arith.mulf %parallel_loop3A_282, %parallel_loop3A_251 : vector<16xf32>
        %parallel_loop3A_284 = arith.index_cast %parallel_loop3A_249 : i32 to index
        %parallel_loop3A_285 = arith.constant 64 : index
        %parallel_loop3A_286 = tpu.vector_load %arg17[%parallel_loop3A_284, %parallel_loop3A_285] {strides = array<i32>} : memref<80x128xf32, #tpu.memory_space<vmem>>, vector<16xf32>,
        tpu.vector_store %arg17[%parallel_loop3A_284, %parallel_loop3A_285], %parallel_loop3A_283 {strides = array<i32>} : memref<80x128xf32, #tpu.memory_space<vmem>>, vector<16xf32>,
        %parallel_loop3A_287 = arith.index_cast %parallel_loop3A_249 : i32 to index
        %parallel_loop3A_288 = arith.constant 80 : index
        %parallel_loop3A_289 = tpu.vector_load %arg17[%parallel_loop3A_287, %parallel_loop3A_288] {strides = array<i32>} : memref<80x128xf32, #tpu.memory_space<vmem>>, vector<16xf32>,
        %parallel_loop3A_290 = arith.mulf %parallel_loop3A_289, %parallel_loop3A_251 : vector<16xf32>
        %parallel_loop3A_291 = arith.index_cast %parallel_loop3A_249 : i32 to index
        %parallel_loop3A_292 = arith.constant 80 : index
        %parallel_loop3A_293 = tpu.vector_load %arg17[%parallel_loop3A_291, %parallel_loop3A_292] {strides = array<i32>} : memref<80x128xf32, #tpu.memory_space<vmem>>, vector<16xf32>,
        tpu.vector_store %arg17[%parallel_loop3A_291, %parallel_loop3A_292], %parallel_loop3A_290 {strides = array<i32>} : memref<80x128xf32, #tpu.memory_space<vmem>>, vector<16xf32>,
        %parallel_loop3A_294 = arith.index_cast %parallel_loop3A_249 : i32 to index
        %parallel_loop3A_295 = arith.constant 96 : index
        %parallel_loop3A_296 = tpu.vector_load %arg17[%parallel_loop3A_294, %parallel_loop3A_295] {strides = array<i32>} : memref<80x128xf32, #tpu.memory_space<vmem>>, vector<16xf32>,
        %parallel_loop3A_297 = arith.mulf %parallel_loop3A_296, %parallel_loop3A_251 : vector<16xf32>
        %parallel_loop3A_298 = arith.index_cast %parallel_loop3A_249 : i32 to index
        %parallel_loop3A_299 = arith.constant 96 : index
        %parallel_loop3A_300 = tpu.vector_load %arg17[%parallel_loop3A_298, %parallel_loop3A_299] {strides = array<i32>} : memref<80x128xf32, #tpu.memory_space<vmem>>, vector<16xf32>,
        tpu.vector_store %arg17[%parallel_loop3A_298, %parallel_loop3A_299], %parallel_loop3A_297 {strides = array<i32>} : memref<80x128xf32, #tpu.memory_space<vmem>>, vector<16xf32>,
        %parallel_loop3A_301 = arith.index_cast %parallel_loop3A_249 : i32 to index
        %parallel_loop3A_302 = arith.constant 112 : index
        %parallel_loop3A_303 = tpu.vector_load %arg17[%parallel_loop3A_301, %parallel_loop3A_302] {strides = array<i32>} : memref<80x128xf32, #tpu.memory_space<vmem>>, vector<16xf32>,
        %parallel_loop3A_304 = arith.mulf %parallel_loop3A_303, %parallel_loop3A_251 : vector<16xf32>
        %parallel_loop3A_305 = arith.index_cast %parallel_loop3A_249 : i32 to index
        %parallel_loop3A_306 = arith.constant 112 : index
        %parallel_loop3A_307 = tpu.vector_load %arg17[%parallel_loop3A_305, %parallel_loop3A_306] {strides = array<i32>} : memref<80x128xf32, #tpu.memory_space<vmem>>, vector<16xf32>,
        tpu.vector_store %arg17[%parallel_loop3A_305, %parallel_loop3A_306], %parallel_loop3A_304 {strides = array<i32>} : memref<80x128xf32, #tpu.memory_space<vmem>>, vector<16xf32>,
      } {sc.loop_unroll_factor = 4 : i64, sc.parallel_access}
      %dma_wait3A_218 = arith.constant 0 : i32
      %dma_wait3A_219 = tpu.memref_slice %arg5[%dma_wait3A_218] : memref<320000xi32, #tpu.memory_space<hbm>> -> memref<80xi32, #tpu.memory_space<hbm>>
      %dma_wait3A_220 = arith.constant 0 : i32
      %dma_wait3A_221 = tpu.memref_slice %arg5[%dma_wait3A_220] : memref<320000xi32, #tpu.memory_space<hbm>> -> memref<80xi32, #tpu.memory_space<hbm>>
      tpu.wait_dma2 semaphore(%arg24 : memref<!tpu.dma_semaphore, #tpu.memory_space<semaphore_mem>>) src(%dma_wait3A_221 : memref<80xi32, #tpu.memory_space<hbm>>) dst(%arg11 : memref<80xi32, #tpu.memory_space<vmem>>)
      %dma_start3A_222 = arith.constant 0 : i32
      %dma_start3A_223 = arith.constant 0 : i32
      %dma_start3A_224 = tpu.memref_slice %arg18[%dma_start3A_222, %dma_start3A_223] : memref<10000x128xf32, #tpu.memory_space<vmem_shared>> -> memref<10000x128xf32, #tpu.memory_space<vmem_shared>>
      tpu.enqueue_indirect_dma source(%arg17 : memref<80x128xf32, #tpu.memory_space<vmem>>) target(%dma_start3A_224 : memref<10000x128xf32, #tpu.memory_space<vmem_shared>>) offsets(%arg11 : memref<80xi32, #tpu.memory_space<vmem>>) semaphore(%arg30 : memref<!tpu.dma_semaphore, #tpu.memory_space<semaphore_mem>>) {add = true}
      %dma_wait3A_225 = arith.constant 0 : i32
      %dma_wait3A_226 = arith.constant 0 : i32
      %dma_wait3A_227 = tpu.memref_slice %arg18[%dma_wait3A_225, %dma_wait3A_226] : memref<10000x128xf32, #tpu.memory_space<vmem_shared>> -> memref<80x128xf32, #tpu.memory_space<vmem_shared>>
      %dma_wait3A_228 = arith.constant 0 : i32
      %dma_wait3A_229 = arith.constant 0 : i32
      %dma_wait3A_230 = tpu.memref_slice %arg18[%dma_wait3A_228, %dma_wait3A_229] : memref<10000x128xf32, #tpu.memory_space<vmem_shared>> -> memref<80x128xf32, #tpu.memory_space<vmem_shared>>
      tpu.wait_dma2 semaphore(%arg29 : memref<!tpu.dma_semaphore, #tpu.memory_space<semaphore_mem>>) src(%arg15 : memref<80x128xf32, #tpu.memory_space<vmem>>) dst(%dma_wait3A_230 : memref<80x128xf32, #tpu.memory_space<vmem_shared>>)
      %add3A_231 = arith.constant 2 : i32
      %add3A_232 = arith.addi %add3A_204, %add3A_231 : i32
      %mul3A_233 = arith.constant 80 : i32
      %mul3A_234 = arith.muli %add3A_232, %mul3A_233 : i32
      %add3A_235 = arith.addi %mul3A_2, %mul3A_234 : i32
      %dma_start3A_236 = tpu.memref_slice %arg5[%add3A_235] : memref<320000xi32, #tpu.memory_space<hbm>> -> memref<80xi32, #tpu.memory_space<hbm>>
      %dma_start3A_237 = tpu.memref_slice %arg5[%add3A_235] : memref<320000xi32, #tpu.memory_space<hbm>> -> memref<80xi32, #tpu.memory_space<hbm>>
      tpu.enqueue_dma source(%dma_start3A_237 : memref<80xi32, #tpu.memory_space<hbm>>) target(%arg10 : memref<80xi32, #tpu.memory_space<vmem>>) target_semaphore(%arg23 : memref<!tpu.dma_semaphore, #tpu.memory_space<semaphore_mem>>)
      %mul3A_238 = arith.constant 80 : i32
      %mul3A_239 = arith.muli %add3A_232, %mul3A_238 : i32
      %add3A_240 = arith.addi %mul3A_2, %mul3A_239 : i32
      %dma_start3A_241 = tpu.memref_slice %arg3[%add3A_240] : memref<320000xf32, #tpu.memory_space<hbm>> -> memref<80xf32, #tpu.memory_space<hbm>>
      %dma_start3A_242 = tpu.memref_slice %arg3[%add3A_240] : memref<320000xf32, #tpu.memory_space<hbm>> -> memref<80xf32, #tpu.memory_space<hbm>>
      tpu.enqueue_dma source(%dma_start3A_242 : memref<80xf32, #tpu.memory_space<hbm>>) target(%arg13 : memref<80xf32, #tpu.memory_space<vmem>>) target_semaphore(%arg26 : memref<!tpu.dma_semaphore, #tpu.memory_space<semaphore_mem>>)
      %mul3A_243 = arith.constant 80 : i32
      %mul3A_244 = arith.muli %add3A_232, %mul3A_243 : i32
      %dma_start3A_245 = tpu.memref_slice %arg8[%mul3A_244] : memref<10000xi32, #tpu.memory_space<vmem>> -> memref<80xi32, #tpu.memory_space<vmem>>
      %dma_start3A_246 = arith.constant 0 : i32
      %dma_start3A_247 = arith.constant 0 : i32
      %dma_start3A_248 = tpu.memref_slice %arg2[%dma_start3A_246, %dma_start3A_247] : memref<10000x128xf32, #tpu.memory_space<hbm>> -> memref<10000x128xf32, #tpu.memory_space<hbm>>
      tpu.enqueue_indirect_dma source(%dma_start3A_248 : memref<10000x128xf32, #tpu.memory_space<hbm>>) target(%arg16 : memref<80x128xf32, #tpu.memory_space<vmem>>) offsets(%dma_start3A_245 : memref<80xi32, #tpu.memory_space<vmem>>) semaphore(%arg20 : memref<!tpu.dma_semaphore, #tpu.memory_space<semaphore_mem>>)
    }
    %scan3A_40 = arith.constant 41 : i32
    %dma_wait3A = arith.constant 9840 : i32
    %dma_wait3A_41 = tpu.memref_slice %arg8[%dma_wait3A] : memref<10000xi32, #tpu.memory_space<vmem>> -> memref<80xi32, #tpu.memory_space<vmem>>
    %dma_wait3A_42 = arith.constant 0 : i32
    %dma_wait3A_43 = arith.constant 0 : i32
    %dma_wait3A_44 = tpu.memref_slice %arg2[%dma_wait3A_42, %dma_wait3A_43] : memref<10000x128xf32, #tpu.memory_space<hbm>> -> memref<10000x128xf32, #tpu.memory_space<hbm>>
    tpu.wait_indirect_dma semaphore(%arg19 : memref<!tpu.dma_semaphore, #tpu.memory_space<semaphore_mem>>) src(%dma_wait3A_44 : memref<10000x128xf32, #tpu.memory_space<hbm>>) dst(%arg15 : memref<80x128xf32, #tpu.memory_space<vmem>>)
    %dma_wait3A_45 = arith.constant 0 : i32
    %dma_wait3A_46 = tpu.memref_slice %arg3[%dma_wait3A_45] : memref<320000xf32, #tpu.memory_space<hbm>> -> memref<80xf32, #tpu.memory_space<hbm>>
    %dma_wait3A_47 = arith.constant 0 : i32
    %dma_wait3A_48 = tpu.memref_slice %arg3[%dma_wait3A_47] : memref<320000xf32, #tpu.memory_space<hbm>> -> memref<80xf32, #tpu.memory_space<hbm>>
    tpu.wait_dma2 semaphore(%arg25 : memref<!tpu.dma_semaphore, #tpu.memory_space<semaphore_mem>>) src(%dma_wait3A_48 : memref<80xf32, #tpu.memory_space<hbm>>) dst(%arg12 : memref<80xf32, #tpu.memory_space<vmem>>)
    %parallel_loop3A = arith.constant 0 : i32
    %parallel_loop3A_49 = arith.constant 80 : i32
    %parallel_loop3A_50 = arith.constant 1 : i32
    scf.for %parallel_loop3A_106 = %parallel_loop3A to %parallel_loop3A_49 step %parallel_loop3A_50  : i32 {
      %parallel_loop3A_107 = vector.broadcast %parallel_loop3A_106 : i32 to vector<16xi32>
      %parallel_loop3A_108 = tpu.vector_load_idx %arg12[%parallel_loop3A_107] : memref<80xf32, #tpu.memory_space<vmem>>[vector<16xi32>], vector<16xf32>,
      %parallel_loop3A_109 = arith.index_cast %parallel_loop3A_106 : i32 to index
      %parallel_loop3A_110 = arith.constant 0 : index
      %parallel_loop3A_111 = tpu.vector_load %arg15[%parallel_loop3A_109, %parallel_loop3A_110] {strides = array<i32>} : memref<80x128xf32, #tpu.memory_space<vmem>>, vector<16xf32>,
      %parallel_loop3A_112 = arith.mulf %parallel_loop3A_111, %parallel_loop3A_108 : vector<16xf32>
      %parallel_loop3A_113 = arith.index_cast %parallel_loop3A_106 : i32 to index
      %parallel_loop3A_114 = arith.constant 0 : index
      %parallel_loop3A_115 = tpu.vector_load %arg15[%parallel_loop3A_113, %parallel_loop3A_114] {strides = array<i32>} : memref<80x128xf32, #tpu.memory_space<vmem>>, vector<16xf32>,
      tpu.vector_store %arg15[%parallel_loop3A_113, %parallel_loop3A_114], %parallel_loop3A_112 {strides = array<i32>} : memref<80x128xf32, #tpu.memory_space<vmem>>, vector<16xf32>,
      %parallel_loop3A_116 = arith.index_cast %parallel_loop3A_106 : i32 to index
      %parallel_loop3A_117 = arith.constant 16 : index
      %parallel_loop3A_118 = tpu.vector_load %arg15[%parallel_loop3A_116, %parallel_loop3A_117] {strides = array<i32>} : memref<80x128xf32, #tpu.memory_space<vmem>>, vector<16xf32>,
      %parallel_loop3A_119 = arith.mulf %parallel_loop3A_118, %parallel_loop3A_108 : vector<16xf32>
      %parallel_loop3A_120 = arith.index_cast %parallel_loop3A_106 : i32 to index
      %parallel_loop3A_121 = arith.constant 16 : index
      %parallel_loop3A_122 = tpu.vector_load %arg15[%parallel_loop3A_120, %parallel_loop3A_121] {strides = array<i32>} : memref<80x128xf32, #tpu.memory_space<vmem>>, vector<16xf32>,
      tpu.vector_store %arg15[%parallel_loop3A_120, %parallel_loop3A_121], %parallel_loop3A_119 {strides = array<i32>} : memref<80x128xf32, #tpu.memory_space<vmem>>, vector<16xf32>,
      %parallel_loop3A_123 = arith.index_cast %parallel_loop3A_106 : i32 to index
      %parallel_loop3A_124 = arith.constant 32 : index
      %parallel_loop3A_125 = tpu.vector_load %arg15[%parallel_loop3A_123, %parallel_loop3A_124] {strides = array<i32>} : memref<80x128xf32, #tpu.memory_space<vmem>>, vector<16xf32>,
      %parallel_loop3A_126 = arith.mulf %parallel_loop3A_125, %parallel_loop3A_108 : vector<16xf32>
      %parallel_loop3A_127 = arith.index_cast %parallel_loop3A_106 : i32 to index
      %parallel_loop3A_128 = arith.constant 32 : index
      %parallel_loop3A_129 = tpu.vector_load %arg15[%parallel_loop3A_127, %parallel_loop3A_128] {strides = array<i32>} : memref<80x128xf32, #tpu.memory_space<vmem>>, vector<16xf32>,
      tpu.vector_store %arg15[%parallel_loop3A_127, %parallel_loop3A_128], %parallel_loop3A_126 {strides = array<i32>} : memref<80x128xf32, #tpu.memory_space<vmem>>, vector<16xf32>,
      %parallel_loop3A_130 = arith.index_cast %parallel_loop3A_106 : i32 to index
      %parallel_loop3A_131 = arith.constant 48 : index
      %parallel_loop3A_132 = tpu.vector_load %arg15[%parallel_loop3A_130, %parallel_loop3A_131] {strides = array<i32>} : memref<80x128xf32, #tpu.memory_space<vmem>>, vector<16xf32>,
      %parallel_loop3A_133 = arith.mulf %parallel_loop3A_132, %parallel_loop3A_108 : vector<16xf32>
      %parallel_loop3A_134 = arith.index_cast %parallel_loop3A_106 : i32 to index
      %parallel_loop3A_135 = arith.constant 48 : index
      %parallel_loop3A_136 = tpu.vector_load %arg15[%parallel_loop3A_134, %parallel_loop3A_135] {strides = array<i32>} : memref<80x128xf32, #tpu.memory_space<vmem>>, vector<16xf32>,
      tpu.vector_store %arg15[%parallel_loop3A_134, %parallel_loop3A_135], %parallel_loop3A_133 {strides = array<i32>} : memref<80x128xf32, #tpu.memory_space<vmem>>, vector<16xf32>,
      %parallel_loop3A_137 = arith.index_cast %parallel_loop3A_106 : i32 to index
      %parallel_loop3A_138 = arith.constant 64 : index
      %parallel_loop3A_139 = tpu.vector_load %arg15[%parallel_loop3A_137, %parallel_loop3A_138] {strides = array<i32>} : memref<80x128xf32, #tpu.memory_space<vmem>>, vector<16xf32>,
      %parallel_loop3A_140 = arith.mulf %parallel_loop3A_139, %parallel_loop3A_108 : vector<16xf32>
      %parallel_loop3A_141 = arith.index_cast %parallel_loop3A_106 : i32 to index
      %parallel_loop3A_142 = arith.constant 64 : index
      %parallel_loop3A_143 = tpu.vector_load %arg15[%parallel_loop3A_141, %parallel_loop3A_142] {strides = array<i32>} : memref<80x128xf32, #tpu.memory_space<vmem>>, vector<16xf32>,
      tpu.vector_store %arg15[%parallel_loop3A_141, %parallel_loop3A_142], %parallel_loop3A_140 {strides = array<i32>} : memref<80x128xf32, #tpu.memory_space<vmem>>, vector<16xf32>,
      %parallel_loop3A_144 = arith.index_cast %parallel_loop3A_106 : i32 to index
      %parallel_loop3A_145 = arith.constant 80 : index
      %parallel_loop3A_146 = tpu.vector_load %arg15[%parallel_loop3A_144, %parallel_loop3A_145] {strides = array<i32>} : memref<80x128xf32, #tpu.memory_space<vmem>>, vector<16xf32>,
      %parallel_loop3A_147 = arith.mulf %parallel_loop3A_146, %parallel_loop3A_108 : vector<16xf32>
      %parallel_loop3A_148 = arith.index_cast %parallel_loop3A_106 : i32 to index
      %parallel_loop3A_149 = arith.constant 80 : index
      %parallel_loop3A_150 = tpu.vector_load %arg15[%parallel_loop3A_148, %parallel_loop3A_149] {strides = array<i32>} : memref<80x128xf32, #tpu.memory_space<vmem>>, vector<16xf32>,
      tpu.vector_store %arg15[%parallel_loop3A_148, %parallel_loop3A_149], %parallel_loop3A_147 {strides = array<i32>} : memref<80x128xf32, #tpu.memory_space<vmem>>, vector<16xf32>,
      %parallel_loop3A_151 = arith.index_cast %parallel_loop3A_106 : i32 to index
      %parallel_loop3A_152 = arith.constant 96 : index
      %parallel_loop3A_153 = tpu.vector_load %arg15[%parallel_loop3A_151, %parallel_loop3A_152] {strides = array<i32>} : memref<80x128xf32, #tpu.memory_space<vmem>>, vector<16xf32>,
      %parallel_loop3A_154 = arith.mulf %parallel_loop3A_153, %parallel_loop3A_108 : vector<16xf32>
      %parallel_loop3A_155 = arith.index_cast %parallel_loop3A_106 : i32 to index
      %parallel_loop3A_156 = arith.constant 96 : index
      %parallel_loop3A_157 = tpu.vector_load %arg15[%parallel_loop3A_155, %parallel_loop3A_156] {strides = array<i32>} : memref<80x128xf32, #tpu.memory_space<vmem>>, vector<16xf32>,
      tpu.vector_store %arg15[%parallel_loop3A_155, %parallel_loop3A_156], %parallel_loop3A_154 {strides = array<i32>} : memref<80x128xf32, #tpu.memory_space<vmem>>, vector<16xf32>,
      %parallel_loop3A_158 = arith.index_cast %parallel_loop3A_106 : i32 to index
      %parallel_loop3A_159 = arith.constant 112 : index
      %parallel_loop3A_160 = tpu.vector_load %arg15[%parallel_loop3A_158, %parallel_loop3A_159] {strides = array<i32>} : memref<80x128xf32, #tpu.memory_space<vmem>>, vector<16xf32>,
      %parallel_loop3A_161 = arith.mulf %parallel_loop3A_160, %parallel_loop3A_108 : vector<16xf32>
      %parallel_loop3A_162 = arith.index_cast %parallel_loop3A_106 : i32 to index
      %parallel_loop3A_163 = arith.constant 112 : index
      %parallel_loop3A_164 = tpu.vector_load %arg15[%parallel_loop3A_162, %parallel_loop3A_163] {strides = array<i32>} : memref<80x128xf32, #tpu.memory_space<vmem>>, vector<16xf32>,
      tpu.vector_store %arg15[%parallel_loop3A_162, %parallel_loop3A_163], %parallel_loop3A_161 {strides = array<i32>} : memref<80x128xf32, #tpu.memory_space<vmem>>, vector<16xf32>,
    } {sc.loop_unroll_factor = 4 : i64, sc.parallel_access}
    %dma_wait3A_51 = arith.constant 0 : i32
    %dma_wait3A_52 = tpu.memref_slice %arg5[%dma_wait3A_51] : memref<320000xi32, #tpu.memory_space<hbm>> -> memref<80xi32, #tpu.memory_space<hbm>>
    %dma_wait3A_53 = arith.constant 0 : i32
    %dma_wait3A_54 = tpu.memref_slice %arg5[%dma_wait3A_53] : memref<320000xi32, #tpu.memory_space<hbm>> -> memref<80xi32, #tpu.memory_space<hbm>>
    tpu.wait_dma2 semaphore(%arg22 : memref<!tpu.dma_semaphore, #tpu.memory_space<semaphore_mem>>) src(%dma_wait3A_54 : memref<80xi32, #tpu.memory_space<hbm>>) dst(%arg9 : memref<80xi32, #tpu.memory_space<vmem>>)
    %dma_start3A_55 = arith.constant 0 : i32
    %dma_start3A_56 = arith.constant 0 : i32
    %dma_start3A_57 = tpu.memref_slice %arg18[%dma_start3A_55, %dma_start3A_56] : memref<10000x128xf32, #tpu.memory_space<vmem_shared>> -> memref<10000x128xf32, #tpu.memory_space<vmem_shared>>
    tpu.enqueue_indirect_dma source(%arg15 : memref<80x128xf32, #tpu.memory_space<vmem>>) target(%dma_start3A_57 : memref<10000x128xf32, #tpu.memory_space<vmem_shared>>) offsets(%arg9 : memref<80xi32, #tpu.memory_space<vmem>>) semaphore(%arg28 : memref<!tpu.dma_semaphore, #tpu.memory_space<semaphore_mem>>) {add = true}
    %dma_wait3A_58 = arith.constant 9920 : i32
    %dma_wait3A_59 = tpu.memref_slice %arg8[%dma_wait3A_58] : memref<10000xi32, #tpu.memory_space<vmem>> -> memref<80xi32, #tpu.memory_space<vmem>>
    %dma_wait3A_60 = arith.constant 0 : i32
    %dma_wait3A_61 = arith.constant 0 : i32
    %dma_wait3A_62 = tpu.memref_slice %arg2[%dma_wait3A_60, %dma_wait3A_61] : memref<10000x128xf32, #tpu.memory_space<hbm>> -> memref<10000x128xf32, #tpu.memory_space<hbm>>
    tpu.wait_indirect_dma semaphore(%arg20 : memref<!tpu.dma_semaphore, #tpu.memory_space<semaphore_mem>>) src(%dma_wait3A_62 : memref<10000x128xf32, #tpu.memory_space<hbm>>) dst(%arg16 : memref<80x128xf32, #tpu.memory_space<vmem>>)
    %dma_wait3A_63 = arith.constant 0 : i32
    %dma_wait3A_64 = tpu.memref_slice %arg3[%dma_wait3A_63] : memref<320000xf32, #tpu.memory_space<hbm>> -> memref<80xf32, #tpu.memory_space<hbm>>
    %dma_wait3A_65 = arith.constant 0 : i32
    %dma_wait3A_66 = tpu.memref_slice %arg3[%dma_wait3A_65] : memref<320000xf32, #tpu.memory_space<hbm>> -> memref<80xf32, #tpu.memory_space<hbm>>
    tpu.wait_dma2 semaphore(%arg26 : memref<!tpu.dma_semaphore, #tpu.memory_space<semaphore_mem>>) src(%dma_wait3A_66 : memref<80xf32, #tpu.memory_space<hbm>>) dst(%arg13 : memref<80xf32, #tpu.memory_space<vmem>>)
    %parallel_loop3A_67 = arith.constant 0 : i32
    %parallel_loop3A_68 = arith.constant 80 : i32
    %parallel_loop3A_69 = arith.constant 1 : i32
    scf.for %parallel_loop3A_106 = %parallel_loop3A_67 to %parallel_loop3A_68 step %parallel_loop3A_69  : i32 {
      %parallel_loop3A_107 = vector.broadcast %parallel_loop3A_106 : i32 to vector<16xi32>
      %parallel_loop3A_108 = tpu.vector_load_idx %arg13[%parallel_loop3A_107] : memref<80xf32, #tpu.memory_space<vmem>>[vector<16xi32>], vector<16xf32>,
      %parallel_loop3A_109 = arith.index_cast %parallel_loop3A_106 : i32 to index
      %parallel_loop3A_110 = arith.constant 0 : index
      %parallel_loop3A_111 = tpu.vector_load %arg16[%parallel_loop3A_109, %parallel_loop3A_110] {strides = array<i32>} : memref<80x128xf32, #tpu.memory_space<vmem>>, vector<16xf32>,
      %parallel_loop3A_112 = arith.mulf %parallel_loop3A_111, %parallel_loop3A_108 : vector<16xf32>
      %parallel_loop3A_113 = arith.index_cast %parallel_loop3A_106 : i32 to index
      %parallel_loop3A_114 = arith.constant 0 : index
      %parallel_loop3A_115 = tpu.vector_load %arg16[%parallel_loop3A_113, %parallel_loop3A_114] {strides = array<i32>} : memref<80x128xf32, #tpu.memory_space<vmem>>, vector<16xf32>,
      tpu.vector_store %arg16[%parallel_loop3A_113, %parallel_loop3A_114], %parallel_loop3A_112 {strides = array<i32>} : memref<80x128xf32, #tpu.memory_space<vmem>>, vector<16xf32>,
      %parallel_loop3A_116 = arith.index_cast %parallel_loop3A_106 : i32 to index
      %parallel_loop3A_117 = arith.constant 16 : index
      %parallel_loop3A_118 = tpu.vector_load %arg16[%parallel_loop3A_116, %parallel_loop3A_117] {strides = array<i32>} : memref<80x128xf32, #tpu.memory_space<vmem>>, vector<16xf32>,
      %parallel_loop3A_119 = arith.mulf %parallel_loop3A_118, %parallel_loop3A_108 : vector<16xf32>
      %parallel_loop3A_120 = arith.index_cast %parallel_loop3A_106 : i32 to index
      %parallel_loop3A_121 = arith.constant 16 : index
      %parallel_loop3A_122 = tpu.vector_load %arg16[%parallel_loop3A_120, %parallel_loop3A_121] {strides = array<i32>} : memref<80x128xf32, #tpu.memory_space<vmem>>, vector<16xf32>,
      tpu.vector_store %arg16[%parallel_loop3A_120, %parallel_loop3A_121], %parallel_loop3A_119 {strides = array<i32>} : memref<80x128xf32, #tpu.memory_space<vmem>>, vector<16xf32>,
      %parallel_loop3A_123 = arith.index_cast %parallel_loop3A_106 : i32 to index
      %parallel_loop3A_124 = arith.constant 32 : index
      %parallel_loop3A_125 = tpu.vector_load %arg16[%parallel_loop3A_123, %parallel_loop3A_124] {strides = array<i32>} : memref<80x128xf32, #tpu.memory_space<vmem>>, vector<16xf32>,
      %parallel_loop3A_126 = arith.mulf %parallel_loop3A_125, %parallel_loop3A_108 : vector<16xf32>
      %parallel_loop3A_127 = arith.index_cast %parallel_loop3A_106 : i32 to index
      %parallel_loop3A_128 = arith.constant 32 : index
      %parallel_loop3A_129 = tpu.vector_load %arg16[%parallel_loop3A_127, %parallel_loop3A_128] {strides = array<i32>} : memref<80x128xf32, #tpu.memory_space<vmem>>, vector<16xf32>,
      tpu.vector_store %arg16[%parallel_loop3A_127, %parallel_loop3A_128], %parallel_loop3A_126 {strides = array<i32>} : memref<80x128xf32, #tpu.memory_space<vmem>>, vector<16xf32>,
      %parallel_loop3A_130 = arith.index_cast %parallel_loop3A_106 : i32 to index
      %parallel_loop3A_131 = arith.constant 48 : index
      %parallel_loop3A_132 = tpu.vector_load %arg16[%parallel_loop3A_130, %parallel_loop3A_131] {strides = array<i32>} : memref<80x128xf32, #tpu.memory_space<vmem>>, vector<16xf32>,
      %parallel_loop3A_133 = arith.mulf %parallel_loop3A_132, %parallel_loop3A_108 : vector<16xf32>
      %parallel_loop3A_134 = arith.index_cast %parallel_loop3A_106 : i32 to index
      %parallel_loop3A_135 = arith.constant 48 : index
      %parallel_loop3A_136 = tpu.vector_load %arg16[%parallel_loop3A_134, %parallel_loop3A_135] {strides = array<i32>} : memref<80x128xf32, #tpu.memory_space<vmem>>, vector<16xf32>,
      tpu.vector_store %arg16[%parallel_loop3A_134, %parallel_loop3A_135], %parallel_loop3A_133 {strides = array<i32>} : memref<80x128xf32, #tpu.memory_space<vmem>>, vector<16xf32>,
      %parallel_loop3A_137 = arith.index_cast %parallel_loop3A_106 : i32 to index
      %parallel_loop3A_138 = arith.constant 64 : index
      %parallel_loop3A_139 = tpu.vector_load %arg16[%parallel_loop3A_137, %parallel_loop3A_138] {strides = array<i32>} : memref<80x128xf32, #tpu.memory_space<vmem>>, vector<16xf32>,
      %parallel_loop3A_140 = arith.mulf %parallel_loop3A_139, %parallel_loop3A_108 : vector<16xf32>
      %parallel_loop3A_141 = arith.index_cast %parallel_loop3A_106 : i32 to index
      %parallel_loop3A_142 = arith.constant 64 : index
      %parallel_loop3A_143 = tpu.vector_load %arg16[%parallel_loop3A_141, %parallel_loop3A_142] {strides = array<i32>} : memref<80x128xf32, #tpu.memory_space<vmem>>, vector<16xf32>,
      tpu.vector_store %arg16[%parallel_loop3A_141, %parallel_loop3A_142], %parallel_loop3A_140 {strides = array<i32>} : memref<80x128xf32, #tpu.memory_space<vmem>>, vector<16xf32>,
      %parallel_loop3A_144 = arith.index_cast %parallel_loop3A_106 : i32 to index
      %parallel_loop3A_145 = arith.constant 80 : index
      %parallel_loop3A_146 = tpu.vector_load %arg16[%parallel_loop3A_144, %parallel_loop3A_145] {strides = array<i32>} : memref<80x128xf32, #tpu.memory_space<vmem>>, vector<16xf32>,
      %parallel_loop3A_147 = arith.mulf %parallel_loop3A_146, %parallel_loop3A_108 : vector<16xf32>
      %parallel_loop3A_148 = arith.index_cast %parallel_loop3A_106 : i32 to index
      %parallel_loop3A_149 = arith.constant 80 : index
      %parallel_loop3A_150 = tpu.vector_load %arg16[%parallel_loop3A_148, %parallel_loop3A_149] {strides = array<i32>} : memref<80x128xf32, #tpu.memory_space<vmem>>, vector<16xf32>,
      tpu.vector_store %arg16[%parallel_loop3A_148, %parallel_loop3A_149], %parallel_loop3A_147 {strides = array<i32>} : memref<80x128xf32, #tpu.memory_space<vmem>>, vector<16xf32>,
      %parallel_loop3A_151 = arith.index_cast %parallel_loop3A_106 : i32 to index
      %parallel_loop3A_152 = arith.constant 96 : index
      %parallel_loop3A_153 = tpu.vector_load %arg16[%parallel_loop3A_151, %parallel_loop3A_152] {strides = array<i32>} : memref<80x128xf32, #tpu.memory_space<vmem>>, vector<16xf32>,
      %parallel_loop3A_154 = arith.mulf %parallel_loop3A_153, %parallel_loop3A_108 : vector<16xf32>
      %parallel_loop3A_155 = arith.index_cast %parallel_loop3A_106 : i32 to index
      %parallel_loop3A_156 = arith.constant 96 : index
      %parallel_loop3A_157 = tpu.vector_load %arg16[%parallel_loop3A_155, %parallel_loop3A_156] {strides = array<i32>} : memref<80x128xf32, #tpu.memory_space<vmem>>, vector<16xf32>,
      tpu.vector_store %arg16[%parallel_loop3A_155, %parallel_loop3A_156], %parallel_loop3A_154 {strides = array<i32>} : memref<80x128xf32, #tpu.memory_space<vmem>>, vector<16xf32>,
      %parallel_loop3A_158 = arith.index_cast %parallel_loop3A_106 : i32 to index
      %parallel_loop3A_159 = arith.constant 112 : index
      %parallel_loop3A_160 = tpu.vector_load %arg16[%parallel_loop3A_158, %parallel_loop3A_159] {strides = array<i32>} : memref<80x128xf32, #tpu.memory_space<vmem>>, vector<16xf32>,
      %parallel_loop3A_161 = arith.mulf %parallel_loop3A_160, %parallel_loop3A_108 : vector<16xf32>
      %parallel_loop3A_162 = arith.index_cast %parallel_loop3A_106 : i32 to index
      %parallel_loop3A_163 = arith.constant 112 : index
      %parallel_loop3A_164 = tpu.vector_load %arg16[%parallel_loop3A_162, %parallel_loop3A_163] {strides = array<i32>} : memref<80x128xf32, #tpu.memory_space<vmem>>, vector<16xf32>,
      tpu.vector_store %arg16[%parallel_loop3A_162, %parallel_loop3A_163], %parallel_loop3A_161 {strides = array<i32>} : memref<80x128xf32, #tpu.memory_space<vmem>>, vector<16xf32>,
    } {sc.loop_unroll_factor = 4 : i64, sc.parallel_access}
    %dma_wait3A_70 = arith.constant 0 : i32
    %dma_wait3A_71 = tpu.memref_slice %arg5[%dma_wait3A_70] : memref<320000xi32, #tpu.memory_space<hbm>> -> memref<80xi32, #tpu.memory_space<hbm>>
    %dma_wait3A_72 = arith.constant 0 : i32
    %dma_wait3A_73 = tpu.memref_slice %arg5[%dma_wait3A_72] : memref<320000xi32, #tpu.memory_space<hbm>> -> memref<80xi32, #tpu.memory_space<hbm>>
    tpu.wait_dma2 semaphore(%arg23 : memref<!tpu.dma_semaphore, #tpu.memory_space<semaphore_mem>>) src(%dma_wait3A_73 : memref<80xi32, #tpu.memory_space<hbm>>) dst(%arg10 : memref<80xi32, #tpu.memory_space<vmem>>)
    %dma_start3A_74 = arith.constant 0 : i32
    %dma_start3A_75 = arith.constant 0 : i32
    %dma_start3A_76 = tpu.memref_slice %arg18[%dma_start3A_74, %dma_start3A_75] : memref<10000x128xf32, #tpu.memory_space<vmem_shared>> -> memref<10000x128xf32, #tpu.memory_space<vmem_shared>>
    tpu.enqueue_indirect_dma source(%arg16 : memref<80x128xf32, #tpu.memory_space<vmem>>) target(%dma_start3A_76 : memref<10000x128xf32, #tpu.memory_space<vmem_shared>>) offsets(%arg10 : memref<80xi32, #tpu.memory_space<vmem>>) semaphore(%arg29 : memref<!tpu.dma_semaphore, #tpu.memory_space<semaphore_mem>>) {add = true}
    %dma_wait3A_77 = arith.constant 0 : i32
    %dma_wait3A_78 = arith.constant 0 : i32
    %dma_wait3A_79 = tpu.memref_slice %arg18[%dma_wait3A_77, %dma_wait3A_78] : memref<10000x128xf32, #tpu.memory_space<vmem_shared>> -> memref<80x128xf32, #tpu.memory_space<vmem_shared>>
    %dma_wait3A_80 = arith.constant 0 : i32
    %dma_wait3A_81 = arith.constant 0 : i32
    %dma_wait3A_82 = tpu.memref_slice %arg18[%dma_wait3A_80, %dma_wait3A_81] : memref<10000x128xf32, #tpu.memory_space<vmem_shared>> -> memref<80x128xf32, #tpu.memory_space<vmem_shared>>
    tpu.wait_dma2 semaphore(%arg30 : memref<!tpu.dma_semaphore, #tpu.memory_space<semaphore_mem>>) src(%arg15 : memref<80x128xf32, #tpu.memory_space<vmem>>) dst(%dma_wait3A_82 : memref<80x128xf32, #tpu.memory_space<vmem_shared>>)
    %dma_wait3A_83 = arith.constant 0 : i32
    %dma_wait3A_84 = arith.constant 0 : i32
    %dma_wait3A_85 = tpu.memref_slice %arg18[%dma_wait3A_83, %dma_wait3A_84] : memref<10000x128xf32, #tpu.memory_space<vmem_shared>> -> memref<80x128xf32, #tpu.memory_space<vmem_shared>>
    %dma_wait3A_86 = arith.constant 0 : i32
    %dma_wait3A_87 = arith.constant 0 : i32
    %dma_wait3A_88 = tpu.memref_slice %arg18[%dma_wait3A_86, %dma_wait3A_87] : memref<10000x128xf32, #tpu.memory_space<vmem_shared>> -> memref<80x128xf32, #tpu.memory_space<vmem_shared>>
    tpu.wait_dma2 semaphore(%arg28 : memref<!tpu.dma_semaphore, #tpu.memory_space<semaphore_mem>>) src(%arg15 : memref<80x128xf32, #tpu.memory_space<vmem>>) dst(%dma_wait3A_88 : memref<80x128xf32, #tpu.memory_space<vmem_shared>>)
    %dma_wait3A_89 = arith.constant 0 : i32
    %dma_wait3A_90 = arith.constant 0 : i32
    %dma_wait3A_91 = tpu.memref_slice %arg18[%dma_wait3A_89, %dma_wait3A_90] : memref<10000x128xf32, #tpu.memory_space<vmem_shared>> -> memref<80x128xf32, #tpu.memory_space<vmem_shared>>
    %dma_wait3A_92 = arith.constant 0 : i32
    %dma_wait3A_93 = arith.constant 0 : i32
    %dma_wait3A_94 = tpu.memref_slice %arg18[%dma_wait3A_92, %dma_wait3A_93] : memref<10000x128xf32, #tpu.memory_space<vmem_shared>> -> memref<80x128xf32, #tpu.memory_space<vmem_shared>>
    tpu.wait_dma2 semaphore(%arg29 : memref<!tpu.dma_semaphore, #tpu.memory_space<semaphore_mem>>) src(%arg15 : memref<80x128xf32, #tpu.memory_space<vmem>>) dst(%dma_wait3A_94 : memref<80x128xf32, #tpu.memory_space<vmem_shared>>)
    %barrier3A_95 = arith.constant 0 : index
    tpu.barrier barrier_id(%barrier3A_95)
    %lt3A_96 = arith.constant 15 : i32
    %lt3A_97 = arith.cmpi slt, %arg1, %lt3A_96 : i32
    %convert_element_type3A_98 = arith.extui %lt3A_97 : i1 to i32
    %cond3A_99 = arith.constant 0 : i32
    %cond3A_100 = arith.cmpi ne, %convert_element_type3A_98, %cond3A_99 : i32
    scf.if %cond3A_100 {
      "tpu.region"() ({
        %run_scoped3A = tpu.sem_alloc : memref<!tpu.dma_semaphore, #tpu.memory_space<semaphore_mem>>
        %dma_start3A_106 = arith.constant 0 : i32
        %dma_start3A_107 = arith.constant 0 : i32
        %dma_start3A_108 = tpu.memref_slice %arg7[%arg0, %dma_start3A_106, %dma_start3A_107] : memref<2x10000x128xf32, #tpu.memory_space<hbm>> -> memref<1x10000x128xf32, #tpu.memory_space<hbm>>
        %dma_start3A_109 = tpu.memref_squeeze %dma_start3A_108 : memref<1x10000x128xf32, #tpu.memory_space<hbm>> -> memref<10000x128xf32, #tpu.memory_space<hbm>>
        %dma_start3A_110 = arith.constant 0 : i32
        %dma_start3A_111 = tpu.memref_slice %dma_start3A_109[%mul3A_4, %dma_start3A_110] : memref<10000x128xf32, #tpu.memory_space<hbm>> -> memref<640x128xf32, #tpu.memory_space<hbm>>
        %dma_start3A_112 = arith.constant 0 : i32
        %dma_start3A_113 = tpu.memref_slice %arg18[%mul3A_4, %dma_start3A_112] : memref<10000x128xf32, #tpu.memory_space<vmem_shared>> -> memref<640x128xf32, #tpu.memory_space<vmem_shared>>
        tpu.enqueue_dma source(%dma_start3A_113 : memref<640x128xf32, #tpu.memory_space<vmem_shared>>) target(%dma_start3A_111 : memref<640x128xf32, #tpu.memory_space<hbm>>) target_semaphore(%run_scoped3A : memref<!tpu.dma_semaphore, #tpu.memory_space<semaphore_mem>>)
        %dma_wait3A_114 = arith.constant 0 : i32
        %dma_wait3A_115 = arith.constant 0 : i32
        %dma_wait3A_116 = tpu.memref_slice %arg7[%arg0, %dma_wait3A_114, %dma_wait3A_115] : memref<2x10000x128xf32, #tpu.memory_space<hbm>> -> memref<1x10000x128xf32, #tpu.memory_space<hbm>>
        %dma_wait3A_117 = tpu.memref_squeeze %dma_wait3A_116 : memref<1x10000x128xf32, #tpu.memory_space<hbm>> -> memref<10000x128xf32, #tpu.memory_space<hbm>>
        %dma_wait3A_118 = arith.constant 0 : i32
        %dma_wait3A_119 = tpu.memref_slice %dma_wait3A_117[%mul3A_4, %dma_wait3A_118] : memref<10000x128xf32, #tpu.memory_space<hbm>> -> memref<640x128xf32, #tpu.memory_space<hbm>>
        %dma_wait3A_120 = arith.constant 0 : i32
        %dma_wait3A_121 = tpu.memref_slice %arg18[%mul3A_4, %dma_wait3A_120] : memref<10000x128xf32, #tpu.memory_space<vmem_shared>> -> memref<640x128xf32, #tpu.memory_space<vmem_shared>>
        tpu.wait_dma2 semaphore(%run_scoped3A : memref<!tpu.dma_semaphore, #tpu.memory_space<semaphore_mem>>) src(%dma_wait3A_121 : memref<640x128xf32, #tpu.memory_space<vmem_shared>>) dst(%dma_wait3A_119 : memref<640x128xf32, #tpu.memory_space<hbm>>)
        tpu.yield
      }) : () -> ()
    } else {
    }
    %eq3A_101 = arith.constant 15 : i32
    %eq3A_102 = arith.cmpi eq, %arg1, %eq3A_101 : i32
    %convert_element_type3A_103 = arith.extui %eq3A_102 : i1 to i32
    %cond3A_104 = arith.constant 0 : i32
    %cond3A_105 = arith.cmpi ne, %convert_element_type3A_103, %cond3A_104 : i32
    scf.if %cond3A_105 {
      "tpu.region"() ({
        %run_scoped3A = tpu.sem_alloc : memref<!tpu.dma_semaphore, #tpu.memory_space<semaphore_mem>>
        %dma_start3A_106 = arith.constant 0 : i32
        %dma_start3A_107 = arith.constant 0 : i32
        %dma_start3A_108 = tpu.memref_slice %arg7[%arg0, %dma_start3A_106, %dma_start3A_107] : memref<2x10000x128xf32, #tpu.memory_space<hbm>> -> memref<1x10000x128xf32, #tpu.memory_space<hbm>>
        %dma_start3A_109 = tpu.memref_squeeze %dma_start3A_108 : memref<1x10000x128xf32, #tpu.memory_space<hbm>> -> memref<10000x128xf32, #tpu.memory_space<hbm>>
        %dma_start3A_110 = arith.constant 9600 : i32
        %dma_start3A_111 = arith.constant 0 : i32
        %dma_start3A_112 = tpu.memref_slice %dma_start3A_109[%dma_start3A_110, %dma_start3A_111] : memref<10000x128xf32, #tpu.memory_space<hbm>> -> memref<400x128xf32, #tpu.memory_space<hbm>>
        %dma_start3A_113 = arith.constant 9600 : i32
        %dma_start3A_114 = arith.constant 0 : i32
        %dma_start3A_115 = tpu.memref_slice %arg18[%dma_start3A_113, %dma_start3A_114] : memref<10000x128xf32, #tpu.memory_space<vmem_shared>> -> memref<400x128xf32, #tpu.memory_space<vmem_shared>>
        tpu.enqueue_dma source(%dma_start3A_115 : memref<400x128xf32, #tpu.memory_space<vmem_shared>>) target(%dma_start3A_112 : memref<400x128xf32, #tpu.memory_space<hbm>>) target_semaphore(%run_scoped3A : memref<!tpu.dma_semaphore, #tpu.memory_space<semaphore_mem>>)
        %dma_wait3A_116 = arith.constant 0 : i32
        %dma_wait3A_117 = arith.constant 0 : i32
        %dma_wait3A_118 = tpu.memref_slice %arg7[%arg0, %dma_wait3A_116, %dma_wait3A_117] : memref<2x10000x128xf32, #tpu.memory_space<hbm>> -> memref<1x10000x128xf32, #tpu.memory_space<hbm>>
        %dma_wait3A_119 = tpu.memref_squeeze %dma_wait3A_118 : memref<1x10000x128xf32, #tpu.memory_space<hbm>> -> memref<10000x128xf32, #tpu.memory_space<hbm>>
        %dma_wait3A_120 = arith.constant 9600 : i32
        %dma_wait3A_121 = arith.constant 0 : i32
        %dma_wait3A_122 = tpu.memref_slice %dma_wait3A_119[%dma_wait3A_120, %dma_wait3A_121] : memref<10000x128xf32, #tpu.memory_space<hbm>> -> memref<400x128xf32, #tpu.memory_space<hbm>>
        %dma_wait3A_123 = arith.constant 9600 : i32
        %dma_wait3A_124 = arith.constant 0 : i32
        %dma_wait3A_125 = tpu.memref_slice %arg18[%dma_wait3A_123, %dma_wait3A_124] : memref<10000x128xf32, #tpu.memory_space<vmem_shared>> -> memref<400x128xf32, #tpu.memory_space<vmem_shared>>
        tpu.wait_dma2 semaphore(%run_scoped3A : memref<!tpu.dma_semaphore, #tpu.memory_space<semaphore_mem>>) src(%dma_wait3A_125 : memref<400x128xf32, #tpu.memory_space<vmem_shared>>) dst(%dma_wait3A_122 : memref<400x128xf32, #tpu.memory_space<hbm>>)
        tpu.yield
      }) : () -> ()
    } else {
    }
    return
  }
}

#map = affine_map<(d0, d1) -> (0)>
#map1 = affine_map<(d0, d1) -> (0, 0, 0)>
module attributes {stable_mosaic.version = 14 : i64} {
  func.func @_sc_ex_body(%arg0: i32, %arg1: i32, %arg2: memref<10240xf32, #tpu.memory_space<hbm>>, %arg3: memref<10240xf32, #tpu.memory_space<hbm>>, %arg4: memref<32x125x80xi32, #tpu.memory_space<hbm>>, %arg5: memref<32x125x80xi32, #tpu.memory_space<hbm>>, %arg6: memref<320000xf32, #tpu.memory_space<hbm>>, %arg7: memref<2x16x10240xf32, #tpu.memory_space<hbm>>, %arg8: memref<10240xf32, #tpu.memory_space<vmem>>, %arg9: memref<10240xf32, #tpu.memory_space<vmem>>, %arg10: memref<125x80xi32, #tpu.memory_space<vmem>>, %arg11: memref<125x80xi32, #tpu.memory_space<vmem>>, %arg12: memref<10000xf32, #tpu.memory_space<vmem>>, %arg13: memref<10240xf32, #tpu.memory_space<vmem>>, %arg14: memref<!tpu.dma_semaphore, #tpu.memory_space<semaphore_mem>>, %arg15: memref<!tpu.dma_semaphore, #tpu.memory_space<semaphore_mem>>, %arg16: memref<!tpu.dma_semaphore, #tpu.memory_space<semaphore_mem>>, %arg17: memref<!tpu.dma_semaphore, #tpu.memory_space<semaphore_mem>>) attributes {dimension_semantics = [#tpu.dimension_semantics<core_parallel>, #tpu.dimension_semantics<subcore_parallel>], iteration_bounds = array<i64: 2, 16>, scalar_prefetch = 0 : i64, scratch_operands = 10 : i64, tpu.core_type = #tpu.core_type<sc_vector_subcore>, window_params = [{transform_indices = #map}, {transform_indices = #map}, {transform_indices = #map1}, {transform_indices = #map1}, {transform_indices = #map}, {transform_indices = #map1}]} {
    %mul3A = arith.constant 2 : i32
    %mul3A_0 = arith.muli %arg1, %mul3A : i32
    %add3A = arith.addi %mul3A_0, %arg0 : i32
    %dma_start3A = arith.constant 0 : i32
    %dma_start3A_1 = arith.constant 0 : i32
    %dma_start3A_2 = tpu.memref_slice %arg4[%add3A, %dma_start3A, %dma_start3A_1] : memref<32x125x80xi32, #tpu.memory_space<hbm>> -> memref<1x125x80xi32, #tpu.memory_space<hbm>>
    %dma_start3A_3 = tpu.memref_squeeze %dma_start3A_2 : memref<1x125x80xi32, #tpu.memory_space<hbm>> -> memref<125x80xi32, #tpu.memory_space<hbm>>
    %dma_start3A_4 = arith.constant 0 : i32
    %dma_start3A_5 = arith.constant 0 : i32
    %dma_start3A_6 = tpu.memref_slice %arg4[%add3A, %dma_start3A_4, %dma_start3A_5] : memref<32x125x80xi32, #tpu.memory_space<hbm>> -> memref<1x125x80xi32, #tpu.memory_space<hbm>>
    %dma_start3A_7 = tpu.memref_squeeze %dma_start3A_6 : memref<1x125x80xi32, #tpu.memory_space<hbm>> -> memref<125x80xi32, #tpu.memory_space<hbm>>
    tpu.enqueue_dma source(%dma_start3A_7 : memref<125x80xi32, #tpu.memory_space<hbm>>) target(%arg10 : memref<125x80xi32, #tpu.memory_space<vmem>>) target_semaphore(%arg14 : memref<!tpu.dma_semaphore, #tpu.memory_space<semaphore_mem>>)
    %dma_start3A_8 = arith.constant 0 : i32
    %dma_start3A_9 = arith.constant 0 : i32
    %dma_start3A_10 = tpu.memref_slice %arg5[%add3A, %dma_start3A_8, %dma_start3A_9] : memref<32x125x80xi32, #tpu.memory_space<hbm>> -> memref<1x125x80xi32, #tpu.memory_space<hbm>>
    %dma_start3A_11 = tpu.memref_squeeze %dma_start3A_10 : memref<1x125x80xi32, #tpu.memory_space<hbm>> -> memref<125x80xi32, #tpu.memory_space<hbm>>
    %dma_start3A_12 = arith.constant 0 : i32
    %dma_start3A_13 = arith.constant 0 : i32
    %dma_start3A_14 = tpu.memref_slice %arg5[%add3A, %dma_start3A_12, %dma_start3A_13] : memref<32x125x80xi32, #tpu.memory_space<hbm>> -> memref<1x125x80xi32, #tpu.memory_space<hbm>>
    %dma_start3A_15 = tpu.memref_squeeze %dma_start3A_14 : memref<1x125x80xi32, #tpu.memory_space<hbm>> -> memref<125x80xi32, #tpu.memory_space<hbm>>
    tpu.enqueue_dma source(%dma_start3A_15 : memref<125x80xi32, #tpu.memory_space<hbm>>) target(%arg11 : memref<125x80xi32, #tpu.memory_space<vmem>>) target_semaphore(%arg15 : memref<!tpu.dma_semaphore, #tpu.memory_space<semaphore_mem>>)
    tpu.enqueue_dma source(%arg2 : memref<10240xf32, #tpu.memory_space<hbm>>) target(%arg8 : memref<10240xf32, #tpu.memory_space<vmem>>) target_semaphore(%arg16 : memref<!tpu.dma_semaphore, #tpu.memory_space<semaphore_mem>>)
    tpu.enqueue_dma source(%arg3 : memref<10240xf32, #tpu.memory_space<hbm>>) target(%arg9 : memref<10240xf32, #tpu.memory_space<vmem>>) target_semaphore(%arg17 : memref<!tpu.dma_semaphore, #tpu.memory_space<semaphore_mem>>)
    %parallel_loop3A = arith.constant 0 : i32
    %parallel_loop3A_16 = arith.constant 640 : i32
    %parallel_loop3A_17 = arith.constant 1 : i32
    scf.for %parallel_loop3A_41 = %parallel_loop3A to %parallel_loop3A_16 step %parallel_loop3A_17  : i32 {
      %parallel_loop3A_42 = arith.constant 0.000000e+00 : f32
      %parallel_loop3A_43 = vector.broadcast %parallel_loop3A_42 : f32 to vector<16xf32>
      %parallel_loop3A_44 = arith.constant 16 : i32
      %parallel_loop3A_45 = arith.muli %parallel_loop3A_41, %parallel_loop3A_44 : i32
      %parallel_loop3A_46 = arith.index_cast %parallel_loop3A_45 : i32 to index
      %parallel_loop3A_47 = tpu.vector_load %arg13[%parallel_loop3A_46] {strides = array<i32>} : memref<10240xf32, #tpu.memory_space<vmem>>, vector<16xf32>,
      tpu.vector_store %arg13[%parallel_loop3A_46], %parallel_loop3A_43 {strides = array<i32>} : memref<10240xf32, #tpu.memory_space<vmem>>, vector<16xf32>,
    } {sc.loop_unroll_factor = 8 : i64, sc.parallel_access}
    %dma_wait3A = arith.constant 0 : i32
    %dma_wait3A_18 = arith.constant 0 : i32
    %dma_wait3A_19 = tpu.memref_slice %arg4[%add3A, %dma_wait3A, %dma_wait3A_18] : memref<32x125x80xi32, #tpu.memory_space<hbm>> -> memref<1x125x80xi32, #tpu.memory_space<hbm>>
    %dma_wait3A_20 = tpu.memref_squeeze %dma_wait3A_19 : memref<1x125x80xi32, #tpu.memory_space<hbm>> -> memref<125x80xi32, #tpu.memory_space<hbm>>
    %dma_wait3A_21 = arith.constant 0 : i32
    %dma_wait3A_22 = arith.constant 0 : i32
    %dma_wait3A_23 = tpu.memref_slice %arg4[%add3A, %dma_wait3A_21, %dma_wait3A_22] : memref<32x125x80xi32, #tpu.memory_space<hbm>> -> memref<1x125x80xi32, #tpu.memory_space<hbm>>
    %dma_wait3A_24 = tpu.memref_squeeze %dma_wait3A_23 : memref<1x125x80xi32, #tpu.memory_space<hbm>> -> memref<125x80xi32, #tpu.memory_space<hbm>>
    tpu.wait_dma2 semaphore(%arg14 : memref<!tpu.dma_semaphore, #tpu.memory_space<semaphore_mem>>) src(%dma_wait3A_24 : memref<125x80xi32, #tpu.memory_space<hbm>>) dst(%arg10 : memref<125x80xi32, #tpu.memory_space<vmem>>)
    %dma_wait3A_25 = arith.constant 0 : i32
    %dma_wait3A_26 = arith.constant 0 : i32
    %dma_wait3A_27 = tpu.memref_slice %arg5[%add3A, %dma_wait3A_25, %dma_wait3A_26] : memref<32x125x80xi32, #tpu.memory_space<hbm>> -> memref<1x125x80xi32, #tpu.memory_space<hbm>>
    %dma_wait3A_28 = tpu.memref_squeeze %dma_wait3A_27 : memref<1x125x80xi32, #tpu.memory_space<hbm>> -> memref<125x80xi32, #tpu.memory_space<hbm>>
    %dma_wait3A_29 = arith.constant 0 : i32
    %dma_wait3A_30 = arith.constant 0 : i32
    %dma_wait3A_31 = tpu.memref_slice %arg5[%add3A, %dma_wait3A_29, %dma_wait3A_30] : memref<32x125x80xi32, #tpu.memory_space<hbm>> -> memref<1x125x80xi32, #tpu.memory_space<hbm>>
    %dma_wait3A_32 = tpu.memref_squeeze %dma_wait3A_31 : memref<1x125x80xi32, #tpu.memory_space<hbm>> -> memref<125x80xi32, #tpu.memory_space<hbm>>
    tpu.wait_dma2 semaphore(%arg15 : memref<!tpu.dma_semaphore, #tpu.memory_space<semaphore_mem>>) src(%dma_wait3A_32 : memref<125x80xi32, #tpu.memory_space<hbm>>) dst(%arg11 : memref<125x80xi32, #tpu.memory_space<vmem>>)
    tpu.wait_dma2 semaphore(%arg16 : memref<!tpu.dma_semaphore, #tpu.memory_space<semaphore_mem>>) src(%arg2 : memref<10240xf32, #tpu.memory_space<hbm>>) dst(%arg8 : memref<10240xf32, #tpu.memory_space<vmem>>)
    tpu.wait_dma2 semaphore(%arg17 : memref<!tpu.dma_semaphore, #tpu.memory_space<semaphore_mem>>) src(%arg3 : memref<10240xf32, #tpu.memory_space<hbm>>) dst(%arg9 : memref<10240xf32, #tpu.memory_space<vmem>>)
    %get3A = arith.constant 10224 : index
    %get3A_33 = tpu.vector_load %arg9[%get3A] {strides = array<i32>} : memref<10240xf32, #tpu.memory_space<vmem>>, vector<16xf32>,
    %scan3A = arith.constant 0 : i32
    %scan3A_34 = arith.constant 0 : i32
    %scan3A_35 = arith.constant 125 : i32
    %scan3A_36 = arith.addi %scan3A_34, %scan3A_35 : i32
    %scan3A_37 = arith.constant 1 : i32
    scf.for %scan3A_41 = %scan3A_34 to %scan3A_36 step %scan3A_37  : i32 {
      %get3A_42 = arith.index_cast %scan3A_41 : i32 to index
      %get3A_43 = arith.constant 0 : index
      %get3A_44 = tpu.vector_load %arg10[%get3A_42, %get3A_43] {strides = array<i32>} : memref<125x80xi32, #tpu.memory_space<vmem>>, vector<16xi32>,
      %get3A_45 = arith.index_cast %scan3A_41 : i32 to index
      %get3A_46 = arith.constant 0 : index
      %get3A_47 = tpu.vector_load %arg11[%get3A_45, %get3A_46] {strides = array<i32>} : memref<125x80xi32, #tpu.memory_space<vmem>>, vector<16xi32>,
      %gather3A = tpu.vector_load_idx %arg8[%get3A_44] : memref<10240xf32, #tpu.memory_space<vmem>>[vector<16xi32>], vector<16xf32>,
      %gather3A_48 = tpu.vector_load_idx %arg9[%get3A_47] : memref<10240xf32, #tpu.memory_space<vmem>>[vector<16xi32>], vector<16xf32>,
      %add3A_49 = arith.addf %gather3A, %gather3A_48 : vector<16xf32>
      %ge3A = arith.constant 0.000000e+00 : f32
      %ge3A_50 = vector.broadcast %ge3A : f32 to vector<16xf32>
      %ge3A_51 = arith.cmpf oge, %add3A_49, %ge3A_50 : vector<16xf32>
      %mul3A_52 = arith.constant 2.000000e-01 : f32
      %mul3A_53 = vector.broadcast %mul3A_52 : f32 to vector<16xf32>
      %mul3A_54 = arith.mulf %mul3A_53, %add3A_49 : vector<16xf32>
      %select_n3A = arith.select %ge3A_51, %add3A_49, %mul3A_54 : vector<16xi1>, vector<16xf32>
      %sub3A = arith.subf %select_n3A, %get3A_33 : vector<16xf32>
      %exp3A = math.exp %sub3A : vector<16xf32>
      %mul3A_55 = arith.constant 80 : i32
      %mul3A_56 = arith.muli %scan3A_41, %mul3A_55 : i32
      %add3A_57 = arith.constant 0 : i32
      %add3A_58 = arith.addi %mul3A_56, %add3A_57 : i32
      %swap3A = arith.index_cast %add3A_58 : i32 to index
      %swap3A_59 = tpu.vector_load %arg12[%swap3A] {strides = array<i32>} : memref<10000xf32, #tpu.memory_space<vmem>>, vector<16xf32>,
      tpu.vector_store %arg12[%swap3A], %exp3A {strides = array<i32>} : memref<10000xf32, #tpu.memory_space<vmem>>, vector<16xf32>,
      tpu.vector_store_idx %arg13[%get3A_47], %exp3A {add = true} : memref<10240xf32, #tpu.memory_space<vmem>>[vector<16xi32>], vector<16xf32>,
      %get3A_60 = arith.index_cast %scan3A_41 : i32 to index
      %get3A_61 = arith.constant 16 : index
      %get3A_62 = tpu.vector_load %arg10[%get3A_60, %get3A_61] {strides = array<i32>} : memref<125x80xi32, #tpu.memory_space<vmem>>, vector<16xi32>,
      %get3A_63 = arith.index_cast %scan3A_41 : i32 to index
      %get3A_64 = arith.constant 16 : index
      %get3A_65 = tpu.vector_load %arg11[%get3A_63, %get3A_64] {strides = array<i32>} : memref<125x80xi32, #tpu.memory_space<vmem>>, vector<16xi32>,
      %gather3A_66 = tpu.vector_load_idx %arg8[%get3A_62] : memref<10240xf32, #tpu.memory_space<vmem>>[vector<16xi32>], vector<16xf32>,
      %gather3A_67 = tpu.vector_load_idx %arg9[%get3A_65] : memref<10240xf32, #tpu.memory_space<vmem>>[vector<16xi32>], vector<16xf32>,
      %add3A_68 = arith.addf %gather3A_66, %gather3A_67 : vector<16xf32>
      %ge3A_69 = arith.constant 0.000000e+00 : f32
      %ge3A_70 = vector.broadcast %ge3A_69 : f32 to vector<16xf32>
      %ge3A_71 = arith.cmpf oge, %add3A_68, %ge3A_70 : vector<16xf32>
      %mul3A_72 = arith.constant 2.000000e-01 : f32
      %mul3A_73 = vector.broadcast %mul3A_72 : f32 to vector<16xf32>
      %mul3A_74 = arith.mulf %mul3A_73, %add3A_68 : vector<16xf32>
      %select_n3A_75 = arith.select %ge3A_71, %add3A_68, %mul3A_74 : vector<16xi1>, vector<16xf32>
      %sub3A_76 = arith.subf %select_n3A_75, %get3A_33 : vector<16xf32>
      %exp3A_77 = math.exp %sub3A_76 : vector<16xf32>
      %mul3A_78 = arith.constant 80 : i32
      %mul3A_79 = arith.muli %scan3A_41, %mul3A_78 : i32
      %add3A_80 = arith.constant 16 : i32
      %add3A_81 = arith.addi %mul3A_79, %add3A_80 : i32
      %swap3A_82 = arith.index_cast %add3A_81 : i32 to index
      %swap3A_83 = tpu.vector_load %arg12[%swap3A_82] {strides = array<i32>} : memref<10000xf32, #tpu.memory_space<vmem>>, vector<16xf32>,
      tpu.vector_store %arg12[%swap3A_82], %exp3A_77 {strides = array<i32>} : memref<10000xf32, #tpu.memory_space<vmem>>, vector<16xf32>,
      tpu.vector_store_idx %arg13[%get3A_65], %exp3A_77 {add = true} : memref<10240xf32, #tpu.memory_space<vmem>>[vector<16xi32>], vector<16xf32>,
      %get3A_84 = arith.index_cast %scan3A_41 : i32 to index
      %get3A_85 = arith.constant 32 : index
      %get3A_86 = tpu.vector_load %arg10[%get3A_84, %get3A_85] {strides = array<i32>} : memref<125x80xi32, #tpu.memory_space<vmem>>, vector<16xi32>,
      %get3A_87 = arith.index_cast %scan3A_41 : i32 to index
      %get3A_88 = arith.constant 32 : index
      %get3A_89 = tpu.vector_load %arg11[%get3A_87, %get3A_88] {strides = array<i32>} : memref<125x80xi32, #tpu.memory_space<vmem>>, vector<16xi32>,
      %gather3A_90 = tpu.vector_load_idx %arg8[%get3A_86] : memref<10240xf32, #tpu.memory_space<vmem>>[vector<16xi32>], vector<16xf32>,
      %gather3A_91 = tpu.vector_load_idx %arg9[%get3A_89] : memref<10240xf32, #tpu.memory_space<vmem>>[vector<16xi32>], vector<16xf32>,
      %add3A_92 = arith.addf %gather3A_90, %gather3A_91 : vector<16xf32>
      %ge3A_93 = arith.constant 0.000000e+00 : f32
      %ge3A_94 = vector.broadcast %ge3A_93 : f32 to vector<16xf32>
      %ge3A_95 = arith.cmpf oge, %add3A_92, %ge3A_94 : vector<16xf32>
      %mul3A_96 = arith.constant 2.000000e-01 : f32
      %mul3A_97 = vector.broadcast %mul3A_96 : f32 to vector<16xf32>
      %mul3A_98 = arith.mulf %mul3A_97, %add3A_92 : vector<16xf32>
      %select_n3A_99 = arith.select %ge3A_95, %add3A_92, %mul3A_98 : vector<16xi1>, vector<16xf32>
      %sub3A_100 = arith.subf %select_n3A_99, %get3A_33 : vector<16xf32>
      %exp3A_101 = math.exp %sub3A_100 : vector<16xf32>
      %mul3A_102 = arith.constant 80 : i32
      %mul3A_103 = arith.muli %scan3A_41, %mul3A_102 : i32
      %add3A_104 = arith.constant 32 : i32
      %add3A_105 = arith.addi %mul3A_103, %add3A_104 : i32
      %swap3A_106 = arith.index_cast %add3A_105 : i32 to index
      %swap3A_107 = tpu.vector_load %arg12[%swap3A_106] {strides = array<i32>} : memref<10000xf32, #tpu.memory_space<vmem>>, vector<16xf32>,
      tpu.vector_store %arg12[%swap3A_106], %exp3A_101 {strides = array<i32>} : memref<10000xf32, #tpu.memory_space<vmem>>, vector<16xf32>,
      tpu.vector_store_idx %arg13[%get3A_89], %exp3A_101 {add = true} : memref<10240xf32, #tpu.memory_space<vmem>>[vector<16xi32>], vector<16xf32>,
      %get3A_108 = arith.index_cast %scan3A_41 : i32 to index
      %get3A_109 = arith.constant 48 : index
      %get3A_110 = tpu.vector_load %arg10[%get3A_108, %get3A_109] {strides = array<i32>} : memref<125x80xi32, #tpu.memory_space<vmem>>, vector<16xi32>,
      %get3A_111 = arith.index_cast %scan3A_41 : i32 to index
      %get3A_112 = arith.constant 48 : index
      %get3A_113 = tpu.vector_load %arg11[%get3A_111, %get3A_112] {strides = array<i32>} : memref<125x80xi32, #tpu.memory_space<vmem>>, vector<16xi32>,
      %gather3A_114 = tpu.vector_load_idx %arg8[%get3A_110] : memref<10240xf32, #tpu.memory_space<vmem>>[vector<16xi32>], vector<16xf32>,
      %gather3A_115 = tpu.vector_load_idx %arg9[%get3A_113] : memref<10240xf32, #tpu.memory_space<vmem>>[vector<16xi32>], vector<16xf32>,
      %add3A_116 = arith.addf %gather3A_114, %gather3A_115 : vector<16xf32>
      %ge3A_117 = arith.constant 0.000000e+00 : f32
      %ge3A_118 = vector.broadcast %ge3A_117 : f32 to vector<16xf32>
      %ge3A_119 = arith.cmpf oge, %add3A_116, %ge3A_118 : vector<16xf32>
      %mul3A_120 = arith.constant 2.000000e-01 : f32
      %mul3A_121 = vector.broadcast %mul3A_120 : f32 to vector<16xf32>
      %mul3A_122 = arith.mulf %mul3A_121, %add3A_116 : vector<16xf32>
      %select_n3A_123 = arith.select %ge3A_119, %add3A_116, %mul3A_122 : vector<16xi1>, vector<16xf32>
      %sub3A_124 = arith.subf %select_n3A_123, %get3A_33 : vector<16xf32>
      %exp3A_125 = math.exp %sub3A_124 : vector<16xf32>
      %mul3A_126 = arith.constant 80 : i32
      %mul3A_127 = arith.muli %scan3A_41, %mul3A_126 : i32
      %add3A_128 = arith.constant 48 : i32
      %add3A_129 = arith.addi %mul3A_127, %add3A_128 : i32
      %swap3A_130 = arith.index_cast %add3A_129 : i32 to index
      %swap3A_131 = tpu.vector_load %arg12[%swap3A_130] {strides = array<i32>} : memref<10000xf32, #tpu.memory_space<vmem>>, vector<16xf32>,
      tpu.vector_store %arg12[%swap3A_130], %exp3A_125 {strides = array<i32>} : memref<10000xf32, #tpu.memory_space<vmem>>, vector<16xf32>,
      tpu.vector_store_idx %arg13[%get3A_113], %exp3A_125 {add = true} : memref<10240xf32, #tpu.memory_space<vmem>>[vector<16xi32>], vector<16xf32>,
      %get3A_132 = arith.index_cast %scan3A_41 : i32 to index
      %get3A_133 = arith.constant 64 : index
      %get3A_134 = tpu.vector_load %arg10[%get3A_132, %get3A_133] {strides = array<i32>} : memref<125x80xi32, #tpu.memory_space<vmem>>, vector<16xi32>,
      %get3A_135 = arith.index_cast %scan3A_41 : i32 to index
      %get3A_136 = arith.constant 64 : index
      %get3A_137 = tpu.vector_load %arg11[%get3A_135, %get3A_136] {strides = array<i32>} : memref<125x80xi32, #tpu.memory_space<vmem>>, vector<16xi32>,
      %gather3A_138 = tpu.vector_load_idx %arg8[%get3A_134] : memref<10240xf32, #tpu.memory_space<vmem>>[vector<16xi32>], vector<16xf32>,
      %gather3A_139 = tpu.vector_load_idx %arg9[%get3A_137] : memref<10240xf32, #tpu.memory_space<vmem>>[vector<16xi32>], vector<16xf32>,
      %add3A_140 = arith.addf %gather3A_138, %gather3A_139 : vector<16xf32>
      %ge3A_141 = arith.constant 0.000000e+00 : f32
      %ge3A_142 = vector.broadcast %ge3A_141 : f32 to vector<16xf32>
      %ge3A_143 = arith.cmpf oge, %add3A_140, %ge3A_142 : vector<16xf32>
      %mul3A_144 = arith.constant 2.000000e-01 : f32
      %mul3A_145 = vector.broadcast %mul3A_144 : f32 to vector<16xf32>
      %mul3A_146 = arith.mulf %mul3A_145, %add3A_140 : vector<16xf32>
      %select_n3A_147 = arith.select %ge3A_143, %add3A_140, %mul3A_146 : vector<16xi1>, vector<16xf32>
      %sub3A_148 = arith.subf %select_n3A_147, %get3A_33 : vector<16xf32>
      %exp3A_149 = math.exp %sub3A_148 : vector<16xf32>
      %mul3A_150 = arith.constant 80 : i32
      %mul3A_151 = arith.muli %scan3A_41, %mul3A_150 : i32
      %add3A_152 = arith.constant 64 : i32
      %add3A_153 = arith.addi %mul3A_151, %add3A_152 : i32
      %swap3A_154 = arith.index_cast %add3A_153 : i32 to index
      %swap3A_155 = tpu.vector_load %arg12[%swap3A_154] {strides = array<i32>} : memref<10000xf32, #tpu.memory_space<vmem>>, vector<16xf32>,
      tpu.vector_store %arg12[%swap3A_154], %exp3A_149 {strides = array<i32>} : memref<10000xf32, #tpu.memory_space<vmem>>, vector<16xf32>,
      tpu.vector_store_idx %arg13[%get3A_137], %exp3A_149 {add = true} : memref<10240xf32, #tpu.memory_space<vmem>>[vector<16xi32>], vector<16xf32>,
    }
    %scan3A_38 = arith.constant 125 : i32
    %mul3A_39 = arith.constant 10000 : i32
    %mul3A_40 = arith.muli %add3A, %mul3A_39 : i32
    "tpu.region"() ({
      %run_scoped3A = tpu.sem_alloc : memref<!tpu.dma_semaphore, #tpu.memory_space<semaphore_mem>>
      %dma_start3A_41 = tpu.memref_slice %arg6[%mul3A_40] : memref<320000xf32, #tpu.memory_space<hbm>> -> memref<10000xf32, #tpu.memory_space<hbm>>
      %dma_start3A_42 = tpu.memref_slice %arg6[%mul3A_40] : memref<320000xf32, #tpu.memory_space<hbm>> -> memref<10000xf32, #tpu.memory_space<hbm>>
      tpu.enqueue_dma source(%arg12 : memref<10000xf32, #tpu.memory_space<vmem>>) target(%dma_start3A_42 : memref<10000xf32, #tpu.memory_space<hbm>>) target_semaphore(%run_scoped3A : memref<!tpu.dma_semaphore, #tpu.memory_space<semaphore_mem>>)
      %dma_wait3A_43 = tpu.memref_slice %arg6[%mul3A_40] : memref<320000xf32, #tpu.memory_space<hbm>> -> memref<10000xf32, #tpu.memory_space<hbm>>
      %dma_wait3A_44 = tpu.memref_slice %arg6[%mul3A_40] : memref<320000xf32, #tpu.memory_space<hbm>> -> memref<10000xf32, #tpu.memory_space<hbm>>
      tpu.wait_dma2 semaphore(%run_scoped3A : memref<!tpu.dma_semaphore, #tpu.memory_space<semaphore_mem>>) src(%arg12 : memref<10000xf32, #tpu.memory_space<vmem>>) dst(%dma_wait3A_44 : memref<10000xf32, #tpu.memory_space<hbm>>)
      tpu.yield
    }) : () -> ()
    "tpu.region"() ({
      %run_scoped3A = tpu.sem_alloc : memref<!tpu.dma_semaphore, #tpu.memory_space<semaphore_mem>>
      %dma_start3A_41 = arith.constant 0 : i32
      %dma_start3A_42 = arith.constant 0 : i32
      %dma_start3A_43 = tpu.memref_slice %arg7[%arg0, %dma_start3A_41, %dma_start3A_42] : memref<2x16x10240xf32, #tpu.memory_space<hbm>> -> memref<1x16x10240xf32, #tpu.memory_space<hbm>>
      %dma_start3A_44 = tpu.memref_squeeze %dma_start3A_43 : memref<1x16x10240xf32, #tpu.memory_space<hbm>> -> memref<16x10240xf32, #tpu.memory_space<hbm>>
      %dma_start3A_45 = arith.constant 0 : i32
      %dma_start3A_46 = tpu.memref_slice %dma_start3A_44[%arg1, %dma_start3A_45] : memref<16x10240xf32, #tpu.memory_space<hbm>> -> memref<1x10240xf32, #tpu.memory_space<hbm>>
      %dma_start3A_47 = tpu.memref_squeeze %dma_start3A_46 : memref<1x10240xf32, #tpu.memory_space<hbm>> -> memref<10240xf32, #tpu.memory_space<hbm>>
      %dma_start3A_48 = arith.constant 0 : i32
      %dma_start3A_49 = arith.constant 0 : i32
      %dma_start3A_50 = tpu.memref_slice %arg7[%arg0, %dma_start3A_48, %dma_start3A_49] : memref<2x16x10240xf32, #tpu.memory_space<hbm>> -> memref<1x16x10240xf32, #tpu.memory_space<hbm>>
      %dma_start3A_51 = tpu.memref_squeeze %dma_start3A_50 : memref<1x16x10240xf32, #tpu.memory_space<hbm>> -> memref<16x10240xf32, #tpu.memory_space<hbm>>
      %dma_start3A_52 = arith.constant 0 : i32
      %dma_start3A_53 = tpu.memref_slice %dma_start3A_51[%arg1, %dma_start3A_52] : memref<16x10240xf32, #tpu.memory_space<hbm>> -> memref<1x10240xf32, #tpu.memory_space<hbm>>
      %dma_start3A_54 = tpu.memref_squeeze %dma_start3A_53 : memref<1x10240xf32, #tpu.memory_space<hbm>> -> memref<10240xf32, #tpu.memory_space<hbm>>
      tpu.enqueue_dma source(%arg13 : memref<10240xf32, #tpu.memory_space<vmem>>) target(%dma_start3A_54 : memref<10240xf32, #tpu.memory_space<hbm>>) target_semaphore(%run_scoped3A : memref<!tpu.dma_semaphore, #tpu.memory_space<semaphore_mem>>)
      %dma_wait3A_55 = arith.constant 0 : i32
      %dma_wait3A_56 = arith.constant 0 : i32
      %dma_wait3A_57 = tpu.memref_slice %arg7[%arg0, %dma_wait3A_55, %dma_wait3A_56] : memref<2x16x10240xf32, #tpu.memory_space<hbm>> -> memref<1x16x10240xf32, #tpu.memory_space<hbm>>
      %dma_wait3A_58 = tpu.memref_squeeze %dma_wait3A_57 : memref<1x16x10240xf32, #tpu.memory_space<hbm>> -> memref<16x10240xf32, #tpu.memory_space<hbm>>
      %dma_wait3A_59 = arith.constant 0 : i32
      %dma_wait3A_60 = tpu.memref_slice %dma_wait3A_58[%arg1, %dma_wait3A_59] : memref<16x10240xf32, #tpu.memory_space<hbm>> -> memref<1x10240xf32, #tpu.memory_space<hbm>>
      %dma_wait3A_61 = tpu.memref_squeeze %dma_wait3A_60 : memref<1x10240xf32, #tpu.memory_space<hbm>> -> memref<10240xf32, #tpu.memory_space<hbm>>
      %dma_wait3A_62 = arith.constant 0 : i32
      %dma_wait3A_63 = arith.constant 0 : i32
      %dma_wait3A_64 = tpu.memref_slice %arg7[%arg0, %dma_wait3A_62, %dma_wait3A_63] : memref<2x16x10240xf32, #tpu.memory_space<hbm>> -> memref<1x16x10240xf32, #tpu.memory_space<hbm>>
      %dma_wait3A_65 = tpu.memref_squeeze %dma_wait3A_64 : memref<1x16x10240xf32, #tpu.memory_space<hbm>> -> memref<16x10240xf32, #tpu.memory_space<hbm>>
      %dma_wait3A_66 = arith.constant 0 : i32
      %dma_wait3A_67 = tpu.memref_slice %dma_wait3A_65[%arg1, %dma_wait3A_66] : memref<16x10240xf32, #tpu.memory_space<hbm>> -> memref<1x10240xf32, #tpu.memory_space<hbm>>
      %dma_wait3A_68 = tpu.memref_squeeze %dma_wait3A_67 : memref<1x10240xf32, #tpu.memory_space<hbm>> -> memref<10240xf32, #tpu.memory_space<hbm>>
      tpu.wait_dma2 semaphore(%run_scoped3A : memref<!tpu.dma_semaphore, #tpu.memory_space<semaphore_mem>>) src(%arg13 : memref<10240xf32, #tpu.memory_space<vmem>>) dst(%dma_wait3A_68 : memref<10240xf32, #tpu.memory_space<hbm>>)
      tpu.yield
    }) : () -> ()
    return
  }
}

#map = affine_map<(d0, d1) -> (0)>
#map1 = affine_map<(d0, d1) -> (0, 0, 0)>
module attributes {stable_mosaic.version = 14 : i64} {
  func.func @_sc_ex_body(%arg0: i32, %arg1: i32, %arg2: memref<10240xf32, #tpu.memory_space<hbm>>, %arg3: memref<10240xf32, #tpu.memory_space<hbm>>, %arg4: memref<32x125x80xi32, #tpu.memory_space<hbm>>, %arg5: memref<32x125x80xi32, #tpu.memory_space<hbm>>, %arg6: memref<320000xf32, #tpu.memory_space<hbm>>, %arg7: memref<2x16x10240xf32, #tpu.memory_space<hbm>>, %arg8: memref<10240xf32, #tpu.memory_space<vmem>>, %arg9: memref<10240xf32, #tpu.memory_space<vmem>>, %arg10: memref<125x80xi32, #tpu.memory_space<vmem>>, %arg11: memref<125x80xi32, #tpu.memory_space<vmem>>, %arg12: memref<10000xf32, #tpu.memory_space<vmem>>, %arg13: memref<10240xf32, #tpu.memory_space<vmem>>, %arg14: memref<!tpu.dma_semaphore, #tpu.memory_space<semaphore_mem>>, %arg15: memref<!tpu.dma_semaphore, #tpu.memory_space<semaphore_mem>>, %arg16: memref<!tpu.dma_semaphore, #tpu.memory_space<semaphore_mem>>, %arg17: memref<!tpu.dma_semaphore, #tpu.memory_space<semaphore_mem>>) attributes {dimension_semantics = [#tpu.dimension_semantics<core_parallel>, #tpu.dimension_semantics<subcore_parallel>], iteration_bounds = array<i64: 2, 16>, scalar_prefetch = 0 : i64, scratch_operands = 10 : i64, tpu.core_type = #tpu.core_type<sc_vector_subcore>, window_params = [{transform_indices = #map}, {transform_indices = #map}, {transform_indices = #map1}, {transform_indices = #map1}, {transform_indices = #map}, {transform_indices = #map1}]} {
    %mul3A = arith.constant 2 : i32
    %mul3A_0 = arith.muli %arg1, %mul3A : i32
    %add3A = arith.addi %mul3A_0, %arg0 : i32
    %dma_start3A = arith.constant 0 : i32
    %dma_start3A_1 = arith.constant 0 : i32
    %dma_start3A_2 = tpu.memref_slice %arg4[%add3A, %dma_start3A, %dma_start3A_1] : memref<32x125x80xi32, #tpu.memory_space<hbm>> -> memref<1x125x80xi32, #tpu.memory_space<hbm>>
    %dma_start3A_3 = tpu.memref_squeeze %dma_start3A_2 : memref<1x125x80xi32, #tpu.memory_space<hbm>> -> memref<125x80xi32, #tpu.memory_space<hbm>>
    %dma_start3A_4 = arith.constant 0 : i32
    %dma_start3A_5 = arith.constant 0 : i32
    %dma_start3A_6 = tpu.memref_slice %arg4[%add3A, %dma_start3A_4, %dma_start3A_5] : memref<32x125x80xi32, #tpu.memory_space<hbm>> -> memref<1x125x80xi32, #tpu.memory_space<hbm>>
    %dma_start3A_7 = tpu.memref_squeeze %dma_start3A_6 : memref<1x125x80xi32, #tpu.memory_space<hbm>> -> memref<125x80xi32, #tpu.memory_space<hbm>>
    tpu.enqueue_dma source(%dma_start3A_7 : memref<125x80xi32, #tpu.memory_space<hbm>>) target(%arg10 : memref<125x80xi32, #tpu.memory_space<vmem>>) target_semaphore(%arg14 : memref<!tpu.dma_semaphore, #tpu.memory_space<semaphore_mem>>)
    %dma_start3A_8 = arith.constant 0 : i32
    %dma_start3A_9 = arith.constant 0 : i32
    %dma_start3A_10 = tpu.memref_slice %arg5[%add3A, %dma_start3A_8, %dma_start3A_9] : memref<32x125x80xi32, #tpu.memory_space<hbm>> -> memref<1x125x80xi32, #tpu.memory_space<hbm>>
    %dma_start3A_11 = tpu.memref_squeeze %dma_start3A_10 : memref<1x125x80xi32, #tpu.memory_space<hbm>> -> memref<125x80xi32, #tpu.memory_space<hbm>>
    %dma_start3A_12 = arith.constant 0 : i32
    %dma_start3A_13 = arith.constant 0 : i32
    %dma_start3A_14 = tpu.memref_slice %arg5[%add3A, %dma_start3A_12, %dma_start3A_13] : memref<32x125x80xi32, #tpu.memory_space<hbm>> -> memref<1x125x80xi32, #tpu.memory_space<hbm>>
    %dma_start3A_15 = tpu.memref_squeeze %dma_start3A_14 : memref<1x125x80xi32, #tpu.memory_space<hbm>> -> memref<125x80xi32, #tpu.memory_space<hbm>>
    tpu.enqueue_dma source(%dma_start3A_15 : memref<125x80xi32, #tpu.memory_space<hbm>>) target(%arg11 : memref<125x80xi32, #tpu.memory_space<vmem>>) target_semaphore(%arg15 : memref<!tpu.dma_semaphore, #tpu.memory_space<semaphore_mem>>)
    tpu.enqueue_dma source(%arg2 : memref<10240xf32, #tpu.memory_space<hbm>>) target(%arg8 : memref<10240xf32, #tpu.memory_space<vmem>>) target_semaphore(%arg16 : memref<!tpu.dma_semaphore, #tpu.memory_space<semaphore_mem>>)
    tpu.enqueue_dma source(%arg3 : memref<10240xf32, #tpu.memory_space<hbm>>) target(%arg9 : memref<10240xf32, #tpu.memory_space<vmem>>) target_semaphore(%arg17 : memref<!tpu.dma_semaphore, #tpu.memory_space<semaphore_mem>>)
    %parallel_loop3A = arith.constant 0 : i32
    %parallel_loop3A_16 = arith.constant 640 : i32
    %parallel_loop3A_17 = arith.constant 1 : i32
    scf.for %parallel_loop3A_41 = %parallel_loop3A to %parallel_loop3A_16 step %parallel_loop3A_17  : i32 {
      %parallel_loop3A_42 = arith.constant 0.000000e+00 : f32
      %parallel_loop3A_43 = vector.broadcast %parallel_loop3A_42 : f32 to vector<16xf32>
      %parallel_loop3A_44 = arith.constant 16 : i32
      %parallel_loop3A_45 = arith.muli %parallel_loop3A_41, %parallel_loop3A_44 : i32
      %parallel_loop3A_46 = arith.index_cast %parallel_loop3A_45 : i32 to index
      %parallel_loop3A_47 = tpu.vector_load %arg13[%parallel_loop3A_46] {strides = array<i32>} : memref<10240xf32, #tpu.memory_space<vmem>>, vector<16xf32>,
      tpu.vector_store %arg13[%parallel_loop3A_46], %parallel_loop3A_43 {strides = array<i32>} : memref<10240xf32, #tpu.memory_space<vmem>>, vector<16xf32>,
    } {sc.loop_unroll_factor = 8 : i64, sc.parallel_access}
    %dma_wait3A = arith.constant 0 : i32
    %dma_wait3A_18 = arith.constant 0 : i32
    %dma_wait3A_19 = tpu.memref_slice %arg4[%add3A, %dma_wait3A, %dma_wait3A_18] : memref<32x125x80xi32, #tpu.memory_space<hbm>> -> memref<1x125x80xi32, #tpu.memory_space<hbm>>
    %dma_wait3A_20 = tpu.memref_squeeze %dma_wait3A_19 : memref<1x125x80xi32, #tpu.memory_space<hbm>> -> memref<125x80xi32, #tpu.memory_space<hbm>>
    %dma_wait3A_21 = arith.constant 0 : i32
    %dma_wait3A_22 = arith.constant 0 : i32
    %dma_wait3A_23 = tpu.memref_slice %arg4[%add3A, %dma_wait3A_21, %dma_wait3A_22] : memref<32x125x80xi32, #tpu.memory_space<hbm>> -> memref<1x125x80xi32, #tpu.memory_space<hbm>>
    %dma_wait3A_24 = tpu.memref_squeeze %dma_wait3A_23 : memref<1x125x80xi32, #tpu.memory_space<hbm>> -> memref<125x80xi32, #tpu.memory_space<hbm>>
    tpu.wait_dma2 semaphore(%arg14 : memref<!tpu.dma_semaphore, #tpu.memory_space<semaphore_mem>>) src(%dma_wait3A_24 : memref<125x80xi32, #tpu.memory_space<hbm>>) dst(%arg10 : memref<125x80xi32, #tpu.memory_space<vmem>>)
    %dma_wait3A_25 = arith.constant 0 : i32
    %dma_wait3A_26 = arith.constant 0 : i32
    %dma_wait3A_27 = tpu.memref_slice %arg5[%add3A, %dma_wait3A_25, %dma_wait3A_26] : memref<32x125x80xi32, #tpu.memory_space<hbm>> -> memref<1x125x80xi32, #tpu.memory_space<hbm>>
    %dma_wait3A_28 = tpu.memref_squeeze %dma_wait3A_27 : memref<1x125x80xi32, #tpu.memory_space<hbm>> -> memref<125x80xi32, #tpu.memory_space<hbm>>
    %dma_wait3A_29 = arith.constant 0 : i32
    %dma_wait3A_30 = arith.constant 0 : i32
    %dma_wait3A_31 = tpu.memref_slice %arg5[%add3A, %dma_wait3A_29, %dma_wait3A_30] : memref<32x125x80xi32, #tpu.memory_space<hbm>> -> memref<1x125x80xi32, #tpu.memory_space<hbm>>
    %dma_wait3A_32 = tpu.memref_squeeze %dma_wait3A_31 : memref<1x125x80xi32, #tpu.memory_space<hbm>> -> memref<125x80xi32, #tpu.memory_space<hbm>>
    tpu.wait_dma2 semaphore(%arg15 : memref<!tpu.dma_semaphore, #tpu.memory_space<semaphore_mem>>) src(%dma_wait3A_32 : memref<125x80xi32, #tpu.memory_space<hbm>>) dst(%arg11 : memref<125x80xi32, #tpu.memory_space<vmem>>)
    tpu.wait_dma2 semaphore(%arg16 : memref<!tpu.dma_semaphore, #tpu.memory_space<semaphore_mem>>) src(%arg2 : memref<10240xf32, #tpu.memory_space<hbm>>) dst(%arg8 : memref<10240xf32, #tpu.memory_space<vmem>>)
    tpu.wait_dma2 semaphore(%arg17 : memref<!tpu.dma_semaphore, #tpu.memory_space<semaphore_mem>>) src(%arg3 : memref<10240xf32, #tpu.memory_space<hbm>>) dst(%arg9 : memref<10240xf32, #tpu.memory_space<vmem>>)
    %get3A = arith.constant 10224 : index
    %get3A_33 = tpu.vector_load %arg9[%get3A] {strides = array<i32>} : memref<10240xf32, #tpu.memory_space<vmem>>, vector<16xf32>,
    %scan3A = arith.constant 0 : i32
    %scan3A_34 = arith.constant 0 : i32
    %scan3A_35 = arith.constant 125 : i32
    %scan3A_36 = arith.addi %scan3A_34, %scan3A_35 : i32
    %scan3A_37 = arith.constant 1 : i32
    scf.for %scan3A_41 = %scan3A_34 to %scan3A_36 step %scan3A_37  : i32 {
      %get3A_42 = arith.index_cast %scan3A_41 : i32 to index
      %get3A_43 = arith.constant 0 : index
      %get3A_44 = tpu.vector_load %arg10[%get3A_42, %get3A_43] {strides = array<i32>} : memref<125x80xi32, #tpu.memory_space<vmem>>, vector<16xi32>,
      %get3A_45 = arith.index_cast %scan3A_41 : i32 to index
      %get3A_46 = arith.constant 0 : index
      %get3A_47 = tpu.vector_load %arg11[%get3A_45, %get3A_46] {strides = array<i32>} : memref<125x80xi32, #tpu.memory_space<vmem>>, vector<16xi32>,
      %gather3A = tpu.vector_load_idx %arg8[%get3A_44] : memref<10240xf32, #tpu.memory_space<vmem>>[vector<16xi32>], vector<16xf32>,
      %gather3A_48 = tpu.vector_load_idx %arg9[%get3A_47] : memref<10240xf32, #tpu.memory_space<vmem>>[vector<16xi32>], vector<16xf32>,
      %add3A_49 = arith.addf %gather3A, %gather3A_48 : vector<16xf32>
      %ge3A = arith.constant 0.000000e+00 : f32
      %ge3A_50 = vector.broadcast %ge3A : f32 to vector<16xf32>
      %ge3A_51 = arith.cmpf oge, %add3A_49, %ge3A_50 : vector<16xf32>
      %mul3A_52 = arith.constant 2.000000e-01 : f32
      %mul3A_53 = vector.broadcast %mul3A_52 : f32 to vector<16xf32>
      %mul3A_54 = arith.mulf %mul3A_53, %add3A_49 : vector<16xf32>
      %select_n3A = arith.select %ge3A_51, %add3A_49, %mul3A_54 : vector<16xi1>, vector<16xf32>
      %sub3A = arith.subf %select_n3A, %get3A_33 : vector<16xf32>
      %exp3A = math.exp %sub3A : vector<16xf32>
      %mul3A_55 = arith.constant 80 : i32
      %mul3A_56 = arith.muli %scan3A_41, %mul3A_55 : i32
      %add3A_57 = arith.constant 0 : i32
      %add3A_58 = arith.addi %mul3A_56, %add3A_57 : i32
      %swap3A = arith.index_cast %add3A_58 : i32 to index
      %swap3A_59 = tpu.vector_load %arg12[%swap3A] {strides = array<i32>} : memref<10000xf32, #tpu.memory_space<vmem>>, vector<16xf32>,
      tpu.vector_store %arg12[%swap3A], %exp3A {strides = array<i32>} : memref<10000xf32, #tpu.memory_space<vmem>>, vector<16xf32>,
      tpu.vector_store_idx %arg13[%get3A_47], %exp3A {add = true} : memref<10240xf32, #tpu.memory_space<vmem>>[vector<16xi32>], vector<16xf32>,
      %get3A_60 = arith.index_cast %scan3A_41 : i32 to index
      %get3A_61 = arith.constant 16 : index
      %get3A_62 = tpu.vector_load %arg10[%get3A_60, %get3A_61] {strides = array<i32>} : memref<125x80xi32, #tpu.memory_space<vmem>>, vector<16xi32>,
      %get3A_63 = arith.index_cast %scan3A_41 : i32 to index
      %get3A_64 = arith.constant 16 : index
      %get3A_65 = tpu.vector_load %arg11[%get3A_63, %get3A_64] {strides = array<i32>} : memref<125x80xi32, #tpu.memory_space<vmem>>, vector<16xi32>,
      %gather3A_66 = tpu.vector_load_idx %arg8[%get3A_62] : memref<10240xf32, #tpu.memory_space<vmem>>[vector<16xi32>], vector<16xf32>,
      %gather3A_67 = tpu.vector_load_idx %arg9[%get3A_65] : memref<10240xf32, #tpu.memory_space<vmem>>[vector<16xi32>], vector<16xf32>,
      %add3A_68 = arith.addf %gather3A_66, %gather3A_67 : vector<16xf32>
      %ge3A_69 = arith.constant 0.000000e+00 : f32
      %ge3A_70 = vector.broadcast %ge3A_69 : f32 to vector<16xf32>
      %ge3A_71 = arith.cmpf oge, %add3A_68, %ge3A_70 : vector<16xf32>
      %mul3A_72 = arith.constant 2.000000e-01 : f32
      %mul3A_73 = vector.broadcast %mul3A_72 : f32 to vector<16xf32>
      %mul3A_74 = arith.mulf %mul3A_73, %add3A_68 : vector<16xf32>
      %select_n3A_75 = arith.select %ge3A_71, %add3A_68, %mul3A_74 : vector<16xi1>, vector<16xf32>
      %sub3A_76 = arith.subf %select_n3A_75, %get3A_33 : vector<16xf32>
      %exp3A_77 = math.exp %sub3A_76 : vector<16xf32>
      %mul3A_78 = arith.constant 80 : i32
      %mul3A_79 = arith.muli %scan3A_41, %mul3A_78 : i32
      %add3A_80 = arith.constant 16 : i32
      %add3A_81 = arith.addi %mul3A_79, %add3A_80 : i32
      %swap3A_82 = arith.index_cast %add3A_81 : i32 to index
      %swap3A_83 = tpu.vector_load %arg12[%swap3A_82] {strides = array<i32>} : memref<10000xf32, #tpu.memory_space<vmem>>, vector<16xf32>,
      tpu.vector_store %arg12[%swap3A_82], %exp3A_77 {strides = array<i32>} : memref<10000xf32, #tpu.memory_space<vmem>>, vector<16xf32>,
      tpu.vector_store_idx %arg13[%get3A_65], %exp3A_77 {add = true} : memref<10240xf32, #tpu.memory_space<vmem>>[vector<16xi32>], vector<16xf32>,
      %get3A_84 = arith.index_cast %scan3A_41 : i32 to index
      %get3A_85 = arith.constant 32 : index
      %get3A_86 = tpu.vector_load %arg10[%get3A_84, %get3A_85] {strides = array<i32>} : memref<125x80xi32, #tpu.memory_space<vmem>>, vector<16xi32>,
      %get3A_87 = arith.index_cast %scan3A_41 : i32 to index
      %get3A_88 = arith.constant 32 : index
      %get3A_89 = tpu.vector_load %arg11[%get3A_87, %get3A_88] {strides = array<i32>} : memref<125x80xi32, #tpu.memory_space<vmem>>, vector<16xi32>,
      %gather3A_90 = tpu.vector_load_idx %arg8[%get3A_86] : memref<10240xf32, #tpu.memory_space<vmem>>[vector<16xi32>], vector<16xf32>,
      %gather3A_91 = tpu.vector_load_idx %arg9[%get3A_89] : memref<10240xf32, #tpu.memory_space<vmem>>[vector<16xi32>], vector<16xf32>,
      %add3A_92 = arith.addf %gather3A_90, %gather3A_91 : vector<16xf32>
      %ge3A_93 = arith.constant 0.000000e+00 : f32
      %ge3A_94 = vector.broadcast %ge3A_93 : f32 to vector<16xf32>
      %ge3A_95 = arith.cmpf oge, %add3A_92, %ge3A_94 : vector<16xf32>
      %mul3A_96 = arith.constant 2.000000e-01 : f32
      %mul3A_97 = vector.broadcast %mul3A_96 : f32 to vector<16xf32>
      %mul3A_98 = arith.mulf %mul3A_97, %add3A_92 : vector<16xf32>
      %select_n3A_99 = arith.select %ge3A_95, %add3A_92, %mul3A_98 : vector<16xi1>, vector<16xf32>
      %sub3A_100 = arith.subf %select_n3A_99, %get3A_33 : vector<16xf32>
      %exp3A_101 = math.exp %sub3A_100 : vector<16xf32>
      %mul3A_102 = arith.constant 80 : i32
      %mul3A_103 = arith.muli %scan3A_41, %mul3A_102 : i32
      %add3A_104 = arith.constant 32 : i32
      %add3A_105 = arith.addi %mul3A_103, %add3A_104 : i32
      %swap3A_106 = arith.index_cast %add3A_105 : i32 to index
      %swap3A_107 = tpu.vector_load %arg12[%swap3A_106] {strides = array<i32>} : memref<10000xf32, #tpu.memory_space<vmem>>, vector<16xf32>,
      tpu.vector_store %arg12[%swap3A_106], %exp3A_101 {strides = array<i32>} : memref<10000xf32, #tpu.memory_space<vmem>>, vector<16xf32>,
      tpu.vector_store_idx %arg13[%get3A_89], %exp3A_101 {add = true} : memref<10240xf32, #tpu.memory_space<vmem>>[vector<16xi32>], vector<16xf32>,
      %get3A_108 = arith.index_cast %scan3A_41 : i32 to index
      %get3A_109 = arith.constant 48 : index
      %get3A_110 = tpu.vector_load %arg10[%get3A_108, %get3A_109] {strides = array<i32>} : memref<125x80xi32, #tpu.memory_space<vmem>>, vector<16xi32>,
      %get3A_111 = arith.index_cast %scan3A_41 : i32 to index
      %get3A_112 = arith.constant 48 : index
      %get3A_113 = tpu.vector_load %arg11[%get3A_111, %get3A_112] {strides = array<i32>} : memref<125x80xi32, #tpu.memory_space<vmem>>, vector<16xi32>,
      %gather3A_114 = tpu.vector_load_idx %arg8[%get3A_110] : memref<10240xf32, #tpu.memory_space<vmem>>[vector<16xi32>], vector<16xf32>,
      %gather3A_115 = tpu.vector_load_idx %arg9[%get3A_113] : memref<10240xf32, #tpu.memory_space<vmem>>[vector<16xi32>], vector<16xf32>,
      %add3A_116 = arith.addf %gather3A_114, %gather3A_115 : vector<16xf32>
      %ge3A_117 = arith.constant 0.000000e+00 : f32
      %ge3A_118 = vector.broadcast %ge3A_117 : f32 to vector<16xf32>
      %ge3A_119 = arith.cmpf oge, %add3A_116, %ge3A_118 : vector<16xf32>
      %mul3A_120 = arith.constant 2.000000e-01 : f32
      %mul3A_121 = vector.broadcast %mul3A_120 : f32 to vector<16xf32>
      %mul3A_122 = arith.mulf %mul3A_121, %add3A_116 : vector<16xf32>
      %select_n3A_123 = arith.select %ge3A_119, %add3A_116, %mul3A_122 : vector<16xi1>, vector<16xf32>
      %sub3A_124 = arith.subf %select_n3A_123, %get3A_33 : vector<16xf32>
      %exp3A_125 = math.exp %sub3A_124 : vector<16xf32>
      %mul3A_126 = arith.constant 80 : i32
      %mul3A_127 = arith.muli %scan3A_41, %mul3A_126 : i32
      %add3A_128 = arith.constant 48 : i32
      %add3A_129 = arith.addi %mul3A_127, %add3A_128 : i32
      %swap3A_130 = arith.index_cast %add3A_129 : i32 to index
      %swap3A_131 = tpu.vector_load %arg12[%swap3A_130] {strides = array<i32>} : memref<10000xf32, #tpu.memory_space<vmem>>, vector<16xf32>,
      tpu.vector_store %arg12[%swap3A_130], %exp3A_125 {strides = array<i32>} : memref<10000xf32, #tpu.memory_space<vmem>>, vector<16xf32>,
      tpu.vector_store_idx %arg13[%get3A_113], %exp3A_125 {add = true} : memref<10240xf32, #tpu.memory_space<vmem>>[vector<16xi32>], vector<16xf32>,
      %get3A_132 = arith.index_cast %scan3A_41 : i32 to index
      %get3A_133 = arith.constant 64 : index
      %get3A_134 = tpu.vector_load %arg10[%get3A_132, %get3A_133] {strides = array<i32>} : memref<125x80xi32, #tpu.memory_space<vmem>>, vector<16xi32>,
      %get3A_135 = arith.index_cast %scan3A_41 : i32 to index
      %get3A_136 = arith.constant 64 : index
      %get3A_137 = tpu.vector_load %arg11[%get3A_135, %get3A_136] {strides = array<i32>} : memref<125x80xi32, #tpu.memory_space<vmem>>, vector<16xi32>,
      %gather3A_138 = tpu.vector_load_idx %arg8[%get3A_134] : memref<10240xf32, #tpu.memory_space<vmem>>[vector<16xi32>], vector<16xf32>,
      %gather3A_139 = tpu.vector_load_idx %arg9[%get3A_137] : memref<10240xf32, #tpu.memory_space<vmem>>[vector<16xi32>], vector<16xf32>,
      %add3A_140 = arith.addf %gather3A_138, %gather3A_139 : vector<16xf32>
      %ge3A_141 = arith.constant 0.000000e+00 : f32
      %ge3A_142 = vector.broadcast %ge3A_141 : f32 to vector<16xf32>
      %ge3A_143 = arith.cmpf oge, %add3A_140, %ge3A_142 : vector<16xf32>
      %mul3A_144 = arith.constant 2.000000e-01 : f32
      %mul3A_145 = vector.broadcast %mul3A_144 : f32 to vector<16xf32>
      %mul3A_146 = arith.mulf %mul3A_145, %add3A_140 : vector<16xf32>
      %select_n3A_147 = arith.select %ge3A_143, %add3A_140, %mul3A_146 : vector<16xi1>, vector<16xf32>
      %sub3A_148 = arith.subf %select_n3A_147, %get3A_33 : vector<16xf32>
      %exp3A_149 = math.exp %sub3A_148 : vector<16xf32>
      %mul3A_150 = arith.constant 80 : i32
      %mul3A_151 = arith.muli %scan3A_41, %mul3A_150 : i32
      %add3A_152 = arith.constant 64 : i32
      %add3A_153 = arith.addi %mul3A_151, %add3A_152 : i32
      %swap3A_154 = arith.index_cast %add3A_153 : i32 to index
      %swap3A_155 = tpu.vector_load %arg12[%swap3A_154] {strides = array<i32>} : memref<10000xf32, #tpu.memory_space<vmem>>, vector<16xf32>,
      tpu.vector_store %arg12[%swap3A_154], %exp3A_149 {strides = array<i32>} : memref<10000xf32, #tpu.memory_space<vmem>>, vector<16xf32>,
      tpu.vector_store_idx %arg13[%get3A_137], %exp3A_149 {add = true} : memref<10240xf32, #tpu.memory_space<vmem>>[vector<16xi32>], vector<16xf32>,
    }
    %scan3A_38 = arith.constant 125 : i32
    %mul3A_39 = arith.constant 10000 : i32
    %mul3A_40 = arith.muli %add3A, %mul3A_39 : i32
    "tpu.region"() ({
      %run_scoped3A = tpu.sem_alloc : memref<!tpu.dma_semaphore, #tpu.memory_space<semaphore_mem>>
      %dma_start3A_41 = tpu.memref_slice %arg6[%mul3A_40] : memref<320000xf32, #tpu.memory_space<hbm>> -> memref<10000xf32, #tpu.memory_space<hbm>>
      %dma_start3A_42 = tpu.memref_slice %arg6[%mul3A_40] : memref<320000xf32, #tpu.memory_space<hbm>> -> memref<10000xf32, #tpu.memory_space<hbm>>
      tpu.enqueue_dma source(%arg12 : memref<10000xf32, #tpu.memory_space<vmem>>) target(%dma_start3A_42 : memref<10000xf32, #tpu.memory_space<hbm>>) target_semaphore(%run_scoped3A : memref<!tpu.dma_semaphore, #tpu.memory_space<semaphore_mem>>)
      %dma_wait3A_43 = tpu.memref_slice %arg6[%mul3A_40] : memref<320000xf32, #tpu.memory_space<hbm>> -> memref<10000xf32, #tpu.memory_space<hbm>>
      %dma_wait3A_44 = tpu.memref_slice %arg6[%mul3A_40] : memref<320000xf32, #tpu.memory_space<hbm>> -> memref<10000xf32, #tpu.memory_space<hbm>>
      tpu.wait_dma2 semaphore(%run_scoped3A : memref<!tpu.dma_semaphore, #tpu.memory_space<semaphore_mem>>) src(%arg12 : memref<10000xf32, #tpu.memory_space<vmem>>) dst(%dma_wait3A_44 : memref<10000xf32, #tpu.memory_space<hbm>>)
      tpu.yield
    }) : () -> ()
    "tpu.region"() ({
      %run_scoped3A = tpu.sem_alloc : memref<!tpu.dma_semaphore, #tpu.memory_space<semaphore_mem>>
      %dma_start3A_41 = arith.constant 0 : i32
      %dma_start3A_42 = arith.constant 0 : i32
      %dma_start3A_43 = tpu.memref_slice %arg7[%arg0, %dma_start3A_41, %dma_start3A_42] : memref<2x16x10240xf32, #tpu.memory_space<hbm>> -> memref<1x16x10240xf32, #tpu.memory_space<hbm>>
      %dma_start3A_44 = tpu.memref_squeeze %dma_start3A_43 : memref<1x16x10240xf32, #tpu.memory_space<hbm>> -> memref<16x10240xf32, #tpu.memory_space<hbm>>
      %dma_start3A_45 = arith.constant 0 : i32
      %dma_start3A_46 = tpu.memref_slice %dma_start3A_44[%arg1, %dma_start3A_45] : memref<16x10240xf32, #tpu.memory_space<hbm>> -> memref<1x10240xf32, #tpu.memory_space<hbm>>
      %dma_start3A_47 = tpu.memref_squeeze %dma_start3A_46 : memref<1x10240xf32, #tpu.memory_space<hbm>> -> memref<10240xf32, #tpu.memory_space<hbm>>
      %dma_start3A_48 = arith.constant 0 : i32
      %dma_start3A_49 = arith.constant 0 : i32
      %dma_start3A_50 = tpu.memref_slice %arg7[%arg0, %dma_start3A_48, %dma_start3A_49] : memref<2x16x10240xf32, #tpu.memory_space<hbm>> -> memref<1x16x10240xf32, #tpu.memory_space<hbm>>
      %dma_start3A_51 = tpu.memref_squeeze %dma_start3A_50 : memref<1x16x10240xf32, #tpu.memory_space<hbm>> -> memref<16x10240xf32, #tpu.memory_space<hbm>>
      %dma_start3A_52 = arith.constant 0 : i32
      %dma_start3A_53 = tpu.memref_slice %dma_start3A_51[%arg1, %dma_start3A_52] : memref<16x10240xf32, #tpu.memory_space<hbm>> -> memref<1x10240xf32, #tpu.memory_space<hbm>>
      %dma_start3A_54 = tpu.memref_squeeze %dma_start3A_53 : memref<1x10240xf32, #tpu.memory_space<hbm>> -> memref<10240xf32, #tpu.memory_space<hbm>>
      tpu.enqueue_dma source(%arg13 : memref<10240xf32, #tpu.memory_space<vmem>>) target(%dma_start3A_54 : memref<10240xf32, #tpu.memory_space<hbm>>) target_semaphore(%run_scoped3A : memref<!tpu.dma_semaphore, #tpu.memory_space<semaphore_mem>>)
      %dma_wait3A_55 = arith.constant 0 : i32
      %dma_wait3A_56 = arith.constant 0 : i32
      %dma_wait3A_57 = tpu.memref_slice %arg7[%arg0, %dma_wait3A_55, %dma_wait3A_56] : memref<2x16x10240xf32, #tpu.memory_space<hbm>> -> memref<1x16x10240xf32, #tpu.memory_space<hbm>>
      %dma_wait3A_58 = tpu.memref_squeeze %dma_wait3A_57 : memref<1x16x10240xf32, #tpu.memory_space<hbm>> -> memref<16x10240xf32, #tpu.memory_space<hbm>>
      %dma_wait3A_59 = arith.constant 0 : i32
      %dma_wait3A_60 = tpu.memref_slice %dma_wait3A_58[%arg1, %dma_wait3A_59] : memref<16x10240xf32, #tpu.memory_space<hbm>> -> memref<1x10240xf32, #tpu.memory_space<hbm>>
      %dma_wait3A_61 = tpu.memref_squeeze %dma_wait3A_60 : memref<1x10240xf32, #tpu.memory_space<hbm>> -> memref<10240xf32, #tpu.memory_space<hbm>>
      %dma_wait3A_62 = arith.constant 0 : i32
      %dma_wait3A_63 = arith.constant 0 : i32
      %dma_wait3A_64 = tpu.memref_slice %arg7[%arg0, %dma_wait3A_62, %dma_wait3A_63] : memref<2x16x10240xf32, #tpu.memory_space<hbm>> -> memref<1x16x10240xf32, #tpu.memory_space<hbm>>
      %dma_wait3A_65 = tpu.memref_squeeze %dma_wait3A_64 : memref<1x16x10240xf32, #tpu.memory_space<hbm>> -> memref<16x10240xf32, #tpu.memory_space<hbm>>
      %dma_wait3A_66 = arith.constant 0 : i32
      %dma_wait3A_67 = tpu.memref_slice %dma_wait3A_65[%arg1, %dma_wait3A_66] : memref<16x10240xf32, #tpu.memory_space<hbm>> -> memref<1x10240xf32, #tpu.memory_space<hbm>>
      %dma_wait3A_68 = tpu.memref_squeeze %dma_wait3A_67 : memref<1x10240xf32, #tpu.memory_space<hbm>> -> memref<10240xf32, #tpu.memory_space<hbm>>
      tpu.wait_dma2 semaphore(%run_scoped3A : memref<!tpu.dma_semaphore, #tpu.memory_space<semaphore_mem>>) src(%arg13 : memref<10240xf32, #tpu.memory_space<vmem>>) dst(%dma_wait3A_68 : memref<10240xf32, #tpu.memory_space<hbm>>)
      tpu.yield
    }) : () -> ()
    return
  }
}

module attributes {stable_mosaic.version = 14 : i64} {
  func.func @_pre0_body(%arg0: memref<10000x1xi32, #tpu.memory_space<vmem>>, %arg1: memref<100x128xf32, #tpu.memory_space<vmem>>, %arg2: memref<1x128xf32, #tpu.memory_space<vmem>>, %arg3: memref<1x128xf32, #tpu.memory_space<vmem>>, %arg4: memref<128x128xf32, #tpu.memory_space<vmem>>, %arg5: memref<1x128xf32, #tpu.memory_space<vmem>>, %arg6: memref<128x128xf32, #tpu.memory_space<vmem>>, %arg7: memref<1x128xf32, #tpu.memory_space<vmem>>, %arg8: memref<1x128xf32, #tpu.memory_space<vmem>>, %arg9: memref<10000x128xf32, #tpu.memory_space<vmem>>, %arg10: memref<10240x1xf32, #tpu.memory_space<vmem>>, %arg11: memref<10240x1xf32, #tpu.memory_space<vmem>>) attributes {dimension_semantics = [], scalar_prefetch = 0 : i64, scratch_operands = 0 : i64, tpu.core_type = #tpu.core_type<tc>} {
    %iota3A = tpu.iota {dimensions = array<i32: 1>} : vector<10000x100xi32>
    %get3A = arith.constant 0 : index
    %get3A_0 = arith.constant 0 : index
    %get3A_1 = vector.load %arg0[%get3A, %get3A_0] : memref<10000x1xi32, #tpu.memory_space<vmem>>, vector<10000x1xi32>
    %eq3A = vector.broadcast %get3A_1 : vector<10000x1xi32> to vector<10000x100xi32>
    %eq3A_2 = arith.cmpi eq, %iota3A, %eq3A : vector<10000x100xi32>
    %jit3A = arith.constant 1.000000e+00 : f32
    %jit3A_3 = arith.constant 0.000000e+00 : f32
    %broadcast_in_dim3A = vector.broadcast %jit3A : f32 to vector<10000x100xf32>
    %broadcast_in_dim3A_4 = vector.broadcast %jit3A_3 : f32 to vector<10000x100xf32>
    %select_n3A = arith.select %eq3A_2, %broadcast_in_dim3A, %broadcast_in_dim3A_4 : vector<10000x100xi1>, vector<10000x100xf32>
    %get3A_5 = arith.constant 0 : index
    %get3A_6 = arith.constant 0 : index
    %get3A_7 = vector.load %arg1[%get3A_5, %get3A_6] : memref<100x128xf32, #tpu.memory_space<vmem>>, vector<100x128xf32>
    %dot_general3A = arith.constant dense<0.000000e+00> : vector<10000x128xf32>
    %dot_general3A_8 = tpu.matmul %select_n3A, %get3A_7, %dot_general3A {dimension_numbers = #tpu.dot_dimension_numbers<[1], [0], [0], [1], [0, 0, 1, 1], [], []>, transpose_lhs_hint = false} : vector<10000x100xf32>, vector<100x128xf32>, vector<10000x128xf32> -> vector<10000x128xf32>
    %get3A_9 = arith.constant 0 : index
    %get3A_10 = arith.constant 0 : index
    %get3A_11 = vector.load %arg2[%get3A_9, %get3A_10] : memref<1x128xf32, #tpu.memory_space<vmem>>, vector<1x128xf32>
    %get3A_12 = arith.constant 0 : index
    %get3A_13 = arith.constant 0 : index
    %get3A_14 = vector.load %arg3[%get3A_12, %get3A_13] : memref<1x128xf32, #tpu.memory_space<vmem>>, vector<1x128xf32>
    %get3A_15 = arith.constant 0 : index
    %get3A_16 = arith.constant 0 : index
    %get3A_17 = vector.load %arg4[%get3A_15, %get3A_16] : memref<128x128xf32, #tpu.memory_space<vmem>>, vector<128x128xf32>
    %get3A_18 = arith.constant 0 : index
    %get3A_19 = arith.constant 0 : index
    %get3A_20 = vector.load %arg5[%get3A_18, %get3A_19] : memref<1x128xf32, #tpu.memory_space<vmem>>, vector<1x128xf32>
    %get3A_21 = arith.constant 0 : index
    %get3A_22 = arith.constant 0 : index
    %get3A_23 = vector.load %arg6[%get3A_21, %get3A_22] : memref<128x128xf32, #tpu.memory_space<vmem>>, vector<128x128xf32>
    %get3A_24 = arith.constant 0 : index
    %get3A_25 = arith.constant 0 : index
    %get3A_26 = vector.load %arg7[%get3A_24, %get3A_25] : memref<1x128xf32, #tpu.memory_space<vmem>>, vector<1x128xf32>
    %get3A_27 = arith.constant 0 : index
    %get3A_28 = arith.constant 0 : index
    %get3A_29 = vector.load %arg8[%get3A_27, %get3A_28] : memref<1x128xf32, #tpu.memory_space<vmem>>, vector<1x128xf32>
    %reduce_sum3A = arith.constant dense<0.000000e+00> : vector<128xf32>
    %reduce_sum3A_30 = vector.multi_reduction <add>, %dot_general3A_8, %reduce_sum3A [0] : vector<10000x128xf32> to vector<128xf32>
    %broadcast_in_dim3A_31 = vector.shape_cast %reduce_sum3A_30 : vector<128xf32> to vector<1x128xf32>
    %div3A = arith.constant 1.000000e+04 : f32
    %div3A_32 = vector.broadcast %div3A : f32 to vector<1x128xf32>
    %div3A_33 = arith.divf %broadcast_in_dim3A_31, %div3A_32 : vector<1x128xf32>
    %mul3A = arith.mulf %dot_general3A_8, %dot_general3A_8 : vector<10000x128xf32>
    %reduce_sum3A_34 = arith.constant dense<0.000000e+00> : vector<128xf32>
    %reduce_sum3A_35 = vector.multi_reduction <add>, %mul3A, %reduce_sum3A_34 [0] : vector<10000x128xf32> to vector<128xf32>
    %broadcast_in_dim3A_36 = vector.shape_cast %reduce_sum3A_35 : vector<128xf32> to vector<1x128xf32>
    %div3A_37 = arith.constant 1.000000e+04 : f32
    %div3A_38 = vector.broadcast %div3A_37 : f32 to vector<1x128xf32>
    %div3A_39 = arith.divf %broadcast_in_dim3A_36, %div3A_38 : vector<1x128xf32>
    %mul3A_40 = arith.mulf %div3A_33, %div3A_33 : vector<1x128xf32>
    %sub3A = arith.subf %div3A_39, %mul3A_40 : vector<1x128xf32>
    %sub3A_41 = vector.broadcast %div3A_33 : vector<1x128xf32> to vector<10000x128xf32>
    %sub3A_42 = arith.subf %dot_general3A_8, %sub3A_41 : vector<10000x128xf32>
    %add3A = arith.constant 9.99999974E-6 : f32
    %add3A_43 = vector.broadcast %add3A : f32 to vector<1x128xf32>
    %add3A_44 = arith.addf %sub3A, %add3A_43 : vector<1x128xf32>
    %rsqrt3A = math.rsqrt %add3A_44 : vector<1x128xf32>
    %mul3A_45 = vector.broadcast %rsqrt3A : vector<1x128xf32> to vector<10000x128xf32>
    %mul3A_46 = arith.mulf %sub3A_42, %mul3A_45 : vector<10000x128xf32>
    %mul3A_47 = vector.broadcast %get3A_11 : vector<1x128xf32> to vector<10000x128xf32>
    %mul3A_48 = arith.mulf %mul3A_46, %mul3A_47 : vector<10000x128xf32>
    %add3A_49 = vector.broadcast %get3A_14 : vector<1x128xf32> to vector<10000x128xf32>
    %add3A_50 = arith.addf %mul3A_48, %add3A_49 : vector<10000x128xf32>
    %dot_general3A_51 = arith.constant dense<0.000000e+00> : vector<10000x128xf32>
    %dot_general3A_52 = tpu.matmul %add3A_50, %get3A_17, %dot_general3A_51 {dimension_numbers = #tpu.dot_dimension_numbers<[1], [1], [0], [0], [0, 0, 1, 0], [], []>, transpose_lhs_hint = false} : vector<10000x128xf32>, vector<128x128xf32>, vector<10000x128xf32> -> vector<10000x128xf32>
    %add3A_53 = vector.broadcast %get3A_20 : vector<1x128xf32> to vector<10000x128xf32>
    %add3A_54 = arith.addf %dot_general3A_52, %add3A_53 : vector<10000x128xf32>
    %max3A = arith.constant 0.000000e+00 : f32
    %max3A_55 = vector.broadcast %max3A : f32 to vector<10000x128xf32>
    %max3A_56 = arith.maximumf %add3A_54, %max3A_55 : vector<10000x128xf32>
    %dot_general3A_57 = arith.constant dense<0.000000e+00> : vector<10000x128xf32>
    %dot_general3A_58 = tpu.matmul %max3A_56, %get3A_23, %dot_general3A_57 {dimension_numbers = #tpu.dot_dimension_numbers<[1], [1], [0], [0], [0, 0, 1, 0], [], []>, transpose_lhs_hint = false} : vector<10000x128xf32>, vector<128x128xf32>, vector<10000x128xf32> -> vector<10000x128xf32>
    %dot_general3A_59 = arith.constant dense<0.000000e+00> : vector<10000x1xf32>
    %dot_general3A_60 = tpu.matmul %dot_general3A_58, %get3A_26, %dot_general3A_59 {dimension_numbers = #tpu.dot_dimension_numbers<[1], [1], [0], [0], [0, 0, 1, 0], [], []>, transpose_lhs_hint = false} : vector<10000x128xf32>, vector<1x128xf32>, vector<10000x1xf32> -> vector<10000x1xf32>
    %dot_general3A_61 = arith.constant dense<0.000000e+00> : vector<10000x1xf32>
    %dot_general3A_62 = tpu.matmul %dot_general3A_58, %get3A_29, %dot_general3A_61 {dimension_numbers = #tpu.dot_dimension_numbers<[1], [1], [0], [0], [0, 0, 1, 0], [], []>, transpose_lhs_hint = false} : vector<10000x128xf32>, vector<1x128xf32>, vector<10000x1xf32> -> vector<10000x1xf32>
    %reduce_max3A = vector.shape_cast %dot_general3A_60 : vector<10000x1xf32> to vector<1x10000x1xf32>
    %reduce_max3A_63 = arith.constant dense<0xFF800000> : vector<1xf32>
    %reduce_max3A_64 = vector.multi_reduction <maximumf>, %reduce_max3A, %reduce_max3A_63 [1, 2] : vector<1x10000x1xf32> to vector<1xf32>
    %reduce_max3A_65 = vector.shape_cast %reduce_max3A_64 : vector<1xf32> to vector<1x1x1xf32>
    %reduce_max3A_66 = vector.extract %reduce_max3A_65[0, 0, 0] : f32 from vector<1x1x1xf32>
    %reduce_max3A_67 = vector.shape_cast %dot_general3A_62 : vector<10000x1xf32> to vector<1x10000x1xf32>
    %reduce_max3A_68 = arith.constant dense<0xFF800000> : vector<1xf32>
    %reduce_max3A_69 = vector.multi_reduction <maximumf>, %reduce_max3A_67, %reduce_max3A_68 [1, 2] : vector<1x10000x1xf32> to vector<1xf32>
    %reduce_max3A_70 = vector.shape_cast %reduce_max3A_69 : vector<1xf32> to vector<1x1x1xf32>
    %reduce_max3A_71 = vector.extract %reduce_max3A_70[0, 0, 0] : f32 from vector<1x1x1xf32>
    %add3A_72 = arith.addf %reduce_max3A_66, %reduce_max3A_71 : f32
    %ge3A = arith.constant 0.000000e+00 : f32
    %ge3A_73 = arith.cmpf oge, %add3A_72, %ge3A : f32
    %mul3A_74 = arith.constant 2.000000e-01 : f32
    %mul3A_75 = arith.mulf %mul3A_74, %add3A_72 : f32
    %select_n3A_76 = arith.select %ge3A_73, %add3A_72, %mul3A_75 : f32
    %broadcast_in_dim3A_77 = arith.constant 0.000000e+00 : f32
    %broadcast_in_dim3A_78 = vector.broadcast %broadcast_in_dim3A_77 : f32 to vector<240x1xf32>
    %concatenate3A = tpu.concatenate %dot_general3A_60, %broadcast_in_dim3A_78 in 0 : vector<10000x1xf32>, vector<240x1xf32> -> vector<10240x1xf32>
    %broadcast_in_dim3A_79 = vector.broadcast %select_n3A_76 : f32 to vector<240x1xf32>
    %concatenate3A_80 = tpu.concatenate %dot_general3A_62, %broadcast_in_dim3A_79 in 0 : vector<10000x1xf32>, vector<240x1xf32> -> vector<10240x1xf32>
    %swap3A = arith.constant 0 : index
    %swap3A_81 = arith.constant 0 : index
    %swap3A_82 = vector.load %arg9[%swap3A, %swap3A_81] : memref<10000x128xf32, #tpu.memory_space<vmem>>, vector<10000x128xf32>
    tpu.vector_store %arg9[%swap3A, %swap3A_81], %dot_general3A_58 {strides = array<i32>} : memref<10000x128xf32, #tpu.memory_space<vmem>>, vector<10000x128xf32>,
    %swap3A_83 = arith.constant 0 : index
    %swap3A_84 = arith.constant 0 : index
    %swap3A_85 = vector.load %arg10[%swap3A_83, %swap3A_84] : memref<10240x1xf32, #tpu.memory_space<vmem>>, vector<10240x1xf32>
    tpu.vector_store %arg10[%swap3A_83, %swap3A_84], %concatenate3A {strides = array<i32>} : memref<10240x1xf32, #tpu.memory_space<vmem>>, vector<10240x1xf32>,
    %swap3A_86 = arith.constant 0 : index
    %swap3A_87 = arith.constant 0 : index
    %swap3A_88 = vector.load %arg11[%swap3A_86, %swap3A_87] : memref<10240x1xf32, #tpu.memory_space<vmem>>, vector<10240x1xf32>
    tpu.vector_store %arg11[%swap3A_86, %swap3A_87], %concatenate3A_80 {strides = array<i32>} : memref<10240x1xf32, #tpu.memory_space<vmem>>, vector<10240x1xf32>,
    return
  }
}

module attributes {stable_mosaic.version = 14 : i64} {
  func.func @_mid_body(%arg0: memref<2x10000x128xf32, #tpu.memory_space<vmem>>, %arg1: memref<32x10240xf32, #tpu.memory_space<vmem>>, %arg2: memref<1x128xf32, #tpu.memory_space<vmem>>, %arg3: memref<1x128xf32, #tpu.memory_space<vmem>>, %arg4: memref<1x128xf32, #tpu.memory_space<vmem>>, %arg5: memref<128x128xf32, #tpu.memory_space<vmem>>, %arg6: memref<1x128xf32, #tpu.memory_space<vmem>>, %arg7: memref<128x128xf32, #tpu.memory_space<vmem>>, %arg8: memref<1x128xf32, #tpu.memory_space<vmem>>, %arg9: memref<1x128xf32, #tpu.memory_space<vmem>>, %arg10: memref<10000x128xf32, #tpu.memory_space<vmem>>, %arg11: memref<10240x1xf32, #tpu.memory_space<vmem>>, %arg12: memref<10240x1xf32, #tpu.memory_space<vmem>>) attributes {dimension_semantics = [], scalar_prefetch = 0 : i64, scratch_operands = 0 : i64, tpu.core_type = #tpu.core_type<tc>} {
    %get3A = arith.constant 0 : index
    %get3A_0 = arith.constant 0 : index
    %get3A_1 = arith.constant 0 : index
    %get3A_2 = vector.load %arg0[%get3A, %get3A_0, %get3A_1] : memref<2x10000x128xf32, #tpu.memory_space<vmem>>, vector<2x10000x128xf32>
    %get3A_3 = arith.constant 0 : index
    %get3A_4 = arith.constant 0 : index
    %get3A_5 = vector.load %arg1[%get3A_3, %get3A_4] : memref<32x10240xf32, #tpu.memory_space<vmem>>, vector<32x10240xf32>
    %get3A_6 = arith.constant 0 : index
    %get3A_7 = arith.constant 0 : index
    %get3A_8 = vector.load %arg2[%get3A_6, %get3A_7] : memref<1x128xf32, #tpu.memory_space<vmem>>, vector<1x128xf32>
    %slice3A = vector.extract_strided_slice %get3A_2 {offsets = [0, 0, 0], sizes = [1, 10000, 128], strides = [1, 1, 1]} : vector<2x10000x128xf32> to vector<1x10000x128xf32>
    %squeeze3A = vector.shape_cast %slice3A : vector<1x10000x128xf32> to vector<10000x128xf32>
    %slice3A_9 = vector.extract_strided_slice %get3A_2 {offsets = [1, 0, 0], sizes = [1, 10000, 128], strides = [1, 1, 1]} : vector<2x10000x128xf32> to vector<1x10000x128xf32>
    %squeeze3A_10 = vector.shape_cast %slice3A_9 : vector<1x10000x128xf32> to vector<10000x128xf32>
    %add3A = arith.addf %squeeze3A, %squeeze3A_10 : vector<10000x128xf32>
    %broadcast_in_dim3A = arith.constant 1.000000e+00 : f32
    %broadcast_in_dim3A_11 = vector.broadcast %broadcast_in_dim3A : f32 to vector<32x1xf32>
    %dot_general3A = arith.constant dense<0.000000e+00> : vector<10240x1xf32>
    %dot_general3A_12 = tpu.matmul %get3A_5, %broadcast_in_dim3A_11, %dot_general3A {dimension_numbers = #tpu.dot_dimension_numbers<[0], [0], [1], [1], [0, 1, 1, 1], [], []>, transpose_lhs_hint = false} : vector<32x10240xf32>, vector<32x1xf32>, vector<10240x1xf32> -> vector<10240x1xf32>
    %slice3A_13 = vector.extract_strided_slice %dot_general3A_12 {offsets = [0, 0], sizes = [10000, 1], strides = [1, 1]} : vector<10240x1xf32> to vector<10000x1xf32>
    %add3A_14 = arith.constant 1.000000e-16 : f32
    %add3A_15 = vector.broadcast %add3A_14 : f32 to vector<10000x1xf32>
    %add3A_16 = arith.addf %slice3A_13, %add3A_15 : vector<10000x1xf32>
    %div3A = vector.broadcast %add3A_16 : vector<10000x1xf32> to vector<10000x128xf32>
    %div3A_17 = arith.divf %add3A, %div3A : vector<10000x128xf32>
    %add3A_18 = vector.broadcast %get3A_8 : vector<1x128xf32> to vector<10000x128xf32>
    %add3A_19 = arith.addf %div3A_17, %add3A_18 : vector<10000x128xf32>
    %get3A_20 = arith.constant 0 : index
    %get3A_21 = arith.constant 0 : index
    %get3A_22 = vector.load %arg3[%get3A_20, %get3A_21] : memref<1x128xf32, #tpu.memory_space<vmem>>, vector<1x128xf32>
    %get3A_23 = arith.constant 0 : index
    %get3A_24 = arith.constant 0 : index
    %get3A_25 = vector.load %arg4[%get3A_23, %get3A_24] : memref<1x128xf32, #tpu.memory_space<vmem>>, vector<1x128xf32>
    %get3A_26 = arith.constant 0 : index
    %get3A_27 = arith.constant 0 : index
    %get3A_28 = vector.load %arg5[%get3A_26, %get3A_27] : memref<128x128xf32, #tpu.memory_space<vmem>>, vector<128x128xf32>
    %get3A_29 = arith.constant 0 : index
    %get3A_30 = arith.constant 0 : index
    %get3A_31 = vector.load %arg6[%get3A_29, %get3A_30] : memref<1x128xf32, #tpu.memory_space<vmem>>, vector<1x128xf32>
    %get3A_32 = arith.constant 0 : index
    %get3A_33 = arith.constant 0 : index
    %get3A_34 = vector.load %arg7[%get3A_32, %get3A_33] : memref<128x128xf32, #tpu.memory_space<vmem>>, vector<128x128xf32>
    %get3A_35 = arith.constant 0 : index
    %get3A_36 = arith.constant 0 : index
    %get3A_37 = vector.load %arg8[%get3A_35, %get3A_36] : memref<1x128xf32, #tpu.memory_space<vmem>>, vector<1x128xf32>
    %get3A_38 = arith.constant 0 : index
    %get3A_39 = arith.constant 0 : index
    %get3A_40 = vector.load %arg9[%get3A_38, %get3A_39] : memref<1x128xf32, #tpu.memory_space<vmem>>, vector<1x128xf32>
    %reduce_sum3A = arith.constant dense<0.000000e+00> : vector<128xf32>
    %reduce_sum3A_41 = vector.multi_reduction <add>, %add3A_19, %reduce_sum3A [0] : vector<10000x128xf32> to vector<128xf32>
    %broadcast_in_dim3A_42 = vector.shape_cast %reduce_sum3A_41 : vector<128xf32> to vector<1x128xf32>
    %div3A_43 = arith.constant 1.000000e+04 : f32
    %div3A_44 = vector.broadcast %div3A_43 : f32 to vector<1x128xf32>
    %div3A_45 = arith.divf %broadcast_in_dim3A_42, %div3A_44 : vector<1x128xf32>
    %mul3A = arith.mulf %add3A_19, %add3A_19 : vector<10000x128xf32>
    %reduce_sum3A_46 = arith.constant dense<0.000000e+00> : vector<128xf32>
    %reduce_sum3A_47 = vector.multi_reduction <add>, %mul3A, %reduce_sum3A_46 [0] : vector<10000x128xf32> to vector<128xf32>
    %broadcast_in_dim3A_48 = vector.shape_cast %reduce_sum3A_47 : vector<128xf32> to vector<1x128xf32>
    %div3A_49 = arith.constant 1.000000e+04 : f32
    %div3A_50 = vector.broadcast %div3A_49 : f32 to vector<1x128xf32>
    %div3A_51 = arith.divf %broadcast_in_dim3A_48, %div3A_50 : vector<1x128xf32>
    %mul3A_52 = arith.mulf %div3A_45, %div3A_45 : vector<1x128xf32>
    %sub3A = arith.subf %div3A_51, %mul3A_52 : vector<1x128xf32>
    %sub3A_53 = vector.broadcast %div3A_45 : vector<1x128xf32> to vector<10000x128xf32>
    %sub3A_54 = arith.subf %add3A_19, %sub3A_53 : vector<10000x128xf32>
    %add3A_55 = arith.constant 9.99999974E-6 : f32
    %add3A_56 = vector.broadcast %add3A_55 : f32 to vector<1x128xf32>
    %add3A_57 = arith.addf %sub3A, %add3A_56 : vector<1x128xf32>
    %rsqrt3A = math.rsqrt %add3A_57 : vector<1x128xf32>
    %mul3A_58 = vector.broadcast %rsqrt3A : vector<1x128xf32> to vector<10000x128xf32>
    %mul3A_59 = arith.mulf %sub3A_54, %mul3A_58 : vector<10000x128xf32>
    %mul3A_60 = vector.broadcast %get3A_22 : vector<1x128xf32> to vector<10000x128xf32>
    %mul3A_61 = arith.mulf %mul3A_59, %mul3A_60 : vector<10000x128xf32>
    %add3A_62 = vector.broadcast %get3A_25 : vector<1x128xf32> to vector<10000x128xf32>
    %add3A_63 = arith.addf %mul3A_61, %add3A_62 : vector<10000x128xf32>
    %dot_general3A_64 = arith.constant dense<0.000000e+00> : vector<10000x128xf32>
    %dot_general3A_65 = tpu.matmul %add3A_63, %get3A_28, %dot_general3A_64 {dimension_numbers = #tpu.dot_dimension_numbers<[1], [1], [0], [0], [0, 0, 1, 0], [], []>, transpose_lhs_hint = false} : vector<10000x128xf32>, vector<128x128xf32>, vector<10000x128xf32> -> vector<10000x128xf32>
    %add3A_66 = vector.broadcast %get3A_31 : vector<1x128xf32> to vector<10000x128xf32>
    %add3A_67 = arith.addf %dot_general3A_65, %add3A_66 : vector<10000x128xf32>
    %max3A = arith.constant 0.000000e+00 : f32
    %max3A_68 = vector.broadcast %max3A : f32 to vector<10000x128xf32>
    %max3A_69 = arith.maximumf %add3A_67, %max3A_68 : vector<10000x128xf32>
    %dot_general3A_70 = arith.constant dense<0.000000e+00> : vector<10000x128xf32>
    %dot_general3A_71 = tpu.matmul %max3A_69, %get3A_34, %dot_general3A_70 {dimension_numbers = #tpu.dot_dimension_numbers<[1], [1], [0], [0], [0, 0, 1, 0], [], []>, transpose_lhs_hint = false} : vector<10000x128xf32>, vector<128x128xf32>, vector<10000x128xf32> -> vector<10000x128xf32>
    %dot_general3A_72 = arith.constant dense<0.000000e+00> : vector<10000x1xf32>
    %dot_general3A_73 = tpu.matmul %dot_general3A_71, %get3A_37, %dot_general3A_72 {dimension_numbers = #tpu.dot_dimension_numbers<[1], [1], [0], [0], [0, 0, 1, 0], [], []>, transpose_lhs_hint = false} : vector<10000x128xf32>, vector<1x128xf32>, vector<10000x1xf32> -> vector<10000x1xf32>
    %dot_general3A_74 = arith.constant dense<0.000000e+00> : vector<10000x1xf32>
    %dot_general3A_75 = tpu.matmul %dot_general3A_71, %get3A_40, %dot_general3A_74 {dimension_numbers = #tpu.dot_dimension_numbers<[1], [1], [0], [0], [0, 0, 1, 0], [], []>, transpose_lhs_hint = false} : vector<10000x128xf32>, vector<1x128xf32>, vector<10000x1xf32> -> vector<10000x1xf32>
    %reduce_max3A = vector.shape_cast %dot_general3A_73 : vector<10000x1xf32> to vector<1x10000x1xf32>
    %reduce_max3A_76 = arith.constant dense<0xFF800000> : vector<1xf32>
    %reduce_max3A_77 = vector.multi_reduction <maximumf>, %reduce_max3A, %reduce_max3A_76 [1, 2] : vector<1x10000x1xf32> to vector<1xf32>
    %reduce_max3A_78 = vector.shape_cast %reduce_max3A_77 : vector<1xf32> to vector<1x1x1xf32>
    %reduce_max3A_79 = vector.extract %reduce_max3A_78[0, 0, 0] : f32 from vector<1x1x1xf32>
    %reduce_max3A_80 = vector.shape_cast %dot_general3A_75 : vector<10000x1xf32> to vector<1x10000x1xf32>
    %reduce_max3A_81 = arith.constant dense<0xFF800000> : vector<1xf32>
    %reduce_max3A_82 = vector.multi_reduction <maximumf>, %reduce_max3A_80, %reduce_max3A_81 [1, 2] : vector<1x10000x1xf32> to vector<1xf32>
    %reduce_max3A_83 = vector.shape_cast %reduce_max3A_82 : vector<1xf32> to vector<1x1x1xf32>
    %reduce_max3A_84 = vector.extract %reduce_max3A_83[0, 0, 0] : f32 from vector<1x1x1xf32>
    %add3A_85 = arith.addf %reduce_max3A_79, %reduce_max3A_84 : f32
    %ge3A = arith.constant 0.000000e+00 : f32
    %ge3A_86 = arith.cmpf oge, %add3A_85, %ge3A : f32
    %mul3A_87 = arith.constant 2.000000e-01 : f32
    %mul3A_88 = arith.mulf %mul3A_87, %add3A_85 : f32
    %select_n3A = arith.select %ge3A_86, %add3A_85, %mul3A_88 : f32
    %broadcast_in_dim3A_89 = arith.constant 0.000000e+00 : f32
    %broadcast_in_dim3A_90 = vector.broadcast %broadcast_in_dim3A_89 : f32 to vector<240x1xf32>
    %concatenate3A = tpu.concatenate %dot_general3A_73, %broadcast_in_dim3A_90 in 0 : vector<10000x1xf32>, vector<240x1xf32> -> vector<10240x1xf32>
    %broadcast_in_dim3A_91 = vector.broadcast %select_n3A : f32 to vector<240x1xf32>
    %concatenate3A_92 = tpu.concatenate %dot_general3A_75, %broadcast_in_dim3A_91 in 0 : vector<10000x1xf32>, vector<240x1xf32> -> vector<10240x1xf32>
    %swap3A = arith.constant 0 : index
    %swap3A_93 = arith.constant 0 : index
    %swap3A_94 = vector.load %arg10[%swap3A, %swap3A_93] : memref<10000x128xf32, #tpu.memory_space<vmem>>, vector<10000x128xf32>
    tpu.vector_store %arg10[%swap3A, %swap3A_93], %dot_general3A_71 {strides = array<i32>} : memref<10000x128xf32, #tpu.memory_space<vmem>>, vector<10000x128xf32>,
    %swap3A_95 = arith.constant 0 : index
    %swap3A_96 = arith.constant 0 : index
    %swap3A_97 = vector.load %arg11[%swap3A_95, %swap3A_96] : memref<10240x1xf32, #tpu.memory_space<vmem>>, vector<10240x1xf32>
    tpu.vector_store %arg11[%swap3A_95, %swap3A_96], %concatenate3A {strides = array<i32>} : memref<10240x1xf32, #tpu.memory_space<vmem>>, vector<10240x1xf32>,
    %swap3A_98 = arith.constant 0 : index
    %swap3A_99 = arith.constant 0 : index
    %swap3A_100 = vector.load %arg12[%swap3A_98, %swap3A_99] : memref<10240x1xf32, #tpu.memory_space<vmem>>, vector<10240x1xf32>
    tpu.vector_store %arg12[%swap3A_98, %swap3A_99], %concatenate3A_92 {strides = array<i32>} : memref<10240x1xf32, #tpu.memory_space<vmem>>, vector<10240x1xf32>,
    return
  }
}

module attributes {stable_mosaic.version = 14 : i64} {
  func.func @_post_body(%arg0: memref<2x10000x128xf32, #tpu.memory_space<vmem>>, %arg1: memref<32x10240xf32, #tpu.memory_space<vmem>>, %arg2: memref<1x128xf32, #tpu.memory_space<vmem>>, %arg3: memref<1x10000xi32, #tpu.memory_space<vmem>>, %arg4: memref<128x128xf32, #tpu.memory_space<vmem>>, %arg5: memref<1x128xf32, #tpu.memory_space<vmem>>, %arg6: memref<64x128xf32, #tpu.memory_space<vmem>>) attributes {dimension_semantics = [], scalar_prefetch = 0 : i64, scratch_operands = 0 : i64, tpu.core_type = #tpu.core_type<tc>} {
    %get3A = arith.constant 0 : index
    %get3A_0 = arith.constant 0 : index
    %get3A_1 = arith.constant 0 : index
    %get3A_2 = vector.load %arg0[%get3A, %get3A_0, %get3A_1] : memref<2x10000x128xf32, #tpu.memory_space<vmem>>, vector<2x10000x128xf32>
    %get3A_3 = arith.constant 0 : index
    %get3A_4 = arith.constant 0 : index
    %get3A_5 = vector.load %arg1[%get3A_3, %get3A_4] : memref<32x10240xf32, #tpu.memory_space<vmem>>, vector<32x10240xf32>
    %get3A_6 = arith.constant 0 : index
    %get3A_7 = arith.constant 0 : index
    %get3A_8 = vector.load %arg2[%get3A_6, %get3A_7] : memref<1x128xf32, #tpu.memory_space<vmem>>, vector<1x128xf32>
    %slice3A = vector.extract_strided_slice %get3A_2 {offsets = [0, 0, 0], sizes = [1, 10000, 128], strides = [1, 1, 1]} : vector<2x10000x128xf32> to vector<1x10000x128xf32>
    %squeeze3A = vector.shape_cast %slice3A : vector<1x10000x128xf32> to vector<10000x128xf32>
    %slice3A_9 = vector.extract_strided_slice %get3A_2 {offsets = [1, 0, 0], sizes = [1, 10000, 128], strides = [1, 1, 1]} : vector<2x10000x128xf32> to vector<1x10000x128xf32>
    %squeeze3A_10 = vector.shape_cast %slice3A_9 : vector<1x10000x128xf32> to vector<10000x128xf32>
    %add3A = arith.addf %squeeze3A, %squeeze3A_10 : vector<10000x128xf32>
    %broadcast_in_dim3A = arith.constant 1.000000e+00 : f32
    %broadcast_in_dim3A_11 = vector.broadcast %broadcast_in_dim3A : f32 to vector<32x1xf32>
    %dot_general3A = arith.constant dense<0.000000e+00> : vector<10240x1xf32>
    %dot_general3A_12 = tpu.matmul %get3A_5, %broadcast_in_dim3A_11, %dot_general3A {dimension_numbers = #tpu.dot_dimension_numbers<[0], [0], [1], [1], [0, 1, 1, 1], [], []>, transpose_lhs_hint = false} : vector<32x10240xf32>, vector<32x1xf32>, vector<10240x1xf32> -> vector<10240x1xf32>
    %slice3A_13 = vector.extract_strided_slice %dot_general3A_12 {offsets = [0, 0], sizes = [10000, 1], strides = [1, 1]} : vector<10240x1xf32> to vector<10000x1xf32>
    %add3A_14 = arith.constant 1.000000e-16 : f32
    %add3A_15 = vector.broadcast %add3A_14 : f32 to vector<10000x1xf32>
    %add3A_16 = arith.addf %slice3A_13, %add3A_15 : vector<10000x1xf32>
    %div3A = vector.broadcast %add3A_16 : vector<10000x1xf32> to vector<10000x128xf32>
    %div3A_17 = arith.divf %add3A, %div3A : vector<10000x128xf32>
    %add3A_18 = vector.broadcast %get3A_8 : vector<1x128xf32> to vector<10000x128xf32>
    %add3A_19 = arith.addf %div3A_17, %add3A_18 : vector<10000x128xf32>
    %get3A_20 = arith.constant 0 : index
    %get3A_21 = arith.constant 0 : index
    %get3A_22 = vector.load %arg4[%get3A_20, %get3A_21] : memref<128x128xf32, #tpu.memory_space<vmem>>, vector<128x128xf32>
    %dot_general3A_23 = arith.constant dense<0.000000e+00> : vector<10000x128xf32>
    %dot_general3A_24 = tpu.matmul %add3A_19, %get3A_22, %dot_general3A_23 {dimension_numbers = #tpu.dot_dimension_numbers<[1], [1], [0], [0], [0, 0, 1, 0], [], []>, transpose_lhs_hint = false} : vector<10000x128xf32>, vector<128x128xf32>, vector<10000x128xf32> -> vector<10000x128xf32>
    %iota3A = tpu.iota {dimensions = array<i32: 0>} : vector<64x10000xi32>
    %get3A_25 = arith.constant 0 : index
    %get3A_26 = arith.constant 0 : index
    %get3A_27 = vector.load %arg3[%get3A_25, %get3A_26] : memref<1x10000xi32, #tpu.memory_space<vmem>>, vector<1x10000xi32>
    %eq3A = vector.broadcast %get3A_27 : vector<1x10000xi32> to vector<64x10000xi32>
    %eq3A_28 = arith.cmpi eq, %iota3A, %eq3A : vector<64x10000xi32>
    %jit3A = arith.constant 1.000000e+00 : f32
    %jit3A_29 = arith.constant 0.000000e+00 : f32
    %broadcast_in_dim3A_30 = vector.broadcast %jit3A : f32 to vector<64x10000xf32>
    %broadcast_in_dim3A_31 = vector.broadcast %jit3A_29 : f32 to vector<64x10000xf32>
    %select_n3A = arith.select %eq3A_28, %broadcast_in_dim3A_30, %broadcast_in_dim3A_31 : vector<64x10000xi1>, vector<64x10000xf32>
    %dot_general3A_32 = arith.constant dense<0.000000e+00> : vector<64x128xf32>
    %dot_general3A_33 = tpu.matmul %select_n3A, %dot_general3A_24, %dot_general3A_32 {dimension_numbers = #tpu.dot_dimension_numbers<[1], [0], [0], [1], [0, 0, 1, 1], [], []>, transpose_lhs_hint = false} : vector<64x10000xf32>, vector<10000x128xf32>, vector<64x128xf32> -> vector<64x128xf32>
    %reduce_sum3A = arith.constant dense<0.000000e+00> : vector<64xf32>
    %reduce_sum3A_34 = vector.multi_reduction <add>, %select_n3A, %reduce_sum3A [1] : vector<64x10000xf32> to vector<64xf32>
    %broadcast_in_dim3A_35 = vector.shape_cast %reduce_sum3A_34 : vector<64xf32> to vector<64x1xf32>
    %get3A_36 = arith.constant 0 : index
    %get3A_37 = arith.constant 0 : index
    %get3A_38 = vector.load %arg5[%get3A_36, %get3A_37] : memref<1x128xf32, #tpu.memory_space<vmem>>, vector<1x128xf32>
    %mul3A = vector.broadcast %broadcast_in_dim3A_35 : vector<64x1xf32> to vector<64x128xf32>
    %mul3A_39 = vector.broadcast %get3A_38 : vector<1x128xf32> to vector<64x128xf32>
    %mul3A_40 = arith.mulf %mul3A, %mul3A_39 : vector<64x128xf32>
    %add3A_41 = arith.addf %dot_general3A_33, %mul3A_40 : vector<64x128xf32>
    %swap3A = arith.constant 0 : index
    %swap3A_42 = arith.constant 0 : index
    %swap3A_43 = vector.load %arg6[%swap3A, %swap3A_42] : memref<64x128xf32, #tpu.memory_space<vmem>>, vector<64x128xf32>
    tpu.vector_store %arg6[%swap3A, %swap3A_42], %add3A_41 {strides = array<i32>} : memref<64x128xf32, #tpu.memory_space<vmem>>, vector<64x128xf32>,
    return
  }
}

</mosaic_0001>

<sc_bundles>
// kernel: kernel.12.cloned.1.call-start
scs
__scs_entry_jumppad:
0x0: {  	(pc) =	sbr.rel $0x88, $3  }
0x1: {  	(tag) =	ssettag $0x0;
	lr =	simm.s32 $0x1  }
0x2: {  	[smem:$0x3F8B] =	sst lr;
	_ =	strace $0xD0000000  }
0x3: {  	_ = 	snop  }
0x4: {  	_ = 	snop  }
0x5: {  	_ = 	snop  }
0x6: {  	_ = 	snop  }
0x7: {  	_ = 	snop  }
__scs_overlays_trampoline_lowered:
0x8: {  	[smem:$0x3F9A] =	sst s0  }
0x9: {  	[smem:$0x3F9B] =	sst s1  }
0xa: {  	[smem:$0x3F9C] =	sst s2  }
0xb: {  	[smem:$0x3F9D] =	sst s3  }
0xc: {  	[smem:$0x3F9E] =	sst s4  }
0xd: {  	[smem:$0x3F9F] =	sst s5  }
0xe: {  	[smem:$0x3FA0] =	sst s6  }
0xf: {  	[smem:$0x3FA1] =	sst s7  }
0x10: {  	[smem:$0x3FA2] =	sst s8  }
0x11: {  	[smem:$0x3FA3] =	sst s9;
	s0 =	simm.s32 @!p0 $0x0  }
0x12: {  	s1 =	sld [smem:$0x3F89];
	s0 =	simm.s32 @p0 $0x1  }
0x13: {  	[smem:$0x3FA4] =	sst s0;
	s0 =	simm.s32 @!p1 $0x0  }
0x14: {  	s2 =	sld [smem:$0x3F88];
	s0 =	simm.s32 @p1 $0x1  }
0x15: {  	[smem:$0x3FA5] =	sst s0;
	s0 =	simm.s32 @!p2 $0x0  }
0x16: {  	s3 =	sld [smem:$0x3FDB];
	s0 =	simm.s32 @p2 $0x1  }
0x17: {  	s4 =	simm.s32 $0x1BF5;
	[smem:$0x3FA7] =	sst s0  }
0x18: {  	s0 =	sld [smem:$0x3F8A];
	_ =	swait.ge [sflag:s4], $0x0  }
0x19: {  	s7 =	sld [smem:$0x3F8B]  }
0x1a: {  	s8 =	sadd.s32 $0xFFFFE003, lr  }
0x1b: {  	s9 =	sadd.s32 $0xFFFFFEF7, lr;
	s5 =	simm.s32 $0xFFFFFFFF;
	p2 =	slt.u32 s8, $0xFFFFF086  }
0x1c: {  	p1 =	slt.u32 s9, $0xF7A;
	s5 =	simm.s32 @!p2 $0x0  }
0x1d: {  	s5 =	simm.s32 @p1 $0x1;
	p0 =	seq.s32 s7, s2  }
0x1e: {  	s7 =	smul.u32 @!p0 $0xF7A, s2;
	p2 =	seq.s32 @!p0 s5, $0x0  }
0x1f: {  	s9 =	smul.u32 $0xF7A, s1;
	s8 =	simm.s32 @!p0 $0x1BF5;
	p2 =	por !p2, p0  }
0x20: {  	[sflag:s8] =	ssyncset.s32 @!p0 $0xFFFFF086;
	s6 =	sadd.s32 @!p0 s3, s7;
	s7 =	simm.s32 @!p0 $0x108  }
0x21: {  	s3 =	sadd.s32 s3, s9;
	s6 =	sadd.s32 @!p0 $0x88, s6;
	s7 =	simm.s32 @p2 $0x1082  }
0x22: {  	[simem:s7], [sflag:s8] =	dma.local @!p0 [hbm:s6], $0xF7A  }
0x23: {  	s9 =	sor.u32 $0xD0000000, s2;
	s6 =	simm.s32 $0x108;
	_ =	swait.ge @!p0 [sflag:s8], $0x0  }
0x24: {  	s3 =	sadd.s32 $0x88, s3;
	s6 =	simm.s32 @!p1 $0x1082;
	[sflag:s4] =	ssyncset.s32 $0xFFFFF086  }
0x25: {  	[simem:s6], [sflag:s4] =	dma.local [hbm:s3], $0xF7A  }
0x26: {  	[smem:$0x3F8B] =	sst s1;
	(tag) =	ssettag s2;
	_ =	strace s9  }
0x27: {  	s1 =	sld [smem:$0x3F9B]  }
0x28: {  	s2 =	sld [smem:$0x3F9C]  }
0x29: {  	s4 =	sld [smem:$0x3F9E]  }
0x2a: {  	p0 =	seq.s32 s5, $0x0;
	s5 =	sld [smem:$0x3F9F]  }
0x2b: {  	s6 =	sld [smem:$0x3FA0]  }
0x2c: {  	s7 =	sld [smem:$0x3FA1]  }
0x2d: {  	s3 =	simm.s32 $0x108;
	s8 =	sld [smem:$0x3FA2]  }
0x2e: {  	s3 =	simm.s32 @!p0 $0x1082;
	s9 =	sld [smem:$0x3FA3]  }
0x2f: {  	lr =	sadd.s32 s0, s3;
	s0 =	sld [smem:$0x3F9A]  }
0x30: {  	s3 =	sld [smem:$0x3F9D]  }
0x31: {  	[smem:$0x3FA6] =	sst s10  }
0x32: {  	s10 =	sld [smem:$0x3FA4];
	_ =	sdelay $0x3  }
0x33: {  	p0 =	seq.s32 s10, $0x1;
	s10 =	sld [smem:$0x3FA6];
	_ =	sdelay $0x3  }
0x34: {  	[smem:$0x3FA6] =	sst s10  }
0x35: {  	s10 =	sld [smem:$0x3FA5];
	_ =	sdelay $0x3  }
0x36: {  	p1 =	seq.s32 s10, $0x1;
	s10 =	sld [smem:$0x3FA6];
	_ =	sdelay $0x3  }
0x37: {  	[smem:$0x3FA6] =	sst s10  }
0x38: {  	s10 =	sld [smem:$0x3FA7]  }
0x39: {  	_ = 	snop;
	(pc) =	sbr.ind lr, $3  }
0x3a: {  	_ = 	snop  }
0x3b: {  	_ = 	snop  }
0x3c: {  	p2 =	seq.s32 s10, $0x1;
	s10 =	sld [smem:$0x3FA6]  }
0x3d: {  	_ =	shalt  }
0x3e: {  	_ =	shalt  }
0x3f: {  	_ =	shalt  }
0x40: {  	_ =	shalt  }
0x41: {  	_ =	shalt  }
0x42: {  	_ =	shalt  }
0x43: {  	_ =	shalt  }
0x44: {  	_ =	shalt  }
0x45: {  	_ =	shalt  }
0x46: {  	_ =	shalt  }
0x47: {  	_ =	shalt  }
0x48: {  	_ =	shalt  }
0x49: {  	_ =	shalt  }
0x4a: {  	_ =	shalt  }
0x4b: {  	_ =	shalt  }
0x4c: {  	_ =	shalt  }
0x4d: {  	_ =	shalt  }
0x4e: {  	_ =	shalt  }
0x4f: {  	_ =	shalt  }
0x50: {  	_ =	shalt  }
0x51: {  	_ =	shalt  }
0x52: {  	_ =	shalt  }
0x53: {  	_ =	shalt  }
0x54: {  	_ =	shalt  }
0x55: {  	_ =	shalt  }
0x56: {  	_ =	shalt  }
0x57: {  	_ =	shalt  }
0x58: {  	_ =	shalt  }
0x59: {  	_ =	shalt  }
0x5a: {  	_ =	shalt  }
0x5b: {  	_ =	shalt  }
0x5c: {  	_ =	shalt  }
0x5d: {  	_ =	shalt  }
0x5e: {  	_ =	shalt  }
0x5f: {  	_ =	shalt  }
0x60: {  	_ =	shalt  }
0x61: {  	_ =	shalt  }
0x62: {  	_ =	shalt  }
0x63: {  	_ =	shalt  }
0x64: {  	_ =	shalt  }
0x65: {  	_ =	shalt  }
0x66: {  	_ =	shalt  }
0x67: {  	_ =	shalt  }
0x68: {  	_ =	shalt  }
0x69: {  	_ =	shalt  }
0x6a: {  	_ =	shalt  }
0x6b: {  	_ =	shalt  }
0x6c: {  	_ =	shalt  }
0x6d: {  	_ =	shalt  }
0x6e: {  	_ =	shalt  }
0x6f: {  	_ =	shalt  }
0x70: {  	_ =	shalt  }
0x71: {  	_ =	shalt  }
0x72: {  	_ =	shalt  }
0x73: {  	_ =	shalt  }
0x74: {  	_ =	shalt  }
0x75: {  	_ =	shalt  }
0x76: {  	_ =	shalt  }
0x77: {  	_ =	shalt  }
0x78: {  	_ =	shalt  }
0x79: {  	_ =	shalt  }
0x7a: {  	_ =	shalt  }
0x7b: {  	_ =	shalt  }
0x7c: {  	_ =	shalt  }
0x7d: {  	_ =	shalt  }
0x7e: {  	_ =	shalt  }
0x7f: {  	_ =	shalt  }
0x80: {  	_ =	shalt  }
0x81: {  	_ =	shalt  }
0x82: {  	_ =	shalt  }
0x83: {  	_ =	shalt  }
0x84: {  	_ =	shalt  }
0x85: {  	_ =	shalt  }
0x86: {  	_ =	shalt  }
0x87: {  	_ =	shalt  }
.Lfunc_end0:
.L_simem_size_0:
called_computation.1_lowered:
.L_overlay_start_0:
0x88: {  	s2 =	sld [smem:$0x3FD9]  }
0x89: {  	s3 =	sld [smem:$0x3FFE];
	_ =	sdelay $0x1  }
0x8a: {  	s1 =	srdreg.scid  }
0x8b: {  	s0 =	sand.u32 $0x1, s1  }
0x8c: {  	s16 =	sshll.u32 s0, $0xA;
	s2 =	sadd.s32 s3, s2  }
0x8d: {  	s2 =	sadd.s32 s2, s16  }
0x8e: {  	[smem:$0x3FB2] =	sst s2  }
0x8f: {  	_ = 	snop  }
0x90: {  	(tm) =	ssettm $0x1  }
0x91: {  	s17 =	sld [smem:$0x3FFB];
	_ =	sdelay $0x3  }
0x92: {  	_ =	strace s17  }
0x93: {  	s2 =	sld [smem:$0x3FFC];
	_ =	sdelay $0x3  }
0x94: {  	_ =	strace s2  }
0x95: {  	s2 =	sld [smem:$0x3FFD];
	_ =	sdelay $0x3  }
0x96: {  	_ =	strace s2  }
0x97: {  	_ =	strace $0x8FFFFFFF  }
0x98: {  	s18 =	sld [smem:$0x3FDB];
	_ =	sdelay $0x1  }
0x99: {  	s19 =	simm.s32 $_scs_section_size  }
0x9a: {  	s4 =	simm.s32 $_size__tile_overlayer_lowered;
	s5 =	simm.s32 $_tile_overlayer_lowered  }
0x9b: {  	s22 =	simm.s32 $0x1BFF;
	s21 =	sshll.u32 s5, $0x1;
	s2 =	sadd.s32 s19, s18  }
0x9c: {  	s6 =	simm.s32 $0x0;
	s20 =	sshll.u32 s4, $0x1;
	s4 =	sadd.s32 s21, s2  }
0x9d: {  	[timem:s6], [sflag:s22] =	dma.local [hbm:s4], s20  }
0x9e: {  	_ =	swait.ge [sflag:s22], s20  }
0x9f: {  	s3 =	ssub.s32 $0x0, s20;
	[sflag:s22] =	ssyncset.done $0x0  }
0xa0: {  	[sflag:s22] =	ssyncadd.s32 s3;
	_ =	sdelay $0x1  }
0xa1: {  	s23 =	simm.s32 $0x1B8B  }
0xa2: {  	_ =	swait.ge [sflag:s23], $0x1  }
0xa3: {  	[sflag:s23] =	ssyncset.done $0x0  }
0xa4: {  	s25 =	simm.s32 $0x1B8E;
	s24 =	sld [smem:$0x3FFE];
	[sflag:s23] =	ssyncadd.s32 $0xFFFFFFFF  }
0xa5: {  	s26 =	simm.s32 $execute0_lowered;
	[smem:$0x3FD2] =	sst s25  }
0xa6: {  	s4 =	sshll.u32 s26, $0x1;
	_ =	strace $0x80000049;
	[dreg:$0x1] =	wrdreg $0xFFFFFFFF  }
0xa7: {  	s28 =	simm.s32 $_size_execute0_lowered;
	s2 =	sadd.s32 s2, s4;
	[dreg:$0x0] =	wrdreg $0x0  }
0xa8: {  	s4 =	sshll.u32 s28, $0x1;
	[dreg:$0x2] =	wrdreg s2  }
0xa9: {  	[dreg:$0x3] =	wrdreg s4  }
0xaa: {  	[dreg:$0x4] =	wrdreg $0xC0  }
0xab: {  	_ =	task [dreg:s6], $0x5FFFF  }
0xac: {  	[dreg:$0x1] =	wrdreg $0xFFFFFFFF  }
0xad: {  	[dreg:$0x0] =	wrdreg $0x60  }
0xae: {  	[dreg:$0x2] =	wrdreg s24  }
0xaf: {  	[dreg:$0x3] =	wrdreg $0xA2800  }
0xb0: {  	[dreg:$0x4] =	wrdreg $0x9  }
0xb1: {  	_ =	task.clear_ibuf [dreg:s6], $0x5FFFF;
	_ =	strace $0x90000049  }
0xb2: {  	s29 =	simm.s32 $0x9;
	_ =	strace $0x8000004B  }
0xb3: {  	_ =	swait.ge [sflag:s29], $0x1  }
0xb4: {  	[sflag:s29] =	ssyncadd.s32 $0xFFFFFFFF  }
0xb5: {  	_ =	strace $0x9000004B  }
0xb6: {  	_ =	sfence  }
0xb7: {  	s30 =	sld [smem:$0x0];
	_ =	sdelay $0x2  }
0xb8: {  	s31 =	sshll.u32 s1, $0xD;
	s1 =	sshrl.u32 s1, $0x2  }
0xb9: {  	s3 =	sand.u32 $0x4000, s31;
	s1 =	sadd.s32 s1, s30  }
0xba: {  	s0 =	sor.u32 s3, s0;
	s1 =	sshll.u32 s1, $0x11  }
0xbb: {  	s0 =	sor.u32 s1, s0  }
0xbc: {  	s0 =	sadd.s32 $0x8F2B, s0  }
0xbd: {  	[sflag:s0] =	ssyncadd.remote.s32 $0x1  }
0xbe: {  	_ =	sfence.sel $0xFFFF  }
0xbf: {  	[dreg:$0x0] =	wrdreg $0xFFFFFFFF;
	(pc) =	sbr.abs _section_cstart, $3  }
0xc0: {  	[dreg:$0x1] =	wrdreg $0xFFFFFFFF  }
0xc1: {  	_ =	task.clear_ibuf [dreg:s6], $0x2FFFF;
	_ =	strace $0x9FFFFFFF  }
0xc2: {  	(tm) =	ssettm $0x7FFFFFFF  }
0xc3: {  	_ =	shalt  }
tec
execute0_lowered:
.L_overlay_start_1:
0x0: {  	(tag) =	ssettag $0x1  }
0x1: {  	s0 =	rddreg [dreg:$0x0];
	s1 =	srdreg.scid  }
0x2: {  	s12 =	stileid.u32;
	s2 =	rddreg [dreg:$0x1]  }
0x3: {  	s3 =	simm.s32 $0x0;
	s28 =	simm.s32 $0x5280;
	s29 =	simm.s32 $0x1  }
0x4: {  	s30 =	simm.s32 $0x7;
	s31 =	simm.s32 $0x4;
	s20 =	simm.s32 $0x2880  }
0x5: {  	s15 =	simm.s32 $0x3;
	s14 =	simm.s32 $0x6;
	s16 =	simm.s32 $0xB  }
0x6: {  	s19 =	simm.s32 $0x0;
	s1 =	sand.u32 $0x1, s1;
	s4 =	sshll.u32 s12, $0x1  }
0x7: {  	[smem:$0x7FF] =	sst s3;
	s5 =	sadd.s32 $0x37000, s0;
	s6 =	sadd.s32 $0x5EE00, s0  }
0x8: {  	s11 =	smul.u32 $0x50000, s12;
	s7 =	sadd.s32 $0x3400, s0;
	s13 =	sadd.s32 $0x72C00, s0  }
0x9: {  	p0 =	seq.s32 s12, $0xF;
	s4 =	sor.u32 s1, s4;
	s9 =	smul.u32 $0x27100, s1  }
0xa: {  	_ =	strace $0x8000004A;
	s1 =	ssub.s32 $0x2, s1;
	s4 =	smul.u32 $0x2710, s4  }
0xb: {  	[dreg:$0x3] =	wrdreg s13;
	s13 =	simm.s32 $0xA;
	s21 =	sshrl.u32 s1, $0x1  }
0xc: {  	s11 =	sshrl.u32 s11, $0x2;
	s1 =	ssub.s32 s1, s21;
	s8 =	sshrl.u32 s4, $0x3  }
0xd: {  	s21 =	simm.s32 $0x2900;
	s1 =	smax.u32 s1, $0x1;
	s10 =	sadd.s32 s8, s0  }
0xe: {  	s0 =	sadd.s32 s9, s0;
	s9 =	sadd.s32 s11, s2;
	s23 =	sadd.s32 s7, s8  }
0xf: {  	s24 =	sadd.s32 $0xA, s8;
	s8 =	sadd.s32 s6, s8;
	[dreg:$0xa] =	wrdreg s1  }
0x10: {  	s1 =	sshll.u32 @!p0 s12, $0x6;
	s11 =	simm.s32 $0x8;
	[dreg:$0x5] =	wrdreg s23  }
0x11: {  	s22 =	sadd.s32 $0xD200, s10;
	s10 =	sadd.s32 $0x12C000, s2;
	[dreg:$0x6] =	wrdreg s8  }
0x12: {  	s25 =	sadd.s32 s7, s24;
	s26 =	sadd.s32 s6, s24;
	[dreg:$0x4] =	wrdreg s22  }
0x13: {  	s8 =	sadd.s32 $0x75400, s0;
	s0 =	smul.u32 $0x2800, s12;
	[dreg:$0x7] =	wrdreg s25  }
0x14: {  	s18 =	sor.u32 @!p0 $0x1C0D, s1;
	s9 =	sshrl.u32 @!p0 s9, $0x3;
	[dreg:$0x8] =	wrdreg s26  }
0x15: {  	s23 =	simm.s32 $0x2A80;
	s24 =	simm.s32 $0x2800;
	[dreg:$0x9] =	wrdreg s8  }
0x16: {  	s12 =	simm.s32 $0x5;
	s17 =	sshrl.u32 @p0 s10, $0x3;
	[dreg:$0xc] =	wrdreg s18  }
0x17: {  	s22 =	simm.s32 $0x50;
	s26 =	simm.s32 $0x2980;
	[dreg:$0xd] =	wrdreg s9  }
0x18: {  	s10 =	simm.s32 $0x2;
	s0 =	sadd.s32 @!p0 s0, s8;
	[dreg:$0xb] =	wrdreg s17  }
0x19: {  	s25 =	simm.s32 $0x9;
	[dreg:$0xe] =	wrdreg s0;
	s0 =	simm.s32 $0x2A00  }
.LBB2_1:
0x1a: {  	[dreg:$0xf] =	wrdreg s19  }
0x1b: {  	s1 =	rddreg [dreg:$0x4];
	s19 =	simm.s32 $0xD  }
0x1c: {  	[tilespmem:s3], [sflag:$0xD] =	stream.linear.gather [hbm4b:s1+s3], $0x2710, $0x38;
	[tilespmem:$0x1DB00] =	vst v63  }
0x1d: {  	_ =	swait.ge [sflag:s19], $0x2710  }
0x1e: {  	[sflag:s19] =	ssyncset.done $0x0  }
0x1f: {  	s1 =	simm.s32 @p0 $0x1FCD;
	s8 =	rddreg [dreg:$0x3];
	[sflag:s19] =	ssyncadd.s32 $0xFFFFD8F0  }
0x20: {  	[spmem:s17], [sflag:s1] =	dma.local @p0 [hbm:s8], $0x1900  }
0x21: {  	s1 =	simm.s32 @p0 $0xD  }
0x22: {  	_ =	swait.ge @p0 [sflag:s1], $0x1900  }
0x23: {  	[sflag:s1] =	ssyncset.done @p0 $0x0  }
0x24: {  	[sflag:s1] =	ssyncadd.s32 @p0 $0xFFFFE700;
	s1 =	simm.s32 @!p0 $0xD  }
0x25: {  	[spmem:s9], [sflag:s18] =	dma.local @!p0 [hbm:s8], $0x2800  }
0x26: {  	_ =	swait.ge @!p0 [sflag:s1], $0x2800  }
0x27: {  	[sflag:s1] =	ssyncset.done @!p0 $0x0  }
0x28: {  	[sflag:s1] =	ssyncadd.s32 @!p0 $0xFFFFD800  }
0x29: {  	[bflag:$0x0] =	sbarrier.arrive $0xFFFF  }
0x2a: {  	s9 =	simm.s32 $0x2780;
	s8 =	rddreg [dreg:$0x5]  }
0x2b: {  	[tilespmem:s9], [sflag:$0x4] =	stream.linear.gather [hbm4b:s8+s3], $0x50, $0x38;
	[tilespmem:$0x1DB00] =	vst v63  }
0x2c: {  	s17 =	rddreg [dreg:$0x6]  }
0x2d: {  	[tilespmem:s21], [sflag:$0x7] =	stream.linear.gather [hbm4b:s17+s3], $0x50, $0x38;
	[tilespmem:$0x1DB00] =	vst v63  }
0x2e: {  	_ = 	snop  }
0x2f: {  	[tilespmem:s23], [sflag:$0x1] =	stream.indirect.gather [hbm4b:s5+s22], $0x80, s3, s22, $0xb8;
	[tilespmem:$0x1DB00] =	vst v63  }
0x30: {  	s18 =	rddreg [dreg:$0x7]  }
0x31: {  	[tilespmem:s24], [sflag:$0x5] =	stream.linear.gather [hbm4b:s18+s3], $0x50, $0x38;
	[tilespmem:$0x1DB00] =	vst v63  }
0x32: {  	s19 =	rddreg [dreg:$0x8]  }
0x33: {  	[tilespmem:s26], [sflag:$0x8] =	stream.linear.gather [hbm4b:s19+s3], $0x50, $0x38;
	[tilespmem:$0x1DB00] =	vst v63  }
0x34: {  	s17 =	simm.s32 $0x0  }
0x35: {  	[tilespmem:s28], [sflag:$0x2] =	stream.indirect.gather [hbm4b:s5+s22], $0x80, s22, s22, $0xb8;
	[tilespmem:$0x1DB00] =	vst v63  }
.LBB2_2:
0x36: {  	_ =	swait.ge [sflag:s29], $0x2800  }
0x37: {  	s1 =	simm.s32 $0x0;
	[sflag:s29] =	ssyncset.done $0x0  }
0x38: {  	s18 =	simm.s32 $0x2;
	v0 =	vmov s1;
	[sflag:s29] =	ssyncadd.s32 $0xFFFFD800  }
0x39: {  	v1 =	vmov s18;
	v0 =	vand.u32 $0xFFFFFFFC, v0;
	_ =	swait.ge [sflag:s30], $0x50  }
0x3a: {  	v1 =	vand.u32 $0xFFFFFFFE, v1;
	v0 =	vbroadcast v0, $0x0;
	[sflag:s30] =	ssyncset.done $0x0  }
0x3b: {  	s18 =	simm.s32 $0x2B80;
	v1 =	vbroadcast v1, $0x0;
	[sflag:s30] =	ssyncadd.s32 $0xFFFFFFB0  }
0x3c: {  	v3 =	vld [tilespmem:s18+$0x70]  }
0x3d: {  	v4 =	vld [tilespmem:s18+$0xFFFFFF00]  }
0x3e: {  	s19 =	simm.s32 $0x1;
	v5 =	vld [tilespmem:s18+$0xFFFFFF10]  }
0x3f: {  	v2 =	vmov s19;
	v6 =	vld [tilespmem:s18+$0xFFFFFF20]  }
0x40: {  	v2 =	vand.u32 $0xFFFFFFFD, v2;
	v0 =	vld.idx.msk [tilespmem:v0+s21+$0x0], $0xffff  }
0x41: {  	v2 =	vbroadcast v2, $0x0;
	v1 =	vld.idx.msk [tilespmem:v1+s21+$0x0], $0xffff  }
0x42: {  	v7 =	vld [tilespmem:s18+$0xFFFFFF30]  }
0x43: {  	v8 =	vld [tilespmem:s18+$0xFFFFFF40]  }
0x44: {  	v9 =	vld [tilespmem:s18+$0xFFFFFF50]  }
0x45: {  	v10 =	vld [tilespmem:s18+$0xFFFFFF60];
	v4 =	vmul.f32 v4, v0  }
0x46: {  	v12 =	vld [tilespmem:s18+$0x40];
	v3 =	vmul.f32 v3, v1  }
0x47: {  	v2 =	vld.idx.msk [tilespmem:v2+s21+$0x0], $0xffff;
	[tilespmem:s18+$0xFFFFFF00] =	vst v4;
	v4 =	vmul.f32 v5, v0  }
0x48: {  	v5 =	vld [tilespmem:s18+$0xFFFFFF70];
	[tilespmem:s18+$0x70] =	vst v3;
	v3 =	vmul.f32 v6, v0  }
0x49: {  	v6 =	vld [tilespmem:s18+$0xFFFFFF80];
	[tilespmem:s18+$0xFFFFFF10] =	vst v4;
	v4 =	vmul.f32 v7, v0  }
0x4a: {  	v7 =	vld [tilespmem:s18+$0xFFFFFF90];
	[tilespmem:s18+$0xFFFFFF20] =	vst v3;
	v3 =	vmul.f32 v8, v0  }
0x4b: {  	v8 =	vld [tilespmem:s18+$0xFFFFFFA0];
	[tilespmem:s18+$0xFFFFFF30] =	vst v4;
	v4 =	vmul.f32 v9, v0  }
0x4c: {  	v9 =	vld [tilespmem:s18+$0xFFFFFFB0];
	[tilespmem:s18+$0xFFFFFF40] =	vst v3;
	v3 =	vmul.f32 v10, v0  }
0x4d: {  	v10 =	vld [tilespmem:s18+$0xFFFFFFC0];
	v5 =	vmul.f32 v5, v0;
	[tilespmem:s18+$0xFFFFFF50] =	vst v4  }
0x4e: {  	v4 =	vmul.f32 v6, v2;
	v6 =	vld [tilespmem:s18+$0xFFFFFFD0];
	[tilespmem:s18+$0xFFFFFF60] =	vst v3  }
0x4f: {  	s8 =	simm.s32 $0x3;
	v3 =	vld [tilespmem:s18+$0xFFFFFFE0];
	v7 =	vmul.f32 v7, v2;
	[tilespmem:s18+$0xFFFFFF70] =	vst v5  }
0x50: {  	v11 =	vmov s8;
	v5 =	vld [tilespmem:s18+$0xFFFFFFF0];
	[tilespmem:s18+$0xFFFFFF80] =	vst v4;
	v4 =	vmul.f32 v8, v2  }
0x51: {  	v8 =	vld [tilespmem:s18+$0x0];
	[tilespmem:s18+$0xFFFFFF90] =	vst v7;
	v7 =	vmul.f32 v9, v2  }
0x52: {  	v9 =	vld [tilespmem:s18+$0x10];
	[tilespmem:s18+$0xFFFFFFA0] =	vst v4;
	v4 =	vmul.f32 v10, v2  }
0x53: {  	[tilespmem:s18+$0xFFFFFFB0] =	vst v7;
	v6 =	vmul.f32 v6, v2;
	v7 =	vld [tilespmem:s18+$0x20]  }
0x54: {  	v10 =	vld [tilespmem:s18+$0x30];
	v3 =	vmul.f32 v3, v2;
	[tilespmem:s18+$0xFFFFFFC0] =	vst v4  }
0x55: {  	v0 =	vld.idx.msk [tilespmem:v11+s21+$0x0], $0xffff;
	v2 =	vmul.f32 v5, v2;
	[tilespmem:s18+$0xFFFFFFD0] =	vst v6  }
0x56: {  	[tilespmem:s18+$0xFFFFFFE0] =	vst v3;
	v4 =	vmul.f32 v8, v1;
	v3 =	vld [tilespmem:s18+$0x50]  }
0x57: {  	s9 =	simm.s32 $0x4;
	[tilespmem:s18+$0xFFFFFFF0] =	vst v2;
	v5 =	vmul.f32 v9, v1;
	v2 =	vld [tilespmem:s18+$0x60]  }
0x58: {  	s19 =	simm.s32 $0x7;
	v6 =	vmov s9;
	[tilespmem:s18+$0x0] =	vst v4;
	v8 =	vmul.f32 v7, v1;
	v7 =	vld [tilespmem:s18+$0x80]  }
0x59: {  	s8 =	simm.s32 $0x5;
	v11 =	vand.u32 $0xFFFFFFFC, v6;
	v6 =	vld [tilespmem:s18+$0x90];
	v4 =	vmov s19;
	v9 =	vmul.f32 v10, v1;
	[tilespmem:s18+$0x10] =	vst v5  }
0x5a: {  	s1 =	simm.s32 $0x6;
	v10 =	vmul.f32 v12, v1;
	s19 =	simm.s32 $0x2B80;
	v5 =	vbroadcast v11, $0x0;
	v11 =	vmov s8;
	s8 =	simm.s32 $0x8;
	[tilespmem:s18+$0x20] =	vst v8;
	v8 =	vld [tilespmem:s18+$0xA0]  }
.LBB2_3:
0x5b: {  	p1 =	slt.u32 s8, $0x4C;
	v11 =	vand.u32 $0xFFFFFFFD, v11;
	v12 =	vmov s1;
	[tilespmem:s18+$0x30] =	vst v9;
	v3 =	vmul.f32 v3, v1;
	v9 =	vld [tilespmem:s18+$0xB0]  }
0x5c: {  	v11 =	vbroadcast v11, $0x0;
	v12 =	vand.u32 $0xFFFFFFFE, v12;
	[tilespmem:s18+$0x40] =	vst v10;
	v1 =	vmul.f32 v2, v1;
	v2 =	vld [tilespmem:s18+$0xC0]  }
0x5d: {  	v10 =	vbroadcast v12, $0x0;
	[tilespmem:s18+$0x50] =	vst v3;
	v3 =	vmul.f32 v7, v0;
	v7 =	vld [tilespmem:s18+$0xD0]  }
0x5e: {  	[tilespmem:s18+$0x60] =	vst v1;
	v1 =	vmul.f32 v6, v0;
	v6 =	vld [tilespmem:s18+$0xE0]  }
0x5f: {  	[tilespmem:s18+$0x80] =	vst v3;
	v3 =	vmul.f32 v8, v0;
	v8 =	vld [tilespmem:s18+$0xF0]  }
0x60: {  	v4 =	vld.idx.msk [tilespmem:v4+s21+$0x0], $0xffff;
	[tilespmem:s18+$0x90] =	vst v1;
	v1 =	vmul.f32 v9, v0  }
0x61: {  	v5 =	vld.idx.msk [tilespmem:v5+s21+$0x0], $0xffff;
	[tilespmem:s18+$0xA0] =	vst v3;
	v2 =	vmul.f32 v2, v0  }
0x62: {  	v3 =	vld.idx.msk [tilespmem:v11+s21+$0x0], $0xffff;
	[tilespmem:s18+$0xB0] =	vst v1;
	v7 =	vmul.f32 v7, v0  }
0x63: {  	s18 =	sadd.s32 $0x200, s18;
	v1 =	vld.idx.msk [tilespmem:v10+s21+$0x0], $0xffff;
	[tilespmem:s19+$0xC0] =	vst v2;
	v2 =	vmul.f32 v6, v0  }
0x64: {  	v6 =	vld [tilespmem:s18+$0x70];
	[tilespmem:s19+$0xD0] =	vst v7;
	v8 =	vmul.f32 v8, v0  }
0x65: {  	v7 =	vld [tilespmem:s18+$0xFFFFFF00];
	[tilespmem:s19+$0xE0] =	vst v2  }
0x66: {  	v0 =	vmov v4;
	v2 =	vld [tilespmem:s18+$0xFFFFFF10];
	[tilespmem:s19+$0xF0] =	vst v8;
	s19 =	smov.u32 s18  }
0x67: {  	v4 =	vld [tilespmem:s18+$0xFFFFFF20]  }
0x68: {  	v8 =	vld [tilespmem:s18+$0xFFFFFF30]  }
0x69: {  	v9 =	vld [tilespmem:s18+$0xFFFFFF40];
	v6 =	vmul.f32 v6, v1  }
0x6a: {  	v7 =	vmul.f32 v7, v5;
	v10 =	vld [tilespmem:s18+$0xFFFFFF50]  }
0x6b: {  	v2 =	vmul.f32 v2, v5;
	v11 =	vld [tilespmem:s18+$0xFFFFFF60];
	[tilespmem:s18+$0x70] =	vst v6  }
0x6c: {  	[tilespmem:s18+$0xFFFFFF00] =	vst v7;
	v4 =	vmul.f32 v4, v5;
	v6 =	vld [tilespmem:s18+$0xFFFFFF70]  }
0x6d: {  	[tilespmem:s18+$0xFFFFFF10] =	vst v2;
	v2 =	vmul.f32 v8, v5;
	v7 =	vld [tilespmem:s18+$0xFFFFFF80]  }
0x6e: {  	[tilespmem:s18+$0xFFFFFF20] =	vst v4;
	v4 =	vmul.f32 v9, v5;
	v8 =	vld [tilespmem:s18+$0xFFFFFF90]  }
0x6f: {  	[tilespmem:s18+$0xFFFFFF30] =	vst v2;
	v2 =	vmul.f32 v10, v5;
	v9 =	vld [tilespmem:s18+$0xFFFFFFA0]  }
0x70: {  	[tilespmem:s18+$0xFFFFFF40] =	vst v4;
	v4 =	vmul.f32 v11, v5;
	v10 =	vld [tilespmem:s18+$0xFFFFFFB0]  }
0x71: {  	[tilespmem:s18+$0xFFFFFF50] =	vst v2;
	v2 =	vmul.f32 v6, v5;
	v5 =	vld [tilespmem:s18+$0xFFFFFFC0]  }
0x72: {  	[tilespmem:s18+$0xFFFFFF60] =	vst v4;
	v4 =	vmul.f32 v7, v3;
	v6 =	vld [tilespmem:s18+$0xFFFFFFD0]  }
0x73: {  	[tilespmem:s18+$0xFFFFFF70] =	vst v2;
	v2 =	vmul.f32 v8, v3;
	v7 =	vld [tilespmem:s18+$0xFFFFFFE0]  }
0x74: {  	[tilespmem:s18+$0xFFFFFF80] =	vst v4;
	v4 =	vmul.f32 v9, v3;
	v8 =	vld [tilespmem:s18+$0xFFFFFFF0]  }
0x75: {  	[tilespmem:s18+$0xFFFFFF90] =	vst v2;
	v2 =	vmul.f32 v10, v3;
	v9 =	vld [tilespmem:s18+$0x0]  }
0x76: {  	[tilespmem:s18+$0xFFFFFFA0] =	vst v4;
	v4 =	vmul.f32 v5, v3;
	v5 =	vld [tilespmem:s18+$0x10]  }
0x77: {  	[tilespmem:s18+$0xFFFFFFB0] =	vst v2;
	v2 =	vmul.f32 v6, v3;
	v6 =	vld [tilespmem:s18+$0x20]  }
0x78: {  	[tilespmem:s18+$0xFFFFFFC0] =	vst v4;
	v4 =	vmul.f32 v7, v3;
	v10 =	vld [tilespmem:s18+$0x30]  }
0x79: {  	[tilespmem:s18+$0xFFFFFFD0] =	vst v2;
	v2 =	vmul.f32 v8, v3;
	v8 =	vld [tilespmem:s18+$0x40]  }
.Ltmp0:
0x7a: {  	[tilespmem:s18+$0xFFFFFFE0] =	vst v4;
	v4 =	vmul.f32 v9, v1;
	v3 =	vld [tilespmem:s18+$0x50];
	(pc) =	sbr.rel @p1 .LBB2_3-.Ltmp0, $4  }
0x7b: {  	[tilespmem:s18+$0xFFFFFFF0] =	vst v2;
	v5 =	vmul.f32 v5, v1;
	v2 =	vld [tilespmem:s18+$0x60]  }
0x7c: {  	s1 =	sadd.s32 $0x3, s8;
	v9 =	vmov s8;
	[tilespmem:s18+$0x0] =	vst v4;
	v12 =	vmul.f32 v6, v1;
	v7 =	vld [tilespmem:s18+$0x80]  }
0x7d: {  	s9 =	sadd.s32 $0x1, s8;
	v11 =	vand.u32 $0xFFFFFFFC, v9;
	v4 =	vmov s1;
	[tilespmem:s18+$0x10] =	vst v5;
	v9 =	vmul.f32 v10, v1;
	v6 =	vld [tilespmem:s18+$0x90]  }
0x7e: {  	s1 =	sadd.s32 $0x2, s8;
	s8 =	sadd.s32 $0x4, s8;
	v5 =	vbroadcast v11, $0x0;
	v11 =	vmov s9;
	[tilespmem:s18+$0x20] =	vst v12;
	v10 =	vmul.f32 v8, v1;
	v8 =	vld [tilespmem:s18+$0xA0]  }
0x7f: {  	v12 =	vld [tilespmem:s18+$0xB0]  }
0x80: {  	v14 =	vld [tilespmem:s18+$0xC0]  }
0x81: {  	v13 =	vmov s1;
	v15 =	vld [tilespmem:s18+$0xD0]  }
0x82: {  	v16 =	vld [tilespmem:s18+$0xE0];
	[tilespmem:s18+$0x30] =	vst v9;
	v3 =	vmul.f32 v3, v1;
	v13 =	vand.u32 $0xFFFFFFFE, v13  }
0x83: {  	v11 =	vand.u32 $0xFFFFFFFD, v11;
	v4 =	vld.idx.msk [tilespmem:v4+s21+$0x0], $0xffff;
	[tilespmem:s18+$0x40] =	vst v10;
	v1 =	vmul.f32 v2, v1;
	v13 =	vbroadcast v13, $0x0  }
0x84: {  	s9 =	sadd.s32 $0x200, s18;
	v11 =	vbroadcast v11, $0x0;
	v2 =	vld.idx.msk [tilespmem:v5+s21+$0x0], $0xffff;
	v7 =	vmul.f32 v7, v0;
	[tilespmem:s18+$0x50] =	vst v3  }
0x85: {  	v9 =	vld [tilespmem:s9+$0xFFFFFF00];
	v3 =	vmul.f32 v6, v0;
	[tilespmem:s18+$0x60] =	vst v1  }
0x86: {  	[tilespmem:s18+$0x80] =	vst v7;
	v7 =	vld [tilespmem:s18+$0xF0];
	v1 =	vmul.f32 v8, v0  }
0x87: {  	v10 =	vld [tilespmem:s9+$0xFFFFFF10];
	[tilespmem:s18+$0x90] =	vst v3;
	v3 =	vmul.f32 v12, v0  }
0x88: {  	v8 =	vld [tilespmem:s9+$0x70];
	[tilespmem:s18+$0xA0] =	vst v1;
	v1 =	vmul.f32 v14, v0  }
0x89: {  	[tilespmem:s18+$0xB0] =	vst v3;
	v3 =	vmul.f32 v15, v0;
	v6 =	vld.idx.msk [tilespmem:v13+s21+$0x0], $0xffff  }
0x8a: {  	v5 =	vld.idx.msk [tilespmem:v11+s21+$0x0], $0xffff;
	[tilespmem:s19+$0xC0] =	vst v1;
	v1 =	vmul.f32 v16, v0  }
0x8b: {  	v11 =	vld [tilespmem:s9+$0xFFFFFF20];
	[tilespmem:s19+$0xD0] =	vst v3;
	v0 =	vmul.f32 v7, v0  }
0x8c: {  	v3 =	vld [tilespmem:s9+$0xFFFFFF30];
	[tilespmem:s19+$0xE0] =	vst v1  }
0x8d: {  	v1 =	vld [tilespmem:s9+$0xFFFFFF40];
	[tilespmem:s19+$0xF0] =	vst v0;
	v0 =	vmul.f32 v9, v2  }
0x8e: {  	v7 =	vmul.f32 v8, v6;
	v8 =	vld [tilespmem:s9+$0xFFFFFF50]  }
0x8f: {  	v9 =	vmul.f32 v10, v2;
	v10 =	vld [tilespmem:s9+$0xFFFFFF60];
	[tilespmem:s9+$0xFFFFFF00] =	vst v0  }
0x90: {  	v0 =	vmul.f32 v11, v2;
	[tilespmem:s9+$0x70] =	vst v7;
	v7 =	vld [tilespmem:s9+$0xFFFFFF70]  }
0x91: {  	[tilespmem:s9+$0xFFFFFF10] =	vst v9;
	v9 =	vld [tilespmem:s9+$0xFFFFFF80];
	v3 =	vmul.f32 v3, v2  }
0x92: {  	[tilespmem:s9+$0xFFFFFF20] =	vst v0;
	v0 =	vmul.f32 v1, v2;
	v1 =	vld [tilespmem:s9+$0xFFFFFF90]  }
0x93: {  	[tilespmem:s9+$0xFFFFFF30] =	vst v3;
	v3 =	vmul.f32 v8, v2;
	v8 =	vld [tilespmem:s9+$0xFFFFFFA0]  }
0x94: {  	[tilespmem:s9+$0xFFFFFF40] =	vst v0;
	v0 =	vmul.f32 v10, v2;
	v10 =	vld [tilespmem:s9+$0xFFFFFFB0]  }
0x95: {  	[tilespmem:s9+$0xFFFFFF50] =	vst v3;
	v2 =	vmul.f32 v7, v2;
	v3 =	vld [tilespmem:s9+$0xFFFFFFC0]  }
0x96: {  	[tilespmem:s9+$0xFFFFFF60] =	vst v0;
	v0 =	vmul.f32 v9, v5;
	v7 =	vld [tilespmem:s9+$0xFFFFFFD0]  }
0x97: {  	v1 =	vmul.f32 v1, v5;
	[tilespmem:s9+$0xFFFFFF70] =	vst v2;
	v2 =	vld [tilespmem:s9+$0xFFFFFFE0]  }
0x98: {  	[tilespmem:s9+$0xFFFFFF80] =	vst v0;
	v0 =	vmul.f32 v8, v5;
	v8 =	vld [tilespmem:s9+$0xFFFFFFF0]  }
0x99: {  	v9 =	vld [tilespmem:s9+$0x0];
	[tilespmem:s9+$0xFFFFFF90] =	vst v1;
	v1 =	vmul.f32 v10, v5  }
0x9a: {  	[tilespmem:s9+$0xFFFFFFA0] =	vst v0;
	v0 =	vmul.f32 v3, v5;
	v3 =	vld [tilespmem:s9+$0x10]  }
0x9b: {  	[tilespmem:s9+$0xFFFFFFB0] =	vst v1;
	v1 =	vmul.f32 v7, v5;
	v7 =	vld [tilespmem:s9+$0x20]  }
0x9c: {  	[tilespmem:s9+$0xFFFFFFC0] =	vst v0;
	v0 =	vmul.f32 v2, v5;
	v2 =	vld [tilespmem:s9+$0x30]  }
0x9d: {  	[tilespmem:s9+$0xFFFFFFD0] =	vst v1;
	v1 =	vmul.f32 v8, v5;
	v5 =	vld [tilespmem:s9+$0x40]  }
0x9e: {  	v8 =	vld [tilespmem:s9+$0x50];
	[tilespmem:s9+$0xFFFFFFE0] =	vst v0;
	v0 =	vmul.f32 v9, v6  }
0x9f: {  	[tilespmem:s9+$0xFFFFFFF0] =	vst v1;
	v1 =	vmul.f32 v3, v6;
	v3 =	vld [tilespmem:s9+$0x60]  }
0xa0: {  	[tilespmem:s9+$0x0] =	vst v0;
	v0 =	vmul.f32 v7, v6;
	v7 =	vld [tilespmem:s9+$0x80]  }
0xa1: {  	[tilespmem:s9+$0x10] =	vst v1;
	v1 =	vmul.f32 v2, v6;
	v2 =	vld [tilespmem:s9+$0x90]  }
0xa2: {  	[tilespmem:s9+$0x20] =	vst v0;
	v0 =	vmul.f32 v5, v6;
	v5 =	vld [tilespmem:s9+$0xA0]  }
0xa3: {  	[tilespmem:s9+$0x30] =	vst v1;
	v1 =	vmul.f32 v8, v6;
	v8 =	vld [tilespmem:s9+$0xB0]  }
0xa4: {  	[tilespmem:s9+$0x40] =	vst v0;
	v0 =	vmul.f32 v3, v6;
	v3 =	vld [tilespmem:s9+$0xC0]  }
0xa5: {  	v6 =	vld [tilespmem:s9+$0xD0];
	[tilespmem:s9+$0x50] =	vst v1;
	v1 =	vmul.f32 v7, v4  }
0xa6: {  	[tilespmem:s9+$0x60] =	vst v0;
	v0 =	vmul.f32 v2, v4;
	v2 =	vld [tilespmem:s9+$0xE0]  }
0xa7: {  	[tilespmem:s9+$0x80] =	vst v1;
	v1 =	vmul.f32 v5, v4;
	v5 =	vld [tilespmem:s9+$0xF0]  }
0xa8: {  	[tilespmem:s9+$0x90] =	vst v0;
	v0 =	vmul.f32 v8, v4  }
0xa9: {  	[tilespmem:s9+$0xA0] =	vst v1;
	v1 =	vmul.f32 v3, v4  }
0xaa: {  	[tilespmem:s9+$0xB0] =	vst v0;
	v0 =	vmul.f32 v6, v4  }
0xab: {  	[tilespmem:s9+$0xC0] =	vst v1;
	v1 =	vmul.f32 v2, v4  }
0xac: {  	[tilespmem:s9+$0xD0] =	vst v0;
	v0 =	vmul.f32 v5, v4  }
0xad: {  	[tilespmem:s9+$0xE0] =	vst v1  }
0xae: {  	[tilespmem:s9+$0xF0] =	vst v0  }
0xaf: {  	_ =	swait.ge [sflag:s31], $0x50  }
0xb0: {  	s8 =	simm.s32 $0x2780;
	[sflag:s31] =	ssyncset.done $0x0  }
0xb1: {  	p1 =	seq.s32 s17, $0x0;
	s18 =	smul.u32 $0xF0, s17;
	[sflag:s31] =	ssyncadd.s32 $0xFFFFFFB0  }
0xb2: {  	[spmem:s2] =	stream.indirect.scatter.add.f32 [tilespmem:s23], [sflag:$0xA], $0x80, s8, s22, $0xb8;
	[tilespmem:$0x1DB00] =	vst v63  }
0xb3: {  	s1 =	simm.s32 @!p1 $0xC;
	s8 =	sadd.s32 $0xA0, s18  }
0xb4: {  	_ =	swait.ge @!p1 [sflag:s1], $0x2800;
	s9 =	sadd.s32 s4, s8  }
0xb5: {  	[sflag:s1] =	ssyncset.done @!p1 $0x0;
	s9 =	sshrl.u32 s9, $0x3  }
0xb6: {  	s19 =	simm.s32 $0x0;
	[sflag:s1] =	ssyncadd.s32 @!p1 $0xFFFFD800;
	s1 =	sadd.s32 s7, s9  }
0xb7: {  	[tilespmem:s20], [sflag:$0x6] =	stream.linear.gather [hbm4b:s1+s19], $0x50, $0x38;
	[tilespmem:$0x1DB00] =	vst v63  }
0xb8: {  	s9 =	sadd.s32 s6, s9  }
0xb9: {  	[tilespmem:s0], [sflag:$0x9] =	stream.linear.gather [hbm4b:s9+s19], $0x50, $0x38;
	[tilespmem:$0x1DB00] =	vst v63  }
0xba: {  	v0 =	vmov s19;
	s20 =	simm.s32 $0x7A80;
	s19 =	simm.s32 $0x2  }
0xbb: {  	v0 =	vand.u32 $0xFFFFFFFC, v0;
	v1 =	vmov s19;
	[tilespmem:s20], [sflag:$0x3] =	stream.indirect.gather [hbm4b:s5+s22], $0x80, s8, s22, $0xb8;
	[tilespmem:$0x1DB00] =	vst v63  }
0xbc: {  	v0 =	vbroadcast v0, $0x0;
	v1 =	vand.u32 $0xFFFFFFFE, v1;
	_ =	swait.ge [sflag:s10], $0x2800  }
0xbd: {  	v1 =	vbroadcast v1, $0x0;
	[sflag:s10] =	ssyncset.done $0x0  }
0xbe: {  	[sflag:s10] =	ssyncadd.s32 $0xFFFFD800  }
0xbf: {  	_ =	swait.ge [sflag:s11], $0x50  }
0xc0: {  	[sflag:s11] =	ssyncset.done $0x0  }
0xc1: {  	[sflag:s11] =	ssyncadd.s32 $0xFFFFFFB0  }
0xc2: {  	v0 =	vld.idx.msk [tilespmem:v0+s26+$0x0], $0xffff  }
0xc3: {  	s9 =	simm.s32 $0x1;
	s19 =	simm.s32 $0x5380;
	v1 =	vld.idx.msk [tilespmem:v1+s26+$0x0], $0xffff  }
0xc4: {  	v2 =	vmov s9;
	v3 =	vld [tilespmem:s19+$0x70]  }
0xc5: {  	v2 =	vand.u32 $0xFFFFFFFD, v2;
	v4 =	vld [tilespmem:s19+$0xFFFFFF00]  }
0xc6: {  	v2 =	vbroadcast v2, $0x0;
	v5 =	vld [tilespmem:s19+$0xFFFFFF10]  }
0xc7: {  	v6 =	vld [tilespmem:s19+$0xFFFFFF20]  }
0xc8: {  	v7 =	vld [tilespmem:s19+$0xFFFFFF30]  }
0xc9: {  	v8 =	vld [tilespmem:s19+$0xFFFFFF40]  }
0xca: {  	v9 =	vld [tilespmem:s19+$0xFFFFFF50]  }
0xcb: {  	v10 =	vld [tilespmem:s19+$0xFFFFFF60];
	v4 =	vmul.f32 v4, v0  }
0xcc: {  	v2 =	vld.idx.msk [tilespmem:v2+s26+$0x0], $0xffff;
	v3 =	vmul.f32 v3, v1  }
0xcd: {  	v63 =	vld [tilespmem:s19+$0x40];
	[tilespmem:s19+$0xFFFFFF00] =	vst v4;
	v4 =	vmul.f32 v5, v0  }
0xce: {  	v5 =	vld [tilespmem:s19+$0xFFFFFF70];
	[tilespmem:s19+$0x70] =	vst v3;
	v3 =	vmul.f32 v6, v0  }
0xcf: {  	v6 =	vld [tilespmem:s19+$0xFFFFFF80];
	[tilespmem:s19+$0xFFFFFF10] =	vst v4;
	v4 =	vmul.f32 v7, v0  }
0xd0: {  	v7 =	vld [tilespmem:s19+$0xFFFFFF90];
	[tilespmem:s19+$0xFFFFFF20] =	vst v3;
	v3 =	vmul.f32 v8, v0  }
0xd1: {  	v8 =	vld [tilespmem:s19+$0xFFFFFFA0];
	[tilespmem:s19+$0xFFFFFF30] =	vst v4;
	v4 =	vmul.f32 v9, v0  }
0xd2: {  	v9 =	vld [tilespmem:s19+$0xFFFFFFB0];
	[tilespmem:s19+$0xFFFFFF40] =	vst v3;
	v3 =	vmul.f32 v10, v0  }
0xd3: {  	v10 =	vld [tilespmem:s19+$0xFFFFFFC0];
	v5 =	vmul.f32 v5, v0;
	[tilespmem:s19+$0xFFFFFF50] =	vst v4  }
0xd4: {  	v4 =	vmul.f32 v6, v2;
	v6 =	vld [tilespmem:s19+$0xFFFFFFD0];
	[tilespmem:s19+$0xFFFFFF60] =	vst v3  }
0xd5: {  	s20 =	simm.s32 $0x3;
	v3 =	vld [tilespmem:s19+$0xFFFFFFE0];
	v7 =	vmul.f32 v7, v2;
	[tilespmem:s19+$0xFFFFFF70] =	vst v5  }
0xd6: {  	v11 =	vmov s20;
	v5 =	vld [tilespmem:s19+$0xFFFFFFF0];
	[tilespmem:s19+$0xFFFFFF80] =	vst v4;
	v4 =	vmul.f32 v8, v2  }
0xd7: {  	v8 =	vld [tilespmem:s19+$0x0];
	[tilespmem:s19+$0xFFFFFF90] =	vst v7;
	v7 =	vmul.f32 v9, v2  }
0xd8: {  	v9 =	vld [tilespmem:s19+$0x10];
	[tilespmem:s19+$0xFFFFFFA0] =	vst v4;
	v4 =	vmul.f32 v10, v2  }
0xd9: {  	[tilespmem:s19+$0xFFFFFFB0] =	vst v7;
	v6 =	vmul.f32 v6, v2;
	v7 =	vld [tilespmem:s19+$0x20]  }
0xda: {  	v10 =	vld [tilespmem:s19+$0x30];
	v3 =	vmul.f32 v3, v2;
	[tilespmem:s19+$0xFFFFFFC0] =	vst v4  }
0xdb: {  	v0 =	vld.idx.msk [tilespmem:v11+s26+$0x0], $0xffff;
	v2 =	vmul.f32 v5, v2;
	[tilespmem:s19+$0xFFFFFFD0] =	vst v6  }
0xdc: {  	[tilespmem:s19+$0xFFFFFFE0] =	vst v3;
	v4 =	vmul.f32 v8, v1;
	v3 =	vld [tilespmem:s19+$0x50]  }
0xdd: {  	s8 =	simm.s32 $0x4;
	[tilespmem:s19+$0xFFFFFFF0] =	vst v2;
	v5 =	vmul.f32 v9, v1;
	v2 =	vld [tilespmem:s19+$0x60]  }
0xde: {  	s9 =	simm.s32 $0x7;
	v6 =	vmov s8;
	[tilespmem:s19+$0x0] =	vst v4;
	v8 =	vmul.f32 v7, v1;
	v7 =	vld [tilespmem:s19+$0x80]  }
0xdf: {  	s20 =	simm.s32 $0x5;
	v11 =	vand.u32 $0xFFFFFFFC, v6;
	v6 =	vld [tilespmem:s19+$0x90];
	v4 =	vmov s9;
	v9 =	vmul.f32 v10, v1;
	[tilespmem:s19+$0x10] =	vst v5  }
0xe0: {  	s1 =	simm.s32 $0x8;
	s8 =	simm.s32 $0x5380;
	s9 =	simm.s32 $0x6;
	v10 =	vmul.f32 v63, v1;
	v5 =	vbroadcast v11, $0x0;
	v11 =	vmov s20;
	[tilespmem:s19+$0x20] =	vst v8;
	v8 =	vld [tilespmem:s19+$0xA0]  }
.LBB2_5:
0xe1: {  	p1 =	slt.u32 s1, $0x4C;
	v11 =	vand.u32 $0xFFFFFFFD, v11;
	v12 =	vmov s9;
	[tilespmem:s19+$0x30] =	vst v9;
	v3 =	vmul.f32 v3, v1;
	v9 =	vld [tilespmem:s19+$0xB0]  }
0xe2: {  	v11 =	vbroadcast v11, $0x0;
	v12 =	vand.u32 $0xFFFFFFFE, v12;
	[tilespmem:s19+$0x40] =	vst v10;
	v1 =	vmul.f32 v2, v1;
	v2 =	vld [tilespmem:s19+$0xC0]  }
0xe3: {  	v10 =	vbroadcast v12, $0x0;
	[tilespmem:s19+$0x50] =	vst v3;
	v3 =	vmul.f32 v7, v0;
	v7 =	vld [tilespmem:s19+$0xD0]  }
0xe4: {  	[tilespmem:s19+$0x60] =	vst v1;
	v1 =	vmul.f32 v6, v0;
	v6 =	vld [tilespmem:s19+$0xE0]  }
0xe5: {  	[tilespmem:s19+$0x80] =	vst v3;
	v3 =	vmul.f32 v8, v0;
	v8 =	vld [tilespmem:s19+$0xF0]  }
0xe6: {  	v4 =	vld.idx.msk [tilespmem:v4+s26+$0x0], $0xffff;
	[tilespmem:s19+$0x90] =	vst v1;
	v1 =	vmul.f32 v9, v0  }
0xe7: {  	v5 =	vld.idx.msk [tilespmem:v5+s26+$0x0], $0xffff;
	[tilespmem:s19+$0xA0] =	vst v3;
	v2 =	vmul.f32 v2, v0  }
0xe8: {  	v3 =	vld.idx.msk [tilespmem:v11+s26+$0x0], $0xffff;
	[tilespmem:s19+$0xB0] =	vst v1;
	v7 =	vmul.f32 v7, v0  }
0xe9: {  	s19 =	sadd.s32 $0x200, s19;
	v1 =	vld.idx.msk [tilespmem:v10+s26+$0x0], $0xffff;
	[tilespmem:s8+$0xC0] =	vst v2;
	v2 =	vmul.f32 v6, v0  }
0xea: {  	v6 =	vld [tilespmem:s19+$0x70];
	[tilespmem:s8+$0xD0] =	vst v7;
	v8 =	vmul.f32 v8, v0  }
0xeb: {  	v7 =	vld [tilespmem:s19+$0xFFFFFF00];
	[tilespmem:s8+$0xE0] =	vst v2  }
0xec: {  	v0 =	vmov v4;
	v2 =	vld [tilespmem:s19+$0xFFFFFF10];
	[tilespmem:s8+$0xF0] =	vst v8;
	s8 =	smov.u32 s19  }
0xed: {  	v4 =	vld [tilespmem:s19+$0xFFFFFF20]  }
0xee: {  	v8 =	vld [tilespmem:s19+$0xFFFFFF30]  }
0xef: {  	v9 =	vld [tilespmem:s19+$0xFFFFFF40];
	v6 =	vmul.f32 v6, v1  }
0xf0: {  	v7 =	vmul.f32 v7, v5;
	v10 =	vld [tilespmem:s19+$0xFFFFFF50]  }
0xf1: {  	v2 =	vmul.f32 v2, v5;
	v11 =	vld [tilespmem:s19+$0xFFFFFF60];
	[tilespmem:s19+$0x70] =	vst v6  }
0xf2: {  	[tilespmem:s19+$0xFFFFFF00] =	vst v7;
	v4 =	vmul.f32 v4, v5;
	v6 =	vld [tilespmem:s19+$0xFFFFFF70]  }
0xf3: {  	[tilespmem:s19+$0xFFFFFF10] =	vst v2;
	v2 =	vmul.f32 v8, v5;
	v7 =	vld [tilespmem:s19+$0xFFFFFF80]  }
0xf4: {  	[tilespmem:s19+$0xFFFFFF20] =	vst v4;
	v4 =	vmul.f32 v9, v5;
	v8 =	vld [tilespmem:s19+$0xFFFFFF90]  }
0xf5: {  	[tilespmem:s19+$0xFFFFFF30] =	vst v2;
	v2 =	vmul.f32 v10, v5;
	v9 =	vld [tilespmem:s19+$0xFFFFFFA0]  }
0xf6: {  	[tilespmem:s19+$0xFFFFFF40] =	vst v4;
	v4 =	vmul.f32 v11, v5;
	v10 =	vld [tilespmem:s19+$0xFFFFFFB0]  }
0xf7: {  	[tilespmem:s19+$0xFFFFFF50] =	vst v2;
	v2 =	vmul.f32 v6, v5;
	v5 =	vld [tilespmem:s19+$0xFFFFFFC0]  }
0xf8: {  	[tilespmem:s19+$0xFFFFFF60] =	vst v4;
	v4 =	vmul.f32 v7, v3;
	v6 =	vld [tilespmem:s19+$0xFFFFFFD0]  }
0xf9: {  	[tilespmem:s19+$0xFFFFFF70] =	vst v2;
	v2 =	vmul.f32 v8, v3;
	v7 =	vld [tilespmem:s19+$0xFFFFFFE0]  }
0xfa: {  	[tilespmem:s19+$0xFFFFFF80] =	vst v4;
	v4 =	vmul.f32 v9, v3;
	v8 =	vld [tilespmem:s19+$0xFFFFFFF0]  }
0xfb: {  	[tilespmem:s19+$0xFFFFFF90] =	vst v2;
	v2 =	vmul.f32 v10, v3;
	v9 =	vld [tilespmem:s19+$0x0]  }
0xfc: {  	[tilespmem:s19+$0xFFFFFFA0] =	vst v4;
	v4 =	vmul.f32 v5, v3;
	v5 =	vld [tilespmem:s19+$0x10]  }
0xfd: {  	[tilespmem:s19+$0xFFFFFFB0] =	vst v2;
	v2 =	vmul.f32 v6, v3;
	v6 =	vld [tilespmem:s19+$0x20]  }
0xfe: {  	[tilespmem:s19+$0xFFFFFFC0] =	vst v4;
	v4 =	vmul.f32 v7, v3;
	v10 =	vld [tilespmem:s19+$0x30]  }
0xff: {  	[tilespmem:s19+$0xFFFFFFD0] =	vst v2;
	v2 =	vmul.f32 v8, v3;
	v8 =	vld [tilespmem:s19+$0x40]  }
.Ltmp1:
0x100: {  	[tilespmem:s19+$0xFFFFFFE0] =	vst v4;
	v4 =	vmul.f32 v9, v1;
	v3 =	vld [tilespmem:s19+$0x50];
	(pc) =	sbr.rel @p1 .LBB2_5-.Ltmp1, $4  }
0x101: {  	[tilespmem:s19+$0xFFFFFFF0] =	vst v2;
	v5 =	vmul.f32 v5, v1;
	v2 =	vld [tilespmem:s19+$0x60]  }
0x102: {  	s9 =	sadd.s32 $0x3, s1;
	v9 =	vmov s1;
	[tilespmem:s19+$0x0] =	vst v4;
	v12 =	vmul.f32 v6, v1;
	v7 =	vld [tilespmem:s19+$0x80]  }
0x103: {  	s20 =	sadd.s32 $0x1, s1;
	v11 =	vand.u32 $0xFFFFFFFC, v9;
	v4 =	vmov s9;
	[tilespmem:s19+$0x10] =	vst v5;
	v9 =	vmul.f32 v10, v1;
	v6 =	vld [tilespmem:s19+$0x90]  }
0x104: {  	s9 =	sadd.s32 $0x2, s1;
	s1 =	sadd.s32 $0x4, s1;
	v5 =	vbroadcast v11, $0x0;
	v11 =	vmov s20;
	[tilespmem:s19+$0x20] =	vst v12;
	v10 =	vmul.f32 v8, v1;
	v8 =	vld [tilespmem:s19+$0xA0]  }
0x105: {  	v12 =	vld [tilespmem:s19+$0xB0]  }
0x106: {  	v14 =	vld [tilespmem:s19+$0xC0]  }
0x107: {  	v13 =	vmov s9;
	v15 =	vld [tilespmem:s19+$0xD0]  }
0x108: {  	v16 =	vld [tilespmem:s19+$0xE0];
	[tilespmem:s19+$0x30] =	vst v9;
	v3 =	vmul.f32 v3, v1;
	v13 =	vand.u32 $0xFFFFFFFE, v13  }
0x109: {  	v11 =	vand.u32 $0xFFFFFFFD, v11;
	v4 =	vld.idx.msk [tilespmem:v4+s26+$0x0], $0xffff;
	[tilespmem:s19+$0x40] =	vst v10;
	v1 =	vmul.f32 v2, v1;
	v13 =	vbroadcast v13, $0x0  }
0x10a: {  	s1 =	sadd.s32 $0x200, s19;
	v11 =	vbroadcast v11, $0x0;
	v2 =	vld.idx.msk [tilespmem:v5+s26+$0x0], $0xffff;
	v7 =	vmul.f32 v7, v0;
	[tilespmem:s19+$0x50] =	vst v3  }
0x10b: {  	v9 =	vld [tilespmem:s1+$0xFFFFFF00];
	v3 =	vmul.f32 v6, v0;
	[tilespmem:s19+$0x60] =	vst v1  }
0x10c: {  	[tilespmem:s19+$0x80] =	vst v7;
	v7 =	vld [tilespmem:s19+$0xF0];
	v1 =	vmul.f32 v8, v0  }
0x10d: {  	v10 =	vld [tilespmem:s1+$0xFFFFFF10];
	[tilespmem:s19+$0x90] =	vst v3;
	v3 =	vmul.f32 v12, v0  }
0x10e: {  	v8 =	vld [tilespmem:s1+$0x70];
	[tilespmem:s19+$0xA0] =	vst v1;
	v1 =	vmul.f32 v14, v0  }
0x10f: {  	[tilespmem:s19+$0xB0] =	vst v3;
	v3 =	vmul.f32 v15, v0;
	v6 =	vld.idx.msk [tilespmem:v13+s26+$0x0], $0xffff  }
0x110: {  	v5 =	vld.idx.msk [tilespmem:v11+s26+$0x0], $0xffff;
	[tilespmem:s8+$0xC0] =	vst v1;
	v1 =	vmul.f32 v16, v0  }
0x111: {  	v11 =	vld [tilespmem:s1+$0xFFFFFF20];
	[tilespmem:s8+$0xD0] =	vst v3;
	v0 =	vmul.f32 v7, v0  }
0x112: {  	v3 =	vld [tilespmem:s1+$0xFFFFFF30];
	[tilespmem:s8+$0xE0] =	vst v1  }
0x113: {  	v1 =	vld [tilespmem:s1+$0xFFFFFF40];
	[tilespmem:s8+$0xF0] =	vst v0;
	v0 =	vmul.f32 v9, v2  }
0x114: {  	v7 =	vmul.f32 v8, v6;
	v8 =	vld [tilespmem:s1+$0xFFFFFF50]  }
0x115: {  	v9 =	vmul.f32 v10, v2;
	v10 =	vld [tilespmem:s1+$0xFFFFFF60];
	[tilespmem:s1+$0xFFFFFF00] =	vst v0  }
0x116: {  	v0 =	vmul.f32 v11, v2;
	[tilespmem:s1+$0x70] =	vst v7;
	v7 =	vld [tilespmem:s1+$0xFFFFFF70]  }
0x117: {  	[tilespmem:s1+$0xFFFFFF10] =	vst v9;
	v9 =	vld [tilespmem:s1+$0xFFFFFF80];
	v3 =	vmul.f32 v3, v2  }
0x118: {  	[tilespmem:s1+$0xFFFFFF20] =	vst v0;
	v0 =	vmul.f32 v1, v2;
	v1 =	vld [tilespmem:s1+$0xFFFFFF90]  }
0x119: {  	[tilespmem:s1+$0xFFFFFF30] =	vst v3;
	v3 =	vmul.f32 v8, v2;
	v8 =	vld [tilespmem:s1+$0xFFFFFFA0]  }
0x11a: {  	[tilespmem:s1+$0xFFFFFF40] =	vst v0;
	v0 =	vmul.f32 v10, v2;
	v10 =	vld [tilespmem:s1+$0xFFFFFFB0]  }
0x11b: {  	[tilespmem:s1+$0xFFFFFF50] =	vst v3;
	v2 =	vmul.f32 v7, v2;
	v3 =	vld [tilespmem:s1+$0xFFFFFFC0]  }
0x11c: {  	[tilespmem:s1+$0xFFFFFF60] =	vst v0;
	v0 =	vmul.f32 v9, v5;
	v7 =	vld [tilespmem:s1+$0xFFFFFFD0]  }
0x11d: {  	v1 =	vmul.f32 v1, v5;
	[tilespmem:s1+$0xFFFFFF70] =	vst v2;
	v2 =	vld [tilespmem:s1+$0xFFFFFFE0]  }
0x11e: {  	[tilespmem:s1+$0xFFFFFF80] =	vst v0;
	v0 =	vmul.f32 v8, v5;
	v8 =	vld [tilespmem:s1+$0xFFFFFFF0]  }
0x11f: {  	v9 =	vld [tilespmem:s1+$0x0];
	[tilespmem:s1+$0xFFFFFF90] =	vst v1;
	v1 =	vmul.f32 v10, v5  }
0x120: {  	[tilespmem:s1+$0xFFFFFFA0] =	vst v0;
	v0 =	vmul.f32 v3, v5;
	v3 =	vld [tilespmem:s1+$0x10]  }
0x121: {  	[tilespmem:s1+$0xFFFFFFB0] =	vst v1;
	v1 =	vmul.f32 v7, v5;
	v7 =	vld [tilespmem:s1+$0x20]  }
0x122: {  	[tilespmem:s1+$0xFFFFFFC0] =	vst v0;
	v0 =	vmul.f32 v2, v5;
	v2 =	vld [tilespmem:s1+$0x30]  }
0x123: {  	[tilespmem:s1+$0xFFFFFFD0] =	vst v1;
	v1 =	vmul.f32 v8, v5;
	v5 =	vld [tilespmem:s1+$0x40]  }
0x124: {  	v8 =	vld [tilespmem:s1+$0x50];
	[tilespmem:s1+$0xFFFFFFE0] =	vst v0;
	v0 =	vmul.f32 v9, v6  }
0x125: {  	[tilespmem:s1+$0xFFFFFFF0] =	vst v1;
	v1 =	vmul.f32 v3, v6;
	v3 =	vld [tilespmem:s1+$0x60]  }
0x126: {  	[tilespmem:s1+$0x0] =	vst v0;
	v0 =	vmul.f32 v7, v6;
	v7 =	vld [tilespmem:s1+$0x80]  }
0x127: {  	[tilespmem:s1+$0x10] =	vst v1;
	v1 =	vmul.f32 v2, v6;
	v2 =	vld [tilespmem:s1+$0x90]  }
0x128: {  	[tilespmem:s1+$0x20] =	vst v0;
	v0 =	vmul.f32 v5, v6;
	v5 =	vld [tilespmem:s1+$0xA0]  }
0x129: {  	[tilespmem:s1+$0x30] =	vst v1;
	v1 =	vmul.f32 v8, v6;
	v8 =	vld [tilespmem:s1+$0xB0]  }
0x12a: {  	[tilespmem:s1+$0x40] =	vst v0;
	v0 =	vmul.f32 v3, v6;
	v3 =	vld [tilespmem:s1+$0xC0]  }
0x12b: {  	v6 =	vld [tilespmem:s1+$0xD0];
	[tilespmem:s1+$0x50] =	vst v1;
	v1 =	vmul.f32 v7, v4  }
0x12c: {  	[tilespmem:s1+$0x60] =	vst v0;
	v0 =	vmul.f32 v2, v4;
	v2 =	vld [tilespmem:s1+$0xE0]  }
0x12d: {  	[tilespmem:s1+$0x80] =	vst v1;
	v1 =	vmul.f32 v5, v4;
	v5 =	vld [tilespmem:s1+$0xF0]  }
0x12e: {  	[tilespmem:s1+$0x90] =	vst v0;
	v0 =	vmul.f32 v8, v4  }
0x12f: {  	[tilespmem:s1+$0xA0] =	vst v1;
	v1 =	vmul.f32 v3, v4  }
0x130: {  	[tilespmem:s1+$0xB0] =	vst v0;
	v0 =	vmul.f32 v6, v4  }
0x131: {  	[tilespmem:s1+$0xC0] =	vst v1;
	v1 =	vmul.f32 v2, v4  }
0x132: {  	[tilespmem:s1+$0xD0] =	vst v0;
	v0 =	vmul.f32 v5, v4  }
0x133: {  	[tilespmem:s1+$0xE0] =	vst v1  }
0x134: {  	[tilespmem:s1+$0xF0] =	vst v0  }
0x135: {  	_ =	swait.ge [sflag:s12], $0x50  }
0x136: {  	[sflag:s12] =	ssyncset.done $0x0  }
0x137: {  	s1 =	sadd.s32 $0xF0, s18;
	[sflag:s12] =	ssyncadd.s32 $0xFFFFFFB0  }
0x138: {  	[spmem:s2] =	stream.indirect.scatter.add.f32 [tilespmem:s28], [sflag:$0xB], $0x80, s24, s22, $0xb8;
	[tilespmem:$0x1DB00] =	vst v63  }
0x139: {  	s19 =	sadd.s32 s4, s1;
	_ =	swait.ge [sflag:s13], $0x2800  }
0x13a: {  	s20 =	simm.s32 $0x2780;
	s8 =	sshrl.u32 s19, $0x3;
	[sflag:s13] =	ssyncset.done $0x0  }
0x13b: {  	s19 =	simm.s32 $0x0;
	s9 =	sadd.s32 s7, s8;
	[sflag:s13] =	ssyncadd.s32 $0xFFFFD800  }
0x13c: {  	[tilespmem:s20], [sflag:$0x4] =	stream.linear.gather [hbm4b:s9+s19], $0x50, $0x38;
	[tilespmem:$0x1DB00] =	vst v63  }
0x13d: {  	s8 =	sadd.s32 s6, s8  }
0x13e: {  	[tilespmem:s21], [sflag:$0x7] =	stream.linear.gather [hbm4b:s8+s19], $0x50, $0x38;
	[tilespmem:$0x1DB00] =	vst v63  }
0x13f: {  	v0 =	vmov s19;
	s20 =	simm.s32 $0x2  }
0x140: {  	v0 =	vand.u32 $0xFFFFFFFC, v0;
	v1 =	vmov s20;
	[tilespmem:s23], [sflag:$0x1] =	stream.indirect.gather [hbm4b:s5+s22], $0x80, s1, s22, $0xb8;
	[tilespmem:$0x1DB00] =	vst v63  }
0x141: {  	v0 =	vbroadcast v0, $0x0;
	v1 =	vand.u32 $0xFFFFFFFE, v1;
	_ =	swait.ge [sflag:s15], $0x2800  }
0x142: {  	v1 =	vbroadcast v1, $0x0;
	[sflag:s15] =	ssyncset.done $0x0  }
0x143: {  	[sflag:s15] =	ssyncadd.s32 $0xFFFFD800  }
0x144: {  	_ =	swait.ge [sflag:s25], $0x50  }
0x145: {  	[sflag:s25] =	ssyncset.done $0x0  }
0x146: {  	[sflag:s25] =	ssyncadd.s32 $0xFFFFFFB0  }
0x147: {  	v0 =	vld.idx.msk [tilespmem:v0+s0+$0x0], $0xffff  }
0x148: {  	s9 =	simm.s32 $0x1;
	s19 =	simm.s32 $0x7B80;
	v1 =	vld.idx.msk [tilespmem:v1+s0+$0x0], $0xffff  }
0x149: {  	v2 =	vmov s9;
	v3 =	vld [tilespmem:s19+$0x70]  }
0x14a: {  	v2 =	vand.u32 $0xFFFFFFFD, v2;
	v4 =	vld [tilespmem:s19+$0xFFFFFF00]  }
0x14b: {  	v2 =	vbroadcast v2, $0x0;
	v5 =	vld [tilespmem:s19+$0xFFFFFF10]  }
0x14c: {  	v6 =	vld [tilespmem:s19+$0xFFFFFF20]  }
0x14d: {  	v7 =	vld [tilespmem:s19+$0xFFFFFF30]  }
0x14e: {  	v8 =	vld [tilespmem:s19+$0xFFFFFF40]  }
0x14f: {  	v9 =	vld [tilespmem:s19+$0xFFFFFF50]  }
0x150: {  	v10 =	vld [tilespmem:s19+$0xFFFFFF60];
	v4 =	vmul.f32 v4, v0  }
0x151: {  	v2 =	vld.idx.msk [tilespmem:v2+s0+$0x0], $0xffff;
	v3 =	vmul.f32 v3, v1  }
0x152: {  	v63 =	vld [tilespmem:s19+$0x40];
	[tilespmem:s19+$0xFFFFFF00] =	vst v4;
	v4 =	vmul.f32 v5, v0  }
0x153: {  	v5 =	vld [tilespmem:s19+$0xFFFFFF70];
	[tilespmem:s19+$0x70] =	vst v3;
	v3 =	vmul.f32 v6, v0  }
0x154: {  	v6 =	vld [tilespmem:s19+$0xFFFFFF80];
	[tilespmem:s19+$0xFFFFFF10] =	vst v4;
	v4 =	vmul.f32 v7, v0  }
0x155: {  	v7 =	vld [tilespmem:s19+$0xFFFFFF90];
	[tilespmem:s19+$0xFFFFFF20] =	vst v3;
	v3 =	vmul.f32 v8, v0  }
0x156: {  	v8 =	vld [tilespmem:s19+$0xFFFFFFA0];
	[tilespmem:s19+$0xFFFFFF30] =	vst v4;
	v4 =	vmul.f32 v9, v0  }
0x157: {  	v9 =	vld [tilespmem:s19+$0xFFFFFFB0];
	[tilespmem:s19+$0xFFFFFF40] =	vst v3;
	v3 =	vmul.f32 v10, v0  }
0x158: {  	v10 =	vld [tilespmem:s19+$0xFFFFFFC0];
	v5 =	vmul.f32 v5, v0;
	[tilespmem:s19+$0xFFFFFF50] =	vst v4  }
0x159: {  	v4 =	vmul.f32 v6, v2;
	v6 =	vld [tilespmem:s19+$0xFFFFFFD0];
	[tilespmem:s19+$0xFFFFFF60] =	vst v3  }
0x15a: {  	s20 =	simm.s32 $0x3;
	v3 =	vld [tilespmem:s19+$0xFFFFFFE0];
	v7 =	vmul.f32 v7, v2;
	[tilespmem:s19+$0xFFFFFF70] =	vst v5  }
0x15b: {  	v11 =	vmov s20;
	v5 =	vld [tilespmem:s19+$0xFFFFFFF0];
	[tilespmem:s19+$0xFFFFFF80] =	vst v4;
	v4 =	vmul.f32 v8, v2  }
0x15c: {  	v8 =	vld [tilespmem:s19+$0x0];
	[tilespmem:s19+$0xFFFFFF90] =	vst v7;
	v7 =	vmul.f32 v9, v2  }
0x15d: {  	v9 =	vld [tilespmem:s19+$0x10];
	[tilespmem:s19+$0xFFFFFFA0] =	vst v4;
	v4 =	vmul.f32 v10, v2  }
0x15e: {  	[tilespmem:s19+$0xFFFFFFB0] =	vst v7;
	v6 =	vmul.f32 v6, v2;
	v7 =	vld [tilespmem:s19+$0x20]  }
0x15f: {  	v10 =	vld [tilespmem:s19+$0x30];
	v3 =	vmul.f32 v3, v2;
	[tilespmem:s19+$0xFFFFFFC0] =	vst v4  }
0x160: {  	v0 =	vld.idx.msk [tilespmem:v11+s0+$0x0], $0xffff;
	v2 =	vmul.f32 v5, v2;
	[tilespmem:s19+$0xFFFFFFD0] =	vst v6  }
0x161: {  	[tilespmem:s19+$0xFFFFFFE0] =	vst v3;
	v4 =	vmul.f32 v8, v1;
	v3 =	vld [tilespmem:s19+$0x50]  }
0x162: {  	s8 =	simm.s32 $0x4;
	[tilespmem:s19+$0xFFFFFFF0] =	vst v2;
	v5 =	vmul.f32 v9, v1;
	v2 =	vld [tilespmem:s19+$0x60]  }
0x163: {  	s9 =	simm.s32 $0x7;
	v6 =	vmov s8;
	[tilespmem:s19+$0x0] =	vst v4;
	v8 =	vmul.f32 v7, v1;
	v7 =	vld [tilespmem:s19+$0x80]  }
0x164: {  	s20 =	simm.s32 $0x5;
	v11 =	vand.u32 $0xFFFFFFFC, v6;
	v6 =	vld [tilespmem:s19+$0x90];
	v4 =	vmov s9;
	v9 =	vmul.f32 v10, v1;
	[tilespmem:s19+$0x10] =	vst v5  }
0x165: {  	s1 =	simm.s32 $0x8;
	s8 =	simm.s32 $0x7B80;
	s9 =	simm.s32 $0x6;
	v10 =	vmul.f32 v63, v1;
	v5 =	vbroadcast v11, $0x0;
	v11 =	vmov s20;
	[tilespmem:s19+$0x20] =	vst v8;
	v8 =	vld [tilespmem:s19+$0xA0]  }
.LBB2_7:
0x166: {  	p1 =	slt.u32 s1, $0x4C;
	v11 =	vand.u32 $0xFFFFFFFD, v11;
	v12 =	vmov s9;
	[tilespmem:s19+$0x30] =	vst v9;
	v3 =	vmul.f32 v3, v1;
	v9 =	vld [tilespmem:s19+$0xB0]  }
0x167: {  	v11 =	vbroadcast v11, $0x0;
	v12 =	vand.u32 $0xFFFFFFFE, v12;
	[tilespmem:s19+$0x40] =	vst v10;
	v1 =	vmul.f32 v2, v1;
	v2 =	vld [tilespmem:s19+$0xC0]  }
0x168: {  	v10 =	vbroadcast v12, $0x0;
	[tilespmem:s19+$0x50] =	vst v3;
	v3 =	vmul.f32 v7, v0;
	v7 =	vld [tilespmem:s19+$0xD0]  }
0x169: {  	[tilespmem:s19+$0x60] =	vst v1;
	v1 =	vmul.f32 v6, v0;
	v6 =	vld [tilespmem:s19+$0xE0]  }
0x16a: {  	[tilespmem:s19+$0x80] =	vst v3;
	v3 =	vmul.f32 v8, v0;
	v8 =	vld [tilespmem:s19+$0xF0]  }
0x16b: {  	v4 =	vld.idx.msk [tilespmem:v4+s0+$0x0], $0xffff;
	[tilespmem:s19+$0x90] =	vst v1;
	v1 =	vmul.f32 v9, v0  }
0x16c: {  	v5 =	vld.idx.msk [tilespmem:v5+s0+$0x0], $0xffff;
	[tilespmem:s19+$0xA0] =	vst v3;
	v2 =	vmul.f32 v2, v0  }
0x16d: {  	v3 =	vld.idx.msk [tilespmem:v11+s0+$0x0], $0xffff;
	[tilespmem:s19+$0xB0] =	vst v1;
	v7 =	vmul.f32 v7, v0  }
0x16e: {  	s19 =	sadd.s32 $0x200, s19;
	v1 =	vld.idx.msk [tilespmem:v10+s0+$0x0], $0xffff;
	[tilespmem:s8+$0xC0] =	vst v2;
	v2 =	vmul.f32 v6, v0  }
0x16f: {  	v6 =	vld [tilespmem:s19+$0x70];
	[tilespmem:s8+$0xD0] =	vst v7;
	v8 =	vmul.f32 v8, v0  }
0x170: {  	v7 =	vld [tilespmem:s19+$0xFFFFFF00];
	[tilespmem:s8+$0xE0] =	vst v2  }
0x171: {  	v0 =	vmov v4;
	v2 =	vld [tilespmem:s19+$0xFFFFFF10];
	[tilespmem:s8+$0xF0] =	vst v8;
	s8 =	smov.u32 s19  }
0x172: {  	v4 =	vld [tilespmem:s19+$0xFFFFFF20]  }
0x173: {  	v8 =	vld [tilespmem:s19+$0xFFFFFF30]  }
0x174: {  	v9 =	vld [tilespmem:s19+$0xFFFFFF40];
	v6 =	vmul.f32 v6, v1  }
0x175: {  	v7 =	vmul.f32 v7, v5;
	v10 =	vld [tilespmem:s19+$0xFFFFFF50]  }
0x176: {  	v2 =	vmul.f32 v2, v5;
	v11 =	vld [tilespmem:s19+$0xFFFFFF60];
	[tilespmem:s19+$0x70] =	vst v6  }
0x177: {  	[tilespmem:s19+$0xFFFFFF00] =	vst v7;
	v4 =	vmul.f32 v4, v5;
	v6 =	vld [tilespmem:s19+$0xFFFFFF70]  }
0x178: {  	[tilespmem:s19+$0xFFFFFF10] =	vst v2;
	v2 =	vmul.f32 v8, v5;
	v7 =	vld [tilespmem:s19+$0xFFFFFF80]  }
0x179: {  	[tilespmem:s19+$0xFFFFFF20] =	vst v4;
	v4 =	vmul.f32 v9, v5;
	v8 =	vld [tilespmem:s19+$0xFFFFFF90]  }
0x17a: {  	[tilespmem:s19+$0xFFFFFF30] =	vst v2;
	v2 =	vmul.f32 v10, v5;
	v9 =	vld [tilespmem:s19+$0xFFFFFFA0]  }
0x17b: {  	[tilespmem:s19+$0xFFFFFF40] =	vst v4;
	v4 =	vmul.f32 v11, v5;
	v10 =	vld [tilespmem:s19+$0xFFFFFFB0]  }
0x17c: {  	[tilespmem:s19+$0xFFFFFF50] =	vst v2;
	v2 =	vmul.f32 v6, v5;
	v5 =	vld [tilespmem:s19+$0xFFFFFFC0]  }
0x17d: {  	[tilespmem:s19+$0xFFFFFF60] =	vst v4;
	v4 =	vmul.f32 v7, v3;
	v6 =	vld [tilespmem:s19+$0xFFFFFFD0]  }
0x17e: {  	[tilespmem:s19+$0xFFFFFF70] =	vst v2;
	v2 =	vmul.f32 v8, v3;
	v7 =	vld [tilespmem:s19+$0xFFFFFFE0]  }
0x17f: {  	[tilespmem:s19+$0xFFFFFF80] =	vst v4;
	v4 =	vmul.f32 v9, v3;
	v8 =	vld [tilespmem:s19+$0xFFFFFFF0]  }
0x180: {  	[tilespmem:s19+$0xFFFFFF90] =	vst v2;
	v2 =	vmul.f32 v10, v3;
	v9 =	vld [tilespmem:s19+$0x0]  }
0x181: {  	[tilespmem:s19+$0xFFFFFFA0] =	vst v4;
	v4 =	vmul.f32 v5, v3;
	v5 =	vld [tilespmem:s19+$0x10]  }
0x182: {  	[tilespmem:s19+$0xFFFFFFB0] =	vst v2;
	v2 =	vmul.f32 v6, v3;
	v6 =	vld [tilespmem:s19+$0x20]  }
0x183: {  	[tilespmem:s19+$0xFFFFFFC0] =	vst v4;
	v4 =	vmul.f32 v7, v3;
	v10 =	vld [tilespmem:s19+$0x30]  }
0x184: {  	[tilespmem:s19+$0xFFFFFFD0] =	vst v2;
	v2 =	vmul.f32 v8, v3;
	v8 =	vld [tilespmem:s19+$0x40]  }
.Ltmp2:
0x185: {  	[tilespmem:s19+$0xFFFFFFE0] =	vst v4;
	v4 =	vmul.f32 v9, v1;
	v3 =	vld [tilespmem:s19+$0x50];
	(pc) =	sbr.rel @p1 .LBB2_7-.Ltmp2, $4  }
0x186: {  	[tilespmem:s19+$0xFFFFFFF0] =	vst v2;
	v5 =	vmul.f32 v5, v1;
	v2 =	vld [tilespmem:s19+$0x60]  }
0x187: {  	s9 =	sadd.s32 $0x3, s1;
	v9 =	vmov s1;
	[tilespmem:s19+$0x0] =	vst v4;
	v12 =	vmul.f32 v6, v1;
	v7 =	vld [tilespmem:s19+$0x80]  }
0x188: {  	s20 =	sadd.s32 $0x1, s1;
	v11 =	vand.u32 $0xFFFFFFFC, v9;
	v4 =	vmov s9;
	[tilespmem:s19+$0x10] =	vst v5;
	v9 =	vmul.f32 v10, v1;
	v6 =	vld [tilespmem:s19+$0x90]  }
0x189: {  	s9 =	sadd.s32 $0x2, s1;
	s1 =	sadd.s32 $0x4, s1;
	v5 =	vbroadcast v11, $0x0;
	v11 =	vmov s20;
	[tilespmem:s19+$0x20] =	vst v12;
	v10 =	vmul.f32 v8, v1;
	v8 =	vld [tilespmem:s19+$0xA0]  }
0x18a: {  	v12 =	vld [tilespmem:s19+$0xB0]  }
0x18b: {  	v14 =	vld [tilespmem:s19+$0xC0]  }
0x18c: {  	v15 =	vld [tilespmem:s19+$0xD0]  }
0x18d: {  	v16 =	vld [tilespmem:s19+$0xE0]  }
0x18e: {  	v44 =	vld [tilespmem:s19+$0xF0];
	[tilespmem:s19+$0x30] =	vst v9;
	v3 =	vmul.f32 v3, v1  }
0x18f: {  	v4 =	vld.idx.msk [tilespmem:v4+s0+$0x0], $0xffff;
	[tilespmem:s19+$0x40] =	vst v10;
	v45 =	vmul.f32 v2, v1  }
0x190: {  	s1 =	sadd.s32 $0x200, s19;
	v46 =	vld.idx.msk [tilespmem:v5+s0+$0x0], $0xffff;
	v7 =	vmul.f32 v7, v0;
	[tilespmem:s19+$0x50] =	vst v3  }
0x191: {  	v51 =	vld [tilespmem:s1+$0x70];
	v47 =	vmul.f32 v6, v0;
	[tilespmem:s19+$0x60] =	vst v45  }
0x192: {  	v53 =	vld [tilespmem:s1+$0xFFFFFF00];
	[tilespmem:s19+$0x80] =	vst v7;
	v49 =	vmul.f32 v8, v0  }
0x193: {  	v55 =	vld [tilespmem:s1+$0xFFFFFF10];
	[tilespmem:s19+$0x90] =	vst v47;
	v50 =	vmul.f32 v12, v0  }
0x194: {  	v11 =	vand.u32 $0xFFFFFFFD, v11;
	v57 =	vld [tilespmem:s1+$0xFFFFFF20];
	v52 =	vmul.f32 v14, v0;
	[tilespmem:s19+$0xA0] =	vst v49  }
0x195: {  	v11 =	vbroadcast v11, $0x0;
	v59 =	vld [tilespmem:s1+$0xFFFFFF30];
	v54 =	vmul.f32 v15, v0;
	[tilespmem:s19+$0xB0] =	vst v50  }
0x196: {  	v60 =	vld [tilespmem:s1+$0xFFFFFF40];
	v56 =	vmul.f32 v16, v0;
	[tilespmem:s8+$0xC0] =	vst v52  }
0x197: {  	v63 =	vld [tilespmem:s1+$0xFFFFFF50];
	v58 =	vmul.f32 v44, v0;
	[tilespmem:s8+$0xD0] =	vst v54  }
0x198: {  	v15 =	vld [tilespmem:s1+$0xFFFFFF70];
	v62 =	vmul.f32 v53, v46;
	[tilespmem:s8+$0xE0] =	vst v56  }
0x199: {  	v16 =	vld [tilespmem:s1+$0xFFFFFF80];
	v12 =	vmul.f32 v55, v46;
	[tilespmem:s8+$0xF0] =	vst v58  }
0x19a: {  	v44 =	vld [tilespmem:s1+$0x80];
	v14 =	vmul.f32 v57, v46;
	[tilespmem:s1+$0xFFFFFF00] =	vst v62  }
0x19b: {  	v3 =	vmul.f32 v59, v46;
	v48 =	vld.idx.msk [tilespmem:v11+s0+$0x0], $0xffff;
	[tilespmem:s1+$0xFFFFFF10] =	vst v12  }
0x19c: {  	v13 =	vmov s9;
	v18 =	vld [tilespmem:s1+$0xFFFFFF90];
	v17 =	vmul.f32 v60, v46;
	[tilespmem:s1+$0xFFFFFF20] =	vst v14  }
0x19d: {  	v13 =	vand.u32 $0xFFFFFFFE, v13;
	v20 =	vld [tilespmem:s1+$0xFFFFFFA0];
	v19 =	vmul.f32 v63, v46;
	[tilespmem:s1+$0xFFFFFF30] =	vst v3  }
0x19e: {  	v22 =	vld [tilespmem:s1+$0xFFFFFFB0];
	v13 =	vbroadcast v13, $0x0;
	[tilespmem:s1+$0xFFFFFF40] =	vst v17;
	v2 =	vmul.f32 v15, v46  }
0x19f: {  	v23 =	vld [tilespmem:s1+$0xFFFFFFC0];
	[tilespmem:s1+$0xFFFFFF50] =	vst v19;
	v53 =	vmul.f32 v44, v4  }
0x1a0: {  	v25 =	vld [tilespmem:s1+$0xFFFFFFD0];
	v24 =	vmul.f32 v16, v48;
	[tilespmem:s1+$0xFFFFFF70] =	vst v2  }
0x1a1: {  	v26 =	vld [tilespmem:s1+$0xFFFFFFE0];
	v1 =	vmul.f32 v18, v48;
	[tilespmem:s1+$0x80] =	vst v53  }
0x1a2: {  	v28 =	vld [tilespmem:s1+$0xFFFFFFF0];
	v27 =	vmul.f32 v20, v48;
	[tilespmem:s1+$0xFFFFFF80] =	vst v24  }
0x1a3: {  	v50 =	vld [tilespmem:s1+$0xB0];
	v29 =	vmul.f32 v22, v48;
	[tilespmem:s1+$0xFFFFFF90] =	vst v1  }
0x1a4: {  	v6 =	vld.idx.msk [tilespmem:v13+s0+$0x0], $0xffff;
	v31 =	vmul.f32 v23, v48;
	[tilespmem:s1+$0xFFFFFFA0] =	vst v27  }
0x1a5: {  	v13 =	vld [tilespmem:s1+$0xFFFFFF60];
	v33 =	vmul.f32 v25, v48;
	[tilespmem:s1+$0xFFFFFFB0] =	vst v29  }
0x1a6: {  	v30 =	vld [tilespmem:s1+$0x0];
	v35 =	vmul.f32 v26, v48;
	[tilespmem:s1+$0xFFFFFFC0] =	vst v31  }
0x1a7: {  	v32 =	vld [tilespmem:s1+$0x10];
	v37 =	vmul.f32 v28, v48;
	[tilespmem:s1+$0xFFFFFFD0] =	vst v33  }
0x1a8: {  	v34 =	vld [tilespmem:s1+$0x20];
	v59 =	vmul.f32 v50, v4;
	[tilespmem:s1+$0xFFFFFFE0] =	vst v35  }
0x1a9: {  	v36 =	vld [tilespmem:s1+$0x30];
	v61 =	vmul.f32 v51, v6;
	[tilespmem:s1+$0xFFFFFFF0] =	vst v37  }
0x1aa: {  	v38 =	vld [tilespmem:s1+$0x40];
	v21 =	vmul.f32 v13, v46;
	[tilespmem:s1+$0xB0] =	vst v59  }
0x1ab: {  	v40 =	vld [tilespmem:s1+$0x50];
	v39 =	vmul.f32 v30, v6;
	[tilespmem:s1+$0x70] =	vst v61  }
0x1ac: {  	v42 =	vld [tilespmem:s1+$0x60];
	v41 =	vmul.f32 v32, v6;
	[tilespmem:s1+$0xFFFFFF60] =	vst v21  }
0x1ad: {  	v52 =	vld [tilespmem:s1+$0xC0];
	v43 =	vmul.f32 v34, v6;
	[tilespmem:s1+$0x0] =	vst v39  }
0x1ae: {  	v56 =	vld [tilespmem:s1+$0xE0];
	v45 =	vmul.f32 v36, v6;
	[tilespmem:s1+$0x10] =	vst v41  }
0x1af: {  	v58 =	vld [tilespmem:s1+$0xF0];
	v47 =	vmul.f32 v38, v6;
	[tilespmem:s1+$0x20] =	vst v43  }
0x1b0: {  	v54 =	vld [tilespmem:s1+$0xD0];
	v49 =	vmul.f32 v40, v6;
	[tilespmem:s1+$0x30] =	vst v45  }
0x1b1: {  	v48 =	vld [tilespmem:s1+$0xA0];
	v51 =	vmul.f32 v42, v6;
	[tilespmem:s1+$0x40] =	vst v47  }
0x1b2: {  	v46 =	vld [tilespmem:s1+$0x90];
	v60 =	vmul.f32 v52, v4;
	[tilespmem:s1+$0x50] =	vst v49  }
0x1b3: {  	v62 =	vmul.f32 v56, v4;
	[tilespmem:s1+$0x60] =	vst v51  }
0x1b4: {  	v63 =	vmul.f32 v58, v4;
	[tilespmem:s1+$0xC0] =	vst v60  }
0x1b5: {  	v61 =	vmul.f32 v54, v4;
	[tilespmem:s1+$0xE0] =	vst v62  }
0x1b6: {  	[tilespmem:s1+$0xF0] =	vst v63;
	v57 =	vmul.f32 v48, v4  }
0x1b7: {  	[tilespmem:s1+$0xD0] =	vst v61;
	v55 =	vmul.f32 v46, v4  }
0x1b8: {  	[tilespmem:s1+$0xA0] =	vst v57  }
0x1b9: {  	[tilespmem:s1+$0x90] =	vst v55  }
0x1ba: {  	_ =	swait.ge [sflag:s14], $0x50  }
0x1bb: {  	s20 =	simm.s32 $0x2880;
	[sflag:s14] =	ssyncset.done $0x0  }
0x1bc: {  	s9 =	simm.s32 $0x7A80;
	s1 =	sadd.s32 $0x140, s18;
	[sflag:s14] =	ssyncadd.s32 $0xFFFFFFB0  }
0x1bd: {  	[spmem:s2] =	stream.indirect.scatter.add.f32 [tilespmem:s9], [sflag:$0xC], $0x80, s20, s22, $0xb8;
	[tilespmem:$0x1DB00] =	vst v63  }
0x1be: {  	s18 =	sadd.s32 s4, s1;
	_ =	swait.ge [sflag:s16], $0x2800  }
0x1bf: {  	s17 =	sadd.s32 $0x1, s17;
	s8 =	sshrl.u32 s18, $0x3;
	[sflag:s16] =	ssyncset.done $0x0  }
0x1c0: {  	p1 =	sne.s32 s17, $0x29;
	s19 =	sadd.s32 s7, s8;
	[sflag:s16] =	ssyncadd.s32 $0xFFFFD800  }
0x1c1: {  	[tilespmem:s24], [sflag:$0x5] =	stream.linear.gather [hbm4b:s19+s3], $0x50, $0x38;
	[tilespmem:$0x1DB00] =	vst v63  }
.Ltmp3:
0x1c2: {  	_ = 	snop;
	(pc) =	sbr.rel @p1 .LBB2_2-.Ltmp3, $4  }
0x1c3: {  	s8 =	sadd.s32 s6, s8  }
0x1c4: {  	[tilespmem:s26], [sflag:$0x8] =	stream.linear.gather [hbm4b:s8+s3], $0x50, $0x38;
	[tilespmem:$0x1DB00] =	vst v63  }
0x1c5: {  	_ = 	snop  }
0x1c6: {  	[tilespmem:s28], [sflag:$0x2] =	stream.indirect.gather [hbm4b:s5+s22], $0x80, s1, s22, $0xb8;
	[tilespmem:$0x1DB00] =	vst v63  }
0x1c7: {  	_ =	swait.ge [sflag:s29], $0x2800  }
0x1c8: {  	s1 =	simm.s32 $0x0;
	[sflag:s29] =	ssyncset.done $0x0  }
0x1c9: {  	s19 =	simm.s32 $0x2;
	v0 =	vmov s1;
	[sflag:s29] =	ssyncadd.s32 $0xFFFFD800  }
0x1ca: {  	v1 =	vmov s19;
	v0 =	vand.u32 $0xFFFFFFFC, v0;
	_ =	swait.ge [sflag:s30], $0x50  }
0x1cb: {  	v1 =	vand.u32 $0xFFFFFFFE, v1;
	v0 =	vbroadcast v0, $0x0;
	[sflag:s30] =	ssyncset.done $0x0  }
0x1cc: {  	s17 =	simm.s32 $0x2B80;
	v1 =	vbroadcast v1, $0x0;
	[sflag:s30] =	ssyncadd.s32 $0xFFFFFFB0  }
0x1cd: {  	v3 =	vld [tilespmem:s17+$0x70]  }
0x1ce: {  	v4 =	vld [tilespmem:s17+$0xFFFFFF00]  }
0x1cf: {  	s8 =	simm.s32 $0x1;
	v5 =	vld [tilespmem:s17+$0xFFFFFF10]  }
0x1d0: {  	v2 =	vmov s8;
	v6 =	vld [tilespmem:s17+$0xFFFFFF20]  }
0x1d1: {  	v2 =	vand.u32 $0xFFFFFFFD, v2;
	v0 =	vld.idx.msk [tilespmem:v0+s21+$0x0], $0xffff  }
0x1d2: {  	v2 =	vbroadcast v2, $0x0;
	v1 =	vld.idx.msk [tilespmem:v1+s21+$0x0], $0xffff  }
0x1d3: {  	v7 =	vld [tilespmem:s17+$0xFFFFFF30]  }
0x1d4: {  	v8 =	vld [tilespmem:s17+$0xFFFFFF40]  }
0x1d5: {  	v9 =	vld [tilespmem:s17+$0xFFFFFF50]  }
0x1d6: {  	v10 =	vld [tilespmem:s17+$0xFFFFFF60];
	v4 =	vmul.f32 v4, v0  }
0x1d7: {  	v12 =	vld [tilespmem:s17+$0x40];
	v3 =	vmul.f32 v3, v1  }
0x1d8: {  	v2 =	vld.idx.msk [tilespmem:v2+s21+$0x0], $0xffff;
	[tilespmem:s17+$0xFFFFFF00] =	vst v4;
	v4 =	vmul.f32 v5, v0  }
0x1d9: {  	v5 =	vld [tilespmem:s17+$0xFFFFFF70];
	[tilespmem:s17+$0x70] =	vst v3;
	v3 =	vmul.f32 v6, v0  }
0x1da: {  	v6 =	vld [tilespmem:s17+$0xFFFFFF80];
	[tilespmem:s17+$0xFFFFFF10] =	vst v4;
	v4 =	vmul.f32 v7, v0  }
0x1db: {  	v7 =	vld [tilespmem:s17+$0xFFFFFF90];
	[tilespmem:s17+$0xFFFFFF20] =	vst v3;
	v3 =	vmul.f32 v8, v0  }
0x1dc: {  	v8 =	vld [tilespmem:s17+$0xFFFFFFA0];
	[tilespmem:s17+$0xFFFFFF30] =	vst v4;
	v4 =	vmul.f32 v9, v0  }
0x1dd: {  	v9 =	vld [tilespmem:s17+$0xFFFFFFB0];
	[tilespmem:s17+$0xFFFFFF40] =	vst v3;
	v3 =	vmul.f32 v10, v0  }
0x1de: {  	v10 =	vld [tilespmem:s17+$0xFFFFFFC0];
	v5 =	vmul.f32 v5, v0;
	[tilespmem:s17+$0xFFFFFF50] =	vst v4  }
0x1df: {  	v4 =	vmul.f32 v6, v2;
	v6 =	vld [tilespmem:s17+$0xFFFFFFD0];
	[tilespmem:s17+$0xFFFFFF60] =	vst v3  }
0x1e0: {  	s9 =	simm.s32 $0x3;
	v3 =	vld [tilespmem:s17+$0xFFFFFFE0];
	v7 =	vmul.f32 v7, v2;
	[tilespmem:s17+$0xFFFFFF70] =	vst v5  }
0x1e1: {  	v11 =	vmov s9;
	v5 =	vld [tilespmem:s17+$0xFFFFFFF0];
	[tilespmem:s17+$0xFFFFFF80] =	vst v4;
	v4 =	vmul.f32 v8, v2  }
0x1e2: {  	v8 =	vld [tilespmem:s17+$0x0];
	[tilespmem:s17+$0xFFFFFF90] =	vst v7;
	v7 =	vmul.f32 v9, v2  }
0x1e3: {  	v9 =	vld [tilespmem:s17+$0x10];
	[tilespmem:s17+$0xFFFFFFA0] =	vst v4;
	v4 =	vmul.f32 v10, v2  }
0x1e4: {  	[tilespmem:s17+$0xFFFFFFB0] =	vst v7;
	v6 =	vmul.f32 v6, v2;
	v7 =	vld [tilespmem:s17+$0x20]  }
0x1e5: {  	v10 =	vld [tilespmem:s17+$0x30];
	v3 =	vmul.f32 v3, v2;
	[tilespmem:s17+$0xFFFFFFC0] =	vst v4  }
0x1e6: {  	v0 =	vld.idx.msk [tilespmem:v11+s21+$0x0], $0xffff;
	v2 =	vmul.f32 v5, v2;
	[tilespmem:s17+$0xFFFFFFD0] =	vst v6  }
0x1e7: {  	[tilespmem:s17+$0xFFFFFFE0] =	vst v3;
	v4 =	vmul.f32 v8, v1;
	v3 =	vld [tilespmem:s17+$0x50]  }
0x1e8: {  	s18 =	simm.s32 $0x4;
	[tilespmem:s17+$0xFFFFFFF0] =	vst v2;
	v5 =	vmul.f32 v9, v1;
	v2 =	vld [tilespmem:s17+$0x60]  }
0x1e9: {  	s19 =	simm.s32 $0x7;
	v6 =	vmov s18;
	[tilespmem:s17+$0x0] =	vst v4;
	v8 =	vmul.f32 v7, v1;
	v7 =	vld [tilespmem:s17+$0x80]  }
0x1ea: {  	s8 =	simm.s32 $0x5;
	v11 =	vand.u32 $0xFFFFFFFC, v6;
	v6 =	vld [tilespmem:s17+$0x90];
	v4 =	vmov s19;
	v9 =	vmul.f32 v10, v1;
	[tilespmem:s17+$0x10] =	vst v5  }
0x1eb: {  	s9 =	simm.s32 $0x6;
	s1 =	simm.s32 $0x8;
	v10 =	vmul.f32 v12, v1;
	v5 =	vbroadcast v11, $0x0;
	v11 =	vmov s8;
	s8 =	simm.s32 $0x2B80;
	[tilespmem:s17+$0x20] =	vst v8;
	v8 =	vld [tilespmem:s17+$0xA0]  }
.LBB2_10:
0x1ec: {  	p1 =	slt.u32 s1, $0x4C;
	v11 =	vand.u32 $0xFFFFFFFD, v11;
	v12 =	vmov s9;
	[tilespmem:s17+$0x30] =	vst v9;
	v3 =	vmul.f32 v3, v1;
	v9 =	vld [tilespmem:s17+$0xB0]  }
0x1ed: {  	v11 =	vbroadcast v11, $0x0;
	v12 =	vand.u32 $0xFFFFFFFE, v12;
	[tilespmem:s17+$0x40] =	vst v10;
	v1 =	vmul.f32 v2, v1;
	v2 =	vld [tilespmem:s17+$0xC0]  }
0x1ee: {  	v10 =	vbroadcast v12, $0x0;
	[tilespmem:s17+$0x50] =	vst v3;
	v3 =	vmul.f32 v7, v0;
	v7 =	vld [tilespmem:s17+$0xD0]  }
0x1ef: {  	[tilespmem:s17+$0x60] =	vst v1;
	v1 =	vmul.f32 v6, v0;
	v6 =	vld [tilespmem:s17+$0xE0]  }
0x1f0: {  	[tilespmem:s17+$0x80] =	vst v3;
	v3 =	vmul.f32 v8, v0;
	v8 =	vld [tilespmem:s17+$0xF0]  }
0x1f1: {  	v4 =	vld.idx.msk [tilespmem:v4+s21+$0x0], $0xffff;
	[tilespmem:s17+$0x90] =	vst v1;
	v1 =	vmul.f32 v9, v0  }
0x1f2: {  	v5 =	vld.idx.msk [tilespmem:v5+s21+$0x0], $0xffff;
	[tilespmem:s17+$0xA0] =	vst v3;
	v2 =	vmul.f32 v2, v0  }
0x1f3: {  	v3 =	vld.idx.msk [tilespmem:v11+s21+$0x0], $0xffff;
	[tilespmem:s17+$0xB0] =	vst v1;
	v7 =	vmul.f32 v7, v0  }
0x1f4: {  	s17 =	sadd.s32 $0x200, s17;
	v1 =	vld.idx.msk [tilespmem:v10+s21+$0x0], $0xffff;
	[tilespmem:s8+$0xC0] =	vst v2;
	v2 =	vmul.f32 v6, v0  }
0x1f5: {  	v6 =	vld [tilespmem:s17+$0x70];
	[tilespmem:s8+$0xD0] =	vst v7;
	v8 =	vmul.f32 v8, v0  }
0x1f6: {  	v7 =	vld [tilespmem:s17+$0xFFFFFF00];
	[tilespmem:s8+$0xE0] =	vst v2  }
0x1f7: {  	v0 =	vmov v4;
	v2 =	vld [tilespmem:s17+$0xFFFFFF10];
	[tilespmem:s8+$0xF0] =	vst v8;
	s8 =	smov.u32 s17  }
0x1f8: {  	v4 =	vld [tilespmem:s17+$0xFFFFFF20]  }
0x1f9: {  	v8 =	vld [tilespmem:s17+$0xFFFFFF30]  }
0x1fa: {  	v9 =	vld [tilespmem:s17+$0xFFFFFF40];
	v6 =	vmul.f32 v6, v1  }
0x1fb: {  	v7 =	vmul.f32 v7, v5;
	v10 =	vld [tilespmem:s17+$0xFFFFFF50]  }
0x1fc: {  	v2 =	vmul.f32 v2, v5;
	v11 =	vld [tilespmem:s17+$0xFFFFFF60];
	[tilespmem:s17+$0x70] =	vst v6  }
0x1fd: {  	[tilespmem:s17+$0xFFFFFF00] =	vst v7;
	v4 =	vmul.f32 v4, v5;
	v6 =	vld [tilespmem:s17+$0xFFFFFF70]  }
0x1fe: {  	[tilespmem:s17+$0xFFFFFF10] =	vst v2;
	v2 =	vmul.f32 v8, v5;
	v7 =	vld [tilespmem:s17+$0xFFFFFF80]  }
0x1ff: {  	[tilespmem:s17+$0xFFFFFF20] =	vst v4;
	v4 =	vmul.f32 v9, v5;
	v8 =	vld [tilespmem:s17+$0xFFFFFF90]  }
0x200: {  	[tilespmem:s17+$0xFFFFFF30] =	vst v2;
	v2 =	vmul.f32 v10, v5;
	v9 =	vld [tilespmem:s17+$0xFFFFFFA0]  }
0x201: {  	[tilespmem:s17+$0xFFFFFF40] =	vst v4;
	v4 =	vmul.f32 v11, v5;
	v10 =	vld [tilespmem:s17+$0xFFFFFFB0]  }
0x202: {  	[tilespmem:s17+$0xFFFFFF50] =	vst v2;
	v2 =	vmul.f32 v6, v5;
	v5 =	vld [tilespmem:s17+$0xFFFFFFC0]  }
0x203: {  	[tilespmem:s17+$0xFFFFFF60] =	vst v4;
	v4 =	vmul.f32 v7, v3;
	v6 =	vld [tilespmem:s17+$0xFFFFFFD0]  }
0x204: {  	[tilespmem:s17+$0xFFFFFF70] =	vst v2;
	v2 =	vmul.f32 v8, v3;
	v7 =	vld [tilespmem:s17+$0xFFFFFFE0]  }
0x205: {  	[tilespmem:s17+$0xFFFFFF80] =	vst v4;
	v4 =	vmul.f32 v9, v3;
	v8 =	vld [tilespmem:s17+$0xFFFFFFF0]  }
0x206: {  	[tilespmem:s17+$0xFFFFFF90] =	vst v2;
	v2 =	vmul.f32 v10, v3;
	v9 =	vld [tilespmem:s17+$0x0]  }
0x207: {  	[tilespmem:s17+$0xFFFFFFA0] =	vst v4;
	v4 =	vmul.f32 v5, v3;
	v5 =	vld [tilespmem:s17+$0x10]  }
0x208: {  	[tilespmem:s17+$0xFFFFFFB0] =	vst v2;
	v2 =	vmul.f32 v6, v3;
	v6 =	vld [tilespmem:s17+$0x20]  }
0x209: {  	[tilespmem:s17+$0xFFFFFFC0] =	vst v4;
	v4 =	vmul.f32 v7, v3;
	v10 =	vld [tilespmem:s17+$0x30]  }
0x20a: {  	[tilespmem:s17+$0xFFFFFFD0] =	vst v2;
	v2 =	vmul.f32 v8, v3;
	v8 =	vld [tilespmem:s17+$0x40]  }
.Ltmp4:
0x20b: {  	[tilespmem:s17+$0xFFFFFFE0] =	vst v4;
	v4 =	vmul.f32 v9, v1;
	v3 =	vld [tilespmem:s17+$0x50];
	(pc) =	sbr.rel @p1 .LBB2_10-.Ltmp4, $4  }
0x20c: {  	[tilespmem:s17+$0xFFFFFFF0] =	vst v2;
	v5 =	vmul.f32 v5, v1;
	v2 =	vld [tilespmem:s17+$0x60]  }
0x20d: {  	s9 =	sadd.s32 $0x3, s1;
	v9 =	vmov s1;
	[tilespmem:s17+$0x0] =	vst v4;
	v12 =	vmul.f32 v6, v1;
	v7 =	vld [tilespmem:s17+$0x80]  }
0x20e: {  	s18 =	sadd.s32 $0x1, s1;
	v11 =	vand.u32 $0xFFFFFFFC, v9;
	v4 =	vmov s9;
	[tilespmem:s17+$0x10] =	vst v5;
	v9 =	vmul.f32 v10, v1;
	v6 =	vld [tilespmem:s17+$0x90]  }
0x20f: {  	s9 =	sadd.s32 $0x2, s1;
	s1 =	sadd.s32 $0x4, s1;
	v5 =	vbroadcast v11, $0x0;
	v11 =	vmov s18;
	[tilespmem:s17+$0x20] =	vst v12;
	v10 =	vmul.f32 v8, v1;
	v8 =	vld [tilespmem:s17+$0xA0]  }
0x210: {  	v12 =	vld [tilespmem:s17+$0xB0]  }
0x211: {  	v14 =	vld [tilespmem:s17+$0xC0]  }
0x212: {  	v13 =	vmov s9;
	v15 =	vld [tilespmem:s17+$0xD0]  }
0x213: {  	v16 =	vld [tilespmem:s17+$0xE0];
	[tilespmem:s17+$0x30] =	vst v9;
	v3 =	vmul.f32 v3, v1;
	v13 =	vand.u32 $0xFFFFFFFE, v13  }
0x214: {  	v11 =	vand.u32 $0xFFFFFFFD, v11;
	v4 =	vld.idx.msk [tilespmem:v4+s21+$0x0], $0xffff;
	[tilespmem:s17+$0x40] =	vst v10;
	v1 =	vmul.f32 v2, v1;
	v13 =	vbroadcast v13, $0x0  }
0x215: {  	s1 =	sadd.s32 $0x200, s17;
	v11 =	vbroadcast v11, $0x0;
	v2 =	vld.idx.msk [tilespmem:v5+s21+$0x0], $0xffff;
	v7 =	vmul.f32 v7, v0;
	[tilespmem:s17+$0x50] =	vst v3  }
0x216: {  	v9 =	vld [tilespmem:s1+$0xFFFFFF00];
	v3 =	vmul.f32 v6, v0;
	[tilespmem:s17+$0x60] =	vst v1  }
0x217: {  	[tilespmem:s17+$0x80] =	vst v7;
	v7 =	vld [tilespmem:s17+$0xF0];
	v1 =	vmul.f32 v8, v0  }
0x218: {  	v10 =	vld [tilespmem:s1+$0xFFFFFF10];
	[tilespmem:s17+$0x90] =	vst v3;
	v3 =	vmul.f32 v12, v0  }
0x219: {  	v8 =	vld [tilespmem:s1+$0x70];
	[tilespmem:s17+$0xA0] =	vst v1;
	v1 =	vmul.f32 v14, v0  }
0x21a: {  	[tilespmem:s17+$0xB0] =	vst v3;
	v3 =	vmul.f32 v15, v0;
	v6 =	vld.idx.msk [tilespmem:v13+s21+$0x0], $0xffff  }
0x21b: {  	v5 =	vld.idx.msk [tilespmem:v11+s21+$0x0], $0xffff;
	[tilespmem:s8+$0xC0] =	vst v1;
	v1 =	vmul.f32 v16, v0  }
0x21c: {  	v11 =	vld [tilespmem:s1+$0xFFFFFF20];
	[tilespmem:s8+$0xD0] =	vst v3;
	v0 =	vmul.f32 v7, v0  }
0x21d: {  	v3 =	vld [tilespmem:s1+$0xFFFFFF30];
	[tilespmem:s8+$0xE0] =	vst v1  }
0x21e: {  	v1 =	vld [tilespmem:s1+$0xFFFFFF40];
	[tilespmem:s8+$0xF0] =	vst v0;
	v0 =	vmul.f32 v9, v2  }
0x21f: {  	v7 =	vmul.f32 v8, v6;
	v8 =	vld [tilespmem:s1+$0xFFFFFF50]  }
0x220: {  	v9 =	vmul.f32 v10, v2;
	v10 =	vld [tilespmem:s1+$0xFFFFFF60];
	[tilespmem:s1+$0xFFFFFF00] =	vst v0  }
0x221: {  	v0 =	vmul.f32 v11, v2;
	[tilespmem:s1+$0x70] =	vst v7;
	v7 =	vld [tilespmem:s1+$0xFFFFFF70]  }
0x222: {  	[tilespmem:s1+$0xFFFFFF10] =	vst v9;
	v9 =	vld [tilespmem:s1+$0xFFFFFF80];
	v3 =	vmul.f32 v3, v2  }
0x223: {  	[tilespmem:s1+$0xFFFFFF20] =	vst v0;
	v0 =	vmul.f32 v1, v2;
	v1 =	vld [tilespmem:s1+$0xFFFFFF90]  }
0x224: {  	[tilespmem:s1+$0xFFFFFF30] =	vst v3;
	v3 =	vmul.f32 v8, v2;
	v8 =	vld [tilespmem:s1+$0xFFFFFFA0]  }
0x225: {  	[tilespmem:s1+$0xFFFFFF40] =	vst v0;
	v0 =	vmul.f32 v10, v2;
	v10 =	vld [tilespmem:s1+$0xFFFFFFB0]  }
0x226: {  	[tilespmem:s1+$0xFFFFFF50] =	vst v3;
	v2 =	vmul.f32 v7, v2;
	v3 =	vld [tilespmem:s1+$0xFFFFFFC0]  }
0x227: {  	[tilespmem:s1+$0xFFFFFF60] =	vst v0;
	v0 =	vmul.f32 v9, v5;
	v7 =	vld [tilespmem:s1+$0xFFFFFFD0]  }
0x228: {  	v1 =	vmul.f32 v1, v5;
	[tilespmem:s1+$0xFFFFFF70] =	vst v2;
	v2 =	vld [tilespmem:s1+$0xFFFFFFE0]  }
0x229: {  	[tilespmem:s1+$0xFFFFFF80] =	vst v0;
	v0 =	vmul.f32 v8, v5;
	v8 =	vld [tilespmem:s1+$0xFFFFFFF0]  }
0x22a: {  	v9 =	vld [tilespmem:s1+$0x0];
	[tilespmem:s1+$0xFFFFFF90] =	vst v1;
	v1 =	vmul.f32 v10, v5  }
0x22b: {  	[tilespmem:s1+$0xFFFFFFA0] =	vst v0;
	v0 =	vmul.f32 v3, v5;
	v3 =	vld [tilespmem:s1+$0x10]  }
0x22c: {  	[tilespmem:s1+$0xFFFFFFB0] =	vst v1;
	v1 =	vmul.f32 v7, v5;
	v7 =	vld [tilespmem:s1+$0x20]  }
0x22d: {  	[tilespmem:s1+$0xFFFFFFC0] =	vst v0;
	v0 =	vmul.f32 v2, v5;
	v2 =	vld [tilespmem:s1+$0x30]  }
0x22e: {  	[tilespmem:s1+$0xFFFFFFD0] =	vst v1;
	v1 =	vmul.f32 v8, v5;
	v5 =	vld [tilespmem:s1+$0x40]  }
0x22f: {  	v8 =	vld [tilespmem:s1+$0x50];
	[tilespmem:s1+$0xFFFFFFE0] =	vst v0;
	v0 =	vmul.f32 v9, v6  }
0x230: {  	[tilespmem:s1+$0xFFFFFFF0] =	vst v1;
	v1 =	vmul.f32 v3, v6;
	v3 =	vld [tilespmem:s1+$0x60]  }
0x231: {  	[tilespmem:s1+$0x0] =	vst v0;
	v0 =	vmul.f32 v7, v6;
	v7 =	vld [tilespmem:s1+$0x80]  }
0x232: {  	[tilespmem:s1+$0x10] =	vst v1;
	v1 =	vmul.f32 v2, v6;
	v2 =	vld [tilespmem:s1+$0x90]  }
0x233: {  	[tilespmem:s1+$0x20] =	vst v0;
	v0 =	vmul.f32 v5, v6;
	v5 =	vld [tilespmem:s1+$0xA0]  }
0x234: {  	[tilespmem:s1+$0x30] =	vst v1;
	v1 =	vmul.f32 v8, v6;
	v8 =	vld [tilespmem:s1+$0xB0]  }
0x235: {  	[tilespmem:s1+$0x40] =	vst v0;
	v0 =	vmul.f32 v3, v6;
	v3 =	vld [tilespmem:s1+$0xC0]  }
0x236: {  	v6 =	vld [tilespmem:s1+$0xD0];
	[tilespmem:s1+$0x50] =	vst v1;
	v1 =	vmul.f32 v7, v4  }
0x237: {  	[tilespmem:s1+$0x60] =	vst v0;
	v0 =	vmul.f32 v2, v4;
	v2 =	vld [tilespmem:s1+$0xE0]  }
0x238: {  	[tilespmem:s1+$0x80] =	vst v1;
	v1 =	vmul.f32 v5, v4;
	v5 =	vld [tilespmem:s1+$0xF0]  }
0x239: {  	[tilespmem:s1+$0x90] =	vst v0;
	v0 =	vmul.f32 v8, v4  }
0x23a: {  	[tilespmem:s1+$0xA0] =	vst v1;
	v1 =	vmul.f32 v3, v4  }
0x23b: {  	[tilespmem:s1+$0xB0] =	vst v0;
	v0 =	vmul.f32 v6, v4  }
0x23c: {  	[tilespmem:s1+$0xC0] =	vst v1;
	v1 =	vmul.f32 v2, v4  }
0x23d: {  	[tilespmem:s1+$0xD0] =	vst v0;
	v0 =	vmul.f32 v5, v4  }
0x23e: {  	[tilespmem:s1+$0xE0] =	vst v1  }
0x23f: {  	[tilespmem:s1+$0xF0] =	vst v0  }
0x240: {  	_ =	swait.ge [sflag:s31], $0x50  }
0x241: {  	s9 =	simm.s32 $0x0;
	[sflag:s31] =	ssyncset.done $0x0  }
0x242: {  	s18 =	simm.s32 $0x2780;
	s17 =	simm.s32 $0x2;
	v0 =	vmov s9;
	[sflag:s31] =	ssyncadd.s32 $0xFFFFFFB0  }
0x243: {  	v1 =	vmov s17;
	v0 =	vand.u32 $0xFFFFFFFC, v0;
	[spmem:s2] =	stream.indirect.scatter.add.f32 [tilespmem:s23], [sflag:$0xA], $0x80, s18, s22, $0xb8;
	[tilespmem:$0x1DB00] =	vst v63  }
0x244: {  	v1 =	vand.u32 $0xFFFFFFFE, v1;
	v0 =	vbroadcast v0, $0x0;
	_ =	swait.ge [sflag:s10], $0x2800  }
0x245: {  	v1 =	vbroadcast v1, $0x0;
	[sflag:s10] =	ssyncset.done $0x0  }
0x246: {  	[sflag:s10] =	ssyncadd.s32 $0xFFFFD800  }
0x247: {  	_ =	swait.ge [sflag:s11], $0x50  }
0x248: {  	[sflag:s11] =	ssyncset.done $0x0  }
0x249: {  	[sflag:s11] =	ssyncadd.s32 $0xFFFFFFB0  }
0x24a: {  	v0 =	vld.idx.msk [tilespmem:v0+s26+$0x0], $0xffff  }
0x24b: {  	s19 =	simm.s32 $0x1;
	s17 =	simm.s32 $0x5380;
	v1 =	vld.idx.msk [tilespmem:v1+s26+$0x0], $0xffff  }
0x24c: {  	v2 =	vmov s19;
	v3 =	vld [tilespmem:s17+$0x70]  }
0x24d: {  	v2 =	vand.u32 $0xFFFFFFFD, v2;
	v4 =	vld [tilespmem:s17+$0xFFFFFF00]  }
0x24e: {  	v2 =	vbroadcast v2, $0x0;
	v5 =	vld [tilespmem:s17+$0xFFFFFF10]  }
0x24f: {  	v6 =	vld [tilespmem:s17+$0xFFFFFF20]  }
0x250: {  	v7 =	vld [tilespmem:s17+$0xFFFFFF30]  }
0x251: {  	v8 =	vld [tilespmem:s17+$0xFFFFFF40]  }
0x252: {  	v9 =	vld [tilespmem:s17+$0xFFFFFF50];
	v4 =	vmul.f32 v4, v0  }
0x253: {  	v10 =	vld [tilespmem:s17+$0xFFFFFF60];
	v3 =	vmul.f32 v3, v1  }
0x254: {  	v2 =	vld.idx.msk [tilespmem:v2+s26+$0x0], $0xffff;
	[tilespmem:s17+$0xFFFFFF00] =	vst v4;
	v4 =	vmul.f32 v5, v0  }
0x255: {  	v5 =	vld [tilespmem:s17+$0xFFFFFF70];
	[tilespmem:s17+$0x70] =	vst v3;
	v3 =	vmul.f32 v6, v0  }
0x256: {  	v6 =	vld [tilespmem:s17+$0xFFFFFF80];
	[tilespmem:s17+$0xFFFFFF10] =	vst v4;
	v4 =	vmul.f32 v7, v0  }
0x257: {  	v7 =	vld [tilespmem:s17+$0xFFFFFF90];
	[tilespmem:s17+$0xFFFFFF20] =	vst v3;
	v3 =	vmul.f32 v8, v0  }
0x258: {  	v8 =	vld [tilespmem:s17+$0xFFFFFFA0];
	[tilespmem:s17+$0xFFFFFF30] =	vst v4;
	v4 =	vmul.f32 v9, v0  }
0x259: {  	v9 =	vld [tilespmem:s17+$0xFFFFFFB0];
	[tilespmem:s17+$0xFFFFFF40] =	vst v3;
	v3 =	vmul.f32 v10, v0  }
0x25a: {  	v10 =	vld [tilespmem:s17+$0xFFFFFFC0];
	v5 =	vmul.f32 v5, v0;
	[tilespmem:s17+$0xFFFFFF50] =	vst v4  }
0x25b: {  	v4 =	vmul.f32 v6, v2;
	v6 =	vld [tilespmem:s17+$0xFFFFFFD0];
	[tilespmem:s17+$0xFFFFFF60] =	vst v3  }
0x25c: {  	v3 =	vld [tilespmem:s17+$0xFFFFFFE0];
	v7 =	vmul.f32 v7, v2;
	[tilespmem:s17+$0xFFFFFF70] =	vst v5  }
0x25d: {  	s8 =	simm.s32 $0x3;
	v5 =	vld [tilespmem:s17+$0xFFFFFFF0];
	[tilespmem:s17+$0xFFFFFF80] =	vst v4;
	v4 =	vmul.f32 v8, v2  }
0x25e: {  	v11 =	vmov s8;
	v8 =	vld [tilespmem:s17+$0x0];
	[tilespmem:s17+$0xFFFFFF90] =	vst v7;
	v7 =	vmul.f32 v9, v2  }
0x25f: {  	v9 =	vld [tilespmem:s17+$0x10];
	[tilespmem:s17+$0xFFFFFFA0] =	vst v4;
	v4 =	vmul.f32 v10, v2  }
0x260: {  	[tilespmem:s17+$0xFFFFFFB0] =	vst v7;
	v6 =	vmul.f32 v6, v2;
	v7 =	vld [tilespmem:s17+$0x20]  }
0x261: {  	v63 =	vld [tilespmem:s17+$0x40];
	v3 =	vmul.f32 v3, v2;
	[tilespmem:s17+$0xFFFFFFC0] =	vst v4  }
0x262: {  	v10 =	vld [tilespmem:s17+$0x30];
	v2 =	vmul.f32 v5, v2;
	[tilespmem:s17+$0xFFFFFFD0] =	vst v6  }
0x263: {  	v0 =	vld.idx.msk [tilespmem:v11+s26+$0x0], $0xffff;
	[tilespmem:s17+$0xFFFFFFE0] =	vst v3;
	v4 =	vmul.f32 v8, v1  }
0x264: {  	v3 =	vld [tilespmem:s17+$0x50];
	[tilespmem:s17+$0xFFFFFFF0] =	vst v2;
	v5 =	vmul.f32 v9, v1  }
0x265: {  	s9 =	simm.s32 $0x4;
	v2 =	vld [tilespmem:s17+$0x60];
	[tilespmem:s17+$0x0] =	vst v4;
	v8 =	vmul.f32 v7, v1  }
0x266: {  	s18 =	simm.s32 $0x7;
	v6 =	vmov s9;
	v7 =	vld [tilespmem:s17+$0x80];
	[tilespmem:s17+$0x10] =	vst v5  }
0x267: {  	s8 =	simm.s32 $0x5380;
	s19 =	simm.s32 $0x5;
	v11 =	vand.u32 $0xFFFFFFFC, v6;
	v6 =	vld [tilespmem:s17+$0x90];
	v4 =	vmov s18;
	v9 =	vmul.f32 v10, v1;
	[tilespmem:s17+$0x20] =	vst v8  }
0x268: {  	s1 =	simm.s32 $0x8;
	s9 =	simm.s32 $0x6;
	v10 =	vmul.f32 v63, v1;
	v5 =	vbroadcast v11, $0x0;
	v11 =	vmov s19;
	v8 =	vld [tilespmem:s17+$0xA0];
	s19 =	rddreg [dreg:$0xf]  }
.LBB2_12:
0x269: {  	p1 =	slt.u32 s1, $0x4C;
	v11 =	vand.u32 $0xFFFFFFFD, v11;
	v12 =	vmov s9;
	[tilespmem:s17+$0x30] =	vst v9;
	v3 =	vmul.f32 v3, v1;
	v9 =	vld [tilespmem:s17+$0xB0]  }
0x26a: {  	v11 =	vbroadcast v11, $0x0;
	v12 =	vand.u32 $0xFFFFFFFE, v12;
	[tilespmem:s17+$0x40] =	vst v10;
	v1 =	vmul.f32 v2, v1;
	v2 =	vld [tilespmem:s17+$0xC0]  }
0x26b: {  	v10 =	vbroadcast v12, $0x0;
	[tilespmem:s17+$0x50] =	vst v3;
	v3 =	vmul.f32 v7, v0;
	v7 =	vld [tilespmem:s17+$0xD0]  }
0x26c: {  	[tilespmem:s17+$0x60] =	vst v1;
	v1 =	vmul.f32 v6, v0;
	v6 =	vld [tilespmem:s17+$0xE0]  }
0x26d: {  	[tilespmem:s17+$0x80] =	vst v3;
	v3 =	vmul.f32 v8, v0;
	v8 =	vld [tilespmem:s17+$0xF0]  }
0x26e: {  	v4 =	vld.idx.msk [tilespmem:v4+s26+$0x0], $0xffff;
	[tilespmem:s17+$0x90] =	vst v1;
	v1 =	vmul.f32 v9, v0  }
0x26f: {  	v5 =	vld.idx.msk [tilespmem:v5+s26+$0x0], $0xffff;
	[tilespmem:s17+$0xA0] =	vst v3;
	v2 =	vmul.f32 v2, v0  }
0x270: {  	v3 =	vld.idx.msk [tilespmem:v11+s26+$0x0], $0xffff;
	[tilespmem:s17+$0xB0] =	vst v1;
	v7 =	vmul.f32 v7, v0  }
0x271: {  	s17 =	sadd.s32 $0x200, s17;
	v1 =	vld.idx.msk [tilespmem:v10+s26+$0x0], $0xffff;
	[tilespmem:s8+$0xC0] =	vst v2;
	v2 =	vmul.f32 v6, v0  }
0x272: {  	v6 =	vld [tilespmem:s17+$0x70];
	[tilespmem:s8+$0xD0] =	vst v7;
	v8 =	vmul.f32 v8, v0  }
0x273: {  	v7 =	vld [tilespmem:s17+$0xFFFFFF00];
	[tilespmem:s8+$0xE0] =	vst v2  }
0x274: {  	v0 =	vmov v4;
	v2 =	vld [tilespmem:s17+$0xFFFFFF10];
	[tilespmem:s8+$0xF0] =	vst v8;
	s8 =	smov.u32 s17  }
0x275: {  	v4 =	vld [tilespmem:s17+$0xFFFFFF20]  }
0x276: {  	v8 =	vld [tilespmem:s17+$0xFFFFFF30]  }
0x277: {  	v9 =	vld [tilespmem:s17+$0xFFFFFF40];
	v6 =	vmul.f32 v6, v1  }
0x278: {  	v7 =	vmul.f32 v7, v5;
	v10 =	vld [tilespmem:s17+$0xFFFFFF50]  }
0x279: {  	v2 =	vmul.f32 v2, v5;
	v11 =	vld [tilespmem:s17+$0xFFFFFF60];
	[tilespmem:s17+$0x70] =	vst v6  }
0x27a: {  	[tilespmem:s17+$0xFFFFFF00] =	vst v7;
	v4 =	vmul.f32 v4, v5;
	v6 =	vld [tilespmem:s17+$0xFFFFFF70]  }
0x27b: {  	[tilespmem:s17+$0xFFFFFF10] =	vst v2;
	v2 =	vmul.f32 v8, v5;
	v7 =	vld [tilespmem:s17+$0xFFFFFF80]  }
0x27c: {  	[tilespmem:s17+$0xFFFFFF20] =	vst v4;
	v4 =	vmul.f32 v9, v5;
	v8 =	vld [tilespmem:s17+$0xFFFFFF90]  }
0x27d: {  	[tilespmem:s17+$0xFFFFFF30] =	vst v2;
	v2 =	vmul.f32 v10, v5;
	v9 =	vld [tilespmem:s17+$0xFFFFFFA0]  }
0x27e: {  	[tilespmem:s17+$0xFFFFFF40] =	vst v4;
	v4 =	vmul.f32 v11, v5;
	v10 =	vld [tilespmem:s17+$0xFFFFFFB0]  }
0x27f: {  	[tilespmem:s17+$0xFFFFFF50] =	vst v2;
	v2 =	vmul.f32 v6, v5;
	v5 =	vld [tilespmem:s17+$0xFFFFFFC0]  }
0x280: {  	[tilespmem:s17+$0xFFFFFF60] =	vst v4;
	v4 =	vmul.f32 v7, v3;
	v6 =	vld [tilespmem:s17+$0xFFFFFFD0]  }
0x281: {  	[tilespmem:s17+$0xFFFFFF70] =	vst v2;
	v2 =	vmul.f32 v8, v3;
	v7 =	vld [tilespmem:s17+$0xFFFFFFE0]  }
0x282: {  	[tilespmem:s17+$0xFFFFFF80] =	vst v4;
	v4 =	vmul.f32 v9, v3;
	v8 =	vld [tilespmem:s17+$0xFFFFFFF0]  }
0x283: {  	[tilespmem:s17+$0xFFFFFF90] =	vst v2;
	v2 =	vmul.f32 v10, v3;
	v9 =	vld [tilespmem:s17+$0x0]  }
0x284: {  	[tilespmem:s17+$0xFFFFFFA0] =	vst v4;
	v4 =	vmul.f32 v5, v3;
	v5 =	vld [tilespmem:s17+$0x10]  }
0x285: {  	[tilespmem:s17+$0xFFFFFFB0] =	vst v2;
	v2 =	vmul.f32 v6, v3;
	v6 =	vld [tilespmem:s17+$0x20]  }
0x286: {  	[tilespmem:s17+$0xFFFFFFC0] =	vst v4;
	v4 =	vmul.f32 v7, v3;
	v10 =	vld [tilespmem:s17+$0x30]  }
0x287: {  	[tilespmem:s17+$0xFFFFFFD0] =	vst v2;
	v2 =	vmul.f32 v8, v3;
	v8 =	vld [tilespmem:s17+$0x40]  }
.Ltmp5:
0x288: {  	[tilespmem:s17+$0xFFFFFFE0] =	vst v4;
	v4 =	vmul.f32 v9, v1;
	v3 =	vld [tilespmem:s17+$0x50];
	(pc) =	sbr.rel @p1 .LBB2_12-.Ltmp5, $4  }
0x289: {  	[tilespmem:s17+$0xFFFFFFF0] =	vst v2;
	v5 =	vmul.f32 v5, v1;
	v2 =	vld [tilespmem:s17+$0x60]  }
0x28a: {  	s9 =	sadd.s32 $0x3, s1;
	v9 =	vmov s1;
	[tilespmem:s17+$0x0] =	vst v4;
	v12 =	vmul.f32 v6, v1;
	v7 =	vld [tilespmem:s17+$0x80]  }
0x28b: {  	s18 =	sadd.s32 $0x1, s1;
	v11 =	vand.u32 $0xFFFFFFFC, v9;
	v4 =	vmov s9;
	[tilespmem:s17+$0x10] =	vst v5;
	v9 =	vmul.f32 v10, v1;
	v6 =	vld [tilespmem:s17+$0x90]  }
0x28c: {  	s9 =	sadd.s32 $0x2, s1;
	s1 =	sadd.s32 $0x4, s1;
	v5 =	vbroadcast v11, $0x0;
	v11 =	vmov s18;
	[tilespmem:s17+$0x20] =	vst v12;
	v10 =	vmul.f32 v8, v1;
	v8 =	vld [tilespmem:s17+$0xA0]  }
0x28d: {  	v12 =	vld [tilespmem:s17+$0xB0]  }
0x28e: {  	v14 =	vld [tilespmem:s17+$0xC0]  }
0x28f: {  	v15 =	vld [tilespmem:s17+$0xD0]  }
0x290: {  	v16 =	vld [tilespmem:s17+$0xE0]  }
0x291: {  	v44 =	vld [tilespmem:s17+$0xF0];
	[tilespmem:s17+$0x30] =	vst v9;
	v3 =	vmul.f32 v3, v1  }
0x292: {  	v4 =	vld.idx.msk [tilespmem:v4+s26+$0x0], $0xffff;
	[tilespmem:s17+$0x40] =	vst v10;
	v45 =	vmul.f32 v2, v1  }
0x293: {  	s1 =	sadd.s32 $0x200, s17;
	v46 =	vld.idx.msk [tilespmem:v5+s26+$0x0], $0xffff;
	v7 =	vmul.f32 v7, v0;
	[tilespmem:s17+$0x50] =	vst v3  }
0x294: {  	v51 =	vld [tilespmem:s1+$0x70];
	v47 =	vmul.f32 v6, v0;
	[tilespmem:s17+$0x60] =	vst v45  }
0x295: {  	v53 =	vld [tilespmem:s1+$0xFFFFFF00];
	[tilespmem:s17+$0x80] =	vst v7;
	v49 =	vmul.f32 v8, v0  }
0x296: {  	v55 =	vld [tilespmem:s1+$0xFFFFFF10];
	[tilespmem:s17+$0x90] =	vst v47;
	v50 =	vmul.f32 v12, v0  }
0x297: {  	v11 =	vand.u32 $0xFFFFFFFD, v11;
	v57 =	vld [tilespmem:s1+$0xFFFFFF20];
	v52 =	vmul.f32 v14, v0;
	[tilespmem:s17+$0xA0] =	vst v49  }
0x298: {  	v11 =	vbroadcast v11, $0x0;
	v59 =	vld [tilespmem:s1+$0xFFFFFF30];
	v54 =	vmul.f32 v15, v0;
	[tilespmem:s17+$0xB0] =	vst v50  }
0x299: {  	v60 =	vld [tilespmem:s1+$0xFFFFFF40];
	v56 =	vmul.f32 v16, v0;
	[tilespmem:s8+$0xC0] =	vst v52  }
0x29a: {  	v63 =	vld [tilespmem:s1+$0xFFFFFF50];
	v58 =	vmul.f32 v44, v0;
	[tilespmem:s8+$0xD0] =	vst v54  }
0x29b: {  	v15 =	vld [tilespmem:s1+$0xFFFFFF70];
	v62 =	vmul.f32 v53, v46;
	[tilespmem:s8+$0xE0] =	vst v56  }
0x29c: {  	v16 =	vld [tilespmem:s1+$0xFFFFFF80];
	v12 =	vmul.f32 v55, v46;
	[tilespmem:s8+$0xF0] =	vst v58  }
0x29d: {  	v44 =	vld [tilespmem:s1+$0x80];
	v14 =	vmul.f32 v57, v46;
	[tilespmem:s1+$0xFFFFFF00] =	vst v62  }
0x29e: {  	v3 =	vmul.f32 v59, v46;
	v48 =	vld.idx.msk [tilespmem:v11+s26+$0x0], $0xffff;
	[tilespmem:s1+$0xFFFFFF10] =	vst v12  }
0x29f: {  	v13 =	vmov s9;
	v18 =	vld [tilespmem:s1+$0xFFFFFF90];
	v17 =	vmul.f32 v60, v46;
	[tilespmem:s1+$0xFFFFFF20] =	vst v14  }
0x2a0: {  	v13 =	vand.u32 $0xFFFFFFFE, v13;
	v20 =	vld [tilespmem:s1+$0xFFFFFFA0];
	v19 =	vmul.f32 v63, v46;
	[tilespmem:s1+$0xFFFFFF30] =	vst v3  }
0x2a1: {  	v22 =	vld [tilespmem:s1+$0xFFFFFFB0];
	v13 =	vbroadcast v13, $0x0;
	[tilespmem:s1+$0xFFFFFF40] =	vst v17;
	v2 =	vmul.f32 v15, v46  }
0x2a2: {  	v23 =	vld [tilespmem:s1+$0xFFFFFFC0];
	[tilespmem:s1+$0xFFFFFF50] =	vst v19;
	v53 =	vmul.f32 v44, v4  }
0x2a3: {  	v25 =	vld [tilespmem:s1+$0xFFFFFFD0];
	v24 =	vmul.f32 v16, v48;
	[tilespmem:s1+$0xFFFFFF70] =	vst v2  }
0x2a4: {  	v26 =	vld [tilespmem:s1+$0xFFFFFFE0];
	v1 =	vmul.f32 v18, v48;
	[tilespmem:s1+$0x80] =	vst v53  }
0x2a5: {  	v28 =	vld [tilespmem:s1+$0xFFFFFFF0];
	v27 =	vmul.f32 v20, v48;
	[tilespmem:s1+$0xFFFFFF80] =	vst v24  }
0x2a6: {  	v50 =	vld [tilespmem:s1+$0xB0];
	v29 =	vmul.f32 v22, v48;
	[tilespmem:s1+$0xFFFFFF90] =	vst v1  }
0x2a7: {  	v6 =	vld.idx.msk [tilespmem:v13+s26+$0x0], $0xffff;
	v31 =	vmul.f32 v23, v48;
	[tilespmem:s1+$0xFFFFFFA0] =	vst v27  }
0x2a8: {  	v13 =	vld [tilespmem:s1+$0xFFFFFF60];
	v33 =	vmul.f32 v25, v48;
	[tilespmem:s1+$0xFFFFFFB0] =	vst v29  }
0x2a9: {  	v30 =	vld [tilespmem:s1+$0x0];
	v35 =	vmul.f32 v26, v48;
	[tilespmem:s1+$0xFFFFFFC0] =	vst v31  }
0x2aa: {  	v32 =	vld [tilespmem:s1+$0x10];
	v37 =	vmul.f32 v28, v48;
	[tilespmem:s1+$0xFFFFFFD0] =	vst v33  }
0x2ab: {  	v34 =	vld [tilespmem:s1+$0x20];
	v59 =	vmul.f32 v50, v4;
	[tilespmem:s1+$0xFFFFFFE0] =	vst v35  }
0x2ac: {  	v36 =	vld [tilespmem:s1+$0x30];
	v61 =	vmul.f32 v51, v6;
	[tilespmem:s1+$0xFFFFFFF0] =	vst v37  }
0x2ad: {  	v38 =	vld [tilespmem:s1+$0x40];
	v21 =	vmul.f32 v13, v46;
	[tilespmem:s1+$0xB0] =	vst v59  }
0x2ae: {  	v40 =	vld [tilespmem:s1+$0x50];
	v39 =	vmul.f32 v30, v6;
	[tilespmem:s1+$0x70] =	vst v61  }
0x2af: {  	v42 =	vld [tilespmem:s1+$0x60];
	v41 =	vmul.f32 v32, v6;
	[tilespmem:s1+$0xFFFFFF60] =	vst v21  }
0x2b0: {  	v52 =	vld [tilespmem:s1+$0xC0];
	v43 =	vmul.f32 v34, v6;
	[tilespmem:s1+$0x0] =	vst v39  }
0x2b1: {  	v56 =	vld [tilespmem:s1+$0xE0];
	v45 =	vmul.f32 v36, v6;
	[tilespmem:s1+$0x10] =	vst v41  }
0x2b2: {  	v58 =	vld [tilespmem:s1+$0xF0];
	v47 =	vmul.f32 v38, v6;
	[tilespmem:s1+$0x20] =	vst v43  }
0x2b3: {  	v54 =	vld [tilespmem:s1+$0xD0];
	v49 =	vmul.f32 v40, v6;
	[tilespmem:s1+$0x30] =	vst v45  }
0x2b4: {  	v48 =	vld [tilespmem:s1+$0xA0];
	v51 =	vmul.f32 v42, v6;
	[tilespmem:s1+$0x40] =	vst v47  }
0x2b5: {  	v46 =	vld [tilespmem:s1+$0x90];
	v60 =	vmul.f32 v52, v4;
	[tilespmem:s1+$0x50] =	vst v49  }
0x2b6: {  	v62 =	vmul.f32 v56, v4;
	[tilespmem:s1+$0x60] =	vst v51  }
0x2b7: {  	v63 =	vmul.f32 v58, v4;
	[tilespmem:s1+$0xC0] =	vst v60  }
0x2b8: {  	v61 =	vmul.f32 v54, v4;
	[tilespmem:s1+$0xE0] =	vst v62  }
0x2b9: {  	[tilespmem:s1+$0xF0] =	vst v63;
	v57 =	vmul.f32 v48, v4  }
0x2ba: {  	[tilespmem:s1+$0xD0] =	vst v61;
	v55 =	vmul.f32 v46, v4  }
0x2bb: {  	[tilespmem:s1+$0xA0] =	vst v57  }
0x2bc: {  	[tilespmem:s1+$0x90] =	vst v55  }
0x2bd: {  	_ =	swait.ge [sflag:s12], $0x50  }
0x2be: {  	[sflag:s12] =	ssyncset.done $0x0  }
0x2bf: {  	s18 =	simm.s32 $0xC;
	[sflag:s12] =	ssyncadd.s32 $0xFFFFFFB0  }
0x2c0: {  	[spmem:s2] =	stream.indirect.scatter.add.f32 [tilespmem:s28], [sflag:$0xB], $0x80, s24, s22, $0xb8;
	[tilespmem:$0x1DB00] =	vst v63  }
0x2c1: {  	_ =	swait.ge [sflag:s18], $0x2800  }
0x2c2: {  	[sflag:s18] =	ssyncset.done $0x0  }
0x2c3: {  	[sflag:s18] =	ssyncadd.s32 $0xFFFFD800  }
0x2c4: {  	_ =	swait.ge [sflag:s13], $0x2800  }
0x2c5: {  	[sflag:s13] =	ssyncset.done $0x0  }
0x2c6: {  	[sflag:s13] =	ssyncadd.s32 $0xFFFFD800  }
0x2c7: {  	_ =	swait.ge [sflag:s16], $0x2800  }
0x2c8: {  	[sflag:s16] =	ssyncset.done $0x0  }
0x2c9: {  	[sflag:s16] =	ssyncadd.s32 $0xFFFFD800  }
0x2ca: {  	[bflag:$0x0] =	sbarrier.arrive $0xFFFF  }
0x2cb: {  	s1 =	rddreg [dreg:$0x9]  }
0x2cc: {  	s8 =	simm.s32 @p0 $0x1FCD;
	s17 =	rddreg [dreg:$0xb];
	s1 =	sadd.s32 @p0 $0x25800, s1  }
0x2cd: {  	[hbm:s1], [sflag:s8] =	dma.local @p0 [spmem:s17], $0x1900  }
0x2ce: {  	s1 =	simm.s32 @p0 $0xD  }
0x2cf: {  	_ =	swait.ge @p0 [sflag:s1], $0x1900  }
0x2d0: {  	s18 =	rddreg [dreg:$0xc]  }
0x2d1: {  	[sflag:s1] =	ssyncset.done @p0 $0x0;
	s9 =	rddreg [dreg:$0xd]  }
0x2d2: {  	[sflag:s1] =	ssyncadd.s32 @p0 $0xFFFFE700;
	s1 =	rddreg [dreg:$0xe]  }
0x2d3: {  	[hbm:s1], [sflag:s18] =	dma.local @!p0 [spmem:s9], $0x2800  }
0x2d4: {  	s1 =	simm.s32 @!p0 $0xD  }
0x2d5: {  	_ =	swait.ge @!p0 [sflag:s1], $0x2800  }
0x2d6: {  	s19 =	sadd.s32 $0x1, s19;
	s8 =	rddreg [dreg:$0xa]  }
0x2d7: {  	p1 =	sne.s32 s19, s8  }
.Ltmp6:
0x2d8: {  	_ = 	snop;
	(pc) =	sbr.rel @p1 .LBB2_1-.Ltmp6, $3  }
0x2d9: {  	_ =	sdelay $0x1  }
0x2da: {  	[sflag:s1] =	ssyncset.done @!p0 $0x0  }
0x2db: {  	[sflag:s1] =	ssyncadd.s32 @!p0 $0xFFFFD800  }
0x2dc: {  	_ =	sfence.sel $0x180000  }
0x2dd: {  	[bflag:$0x0] =	sbarrier.arrive $0xFFFF  }
0x2de: {  	_ =	strace $0x9000004A  }
0x2df: {  	s0 =	stileid.u32;
	[bflag:$0x2] =	sbarrier.arrive $0xFFFF  }
0x2e0: {  	p0 =	sne.s32 s0, $0x0;
	s0 =	rddreg [dreg:$0x2]  }
0x2e1: {  	s0 =	sadd.s32 @!p0 $0x100000, s0  }
0x2e2: {  	[sflag:s0] =	ssyncadd.tile.s32 @!p0 $0x1;
	_ =	shalt  }
.Lfunc_end2:
_tile_overlayer_lowered:
.L_overlay_start_2:
0x2e3: {  	(tag) =	ssettag $0x2  }
0x2e4: {  	s0 =	rddreg [dreg:$0x0];
	s2 =	stileid.u32  }
0x2e5: {  	s1 =	rddreg [dreg:$0x1];
	p0 =	sne.s32 s2, $0x0  }
0x2e6: {  	s3 =	rddreg [dreg:$0x2];
	[bflag:$0x3] =	sbarrier.arrive $0xFFFF;
	s2 =	simm.s32 @!p0 $0x1C0D  }
0x2e7: {  	[timem:s3], [sflag:s2] =	dma.local @!p0 [hbm:s0], s1  }
0x2e8: {  	s0 =	simm.s32 @!p0 $0xD  }
0x2e9: {  	_ =	swait.ge @!p0 [sflag:s0], s1  }
0x2ea: {  	s1 =	ssub.s32 @!p0 $0x0, s1;
	[sflag:s0] =	ssyncset.done @!p0 $0x0  }
0x2eb: {  	[sflag:s0] =	ssyncadd.s32 @!p0 s1  }
0x2ec: {  	[bflag:$0x3] =	sbarrier.arrive $0xFFFF  }
0x2ed: {  	_ =	shalt  }

// kernel: kernel.15.cloned.1.call-start
scs
__scs_entry_jumppad:
0x0: {  	(pc) =	sbr.rel $0x88, $3  }
0x1: {  	(tag) =	ssettag $0x0;
	lr =	simm.s32 $0x1  }
0x2: {  	[smem:$0x3F8B] =	sst lr;
	_ =	strace $0xD0000000  }
0x3: {  	_ = 	snop  }
0x4: {  	_ = 	snop  }
0x5: {  	_ = 	snop  }
0x6: {  	_ = 	snop  }
0x7: {  	_ = 	snop  }
__scs_overlays_trampoline_lowered:
0x8: {  	[smem:$0x3F9A] =	sst s0  }
0x9: {  	[smem:$0x3F9B] =	sst s1  }
0xa: {  	[smem:$0x3F9C] =	sst s2  }
0xb: {  	[smem:$0x3F9D] =	sst s3  }
0xc: {  	[smem:$0x3F9E] =	sst s4  }
0xd: {  	[smem:$0x3F9F] =	sst s5  }
0xe: {  	[smem:$0x3FA0] =	sst s6  }
0xf: {  	[smem:$0x3FA1] =	sst s7  }
0x10: {  	[smem:$0x3FA2] =	sst s8  }
0x11: {  	[smem:$0x3FA3] =	sst s9;
	s0 =	simm.s32 @!p0 $0x0  }
0x12: {  	s1 =	sld [smem:$0x3F89];
	s0 =	simm.s32 @p0 $0x1  }
0x13: {  	[smem:$0x3FA4] =	sst s0;
	s0 =	simm.s32 @!p1 $0x0  }
0x14: {  	s2 =	sld [smem:$0x3F88];
	s0 =	simm.s32 @p1 $0x1  }
0x15: {  	[smem:$0x3FA5] =	sst s0;
	s0 =	simm.s32 @!p2 $0x0  }
0x16: {  	s3 =	sld [smem:$0x3FDB];
	s0 =	simm.s32 @p2 $0x1  }
0x17: {  	s4 =	simm.s32 $0x1BF5;
	[smem:$0x3FA7] =	sst s0  }
0x18: {  	s0 =	sld [smem:$0x3F8A];
	_ =	swait.ge [sflag:s4], $0x0  }
0x19: {  	s7 =	sld [smem:$0x3F8B]  }
0x1a: {  	s8 =	sadd.s32 $0xFFFFE003, lr  }
0x1b: {  	s9 =	sadd.s32 $0xFFFFFEF7, lr;
	s5 =	simm.s32 $0xFFFFFFFF;
	p2 =	slt.u32 s8, $0xFFFFF086  }
0x1c: {  	p1 =	slt.u32 s9, $0xF7A;
	s5 =	simm.s32 @!p2 $0x0  }
0x1d: {  	s5 =	simm.s32 @p1 $0x1;
	p0 =	seq.s32 s7, s2  }
0x1e: {  	s7 =	smul.u32 @!p0 $0xF7A, s2;
	p2 =	seq.s32 @!p0 s5, $0x0  }
0x1f: {  	s9 =	smul.u32 $0xF7A, s1;
	s8 =	simm.s32 @!p0 $0x1BF5;
	p2 =	por !p2, p0  }
0x20: {  	[sflag:s8] =	ssyncset.s32 @!p0 $0xFFFFF086;
	s6 =	sadd.s32 @!p0 s3, s7;
	s7 =	simm.s32 @!p0 $0x108  }
0x21: {  	s3 =	sadd.s32 s3, s9;
	s6 =	sadd.s32 @!p0 $0x88, s6;
	s7 =	simm.s32 @p2 $0x1082  }
0x22: {  	[simem:s7], [sflag:s8] =	dma.local @!p0 [hbm:s6], $0xF7A  }
0x23: {  	s9 =	sor.u32 $0xD0000000, s2;
	s6 =	simm.s32 $0x108;
	_ =	swait.ge @!p0 [sflag:s8], $0x0  }
0x24: {  	s3 =	sadd.s32 $0x88, s3;
	s6 =	simm.s32 @!p1 $0x1082;
	[sflag:s4] =	ssyncset.s32 $0xFFFFF086  }
0x25: {  	[simem:s6], [sflag:s4] =	dma.local [hbm:s3], $0xF7A  }
0x26: {  	[smem:$0x3F8B] =	sst s1;
	(tag) =	ssettag s2;
	_ =	strace s9  }
0x27: {  	s1 =	sld [smem:$0x3F9B]  }
0x28: {  	s2 =	sld [smem:$0x3F9C]  }
0x29: {  	s4 =	sld [smem:$0x3F9E]  }
0x2a: {  	p0 =	seq.s32 s5, $0x0;
	s5 =	sld [smem:$0x3F9F]  }
0x2b: {  	s6 =	sld [smem:$0x3FA0]  }
0x2c: {  	s7 =	sld [smem:$0x3FA1]  }
0x2d: {  	s3 =	simm.s32 $0x108;
	s8 =	sld [smem:$0x3FA2]  }
0x2e: {  	s3 =	simm.s32 @!p0 $0x1082;
	s9 =	sld [smem:$0x3FA3]  }
0x2f: {  	lr =	sadd.s32 s0, s3;
	s0 =	sld [smem:$0x3F9A]  }
0x30: {  	s3 =	sld [smem:$0x3F9D]  }
0x31: {  	[smem:$0x3FA6] =	sst s10  }
0x32: {  	s10 =	sld [smem:$0x3FA4];
	_ =	sdelay $0x3  }
0x33: {  	p0 =	seq.s32 s10, $0x1;
	s10 =	sld [smem:$0x3FA6];
	_ =	sdelay $0x3  }
0x34: {  	[smem:$0x3FA6] =	sst s10  }
0x35: {  	s10 =	sld [smem:$0x3FA5];
	_ =	sdelay $0x3  }
0x36: {  	p1 =	seq.s32 s10, $0x1;
	s10 =	sld [smem:$0x3FA6];
	_ =	sdelay $0x3  }
0x37: {  	[smem:$0x3FA6] =	sst s10  }
0x38: {  	s10 =	sld [smem:$0x3FA7]  }
0x39: {  	_ = 	snop;
	(pc) =	sbr.ind lr, $3  }
0x3a: {  	_ = 	snop  }
0x3b: {  	_ = 	snop  }
0x3c: {  	p2 =	seq.s32 s10, $0x1;
	s10 =	sld [smem:$0x3FA6]  }
0x3d: {  	_ =	shalt  }
0x3e: {  	_ =	shalt  }
0x3f: {  	_ =	shalt  }
0x40: {  	_ =	shalt  }
0x41: {  	_ =	shalt  }
0x42: {  	_ =	shalt  }
0x43: {  	_ =	shalt  }
0x44: {  	_ =	shalt  }
0x45: {  	_ =	shalt  }
0x46: {  	_ =	shalt  }
0x47: {  	_ =	shalt  }
0x48: {  	_ =	shalt  }
0x49: {  	_ =	shalt  }
0x4a: {  	_ =	shalt  }
0x4b: {  	_ =	shalt  }
0x4c: {  	_ =	shalt  }
0x4d: {  	_ =	shalt  }
0x4e: {  	_ =	shalt  }
0x4f: {  	_ =	shalt  }
0x50: {  	_ =	shalt  }
0x51: {  	_ =	shalt  }
0x52: {  	_ =	shalt  }
0x53: {  	_ =	shalt  }
0x54: {  	_ =	shalt  }
0x55: {  	_ =	shalt  }
0x56: {  	_ =	shalt  }
0x57: {  	_ =	shalt  }
0x58: {  	_ =	shalt  }
0x59: {  	_ =	shalt  }
0x5a: {  	_ =	shalt  }
0x5b: {  	_ =	shalt  }
0x5c: {  	_ =	shalt  }
0x5d: {  	_ =	shalt  }
0x5e: {  	_ =	shalt  }
0x5f: {  	_ =	shalt  }
0x60: {  	_ =	shalt  }
0x61: {  	_ =	shalt  }
0x62: {  	_ =	shalt  }
0x63: {  	_ =	shalt  }
0x64: {  	_ =	shalt  }
0x65: {  	_ =	shalt  }
0x66: {  	_ =	shalt  }
0x67: {  	_ =	shalt  }
0x68: {  	_ =	shalt  }
0x69: {  	_ =	shalt  }
0x6a: {  	_ =	shalt  }
0x6b: {  	_ =	shalt  }
0x6c: {  	_ =	shalt  }
0x6d: {  	_ =	shalt  }
0x6e: {  	_ =	shalt  }
0x6f: {  	_ =	shalt  }
0x70: {  	_ =	shalt  }
0x71: {  	_ =	shalt  }
0x72: {  	_ =	shalt  }
0x73: {  	_ =	shalt  }
0x74: {  	_ =	shalt  }
0x75: {  	_ =	shalt  }
0x76: {  	_ =	shalt  }
0x77: {  	_ =	shalt  }
0x78: {  	_ =	shalt  }
0x79: {  	_ =	shalt  }
0x7a: {  	_ =	shalt  }
0x7b: {  	_ =	shalt  }
0x7c: {  	_ =	shalt  }
0x7d: {  	_ =	shalt  }
0x7e: {  	_ =	shalt  }
0x7f: {  	_ =	shalt  }
0x80: {  	_ =	shalt  }
0x81: {  	_ =	shalt  }
0x82: {  	_ =	shalt  }
0x83: {  	_ =	shalt  }
0x84: {  	_ =	shalt  }
0x85: {  	_ =	shalt  }
0x86: {  	_ =	shalt  }
0x87: {  	_ =	shalt  }
.Lfunc_end0:
.L_simem_size_0:
called_computation.2_lowered:
.L_overlay_start_0:
0x88: {  	s2 =	sld [smem:$0x3FD9]  }
0x89: {  	s3 =	sld [smem:$0x3FFE];
	_ =	sdelay $0x1  }
0x8a: {  	s1 =	srdreg.scid  }
0x8b: {  	s0 =	sand.u32 $0x1, s1  }
0x8c: {  	s16 =	sshll.u32 s0, $0xA;
	s2 =	sadd.s32 s3, s2  }
0x8d: {  	s2 =	sadd.s32 s2, s16  }
0x8e: {  	[smem:$0x3FB2] =	sst s2  }
0x8f: {  	_ = 	snop  }
0x90: {  	(tm) =	ssettm $0x1  }
0x91: {  	s17 =	sld [smem:$0x3FFB];
	_ =	sdelay $0x3  }
0x92: {  	_ =	strace s17  }
0x93: {  	s2 =	sld [smem:$0x3FFC];
	_ =	sdelay $0x3  }
0x94: {  	_ =	strace s2  }
0x95: {  	s2 =	sld [smem:$0x3FFD];
	_ =	sdelay $0x3  }
0x96: {  	_ =	strace s2  }
0x97: {  	_ =	strace $0x8FFFFFFF  }
0x98: {  	s18 =	sld [smem:$0x3FDB];
	_ =	sdelay $0x1  }
0x99: {  	s19 =	simm.s32 $_scs_section_size  }
0x9a: {  	s4 =	simm.s32 $_size__tile_overlayer_lowered;
	s5 =	simm.s32 $_tile_overlayer_lowered  }
0x9b: {  	s22 =	simm.s32 $0x1BFF;
	s21 =	sshll.u32 s5, $0x1;
	s2 =	sadd.s32 s19, s18  }
0x9c: {  	s6 =	simm.s32 $0x0;
	s20 =	sshll.u32 s4, $0x1;
	s4 =	sadd.s32 s21, s2  }
0x9d: {  	[timem:s6], [sflag:s22] =	dma.local [hbm:s4], s20  }
0x9e: {  	_ =	swait.ge [sflag:s22], s20  }
0x9f: {  	s3 =	ssub.s32 $0x0, s20;
	[sflag:s22] =	ssyncset.done $0x0  }
0xa0: {  	[sflag:s22] =	ssyncadd.s32 s3;
	_ =	sdelay $0x1  }
0xa1: {  	s23 =	simm.s32 $0x1B8B  }
0xa2: {  	_ =	swait.ge [sflag:s23], $0x1  }
0xa3: {  	[sflag:s23] =	ssyncset.done $0x0  }
0xa4: {  	s25 =	simm.s32 $0x1B8E;
	s24 =	sld [smem:$0x3FFE];
	[sflag:s23] =	ssyncadd.s32 $0xFFFFFFFF  }
0xa5: {  	s26 =	simm.s32 $execute0_lowered;
	[smem:$0x3FD2] =	sst s25  }
0xa6: {  	s4 =	sshll.u32 s26, $0x1;
	_ =	strace $0x8000004C;
	[dreg:$0x1] =	wrdreg $0xFFFFFFFF  }
0xa7: {  	s28 =	simm.s32 $_size_execute0_lowered;
	s2 =	sadd.s32 s2, s4;
	[dreg:$0x0] =	wrdreg $0x0  }
0xa8: {  	s4 =	sshll.u32 s28, $0x1;
	[dreg:$0x2] =	wrdreg s2  }
0xa9: {  	[dreg:$0x3] =	wrdreg s4  }
0xaa: {  	[dreg:$0x4] =	wrdreg $0xC0  }
0xab: {  	_ =	task [dreg:s6], $0x5FFFF  }
0xac: {  	[dreg:$0x1] =	wrdreg $0xFFFFFFFF  }
0xad: {  	[dreg:$0x0] =	wrdreg $0x60  }
0xae: {  	[dreg:$0x2] =	wrdreg s24  }
0xaf: {  	[dreg:$0x3] =	wrdreg $0x9  }
0xb0: {  	_ =	task.clear_ibuf [dreg:s6], $0x4FFFF;
	_ =	strace $0x9000004C  }
0xb1: {  	s29 =	simm.s32 $0x9;
	_ =	strace $0x8000004E  }
0xb2: {  	_ =	swait.ge [sflag:s29], $0x1  }
0xb3: {  	[sflag:s29] =	ssyncadd.s32 $0xFFFFFFFF  }
0xb4: {  	_ =	strace $0x9000004E  }
0xb5: {  	_ =	sfence  }
0xb6: {  	s30 =	sld [smem:$0x0];
	_ =	sdelay $0x2  }
0xb7: {  	s31 =	sshll.u32 s1, $0xD;
	s1 =	sshrl.u32 s1, $0x2  }
0xb8: {  	s3 =	sand.u32 $0x4000, s31;
	s1 =	sadd.s32 s1, s30  }
0xb9: {  	s0 =	sor.u32 s3, s0;
	s1 =	sshll.u32 s1, $0x11  }
0xba: {  	s0 =	sor.u32 s1, s0  }
0xbb: {  	s0 =	sadd.s32 $0x8F2B, s0  }
0xbc: {  	[sflag:s0] =	ssyncadd.remote.s32 $0x1  }
0xbd: {  	_ =	sfence.sel $0xFFFF  }
0xbe: {  	[dreg:$0x0] =	wrdreg $0xFFFFFFFF;
	(pc) =	sbr.abs _section_cstart, $3  }
0xbf: {  	[dreg:$0x1] =	wrdreg $0xFFFFFFFF  }
0xc0: {  	_ =	task.clear_ibuf [dreg:s6], $0x2FFFF;
	_ =	strace $0x9FFFFFFF  }
0xc1: {  	(tm) =	ssettm $0x7FFFFFFF  }
tec
execute0_lowered:
.L_overlay_start_1:
0x0: {  	(tag) =	ssettag $0x1  }
0x1: {  	s1 =	srdreg.scid  }
0x2: {  	s0 =	stileid.u32;
	s5 =	rddreg [dreg:$0x0];
	s2 =	simm.s32 $0x0  }
0x3: {  	s13 =	simm.s32 $0x2;
	s14 =	simm.s32 $0x3;
	s15 =	simm.s32 $0x4  }
0x4: {  	s16 =	simm.s32 $0xF780;
	s17 =	simm.s32 $0xD000;
	s18 =	simm.s32 $0x5  }
0x5: {  	s21 =	simm.s32 $0x400;
	s6 =	sand.u32 $0x1, s1;
	s1 =	rddreg [dreg:$0x1]  }
0x6: {  	s22 =	simm.s32 $0x0;
	s3 =	sshll.u32 s0, $0x1;
	[smem:$0x7FF] =	sst s2  }
0x7: {  	s10 =	sshrl.u32 s0, $0x3;
	s12 =	sshll.u32 s0, $0x7;
	s4 =	sor.u32 s6, s3  }
0x8: {  	_ =	strace $0x8000004D;
	s3 =	sadd.s32 $0x5E200, s5;
	s9 =	smul.u32 $0x5000, s6  }
0x9: {  	s6 =	ssub.s32 $0x2, s6;
	s10 =	smul.u32 $0x14000, s10;
	s12 =	sand.u32 $0x380, s12  }
0xa: {  	s7 =	smul.u32 $0x4E2, s4;
	s8 =	sshll.u32 s4, $0xB;
	s4 =	sadd.s32 $0x5E800, s5  }
0xb: {  	s11 =	sshrl.u32 s6, $0x1;
	s8 =	sadd.s32 s8, s5;
	s9 =	sadd.s32 s9, s5  }
0xc: {  	s11 =	ssub.s32 s6, s11;
	s31 =	sor.u32 s12, s10;
	s10 =	simm.s32 $0x9000  }
0xd: {  	s12 =	simm.s32 $0x1;
	s7 =	sadd.s32 s7, s5;
	s5 =	sadd.s32 $0x17000, s8  }
0xe: {  	s6 =	sadd.s32 $0x27000, s8;
	s19 =	sadd.s32 $0x68C00, s9;
	s20 =	sshrl.u32 s31, $0x3  }
0xf: {  	s8 =	smax.u32 s11, $0x1;
	s9 =	simm.s32 $0x5000;
	s11 =	simm.s32 $0x2800  }
0x10: {  	v0 =	vimm.f32 $0.0e+00;
	s7 =	sadd.s32 $0x5EE00, s7;
	s19 =	sadd.s32 s20, s19;
	s20 =	simm.s32 $0x80  }
.LBB2_1:
0x11: {  	[tilespmem:s9], [sflag:$0x1] =	stream.linear.gather [hbm4b:s5+s2], $0x3E80, $0x38;
	[tilespmem:$0x11F80] =	vst v63  }
0x12: {  	_ = 	snop  }
0x13: {  	[tilespmem:s10], [sflag:$0x2] =	stream.linear.gather [hbm4b:s6+s2], $0x3E80, $0x38;
	[tilespmem:$0x11F80] =	vst v63  }
0x14: {  	_ = 	snop  }
0x15: {  	[tilespmem:s2], [sflag:$0x3] =	stream.linear.gather [hbm4b:s3+s2], $0x2800, $0x38;
	[tilespmem:$0x11F80] =	vst v63  }
0x16: {  	s23 =	simm.s32 $0xF7C0  }
0x17: {  	[tilespmem:s11], [sflag:$0x4] =	stream.linear.gather [hbm4b:s4+s2], $0x2800, $0x38;
	[tilespmem:$0x11F80] =	vst v63  }
0x18: {  	[tilespmem:s23+$0xFFFFFFC0] =	vst v0  }
0x19: {  	[tilespmem:s23+$0x30] =	vst v0  }
0x1a: {  	[tilespmem:s23+$0x20] =	vst v0  }
0x1b: {  	[tilespmem:s23+$0x10] =	vst v0  }
0x1c: {  	[tilespmem:s23+$0x0] =	vst v0  }
0x1d: {  	[tilespmem:s23+$0xFFFFFFF0] =	vst v0  }
0x1e: {  	s24 =	simm.s32 $0x0;
	[tilespmem:s23+$0xFFFFFFE0] =	vst v0  }
.LBB2_2:
0x1f: {  	s24 =	sadd.s32 $0x8, s24;
	[tilespmem:s23+$0xFFFFFFD0] =	vst v0;
	s23 =	sadd.s32 $0x80, s23  }
0x20: {  	[tilespmem:s23+$0xFFFFFFC0] =	vst v0;
	p0 =	slt.u32 s24, $0x278  }
0x21: {  	[tilespmem:s23+$0x30] =	vst v0  }
.Ltmp0:
0x22: {  	[tilespmem:s23+$0x20] =	vst v0;
	(pc) =	sbr.rel @p0 .LBB2_2-.Ltmp0, $4  }
0x23: {  	[tilespmem:s23+$0x10] =	vst v0  }
0x24: {  	[tilespmem:s23+$0x0] =	vst v0  }
0x25: {  	[tilespmem:s23+$0xFFFFFFF0] =	vst v0  }
0x26: {  	[tilespmem:s23+$0xFFFFFFE0] =	vst v0  }
0x27: {  	[tilespmem:s23+$0xFFFFFFD0] =	vst v0  }
0x28: {  	_ =	swait.ge [sflag:s12], $0x3E80  }
0x29: {  	[sflag:s12] =	ssyncset.done $0x0  }
0x2a: {  	[sflag:s12] =	ssyncadd.s32 $0xFFFFC180  }
0x2b: {  	_ =	swait.ge [sflag:s13], $0x3E80  }
0x2c: {  	[sflag:s13] =	ssyncset.done $0x0  }
0x2d: {  	[sflag:s13] =	ssyncadd.s32 $0xFFFFC180  }
0x2e: {  	_ =	swait.ge [sflag:s14], $0x2800  }
0x2f: {  	[sflag:s14] =	ssyncset.done $0x0  }
0x30: {  	[sflag:s14] =	ssyncadd.s32 $0xFFFFD800  }
0x31: {  	_ =	swait.ge [sflag:s15], $0x2800  }
0x32: {  	[sflag:s15] =	ssyncset.done $0x0  }
0x33: {  	[sflag:s15] =	ssyncadd.s32 $0xFFFFD800  }
0x34: {  	s23 =	simm.s32 $0x0;
	s24 =	simm.s32 $0xD020;
	v1 =	vld [tilespmem:$0x4FF0]  }
.LBB2_4:
0x35: {  	s25 =	sshra.s32 s23, $0x2  }
0x36: {  	v2 =	vld [tilespmem:s25+$0x5000]  }
0x37: {  	v3 =	vld [tilespmem:s25+$0x9000];
	_ =	sdelay $0x6  }
0x38: {  	v2 =	vld.idx.msk [tilespmem:v2+s2+$0x0], $0xffff  }
0x39: {  	v4 =	vld.idx.msk [tilespmem:v3+s11+$0x0], $0xffff;
	_ =	sdelay $0x4  }
0x3a: {  	v2 =	vadd.f32 v4, v2;
	_ =	sdelay $0x1  }
0x3b: {  	v4 =	vmul.f32 $2.000000030e-01, v2  }
0x3c: {  	vm0 =	vge.f32 v2, $0.0e+00  }
0x3d: {  	v2 =	vsel vm0, v2, v4  }
0x3e: {  	v2 =	vsub.f32 v2, v1;
	_ =	sdelay $0x1  }
0x3f: {  	v2 =	vmul.f32 $1.442695020e+00, v2;
	_ =	sdelay $0x1  }
0x40: {  	(erf) = vpow2.f32 v2;
	_ =	sdelay $0x8  }
0x41: {  	v2 =	vpop (erf)  }
0x42: {  	[tilespmem:s24+$0xFFFFFFE0] =	vst v2  }
0x43: {  	[tilespmem:v3+s16+$0x0] =	vst.idx.add.f32.msk $0xffff, v2  }
0x44: {  	v2 =	vld [tilespmem:s25+$0x5010]  }
0x45: {  	v3 =	vld [tilespmem:s25+$0x9010];
	_ =	sdelay $0x6  }
0x46: {  	v2 =	vld.idx.msk [tilespmem:v2+s2+$0x0], $0xffff  }
0x47: {  	v60 =	vld.idx.msk [tilespmem:v3+s11+$0x0], $0xffff;
	_ =	sdelay $0x4  }
0x48: {  	v2 =	vadd.f32 v60, v2;
	_ =	sdelay $0x1  }
0x49: {  	v4 =	vmul.f32 $2.000000030e-01, v2  }
0x4a: {  	vm12 =	vge.f32 v2, $0.0e+00  }
0x4b: {  	v2 =	vsel vm12, v2, v4  }
0x4c: {  	v2 =	vsub.f32 v2, v1;
	_ =	sdelay $0x1  }
0x4d: {  	v2 =	vmul.f32 $1.442695020e+00, v2;
	_ =	sdelay $0x1  }
0x4e: {  	(erf) = vpow2.f32 v2;
	_ =	sdelay $0x8  }
0x4f: {  	v2 =	vpop (erf)  }
0x50: {  	[tilespmem:s24+$0xFFFFFFF0] =	vst v2  }
0x51: {  	[tilespmem:v3+s16+$0x0] =	vst.idx.add.f32.msk $0xffff, v2  }
0x52: {  	v2 =	vld [tilespmem:s25+$0x5020]  }
0x53: {  	v3 =	vld [tilespmem:s25+$0x9020];
	_ =	sdelay $0x6  }
0x54: {  	v2 =	vld.idx.msk [tilespmem:v2+s2+$0x0], $0xffff  }
0x55: {  	v61 =	vld.idx.msk [tilespmem:v3+s11+$0x0], $0xffff;
	_ =	sdelay $0x4  }
0x56: {  	v2 =	vadd.f32 v61, v2;
	_ =	sdelay $0x1  }
0x57: {  	v4 =	vmul.f32 $2.000000030e-01, v2  }
0x58: {  	vm13 =	vge.f32 v2, $0.0e+00  }
0x59: {  	v2 =	vsel vm13, v2, v4  }
0x5a: {  	v2 =	vsub.f32 v2, v1;
	_ =	sdelay $0x1  }
0x5b: {  	v2 =	vmul.f32 $1.442695020e+00, v2;
	_ =	sdelay $0x1  }
0x5c: {  	(erf) = vpow2.f32 v2;
	_ =	sdelay $0x8  }
0x5d: {  	v2 =	vpop (erf)  }
0x5e: {  	[tilespmem:s24+$0x0] =	vst v2  }
0x5f: {  	[tilespmem:v3+s16+$0x0] =	vst.idx.add.f32.msk $0xffff, v2  }
0x60: {  	v2 =	vld [tilespmem:s25+$0x5030]  }
0x61: {  	v3 =	vld [tilespmem:s25+$0x9030];
	_ =	sdelay $0x6  }
0x62: {  	v2 =	vld.idx.msk [tilespmem:v2+s2+$0x0], $0xffff  }
0x63: {  	v62 =	vld.idx.msk [tilespmem:v3+s11+$0x0], $0xffff;
	_ =	sdelay $0x4  }
0x64: {  	v2 =	vadd.f32 v62, v2;
	_ =	sdelay $0x1  }
0x65: {  	v4 =	vmul.f32 $2.000000030e-01, v2  }
0x66: {  	vm14 =	vge.f32 v2, $0.0e+00  }
0x67: {  	v2 =	vsel vm14, v2, v4  }
0x68: {  	v2 =	vsub.f32 v2, v1;
	_ =	sdelay $0x1  }
0x69: {  	v2 =	vmul.f32 $1.442695020e+00, v2;
	_ =	sdelay $0x1  }
0x6a: {  	(erf) = vpow2.f32 v2;
	_ =	sdelay $0x8  }
0x6b: {  	v2 =	vpop (erf)  }
0x6c: {  	[tilespmem:s24+$0x10] =	vst v2  }
0x6d: {  	[tilespmem:v3+s16+$0x0] =	vst.idx.add.f32.msk $0xffff, v2  }
0x6e: {  	v2 =	vld [tilespmem:s25+$0x5040]  }
0x6f: {  	v3 =	vld [tilespmem:s25+$0x9040];
	_ =	sdelay $0x6  }
0x70: {  	v2 =	vld.idx.msk [tilespmem:v2+s2+$0x0], $0xffff  }
0x71: {  	v63 =	vld.idx.msk [tilespmem:v3+s11+$0x0], $0xffff;
	_ =	sdelay $0x4  }
0x72: {  	v2 =	vadd.f32 v63, v2;
	_ =	sdelay $0x1  }
0x73: {  	v4 =	vmul.f32 $2.000000030e-01, v2  }
0x74: {  	vm15 =	vge.f32 v2, $0.0e+00  }
0x75: {  	v2 =	vsel vm15, v2, v4  }
0x76: {  	v2 =	vsub.f32 v2, v1;
	_ =	sdelay $0x1  }
0x77: {  	v2 =	vmul.f32 $1.442695020e+00, v2;
	_ =	sdelay $0x1  }
0x78: {  	(erf) = vpow2.f32 v2;
	_ =	sdelay $0x5  }
0x79: {  	p0 =	sne.s32 s23, $0xF800  }
.Ltmp1:
0x7a: {  	_ = 	snop;
	(pc) =	sbr.rel @p0 .LBB2_4-.Ltmp1, $4  }
0x7b: {  	_ = 	snop  }
0x7c: {  	v2 =	vpop (erf)  }
0x7d: {  	[tilespmem:s24+$0x20] =	vst v2  }
0x7e: {  	s23 =	sadd.s32 $0x200, s23;
	s24 =	sadd.s32 $0x50, s24;
	[tilespmem:v3+s16+$0x0] =	vst.idx.add.f32.msk $0xffff, v2  }
0x7f: {  	[hbm4b:s7+s2] =	stream.linear.scatter [tilespmem:s17], [sflag:$0x5], $0x2710, $0x38;
	[tilespmem:$0x11F80] =	vst v63  }
0x80: {  	s22 =	sadd.s32 $0x1, s22;
	_ =	swait.ge [sflag:s18], $0x2710  }
0x81: {  	p0 =	sne.s32 s22, s8;
	[sflag:s18] =	ssyncset.done $0x0  }
.Ltmp2:
0x82: {  	[sflag:s18] =	ssyncadd.s32 $0xFFFFD8F0;
	(pc) =	sbr.rel @p0 .LBB2_1-.Ltmp2, $4  }
0x83: {  	[hbm4b:s19+s20] =	stream.strided.scatter [tilespmem:s16], [sflag:$0x5], $0x2800, s21, s20, $0x38;
	[tilespmem:$0x11F80] =	vst v63  }
0x84: {  	_ =	swait.ge [sflag:s18], $0x2800  }
0x85: {  	[sflag:s18] =	ssyncset.done $0x0  }
0x86: {  	[sflag:s18] =	ssyncadd.s32 $0xFFFFD800  }
0x87: {  	_ =	sfence.sel $0x180000  }
0x88: {  	[bflag:$0x0] =	sbarrier.arrive $0xFFFF  }
0x89: {  	p0 =	sne.s32 s0, $0x0;
	_ =	strace $0x9000004D  }
0x8a: {  	s0 =	sadd.s32 @!p0 $0x100000, s1;
	[bflag:$0x2] =	sbarrier.arrive $0xFFFF  }
0x8b: {  	[sflag:s0] =	ssyncadd.tile.s32 @!p0 $0x1;
	_ =	shalt  }
.Lfunc_end2:
_tile_overlayer_lowered:
.L_overlay_start_2:
0x8c: {  	(tag) =	ssettag $0x2  }
0x8d: {  	s0 =	rddreg [dreg:$0x0];
	s2 =	stileid.u32  }
0x8e: {  	s1 =	rddreg [dreg:$0x1];
	p0 =	sne.s32 s2, $0x0  }
0x8f: {  	s3 =	rddreg [dreg:$0x2];
	[bflag:$0x3] =	sbarrier.arrive $0xFFFF;
	s2 =	simm.s32 @!p0 $0x1C05  }
0x90: {  	[timem:s3], [sflag:s2] =	dma.local @!p0 [hbm:s0], s1  }
0x91: {  	s0 =	simm.s32 @!p0 $0x5  }
0x92: {  	_ =	swait.ge @!p0 [sflag:s0], s1  }
0x93: {  	s1 =	ssub.s32 @!p0 $0x0, s1;
	[sflag:s0] =	ssyncset.done @!p0 $0x0  }
0x94: {  	[sflag:s0] =	ssyncadd.s32 @!p0 s1  }
0x95: {  	[bflag:$0x3] =	sbarrier.arrive $0xFFFF  }
0x96: {  	_ =	shalt  }

// kernel: kernel.18.cloned.1.call-start
scs
__scs_entry_jumppad:
0x0: {  	(pc) =	sbr.rel $0x88, $3  }
0x1: {  	(tag) =	ssettag $0x0;
	lr =	simm.s32 $0x1  }
0x2: {  	[smem:$0x3F8B] =	sst lr;
	_ =	strace $0xD0000000  }
0x3: {  	_ = 	snop  }
0x4: {  	_ = 	snop  }
0x5: {  	_ = 	snop  }
0x6: {  	_ = 	snop  }
0x7: {  	_ = 	snop  }
__scs_overlays_trampoline_lowered:
0x8: {  	[smem:$0x3F9A] =	sst s0  }
0x9: {  	[smem:$0x3F9B] =	sst s1  }
0xa: {  	[smem:$0x3F9C] =	sst s2  }
0xb: {  	[smem:$0x3F9D] =	sst s3  }
0xc: {  	[smem:$0x3F9E] =	sst s4  }
0xd: {  	[smem:$0x3F9F] =	sst s5  }
0xe: {  	[smem:$0x3FA0] =	sst s6  }
0xf: {  	[smem:$0x3FA1] =	sst s7  }
0x10: {  	[smem:$0x3FA2] =	sst s8  }
0x11: {  	[smem:$0x3FA3] =	sst s9;
	s0 =	simm.s32 @!p0 $0x0  }
0x12: {  	s1 =	sld [smem:$0x3F89];
	s0 =	simm.s32 @p0 $0x1  }
0x13: {  	[smem:$0x3FA4] =	sst s0;
	s0 =	simm.s32 @!p1 $0x0  }
0x14: {  	s2 =	sld [smem:$0x3F88];
	s0 =	simm.s32 @p1 $0x1  }
0x15: {  	[smem:$0x3FA5] =	sst s0;
	s0 =	simm.s32 @!p2 $0x0  }
0x16: {  	s3 =	sld [smem:$0x3FDB];
	s0 =	simm.s32 @p2 $0x1  }
0x17: {  	s4 =	simm.s32 $0x1BF5;
	[smem:$0x3FA7] =	sst s0  }
0x18: {  	s0 =	sld [smem:$0x3F8A];
	_ =	swait.ge [sflag:s4], $0x0  }
0x19: {  	s7 =	sld [smem:$0x3F8B]  }
0x1a: {  	s8 =	sadd.s32 $0xFFFFE003, lr  }
0x1b: {  	s9 =	sadd.s32 $0xFFFFFEF7, lr;
	s5 =	simm.s32 $0xFFFFFFFF;
	p2 =	slt.u32 s8, $0xFFFFF086  }
0x1c: {  	p1 =	slt.u32 s9, $0xF7A;
	s5 =	simm.s32 @!p2 $0x0  }
0x1d: {  	s5 =	simm.s32 @p1 $0x1;
	p0 =	seq.s32 s7, s2  }
0x1e: {  	s7 =	smul.u32 @!p0 $0xF7A, s2;
	p2 =	seq.s32 @!p0 s5, $0x0  }
0x1f: {  	s9 =	smul.u32 $0xF7A, s1;
	s8 =	simm.s32 @!p0 $0x1BF5;
	p2 =	por !p2, p0  }
0x20: {  	[sflag:s8] =	ssyncset.s32 @!p0 $0xFFFFF086;
	s6 =	sadd.s32 @!p0 s3, s7;
	s7 =	simm.s32 @!p0 $0x108  }
0x21: {  	s3 =	sadd.s32 s3, s9;
	s6 =	sadd.s32 @!p0 $0x88, s6;
	s7 =	simm.s32 @p2 $0x1082  }
0x22: {  	[simem:s7], [sflag:s8] =	dma.local @!p0 [hbm:s6], $0xF7A  }
0x23: {  	s9 =	sor.u32 $0xD0000000, s2;
	s6 =	simm.s32 $0x108;
	_ =	swait.ge @!p0 [sflag:s8], $0x0  }
0x24: {  	s3 =	sadd.s32 $0x88, s3;
	s6 =	simm.s32 @!p1 $0x1082;
	[sflag:s4] =	ssyncset.s32 $0xFFFFF086  }
0x25: {  	[simem:s6], [sflag:s4] =	dma.local [hbm:s3], $0xF7A  }
0x26: {  	[smem:$0x3F8B] =	sst s1;
	(tag) =	ssettag s2;
	_ =	strace s9  }
0x27: {  	s1 =	sld [smem:$0x3F9B]  }
0x28: {  	s2 =	sld [smem:$0x3F9C]  }
0x29: {  	s4 =	sld [smem:$0x3F9E]  }
0x2a: {  	p0 =	seq.s32 s5, $0x0;
	s5 =	sld [smem:$0x3F9F]  }
0x2b: {  	s6 =	sld [smem:$0x3FA0]  }
0x2c: {  	s7 =	sld [smem:$0x3FA1]  }
0x2d: {  	s3 =	simm.s32 $0x108;
	s8 =	sld [smem:$0x3FA2]  }
0x2e: {  	s3 =	simm.s32 @!p0 $0x1082;
	s9 =	sld [smem:$0x3FA3]  }
0x2f: {  	lr =	sadd.s32 s0, s3;
	s0 =	sld [smem:$0x3F9A]  }
0x30: {  	s3 =	sld [smem:$0x3F9D]  }
0x31: {  	[smem:$0x3FA6] =	sst s10  }
0x32: {  	s10 =	sld [smem:$0x3FA4];
	_ =	sdelay $0x3  }
0x33: {  	p0 =	seq.s32 s10, $0x1;
	s10 =	sld [smem:$0x3FA6];
	_ =	sdelay $0x3  }
0x34: {  	[smem:$0x3FA6] =	sst s10  }
0x35: {  	s10 =	sld [smem:$0x3FA5];
	_ =	sdelay $0x3  }
0x36: {  	p1 =	seq.s32 s10, $0x1;
	s10 =	sld [smem:$0x3FA6];
	_ =	sdelay $0x3  }
0x37: {  	[smem:$0x3FA6] =	sst s10  }
0x38: {  	s10 =	sld [smem:$0x3FA7]  }
0x39: {  	_ = 	snop;
	(pc) =	sbr.ind lr, $3  }
0x3a: {  	_ = 	snop  }
0x3b: {  	_ = 	snop  }
0x3c: {  	p2 =	seq.s32 s10, $0x1;
	s10 =	sld [smem:$0x3FA6]  }
0x3d: {  	_ =	shalt  }
0x3e: {  	_ =	shalt  }
0x3f: {  	_ =	shalt  }
0x40: {  	_ =	shalt  }
0x41: {  	_ =	shalt  }
0x42: {  	_ =	shalt  }
0x43: {  	_ =	shalt  }
0x44: {  	_ =	shalt  }
0x45: {  	_ =	shalt  }
0x46: {  	_ =	shalt  }
0x47: {  	_ =	shalt  }
0x48: {  	_ =	shalt  }
0x49: {  	_ =	shalt  }
0x4a: {  	_ =	shalt  }
0x4b: {  	_ =	shalt  }
0x4c: {  	_ =	shalt  }
0x4d: {  	_ =	shalt  }
0x4e: {  	_ =	shalt  }
0x4f: {  	_ =	shalt  }
0x50: {  	_ =	shalt  }
0x51: {  	_ =	shalt  }
0x52: {  	_ =	shalt  }
0x53: {  	_ =	shalt  }
0x54: {  	_ =	shalt  }
0x55: {  	_ =	shalt  }
0x56: {  	_ =	shalt  }
0x57: {  	_ =	shalt  }
0x58: {  	_ =	shalt  }
0x59: {  	_ =	shalt  }
0x5a: {  	_ =	shalt  }
0x5b: {  	_ =	shalt  }
0x5c: {  	_ =	shalt  }
0x5d: {  	_ =	shalt  }
0x5e: {  	_ =	shalt  }
0x5f: {  	_ =	shalt  }
0x60: {  	_ =	shalt  }
0x61: {  	_ =	shalt  }
0x62: {  	_ =	shalt  }
0x63: {  	_ =	shalt  }
0x64: {  	_ =	shalt  }
0x65: {  	_ =	shalt  }
0x66: {  	_ =	shalt  }
0x67: {  	_ =	shalt  }
0x68: {  	_ =	shalt  }
0x69: {  	_ =	shalt  }
0x6a: {  	_ =	shalt  }
0x6b: {  	_ =	shalt  }
0x6c: {  	_ =	shalt  }
0x6d: {  	_ =	shalt  }
0x6e: {  	_ =	shalt  }
0x6f: {  	_ =	shalt  }
0x70: {  	_ =	shalt  }
0x71: {  	_ =	shalt  }
0x72: {  	_ =	shalt  }
0x73: {  	_ =	shalt  }
0x74: {  	_ =	shalt  }
0x75: {  	_ =	shalt  }
0x76: {  	_ =	shalt  }
0x77: {  	_ =	shalt  }
0x78: {  	_ =	shalt  }
0x79: {  	_ =	shalt  }
0x7a: {  	_ =	shalt  }
0x7b: {  	_ =	shalt  }
0x7c: {  	_ =	shalt  }
0x7d: {  	_ =	shalt  }
0x7e: {  	_ =	shalt  }
0x7f: {  	_ =	shalt  }
0x80: {  	_ =	shalt  }
0x81: {  	_ =	shalt  }
0x82: {  	_ =	shalt  }
0x83: {  	_ =	shalt  }
0x84: {  	_ =	shalt  }
0x85: {  	_ =	shalt  }
0x86: {  	_ =	shalt  }
0x87: {  	_ =	shalt  }
.Lfunc_end0:
.L_simem_size_0:
called_computation.3_lowered:
.L_overlay_start_0:
0x88: {  	s2 =	sld [smem:$0x3FD9]  }
0x89: {  	s3 =	sld [smem:$0x3FFE];
	_ =	sdelay $0x1  }
0x8a: {  	s1 =	srdreg.scid  }
0x8b: {  	s0 =	sand.u32 $0x1, s1  }
0x8c: {  	s16 =	sshll.u32 s0, $0xA;
	s2 =	sadd.s32 s3, s2  }
0x8d: {  	s2 =	sadd.s32 s2, s16  }
0x8e: {  	[smem:$0x3FB2] =	sst s2  }
0x8f: {  	_ = 	snop  }
0x90: {  	(tm) =	ssettm $0x1  }
0x91: {  	s17 =	sld [smem:$0x3FFB];
	_ =	sdelay $0x3  }
0x92: {  	_ =	strace s17  }
0x93: {  	s2 =	sld [smem:$0x3FFC];
	_ =	sdelay $0x3  }
0x94: {  	_ =	strace s2  }
0x95: {  	s2 =	sld [smem:$0x3FFD];
	_ =	sdelay $0x3  }
0x96: {  	_ =	strace s2  }
0x97: {  	_ =	strace $0x8FFFFFFF  }
0x98: {  	s18 =	sld [smem:$0x3FDB];
	_ =	sdelay $0x1  }
0x99: {  	s19 =	simm.s32 $_scs_section_size  }
0x9a: {  	s4 =	simm.s32 $_size__tile_overlayer_lowered;
	s5 =	simm.s32 $_tile_overlayer_lowered  }
0x9b: {  	s22 =	simm.s32 $0x1BFF;
	s21 =	sshll.u32 s5, $0x1;
	s2 =	sadd.s32 s19, s18  }
0x9c: {  	s6 =	simm.s32 $0x0;
	s20 =	sshll.u32 s4, $0x1;
	s4 =	sadd.s32 s21, s2  }
0x9d: {  	[timem:s6], [sflag:s22] =	dma.local [hbm:s4], s20  }
0x9e: {  	_ =	swait.ge [sflag:s22], s20  }
0x9f: {  	s3 =	ssub.s32 $0x0, s20;
	[sflag:s22] =	ssyncset.done $0x0  }
0xa0: {  	[sflag:s22] =	ssyncadd.s32 s3;
	_ =	sdelay $0x1  }
0xa1: {  	s23 =	simm.s32 $0x1B8B  }
0xa2: {  	_ =	swait.ge [sflag:s23], $0x1  }
0xa3: {  	[sflag:s23] =	ssyncset.done $0x0  }
0xa4: {  	s25 =	simm.s32 $0x1B8E;
	s24 =	sld [smem:$0x3FFE];
	[sflag:s23] =	ssyncadd.s32 $0xFFFFFFFF  }
0xa5: {  	s26 =	simm.s32 $execute0_lowered;
	[smem:$0x3FD2] =	sst s25  }
0xa6: {  	s4 =	sshll.u32 s26, $0x1;
	_ =	strace $0x8000004F;
	[dreg:$0x1] =	wrdreg $0xFFFFFFFF  }
0xa7: {  	s28 =	simm.s32 $_size_execute0_lowered;
	s2 =	sadd.s32 s2, s4;
	[dreg:$0x0] =	wrdreg $0x0  }
0xa8: {  	s4 =	sshll.u32 s28, $0x1;
	[dreg:$0x2] =	wrdreg s2  }
0xa9: {  	[dreg:$0x3] =	wrdreg s4  }
0xaa: {  	[dreg:$0x4] =	wrdreg $0xC0  }
0xab: {  	_ =	task [dreg:s6], $0x5FFFF  }
0xac: {  	[dreg:$0x1] =	wrdreg $0xFFFFFFFF  }
0xad: {  	[dreg:$0x0] =	wrdreg $0x60  }
0xae: {  	[dreg:$0x2] =	wrdreg s24  }
0xaf: {  	[dreg:$0x3] =	wrdreg $0xA2800  }
0xb0: {  	[dreg:$0x4] =	wrdreg $0x9  }
0xb1: {  	_ =	task.clear_ibuf [dreg:s6], $0x5FFFF;
	_ =	strace $0x9000004F  }
0xb2: {  	s29 =	simm.s32 $0x9;
	_ =	strace $0x80000051  }
0xb3: {  	_ =	swait.ge [sflag:s29], $0x1  }
0xb4: {  	[sflag:s29] =	ssyncadd.s32 $0xFFFFFFFF  }
0xb5: {  	_ =	strace $0x90000051  }
0xb6: {  	_ =	sfence  }
0xb7: {  	s30 =	sld [smem:$0x0];
	_ =	sdelay $0x2  }
0xb8: {  	s31 =	sshll.u32 s1, $0xD;
	s1 =	sshrl.u32 s1, $0x2  }
0xb9: {  	s3 =	sand.u32 $0x4000, s31;
	s1 =	sadd.s32 s1, s30  }
0xba: {  	s0 =	sor.u32 s3, s0;
	s1 =	sshll.u32 s1, $0x11  }
0xbb: {  	s0 =	sor.u32 s1, s0  }
0xbc: {  	s0 =	sadd.s32 $0x8F2B, s0  }
0xbd: {  	[sflag:s0] =	ssyncadd.remote.s32 $0x1  }
0xbe: {  	_ =	sfence.sel $0xFFFF  }
0xbf: {  	[dreg:$0x0] =	wrdreg $0xFFFFFFFF;
	(pc) =	sbr.abs _section_cstart, $3  }
0xc0: {  	[dreg:$0x1] =	wrdreg $0xFFFFFFFF  }
0xc1: {  	_ =	task.clear_ibuf [dreg:s6], $0x2FFFF;
	_ =	strace $0x9FFFFFFF  }
0xc2: {  	(tm) =	ssettm $0x7FFFFFFF  }
0xc3: {  	_ =	shalt  }
tec
execute0_lowered:
.L_overlay_start_1:
0x0: {  	(tag) =	ssettag $0x1  }
0x1: {  	s0 =	rddreg [dreg:$0x0];
	s1 =	srdreg.scid  }
0x2: {  	s12 =	stileid.u32;
	s2 =	rddreg [dreg:$0x1]  }
0x3: {  	s3 =	simm.s32 $0x0;
	s28 =	simm.s32 $0x5280;
	s29 =	simm.s32 $0x1  }
0x4: {  	s30 =	simm.s32 $0x7;
	s31 =	simm.s32 $0x4;
	s20 =	simm.s32 $0x2880  }
0x5: {  	s15 =	simm.s32 $0x3;
	s14 =	simm.s32 $0x6;
	s16 =	simm.s32 $0xB  }
0x6: {  	s19 =	simm.s32 $0x0;
	s1 =	sand.u32 $0x1, s1;
	s4 =	sshll.u32 s12, $0x1  }
0x7: {  	[smem:$0x7FF] =	sst s3;
	s5 =	sadd.s32 $0x37000, s0;
	s6 =	sadd.s32 $0x5EE00, s0  }
0x8: {  	s11 =	smul.u32 $0x50000, s12;
	s7 =	sadd.s32 $0x3400, s0;
	s13 =	sadd.s32 $0x72C00, s0  }
0x9: {  	p0 =	seq.s32 s12, $0xF;
	s4 =	sor.u32 s1, s4;
	s9 =	smul.u32 $0x27100, s1  }
0xa: {  	_ =	strace $0x80000050;
	s1 =	ssub.s32 $0x2, s1;
	s4 =	smul.u32 $0x2710, s4  }
0xb: {  	[dreg:$0x3] =	wrdreg s13;
	s13 =	simm.s32 $0xA;
	s21 =	sshrl.u32 s1, $0x1  }
0xc: {  	s11 =	sshrl.u32 s11, $0x2;
	s1 =	ssub.s32 s1, s21;
	s8 =	sshrl.u32 s4, $0x3  }
0xd: {  	s21 =	simm.s32 $0x2900;
	s1 =	smax.u32 s1, $0x1;
	s10 =	sadd.s32 s8, s0  }
0xe: {  	s0 =	sadd.s32 s9, s0;
	s9 =	sadd.s32 s11, s2;
	s23 =	sadd.s32 s7, s8  }
0xf: {  	s24 =	sadd.s32 $0xA, s8;
	s8 =	sadd.s32 s6, s8;
	[dreg:$0xa] =	wrdreg s1  }
0x10: {  	s1 =	sshll.u32 @!p0 s12, $0x6;
	s11 =	simm.s32 $0x8;
	[dreg:$0x5] =	wrdreg s23  }
0x11: {  	s22 =	sadd.s32 $0xD200, s10;
	s10 =	sadd.s32 $0x12C000, s2;
	[dreg:$0x6] =	wrdreg s8  }
0x12: {  	s25 =	sadd.s32 s7, s24;
	s26 =	sadd.s32 s6, s24;
	[dreg:$0x4] =	wrdreg s22  }
0x13: {  	s8 =	sadd.s32 $0x75400, s0;
	s0 =	smul.u32 $0x2800, s12;
	[dreg:$0x7] =	wrdreg s25  }
0x14: {  	s18 =	sor.u32 @!p0 $0x1C0D, s1;
	s9 =	sshrl.u32 @!p0 s9, $0x3;
	[dreg:$0x8] =	wrdreg s26  }
0x15: {  	s23 =	simm.s32 $0x2A80;
	s24 =	simm.s32 $0x2800;
	[dreg:$0x9] =	wrdreg s8  }
0x16: {  	s12 =	simm.s32 $0x5;
	s17 =	sshrl.u32 @p0 s10, $0x3;
	[dreg:$0xc] =	wrdreg s18  }
0x17: {  	s22 =	simm.s32 $0x50;
	s26 =	simm.s32 $0x2980;
	[dreg:$0xd] =	wrdreg s9  }
0x18: {  	s10 =	simm.s32 $0x2;
	s0 =	sadd.s32 @!p0 s0, s8;
	[dreg:$0xb] =	wrdreg s17  }
0x19: {  	s25 =	simm.s32 $0x9;
	[dreg:$0xe] =	wrdreg s0;
	s0 =	simm.s32 $0x2A00  }
.LBB2_1:
0x1a: {  	[dreg:$0xf] =	wrdreg s19  }
0x1b: {  	s1 =	rddreg [dreg:$0x4];
	s19 =	simm.s32 $0xD  }
0x1c: {  	[tilespmem:s3], [sflag:$0xD] =	stream.linear.gather [hbm4b:s1+s3], $0x2710, $0x38;
	[tilespmem:$0x1DB00] =	vst v63  }
0x1d: {  	_ =	swait.ge [sflag:s19], $0x2710  }
0x1e: {  	[sflag:s19] =	ssyncset.done $0x0  }
0x1f: {  	s1 =	simm.s32 @p0 $0x1FCD;
	s8 =	rddreg [dreg:$0x3];
	[sflag:s19] =	ssyncadd.s32 $0xFFFFD8F0  }
0x20: {  	[spmem:s17], [sflag:s1] =	dma.local @p0 [hbm:s8], $0x1900  }
0x21: {  	s1 =	simm.s32 @p0 $0xD  }
0x22: {  	_ =	swait.ge @p0 [sflag:s1], $0x1900  }
0x23: {  	[sflag:s1] =	ssyncset.done @p0 $0x0  }
0x24: {  	[sflag:s1] =	ssyncadd.s32 @p0 $0xFFFFE700;
	s1 =	simm.s32 @!p0 $0xD  }
0x25: {  	[spmem:s9], [sflag:s18] =	dma.local @!p0 [hbm:s8], $0x2800  }
0x26: {  	_ =	swait.ge @!p0 [sflag:s1], $0x2800  }
0x27: {  	[sflag:s1] =	ssyncset.done @!p0 $0x0  }
0x28: {  	[sflag:s1] =	ssyncadd.s32 @!p0 $0xFFFFD800  }
0x29: {  	[bflag:$0x0] =	sbarrier.arrive $0xFFFF  }
0x2a: {  	s9 =	simm.s32 $0x2780;
	s8 =	rddreg [dreg:$0x5]  }
0x2b: {  	[tilespmem:s9], [sflag:$0x4] =	stream.linear.gather [hbm4b:s8+s3], $0x50, $0x38;
	[tilespmem:$0x1DB00] =	vst v63  }
0x2c: {  	s17 =	rddreg [dreg:$0x6]  }
0x2d: {  	[tilespmem:s21], [sflag:$0x7] =	stream.linear.gather [hbm4b:s17+s3], $0x50, $0x38;
	[tilespmem:$0x1DB00] =	vst v63  }
0x2e: {  	_ = 	snop  }
0x2f: {  	[tilespmem:s23], [sflag:$0x1] =	stream.indirect.gather [hbm4b:s5+s22], $0x80, s3, s22, $0xb8;
	[tilespmem:$0x1DB00] =	vst v63  }
0x30: {  	s18 =	rddreg [dreg:$0x7]  }
0x31: {  	[tilespmem:s24], [sflag:$0x5] =	stream.linear.gather [hbm4b:s18+s3], $0x50, $0x38;
	[tilespmem:$0x1DB00] =	vst v63  }
0x32: {  	s19 =	rddreg [dreg:$0x8]  }
0x33: {  	[tilespmem:s26], [sflag:$0x8] =	stream.linear.gather [hbm4b:s19+s3], $0x50, $0x38;
	[tilespmem:$0x1DB00] =	vst v63  }
0x34: {  	s17 =	simm.s32 $0x0  }
0x35: {  	[tilespmem:s28], [sflag:$0x2] =	stream.indirect.gather [hbm4b:s5+s22], $0x80, s22, s22, $0xb8;
	[tilespmem:$0x1DB00] =	vst v63  }
.LBB2_2:
0x36: {  	_ =	swait.ge [sflag:s29], $0x2800  }
0x37: {  	s1 =	simm.s32 $0x0;
	[sflag:s29] =	ssyncset.done $0x0  }
0x38: {  	s18 =	simm.s32 $0x2;
	v0 =	vmov s1;
	[sflag:s29] =	ssyncadd.s32 $0xFFFFD800  }
0x39: {  	v1 =	vmov s18;
	v0 =	vand.u32 $0xFFFFFFFC, v0;
	_ =	swait.ge [sflag:s30], $0x50  }
0x3a: {  	v1 =	vand.u32 $0xFFFFFFFE, v1;
	v0 =	vbroadcast v0, $0x0;
	[sflag:s30] =	ssyncset.done $0x0  }
0x3b: {  	s18 =	simm.s32 $0x2B80;
	v1 =	vbroadcast v1, $0x0;
	[sflag:s30] =	ssyncadd.s32 $0xFFFFFFB0  }
0x3c: {  	v3 =	vld [tilespmem:s18+$0x70]  }
0x3d: {  	v4 =	vld [tilespmem:s18+$0xFFFFFF00]  }
0x3e: {  	s19 =	simm.s32 $0x1;
	v5 =	vld [tilespmem:s18+$0xFFFFFF10]  }
0x3f: {  	v2 =	vmov s19;
	v6 =	vld [tilespmem:s18+$0xFFFFFF20]  }
0x40: {  	v2 =	vand.u32 $0xFFFFFFFD, v2;
	v0 =	vld.idx.msk [tilespmem:v0+s21+$0x0], $0xffff  }
0x41: {  	v2 =	vbroadcast v2, $0x0;
	v1 =	vld.idx.msk [tilespmem:v1+s21+$0x0], $0xffff  }
0x42: {  	v7 =	vld [tilespmem:s18+$0xFFFFFF30]  }
0x43: {  	v8 =	vld [tilespmem:s18+$0xFFFFFF40]  }
0x44: {  	v9 =	vld [tilespmem:s18+$0xFFFFFF50]  }
0x45: {  	v10 =	vld [tilespmem:s18+$0xFFFFFF60];
	v4 =	vmul.f32 v4, v0  }
0x46: {  	v12 =	vld [tilespmem:s18+$0x40];
	v3 =	vmul.f32 v3, v1  }
0x47: {  	v2 =	vld.idx.msk [tilespmem:v2+s21+$0x0], $0xffff;
	[tilespmem:s18+$0xFFFFFF00] =	vst v4;
	v4 =	vmul.f32 v5, v0  }
0x48: {  	v5 =	vld [tilespmem:s18+$0xFFFFFF70];
	[tilespmem:s18+$0x70] =	vst v3;
	v3 =	vmul.f32 v6, v0  }
0x49: {  	v6 =	vld [tilespmem:s18+$0xFFFFFF80];
	[tilespmem:s18+$0xFFFFFF10] =	vst v4;
	v4 =	vmul.f32 v7, v0  }
0x4a: {  	v7 =	vld [tilespmem:s18+$0xFFFFFF90];
	[tilespmem:s18+$0xFFFFFF20] =	vst v3;
	v3 =	vmul.f32 v8, v0  }
0x4b: {  	v8 =	vld [tilespmem:s18+$0xFFFFFFA0];
	[tilespmem:s18+$0xFFFFFF30] =	vst v4;
	v4 =	vmul.f32 v9, v0  }
0x4c: {  	v9 =	vld [tilespmem:s18+$0xFFFFFFB0];
	[tilespmem:s18+$0xFFFFFF40] =	vst v3;
	v3 =	vmul.f32 v10, v0  }
0x4d: {  	v10 =	vld [tilespmem:s18+$0xFFFFFFC0];
	v5 =	vmul.f32 v5, v0;
	[tilespmem:s18+$0xFFFFFF50] =	vst v4  }
0x4e: {  	v4 =	vmul.f32 v6, v2;
	v6 =	vld [tilespmem:s18+$0xFFFFFFD0];
	[tilespmem:s18+$0xFFFFFF60] =	vst v3  }
0x4f: {  	s8 =	simm.s32 $0x3;
	v3 =	vld [tilespmem:s18+$0xFFFFFFE0];
	v7 =	vmul.f32 v7, v2;
	[tilespmem:s18+$0xFFFFFF70] =	vst v5  }
0x50: {  	v11 =	vmov s8;
	v5 =	vld [tilespmem:s18+$0xFFFFFFF0];
	[tilespmem:s18+$0xFFFFFF80] =	vst v4;
	v4 =	vmul.f32 v8, v2  }
0x51: {  	v8 =	vld [tilespmem:s18+$0x0];
	[tilespmem:s18+$0xFFFFFF90] =	vst v7;
	v7 =	vmul.f32 v9, v2  }
0x52: {  	v9 =	vld [tilespmem:s18+$0x10];
	[tilespmem:s18+$0xFFFFFFA0] =	vst v4;
	v4 =	vmul.f32 v10, v2  }
0x53: {  	[tilespmem:s18+$0xFFFFFFB0] =	vst v7;
	v6 =	vmul.f32 v6, v2;
	v7 =	vld [tilespmem:s18+$0x20]  }
0x54: {  	v10 =	vld [tilespmem:s18+$0x30];
	v3 =	vmul.f32 v3, v2;
	[tilespmem:s18+$0xFFFFFFC0] =	vst v4  }
0x55: {  	v0 =	vld.idx.msk [tilespmem:v11+s21+$0x0], $0xffff;
	v2 =	vmul.f32 v5, v2;
	[tilespmem:s18+$0xFFFFFFD0] =	vst v6  }
0x56: {  	[tilespmem:s18+$0xFFFFFFE0] =	vst v3;
	v4 =	vmul.f32 v8, v1;
	v3 =	vld [tilespmem:s18+$0x50]  }
0x57: {  	s9 =	simm.s32 $0x4;
	[tilespmem:s18+$0xFFFFFFF0] =	vst v2;
	v5 =	vmul.f32 v9, v1;
	v2 =	vld [tilespmem:s18+$0x60]  }
0x58: {  	s19 =	simm.s32 $0x7;
	v6 =	vmov s9;
	[tilespmem:s18+$0x0] =	vst v4;
	v8 =	vmul.f32 v7, v1;
	v7 =	vld [tilespmem:s18+$0x80]  }
0x59: {  	s8 =	simm.s32 $0x5;
	v11 =	vand.u32 $0xFFFFFFFC, v6;
	v6 =	vld [tilespmem:s18+$0x90];
	v4 =	vmov s19;
	v9 =	vmul.f32 v10, v1;
	[tilespmem:s18+$0x10] =	vst v5  }
0x5a: {  	s1 =	simm.s32 $0x6;
	v10 =	vmul.f32 v12, v1;
	s19 =	simm.s32 $0x2B80;
	v5 =	vbroadcast v11, $0x0;
	v11 =	vmov s8;
	s8 =	simm.s32 $0x8;
	[tilespmem:s18+$0x20] =	vst v8;
	v8 =	vld [tilespmem:s18+$0xA0]  }
.LBB2_3:
0x5b: {  	p1 =	slt.u32 s8, $0x4C;
	v11 =	vand.u32 $0xFFFFFFFD, v11;
	v12 =	vmov s1;
	[tilespmem:s18+$0x30] =	vst v9;
	v3 =	vmul.f32 v3, v1;
	v9 =	vld [tilespmem:s18+$0xB0]  }
0x5c: {  	v11 =	vbroadcast v11, $0x0;
	v12 =	vand.u32 $0xFFFFFFFE, v12;
	[tilespmem:s18+$0x40] =	vst v10;
	v1 =	vmul.f32 v2, v1;
	v2 =	vld [tilespmem:s18+$0xC0]  }
0x5d: {  	v10 =	vbroadcast v12, $0x0;
	[tilespmem:s18+$0x50] =	vst v3;
	v3 =	vmul.f32 v7, v0;
	v7 =	vld [tilespmem:s18+$0xD0]  }
0x5e: {  	[tilespmem:s18+$0x60] =	vst v1;
	v1 =	vmul.f32 v6, v0;
	v6 =	vld [tilespmem:s18+$0xE0]  }
0x5f: {  	[tilespmem:s18+$0x80] =	vst v3;
	v3 =	vmul.f32 v8, v0;
	v8 =	vld [tilespmem:s18+$0xF0]  }
0x60: {  	v4 =	vld.idx.msk [tilespmem:v4+s21+$0x0], $0xffff;
	[tilespmem:s18+$0x90] =	vst v1;
	v1 =	vmul.f32 v9, v0  }
0x61: {  	v5 =	vld.idx.msk [tilespmem:v5+s21+$0x0], $0xffff;
	[tilespmem:s18+$0xA0] =	vst v3;
	v2 =	vmul.f32 v2, v0  }
0x62: {  	v3 =	vld.idx.msk [tilespmem:v11+s21+$0x0], $0xffff;
	[tilespmem:s18+$0xB0] =	vst v1;
	v7 =	vmul.f32 v7, v0  }
0x63: {  	s18 =	sadd.s32 $0x200, s18;
	v1 =	vld.idx.msk [tilespmem:v10+s21+$0x0], $0xffff;
	[tilespmem:s19+$0xC0] =	vst v2;
	v2 =	vmul.f32 v6, v0  }
0x64: {  	v6 =	vld [tilespmem:s18+$0x70];
	[tilespmem:s19+$0xD0] =	vst v7;
	v8 =	vmul.f32 v8, v0  }
0x65: {  	v7 =	vld [tilespmem:s18+$0xFFFFFF00];
	[tilespmem:s19+$0xE0] =	vst v2  }
0x66: {  	v0 =	vmov v4;
	v2 =	vld [tilespmem:s18+$0xFFFFFF10];
	[tilespmem:s19+$0xF0] =	vst v8;
	s19 =	smov.u32 s18  }
0x67: {  	v4 =	vld [tilespmem:s18+$0xFFFFFF20]  }
0x68: {  	v8 =	vld [tilespmem:s18+$0xFFFFFF30]  }
0x69: {  	v9 =	vld [tilespmem:s18+$0xFFFFFF40];
	v6 =	vmul.f32 v6, v1  }
0x6a: {  	v7 =	vmul.f32 v7, v5;
	v10 =	vld [tilespmem:s18+$0xFFFFFF50]  }
0x6b: {  	v2 =	vmul.f32 v2, v5;
	v11 =	vld [tilespmem:s18+$0xFFFFFF60];
	[tilespmem:s18+$0x70] =	vst v6  }
0x6c: {  	[tilespmem:s18+$0xFFFFFF00] =	vst v7;
	v4 =	vmul.f32 v4, v5;
	v6 =	vld [tilespmem:s18+$0xFFFFFF70]  }
0x6d: {  	[tilespmem:s18+$0xFFFFFF10] =	vst v2;
	v2 =	vmul.f32 v8, v5;
	v7 =	vld [tilespmem:s18+$0xFFFFFF80]  }
0x6e: {  	[tilespmem:s18+$0xFFFFFF20] =	vst v4;
	v4 =	vmul.f32 v9, v5;
	v8 =	vld [tilespmem:s18+$0xFFFFFF90]  }
0x6f: {  	[tilespmem:s18+$0xFFFFFF30] =	vst v2;
	v2 =	vmul.f32 v10, v5;
	v9 =	vld [tilespmem:s18+$0xFFFFFFA0]  }
0x70: {  	[tilespmem:s18+$0xFFFFFF40] =	vst v4;
	v4 =	vmul.f32 v11, v5;
	v10 =	vld [tilespmem:s18+$0xFFFFFFB0]  }
0x71: {  	[tilespmem:s18+$0xFFFFFF50] =	vst v2;
	v2 =	vmul.f32 v6, v5;
	v5 =	vld [tilespmem:s18+$0xFFFFFFC0]  }
0x72: {  	[tilespmem:s18+$0xFFFFFF60] =	vst v4;
	v4 =	vmul.f32 v7, v3;
	v6 =	vld [tilespmem:s18+$0xFFFFFFD0]  }
0x73: {  	[tilespmem:s18+$0xFFFFFF70] =	vst v2;
	v2 =	vmul.f32 v8, v3;
	v7 =	vld [tilespmem:s18+$0xFFFFFFE0]  }
0x74: {  	[tilespmem:s18+$0xFFFFFF80] =	vst v4;
	v4 =	vmul.f32 v9, v3;
	v8 =	vld [tilespmem:s18+$0xFFFFFFF0]  }
0x75: {  	[tilespmem:s18+$0xFFFFFF90] =	vst v2;
	v2 =	vmul.f32 v10, v3;
	v9 =	vld [tilespmem:s18+$0x0]  }
0x76: {  	[tilespmem:s18+$0xFFFFFFA0] =	vst v4;
	v4 =	vmul.f32 v5, v3;
	v5 =	vld [tilespmem:s18+$0x10]  }
0x77: {  	[tilespmem:s18+$0xFFFFFFB0] =	vst v2;
	v2 =	vmul.f32 v6, v3;
	v6 =	vld [tilespmem:s18+$0x20]  }
0x78: {  	[tilespmem:s18+$0xFFFFFFC0] =	vst v4;
	v4 =	vmul.f32 v7, v3;
	v10 =	vld [tilespmem:s18+$0x30]  }
0x79: {  	[tilespmem:s18+$0xFFFFFFD0] =	vst v2;
	v2 =	vmul.f32 v8, v3;
	v8 =	vld [tilespmem:s18+$0x40]  }
.Ltmp0:
0x7a: {  	[tilespmem:s18+$0xFFFFFFE0] =	vst v4;
	v4 =	vmul.f32 v9, v1;
	v3 =	vld [tilespmem:s18+$0x50];
	(pc) =	sbr.rel @p1 .LBB2_3-.Ltmp0, $4  }
0x7b: {  	[tilespmem:s18+$0xFFFFFFF0] =	vst v2;
	v5 =	vmul.f32 v5, v1;
	v2 =	vld [tilespmem:s18+$0x60]  }
0x7c: {  	s1 =	sadd.s32 $0x3, s8;
	v9 =	vmov s8;
	[tilespmem:s18+$0x0] =	vst v4;
	v12 =	vmul.f32 v6, v1;
	v7 =	vld [tilespmem:s18+$0x80]  }
0x7d: {  	s9 =	sadd.s32 $0x1, s8;
	v11 =	vand.u32 $0xFFFFFFFC, v9;
	v4 =	vmov s1;
	[tilespmem:s18+$0x10] =	vst v5;
	v9 =	vmul.f32 v10, v1;
	v6 =	vld [tilespmem:s18+$0x90]  }
0x7e: {  	s1 =	sadd.s32 $0x2, s8;
	s8 =	sadd.s32 $0x4, s8;
	v5 =	vbroadcast v11, $0x0;
	v11 =	vmov s9;
	[tilespmem:s18+$0x20] =	vst v12;
	v10 =	vmul.f32 v8, v1;
	v8 =	vld [tilespmem:s18+$0xA0]  }
0x7f: {  	v12 =	vld [tilespmem:s18+$0xB0]  }
0x80: {  	v14 =	vld [tilespmem:s18+$0xC0]  }
0x81: {  	v13 =	vmov s1;
	v15 =	vld [tilespmem:s18+$0xD0]  }
0x82: {  	v16 =	vld [tilespmem:s18+$0xE0];
	[tilespmem:s18+$0x30] =	vst v9;
	v3 =	vmul.f32 v3, v1;
	v13 =	vand.u32 $0xFFFFFFFE, v13  }
0x83: {  	v11 =	vand.u32 $0xFFFFFFFD, v11;
	v4 =	vld.idx.msk [tilespmem:v4+s21+$0x0], $0xffff;
	[tilespmem:s18+$0x40] =	vst v10;
	v1 =	vmul.f32 v2, v1;
	v13 =	vbroadcast v13, $0x0  }
0x84: {  	s9 =	sadd.s32 $0x200, s18;
	v11 =	vbroadcast v11, $0x0;
	v2 =	vld.idx.msk [tilespmem:v5+s21+$0x0], $0xffff;
	v7 =	vmul.f32 v7, v0;
	[tilespmem:s18+$0x50] =	vst v3  }
0x85: {  	v9 =	vld [tilespmem:s9+$0xFFFFFF00];
	v3 =	vmul.f32 v6, v0;
	[tilespmem:s18+$0x60] =	vst v1  }
0x86: {  	[tilespmem:s18+$0x80] =	vst v7;
	v7 =	vld [tilespmem:s18+$0xF0];
	v1 =	vmul.f32 v8, v0  }
0x87: {  	v10 =	vld [tilespmem:s9+$0xFFFFFF10];
	[tilespmem:s18+$0x90] =	vst v3;
	v3 =	vmul.f32 v12, v0  }
0x88: {  	v8 =	vld [tilespmem:s9+$0x70];
	[tilespmem:s18+$0xA0] =	vst v1;
	v1 =	vmul.f32 v14, v0  }
0x89: {  	[tilespmem:s18+$0xB0] =	vst v3;
	v3 =	vmul.f32 v15, v0;
	v6 =	vld.idx.msk [tilespmem:v13+s21+$0x0], $0xffff  }
0x8a: {  	v5 =	vld.idx.msk [tilespmem:v11+s21+$0x0], $0xffff;
	[tilespmem:s19+$0xC0] =	vst v1;
	v1 =	vmul.f32 v16, v0  }
0x8b: {  	v11 =	vld [tilespmem:s9+$0xFFFFFF20];
	[tilespmem:s19+$0xD0] =	vst v3;
	v0 =	vmul.f32 v7, v0  }
0x8c: {  	v3 =	vld [tilespmem:s9+$0xFFFFFF30];
	[tilespmem:s19+$0xE0] =	vst v1  }
0x8d: {  	v1 =	vld [tilespmem:s9+$0xFFFFFF40];
	[tilespmem:s19+$0xF0] =	vst v0;
	v0 =	vmul.f32 v9, v2  }
0x8e: {  	v7 =	vmul.f32 v8, v6;
	v8 =	vld [tilespmem:s9+$0xFFFFFF50]  }
0x8f: {  	v9 =	vmul.f32 v10, v2;
	v10 =	vld [tilespmem:s9+$0xFFFFFF60];
	[tilespmem:s9+$0xFFFFFF00] =	vst v0  }
0x90: {  	v0 =	vmul.f32 v11, v2;
	[tilespmem:s9+$0x70] =	vst v7;
	v7 =	vld [tilespmem:s9+$0xFFFFFF70]  }
0x91: {  	[tilespmem:s9+$0xFFFFFF10] =	vst v9;
	v9 =	vld [tilespmem:s9+$0xFFFFFF80];
	v3 =	vmul.f32 v3, v2  }
0x92: {  	[tilespmem:s9+$0xFFFFFF20] =	vst v0;
	v0 =	vmul.f32 v1, v2;
	v1 =	vld [tilespmem:s9+$0xFFFFFF90]  }
0x93: {  	[tilespmem:s9+$0xFFFFFF30] =	vst v3;
	v3 =	vmul.f32 v8, v2;
	v8 =	vld [tilespmem:s9+$0xFFFFFFA0]  }
0x94: {  	[tilespmem:s9+$0xFFFFFF40] =	vst v0;
	v0 =	vmul.f32 v10, v2;
	v10 =	vld [tilespmem:s9+$0xFFFFFFB0]  }
0x95: {  	[tilespmem:s9+$0xFFFFFF50] =	vst v3;
	v2 =	vmul.f32 v7, v2;
	v3 =	vld [tilespmem:s9+$0xFFFFFFC0]  }
0x96: {  	[tilespmem:s9+$0xFFFFFF60] =	vst v0;
	v0 =	vmul.f32 v9, v5;
	v7 =	vld [tilespmem:s9+$0xFFFFFFD0]  }
0x97: {  	v1 =	vmul.f32 v1, v5;
	[tilespmem:s9+$0xFFFFFF70] =	vst v2;
	v2 =	vld [tilespmem:s9+$0xFFFFFFE0]  }
0x98: {  	[tilespmem:s9+$0xFFFFFF80] =	vst v0;
	v0 =	vmul.f32 v8, v5;
	v8 =	vld [tilespmem:s9+$0xFFFFFFF0]  }
0x99: {  	v9 =	vld [tilespmem:s9+$0x0];
	[tilespmem:s9+$0xFFFFFF90] =	vst v1;
	v1 =	vmul.f32 v10, v5  }
0x9a: {  	[tilespmem:s9+$0xFFFFFFA0] =	vst v0;
	v0 =	vmul.f32 v3, v5;
	v3 =	vld [tilespmem:s9+$0x10]  }
0x9b: {  	[tilespmem:s9+$0xFFFFFFB0] =	vst v1;
	v1 =	vmul.f32 v7, v5;
	v7 =	vld [tilespmem:s9+$0x20]  }
0x9c: {  	[tilespmem:s9+$0xFFFFFFC0] =	vst v0;
	v0 =	vmul.f32 v2, v5;
	v2 =	vld [tilespmem:s9+$0x30]  }
0x9d: {  	[tilespmem:s9+$0xFFFFFFD0] =	vst v1;
	v1 =	vmul.f32 v8, v5;
	v5 =	vld [tilespmem:s9+$0x40]  }
0x9e: {  	v8 =	vld [tilespmem:s9+$0x50];
	[tilespmem:s9+$0xFFFFFFE0] =	vst v0;
	v0 =	vmul.f32 v9, v6  }
0x9f: {  	[tilespmem:s9+$0xFFFFFFF0] =	vst v1;
	v1 =	vmul.f32 v3, v6;
	v3 =	vld [tilespmem:s9+$0x60]  }
0xa0: {  	[tilespmem:s9+$0x0] =	vst v0;
	v0 =	vmul.f32 v7, v6;
	v7 =	vld [tilespmem:s9+$0x80]  }
0xa1: {  	[tilespmem:s9+$0x10] =	vst v1;
	v1 =	vmul.f32 v2, v6;
	v2 =	vld [tilespmem:s9+$0x90]  }
0xa2: {  	[tilespmem:s9+$0x20] =	vst v0;
	v0 =	vmul.f32 v5, v6;
	v5 =	vld [tilespmem:s9+$0xA0]  }
0xa3: {  	[tilespmem:s9+$0x30] =	vst v1;
	v1 =	vmul.f32 v8, v6;
	v8 =	vld [tilespmem:s9+$0xB0]  }
0xa4: {  	[tilespmem:s9+$0x40] =	vst v0;
	v0 =	vmul.f32 v3, v6;
	v3 =	vld [tilespmem:s9+$0xC0]  }
0xa5: {  	v6 =	vld [tilespmem:s9+$0xD0];
	[tilespmem:s9+$0x50] =	vst v1;
	v1 =	vmul.f32 v7, v4  }
0xa6: {  	[tilespmem:s9+$0x60] =	vst v0;
	v0 =	vmul.f32 v2, v4;
	v2 =	vld [tilespmem:s9+$0xE0]  }
0xa7: {  	[tilespmem:s9+$0x80] =	vst v1;
	v1 =	vmul.f32 v5, v4;
	v5 =	vld [tilespmem:s9+$0xF0]  }
0xa8: {  	[tilespmem:s9+$0x90] =	vst v0;
	v0 =	vmul.f32 v8, v4  }
0xa9: {  	[tilespmem:s9+$0xA0] =	vst v1;
	v1 =	vmul.f32 v3, v4  }
0xaa: {  	[tilespmem:s9+$0xB0] =	vst v0;
	v0 =	vmul.f32 v6, v4  }
0xab: {  	[tilespmem:s9+$0xC0] =	vst v1;
	v1 =	vmul.f32 v2, v4  }
0xac: {  	[tilespmem:s9+$0xD0] =	vst v0;
	v0 =	vmul.f32 v5, v4  }
0xad: {  	[tilespmem:s9+$0xE0] =	vst v1  }
0xae: {  	[tilespmem:s9+$0xF0] =	vst v0  }
0xaf: {  	_ =	swait.ge [sflag:s31], $0x50  }
0xb0: {  	s8 =	simm.s32 $0x2780;
	[sflag:s31] =	ssyncset.done $0x0  }
0xb1: {  	p1 =	seq.s32 s17, $0x0;
	s18 =	smul.u32 $0xF0, s17;
	[sflag:s31] =	ssyncadd.s32 $0xFFFFFFB0  }
0xb2: {  	[spmem:s2] =	stream.indirect.scatter.add.f32 [tilespmem:s23], [sflag:$0xA], $0x80, s8, s22, $0xb8;
	[tilespmem:$0x1DB00] =	vst v63  }
0xb3: {  	s1 =	simm.s32 @!p1 $0xC;
	s8 =	sadd.s32 $0xA0, s18  }
0xb4: {  	_ =	swait.ge @!p1 [sflag:s1], $0x2800;
	s9 =	sadd.s32 s4, s8  }
0xb5: {  	[sflag:s1] =	ssyncset.done @!p1 $0x0;
	s9 =	sshrl.u32 s9, $0x3  }
0xb6: {  	s19 =	simm.s32 $0x0;
	[sflag:s1] =	ssyncadd.s32 @!p1 $0xFFFFD800;
	s1 =	sadd.s32 s7, s9  }
0xb7: {  	[tilespmem:s20], [sflag:$0x6] =	stream.linear.gather [hbm4b:s1+s19], $0x50, $0x38;
	[tilespmem:$0x1DB00] =	vst v63  }
0xb8: {  	s9 =	sadd.s32 s6, s9  }
0xb9: {  	[tilespmem:s0], [sflag:$0x9] =	stream.linear.gather [hbm4b:s9+s19], $0x50, $0x38;
	[tilespmem:$0x1DB00] =	vst v63  }
0xba: {  	v0 =	vmov s19;
	s20 =	simm.s32 $0x7A80;
	s19 =	simm.s32 $0x2  }
0xbb: {  	v0 =	vand.u32 $0xFFFFFFFC, v0;
	v1 =	vmov s19;
	[tilespmem:s20], [sflag:$0x3] =	stream.indirect.gather [hbm4b:s5+s22], $0x80, s8, s22, $0xb8;
	[tilespmem:$0x1DB00] =	vst v63  }
0xbc: {  	v0 =	vbroadcast v0, $0x0;
	v1 =	vand.u32 $0xFFFFFFFE, v1;
	_ =	swait.ge [sflag:s10], $0x2800  }
0xbd: {  	v1 =	vbroadcast v1, $0x0;
	[sflag:s10] =	ssyncset.done $0x0  }
0xbe: {  	[sflag:s10] =	ssyncadd.s32 $0xFFFFD800  }
0xbf: {  	_ =	swait.ge [sflag:s11], $0x50  }
0xc0: {  	[sflag:s11] =	ssyncset.done $0x0  }
0xc1: {  	[sflag:s11] =	ssyncadd.s32 $0xFFFFFFB0  }
0xc2: {  	v0 =	vld.idx.msk [tilespmem:v0+s26+$0x0], $0xffff  }
0xc3: {  	s9 =	simm.s32 $0x1;
	s19 =	simm.s32 $0x5380;
	v1 =	vld.idx.msk [tilespmem:v1+s26+$0x0], $0xffff  }
0xc4: {  	v2 =	vmov s9;
	v3 =	vld [tilespmem:s19+$0x70]  }
0xc5: {  	v2 =	vand.u32 $0xFFFFFFFD, v2;
	v4 =	vld [tilespmem:s19+$0xFFFFFF00]  }
0xc6: {  	v2 =	vbroadcast v2, $0x0;
	v5 =	vld [tilespmem:s19+$0xFFFFFF10]  }
0xc7: {  	v6 =	vld [tilespmem:s19+$0xFFFFFF20]  }
0xc8: {  	v7 =	vld [tilespmem:s19+$0xFFFFFF30]  }
0xc9: {  	v8 =	vld [tilespmem:s19+$0xFFFFFF40]  }
0xca: {  	v9 =	vld [tilespmem:s19+$0xFFFFFF50]  }
0xcb: {  	v10 =	vld [tilespmem:s19+$0xFFFFFF60];
	v4 =	vmul.f32 v4, v0  }
0xcc: {  	v2 =	vld.idx.msk [tilespmem:v2+s26+$0x0], $0xffff;
	v3 =	vmul.f32 v3, v1  }
0xcd: {  	v63 =	vld [tilespmem:s19+$0x40];
	[tilespmem:s19+$0xFFFFFF00] =	vst v4;
	v4 =	vmul.f32 v5, v0  }
0xce: {  	v5 =	vld [tilespmem:s19+$0xFFFFFF70];
	[tilespmem:s19+$0x70] =	vst v3;
	v3 =	vmul.f32 v6, v0  }
0xcf: {  	v6 =	vld [tilespmem:s19+$0xFFFFFF80];
	[tilespmem:s19+$0xFFFFFF10] =	vst v4;
	v4 =	vmul.f32 v7, v0  }
0xd0: {  	v7 =	vld [tilespmem:s19+$0xFFFFFF90];
	[tilespmem:s19+$0xFFFFFF20] =	vst v3;
	v3 =	vmul.f32 v8, v0  }
0xd1: {  	v8 =	vld [tilespmem:s19+$0xFFFFFFA0];
	[tilespmem:s19+$0xFFFFFF30] =	vst v4;
	v4 =	vmul.f32 v9, v0  }
0xd2: {  	v9 =	vld [tilespmem:s19+$0xFFFFFFB0];
	[tilespmem:s19+$0xFFFFFF40] =	vst v3;
	v3 =	vmul.f32 v10, v0  }
0xd3: {  	v10 =	vld [tilespmem:s19+$0xFFFFFFC0];
	v5 =	vmul.f32 v5, v0;
	[tilespmem:s19+$0xFFFFFF50] =	vst v4  }
0xd4: {  	v4 =	vmul.f32 v6, v2;
	v6 =	vld [tilespmem:s19+$0xFFFFFFD0];
	[tilespmem:s19+$0xFFFFFF60] =	vst v3  }
0xd5: {  	s20 =	simm.s32 $0x3;
	v3 =	vld [tilespmem:s19+$0xFFFFFFE0];
	v7 =	vmul.f32 v7, v2;
	[tilespmem:s19+$0xFFFFFF70] =	vst v5  }
0xd6: {  	v11 =	vmov s20;
	v5 =	vld [tilespmem:s19+$0xFFFFFFF0];
	[tilespmem:s19+$0xFFFFFF80] =	vst v4;
	v4 =	vmul.f32 v8, v2  }
0xd7: {  	v8 =	vld [tilespmem:s19+$0x0];
	[tilespmem:s19+$0xFFFFFF90] =	vst v7;
	v7 =	vmul.f32 v9, v2  }
0xd8: {  	v9 =	vld [tilespmem:s19+$0x10];
	[tilespmem:s19+$0xFFFFFFA0] =	vst v4;
	v4 =	vmul.f32 v10, v2  }
0xd9: {  	[tilespmem:s19+$0xFFFFFFB0] =	vst v7;
	v6 =	vmul.f32 v6, v2;
	v7 =	vld [tilespmem:s19+$0x20]  }
0xda: {  	v10 =	vld [tilespmem:s19+$0x30];
	v3 =	vmul.f32 v3, v2;
	[tilespmem:s19+$0xFFFFFFC0] =	vst v4  }
0xdb: {  	v0 =	vld.idx.msk [tilespmem:v11+s26+$0x0], $0xffff;
	v2 =	vmul.f32 v5, v2;
	[tilespmem:s19+$0xFFFFFFD0] =	vst v6  }
0xdc: {  	[tilespmem:s19+$0xFFFFFFE0] =	vst v3;
	v4 =	vmul.f32 v8, v1;
	v3 =	vld [tilespmem:s19+$0x50]  }
0xdd: {  	s8 =	simm.s32 $0x4;
	[tilespmem:s19+$0xFFFFFFF0] =	vst v2;
	v5 =	vmul.f32 v9, v1;
	v2 =	vld [tilespmem:s19+$0x60]  }
0xde: {  	s9 =	simm.s32 $0x7;
	v6 =	vmov s8;
	[tilespmem:s19+$0x0] =	vst v4;
	v8 =	vmul.f32 v7, v1;
	v7 =	vld [tilespmem:s19+$0x80]  }
0xdf: {  	s20 =	simm.s32 $0x5;
	v11 =	vand.u32 $0xFFFFFFFC, v6;
	v6 =	vld [tilespmem:s19+$0x90];
	v4 =	vmov s9;
	v9 =	vmul.f32 v10, v1;
	[tilespmem:s19+$0x10] =	vst v5  }
0xe0: {  	s1 =	simm.s32 $0x8;
	s8 =	simm.s32 $0x5380;
	s9 =	simm.s32 $0x6;
	v10 =	vmul.f32 v63, v1;
	v5 =	vbroadcast v11, $0x0;
	v11 =	vmov s20;
	[tilespmem:s19+$0x20] =	vst v8;
	v8 =	vld [tilespmem:s19+$0xA0]  }
.LBB2_5:
0xe1: {  	p1 =	slt.u32 s1, $0x4C;
	v11 =	vand.u32 $0xFFFFFFFD, v11;
	v12 =	vmov s9;
	[tilespmem:s19+$0x30] =	vst v9;
	v3 =	vmul.f32 v3, v1;
	v9 =	vld [tilespmem:s19+$0xB0]  }
0xe2: {  	v11 =	vbroadcast v11, $0x0;
	v12 =	vand.u32 $0xFFFFFFFE, v12;
	[tilespmem:s19+$0x40] =	vst v10;
	v1 =	vmul.f32 v2, v1;
	v2 =	vld [tilespmem:s19+$0xC0]  }
0xe3: {  	v10 =	vbroadcast v12, $0x0;
	[tilespmem:s19+$0x50] =	vst v3;
	v3 =	vmul.f32 v7, v0;
	v7 =	vld [tilespmem:s19+$0xD0]  }
0xe4: {  	[tilespmem:s19+$0x60] =	vst v1;
	v1 =	vmul.f32 v6, v0;
	v6 =	vld [tilespmem:s19+$0xE0]  }
0xe5: {  	[tilespmem:s19+$0x80] =	vst v3;
	v3 =	vmul.f32 v8, v0;
	v8 =	vld [tilespmem:s19+$0xF0]  }
0xe6: {  	v4 =	vld.idx.msk [tilespmem:v4+s26+$0x0], $0xffff;
	[tilespmem:s19+$0x90] =	vst v1;
	v1 =	vmul.f32 v9, v0  }
0xe7: {  	v5 =	vld.idx.msk [tilespmem:v5+s26+$0x0], $0xffff;
	[tilespmem:s19+$0xA0] =	vst v3;
	v2 =	vmul.f32 v2, v0  }
0xe8: {  	v3 =	vld.idx.msk [tilespmem:v11+s26+$0x0], $0xffff;
	[tilespmem:s19+$0xB0] =	vst v1;
	v7 =	vmul.f32 v7, v0  }
0xe9: {  	s19 =	sadd.s32 $0x200, s19;
	v1 =	vld.idx.msk [tilespmem:v10+s26+$0x0], $0xffff;
	[tilespmem:s8+$0xC0] =	vst v2;
	v2 =	vmul.f32 v6, v0  }
0xea: {  	v6 =	vld [tilespmem:s19+$0x70];
	[tilespmem:s8+$0xD0] =	vst v7;
	v8 =	vmul.f32 v8, v0  }
0xeb: {  	v7 =	vld [tilespmem:s19+$0xFFFFFF00];
	[tilespmem:s8+$0xE0] =	vst v2  }
0xec: {  	v0 =	vmov v4;
	v2 =	vld [tilespmem:s19+$0xFFFFFF10];
	[tilespmem:s8+$0xF0] =	vst v8;
	s8 =	smov.u32 s19  }
0xed: {  	v4 =	vld [tilespmem:s19+$0xFFFFFF20]  }
0xee: {  	v8 =	vld [tilespmem:s19+$0xFFFFFF30]  }
0xef: {  	v9 =	vld [tilespmem:s19+$0xFFFFFF40];
	v6 =	vmul.f32 v6, v1  }
0xf0: {  	v7 =	vmul.f32 v7, v5;
	v10 =	vld [tilespmem:s19+$0xFFFFFF50]  }
0xf1: {  	v2 =	vmul.f32 v2, v5;
	v11 =	vld [tilespmem:s19+$0xFFFFFF60];
	[tilespmem:s19+$0x70] =	vst v6  }
0xf2: {  	[tilespmem:s19+$0xFFFFFF00] =	vst v7;
	v4 =	vmul.f32 v4, v5;
	v6 =	vld [tilespmem:s19+$0xFFFFFF70]  }
0xf3: {  	[tilespmem:s19+$0xFFFFFF10] =	vst v2;
	v2 =	vmul.f32 v8, v5;
	v7 =	vld [tilespmem:s19+$0xFFFFFF80]  }
0xf4: {  	[tilespmem:s19+$0xFFFFFF20] =	vst v4;
	v4 =	vmul.f32 v9, v5;
	v8 =	vld [tilespmem:s19+$0xFFFFFF90]  }
0xf5: {  	[tilespmem:s19+$0xFFFFFF30] =	vst v2;
	v2 =	vmul.f32 v10, v5;
	v9 =	vld [tilespmem:s19+$0xFFFFFFA0]  }
0xf6: {  	[tilespmem:s19+$0xFFFFFF40] =	vst v4;
	v4 =	vmul.f32 v11, v5;
	v10 =	vld [tilespmem:s19+$0xFFFFFFB0]  }
0xf7: {  	[tilespmem:s19+$0xFFFFFF50] =	vst v2;
	v2 =	vmul.f32 v6, v5;
	v5 =	vld [tilespmem:s19+$0xFFFFFFC0]  }
0xf8: {  	[tilespmem:s19+$0xFFFFFF60] =	vst v4;
	v4 =	vmul.f32 v7, v3;
	v6 =	vld [tilespmem:s19+$0xFFFFFFD0]  }
0xf9: {  	[tilespmem:s19+$0xFFFFFF70] =	vst v2;
	v2 =	vmul.f32 v8, v3;
	v7 =	vld [tilespmem:s19+$0xFFFFFFE0]  }
0xfa: {  	[tilespmem:s19+$0xFFFFFF80] =	vst v4;
	v4 =	vmul.f32 v9, v3;
	v8 =	vld [tilespmem:s19+$0xFFFFFFF0]  }
0xfb: {  	[tilespmem:s19+$0xFFFFFF90] =	vst v2;
	v2 =	vmul.f32 v10, v3;
	v9 =	vld [tilespmem:s19+$0x0]  }
0xfc: {  	[tilespmem:s19+$0xFFFFFFA0] =	vst v4;
	v4 =	vmul.f32 v5, v3;
	v5 =	vld [tilespmem:s19+$0x10]  }
0xfd: {  	[tilespmem:s19+$0xFFFFFFB0] =	vst v2;
	v2 =	vmul.f32 v6, v3;
	v6 =	vld [tilespmem:s19+$0x20]  }
0xfe: {  	[tilespmem:s19+$0xFFFFFFC0] =	vst v4;
	v4 =	vmul.f32 v7, v3;
	v10 =	vld [tilespmem:s19+$0x30]  }
0xff: {  	[tilespmem:s19+$0xFFFFFFD0] =	vst v2;
	v2 =	vmul.f32 v8, v3;
	v8 =	vld [tilespmem:s19+$0x40]  }
.Ltmp1:
0x100: {  	[tilespmem:s19+$0xFFFFFFE0] =	vst v4;
	v4 =	vmul.f32 v9, v1;
	v3 =	vld [tilespmem:s19+$0x50];
	(pc) =	sbr.rel @p1 .LBB2_5-.Ltmp1, $4  }
0x101: {  	[tilespmem:s19+$0xFFFFFFF0] =	vst v2;
	v5 =	vmul.f32 v5, v1;
	v2 =	vld [tilespmem:s19+$0x60]  }
0x102: {  	s9 =	sadd.s32 $0x3, s1;
	v9 =	vmov s1;
	[tilespmem:s19+$0x0] =	vst v4;
	v12 =	vmul.f32 v6, v1;
	v7 =	vld [tilespmem:s19+$0x80]  }
0x103: {  	s20 =	sadd.s32 $0x1, s1;
	v11 =	vand.u32 $0xFFFFFFFC, v9;
	v4 =	vmov s9;
	[tilespmem:s19+$0x10] =	vst v5;
	v9 =	vmul.f32 v10, v1;
	v6 =	vld [tilespmem:s19+$0x90]  }
0x104: {  	s9 =	sadd.s32 $0x2, s1;
	s1 =	sadd.s32 $0x4, s1;
	v5 =	vbroadcast v11, $0x0;
	v11 =	vmov s20;
	[tilespmem:s19+$0x20] =	vst v12;
	v10 =	vmul.f32 v8, v1;
	v8 =	vld [tilespmem:s19+$0xA0]  }
0x105: {  	v12 =	vld [tilespmem:s19+$0xB0]  }
0x106: {  	v14 =	vld [tilespmem:s19+$0xC0]  }
0x107: {  	v13 =	vmov s9;
	v15 =	vld [tilespmem:s19+$0xD0]  }
0x108: {  	v16 =	vld [tilespmem:s19+$0xE0];
	[tilespmem:s19+$0x30] =	vst v9;
	v3 =	vmul.f32 v3, v1;
	v13 =	vand.u32 $0xFFFFFFFE, v13  }
0x109: {  	v11 =	vand.u32 $0xFFFFFFFD, v11;
	v4 =	vld.idx.msk [tilespmem:v4+s26+$0x0], $0xffff;
	[tilespmem:s19+$0x40] =	vst v10;
	v1 =	vmul.f32 v2, v1;
	v13 =	vbroadcast v13, $0x0  }
0x10a: {  	s1 =	sadd.s32 $0x200, s19;
	v11 =	vbroadcast v11, $0x0;
	v2 =	vld.idx.msk [tilespmem:v5+s26+$0x0], $0xffff;
	v7 =	vmul.f32 v7, v0;
	[tilespmem:s19+$0x50] =	vst v3  }
0x10b: {  	v9 =	vld [tilespmem:s1+$0xFFFFFF00];
	v3 =	vmul.f32 v6, v0;
	[tilespmem:s19+$0x60] =	vst v1  }
0x10c: {  	[tilespmem:s19+$0x80] =	vst v7;
	v7 =	vld [tilespmem:s19+$0xF0];
	v1 =	vmul.f32 v8, v0  }
0x10d: {  	v10 =	vld [tilespmem:s1+$0xFFFFFF10];
	[tilespmem:s19+$0x90] =	vst v3;
	v3 =	vmul.f32 v12, v0  }
0x10e: {  	v8 =	vld [tilespmem:s1+$0x70];
	[tilespmem:s19+$0xA0] =	vst v1;
	v1 =	vmul.f32 v14, v0  }
0x10f: {  	[tilespmem:s19+$0xB0] =	vst v3;
	v3 =	vmul.f32 v15, v0;
	v6 =	vld.idx.msk [tilespmem:v13+s26+$0x0], $0xffff  }
0x110: {  	v5 =	vld.idx.msk [tilespmem:v11+s26+$0x0], $0xffff;
	[tilespmem:s8+$0xC0] =	vst v1;
	v1 =	vmul.f32 v16, v0  }
0x111: {  	v11 =	vld [tilespmem:s1+$0xFFFFFF20];
	[tilespmem:s8+$0xD0] =	vst v3;
	v0 =	vmul.f32 v7, v0  }
0x112: {  	v3 =	vld [tilespmem:s1+$0xFFFFFF30];
	[tilespmem:s8+$0xE0] =	vst v1  }
0x113: {  	v1 =	vld [tilespmem:s1+$0xFFFFFF40];
	[tilespmem:s8+$0xF0] =	vst v0;
	v0 =	vmul.f32 v9, v2  }
0x114: {  	v7 =	vmul.f32 v8, v6;
	v8 =	vld [tilespmem:s1+$0xFFFFFF50]  }
0x115: {  	v9 =	vmul.f32 v10, v2;
	v10 =	vld [tilespmem:s1+$0xFFFFFF60];
	[tilespmem:s1+$0xFFFFFF00] =	vst v0  }
0x116: {  	v0 =	vmul.f32 v11, v2;
	[tilespmem:s1+$0x70] =	vst v7;
	v7 =	vld [tilespmem:s1+$0xFFFFFF70]  }
0x117: {  	[tilespmem:s1+$0xFFFFFF10] =	vst v9;
	v9 =	vld [tilespmem:s1+$0xFFFFFF80];
	v3 =	vmul.f32 v3, v2  }
0x118: {  	[tilespmem:s1+$0xFFFFFF20] =	vst v0;
	v0 =	vmul.f32 v1, v2;
	v1 =	vld [tilespmem:s1+$0xFFFFFF90]  }
0x119: {  	[tilespmem:s1+$0xFFFFFF30] =	vst v3;
	v3 =	vmul.f32 v8, v2;
	v8 =	vld [tilespmem:s1+$0xFFFFFFA0]  }
0x11a: {  	[tilespmem:s1+$0xFFFFFF40] =	vst v0;
	v0 =	vmul.f32 v10, v2;
	v10 =	vld [tilespmem:s1+$0xFFFFFFB0]  }
0x11b: {  	[tilespmem:s1+$0xFFFFFF50] =	vst v3;
	v2 =	vmul.f32 v7, v2;
	v3 =	vld [tilespmem:s1+$0xFFFFFFC0]  }
0x11c: {  	[tilespmem:s1+$0xFFFFFF60] =	vst v0;
	v0 =	vmul.f32 v9, v5;
	v7 =	vld [tilespmem:s1+$0xFFFFFFD0]  }
0x11d: {  	v1 =	vmul.f32 v1, v5;
	[tilespmem:s1+$0xFFFFFF70] =	vst v2;
	v2 =	vld [tilespmem:s1+$0xFFFFFFE0]  }
0x11e: {  	[tilespmem:s1+$0xFFFFFF80] =	vst v0;
	v0 =	vmul.f32 v8, v5;
	v8 =	vld [tilespmem:s1+$0xFFFFFFF0]  }
0x11f: {  	v9 =	vld [tilespmem:s1+$0x0];
	[tilespmem:s1+$0xFFFFFF90] =	vst v1;
	v1 =	vmul.f32 v10, v5  }
0x120: {  	[tilespmem:s1+$0xFFFFFFA0] =	vst v0;
	v0 =	vmul.f32 v3, v5;
	v3 =	vld [tilespmem:s1+$0x10]  }
0x121: {  	[tilespmem:s1+$0xFFFFFFB0] =	vst v1;
	v1 =	vmul.f32 v7, v5;
	v7 =	vld [tilespmem:s1+$0x20]  }
0x122: {  	[tilespmem:s1+$0xFFFFFFC0] =	vst v0;
	v0 =	vmul.f32 v2, v5;
	v2 =	vld [tilespmem:s1+$0x30]  }
0x123: {  	[tilespmem:s1+$0xFFFFFFD0] =	vst v1;
	v1 =	vmul.f32 v8, v5;
	v5 =	vld [tilespmem:s1+$0x40]  }
0x124: {  	v8 =	vld [tilespmem:s1+$0x50];
	[tilespmem:s1+$0xFFFFFFE0] =	vst v0;
	v0 =	vmul.f32 v9, v6  }
0x125: {  	[tilespmem:s1+$0xFFFFFFF0] =	vst v1;
	v1 =	vmul.f32 v3, v6;
	v3 =	vld [tilespmem:s1+$0x60]  }
0x126: {  	[tilespmem:s1+$0x0] =	vst v0;
	v0 =	vmul.f32 v7, v6;
	v7 =	vld [tilespmem:s1+$0x80]  }
0x127: {  	[tilespmem:s1+$0x10] =	vst v1;
	v1 =	vmul.f32 v2, v6;
	v2 =	vld [tilespmem:s1+$0x90]  }
0x128: {  	[tilespmem:s1+$0x20] =	vst v0;
	v0 =	vmul.f32 v5, v6;
	v5 =	vld [tilespmem:s1+$0xA0]  }
0x129: {  	[tilespmem:s1+$0x30] =	vst v1;
	v1 =	vmul.f32 v8, v6;
	v8 =	vld [tilespmem:s1+$0xB0]  }
0x12a: {  	[tilespmem:s1+$0x40] =	vst v0;
	v0 =	vmul.f32 v3, v6;
	v3 =	vld [tilespmem:s1+$0xC0]  }
0x12b: {  	v6 =	vld [tilespmem:s1+$0xD0];
	[tilespmem:s1+$0x50] =	vst v1;
	v1 =	vmul.f32 v7, v4  }
0x12c: {  	[tilespmem:s1+$0x60] =	vst v0;
	v0 =	vmul.f32 v2, v4;
	v2 =	vld [tilespmem:s1+$0xE0]  }
0x12d: {  	[tilespmem:s1+$0x80] =	vst v1;
	v1 =	vmul.f32 v5, v4;
	v5 =	vld [tilespmem:s1+$0xF0]  }
0x12e: {  	[tilespmem:s1+$0x90] =	vst v0;
	v0 =	vmul.f32 v8, v4  }
0x12f: {  	[tilespmem:s1+$0xA0] =	vst v1;
	v1 =	vmul.f32 v3, v4  }
0x130: {  	[tilespmem:s1+$0xB0] =	vst v0;
	v0 =	vmul.f32 v6, v4  }
0x131: {  	[tilespmem:s1+$0xC0] =	vst v1;
	v1 =	vmul.f32 v2, v4  }
0x132: {  	[tilespmem:s1+$0xD0] =	vst v0;
	v0 =	vmul.f32 v5, v4  }
0x133: {  	[tilespmem:s1+$0xE0] =	vst v1  }
0x134: {  	[tilespmem:s1+$0xF0] =	vst v0  }
0x135: {  	_ =	swait.ge [sflag:s12], $0x50  }
0x136: {  	[sflag:s12] =	ssyncset.done $0x0  }
0x137: {  	s1 =	sadd.s32 $0xF0, s18;
	[sflag:s12] =	ssyncadd.s32 $0xFFFFFFB0  }
0x138: {  	[spmem:s2] =	stream.indirect.scatter.add.f32 [tilespmem:s28], [sflag:$0xB], $0x80, s24, s22, $0xb8;
	[tilespmem:$0x1DB00] =	vst v63  }
0x139: {  	s19 =	sadd.s32 s4, s1;
	_ =	swait.ge [sflag:s13], $0x2800  }
0x13a: {  	s20 =	simm.s32 $0x2780;
	s8 =	sshrl.u32 s19, $0x3;
	[sflag:s13] =	ssyncset.done $0x0  }
0x13b: {  	s19 =	simm.s32 $0x0;
	s9 =	sadd.s32 s7, s8;
	[sflag:s13] =	ssyncadd.s32 $0xFFFFD800  }
0x13c: {  	[tilespmem:s20], [sflag:$0x4] =	stream.linear.gather [hbm4b:s9+s19], $0x50, $0x38;
	[tilespmem:$0x1DB00] =	vst v63  }
0x13d: {  	s8 =	sadd.s32 s6, s8  }
0x13e: {  	[tilespmem:s21], [sflag:$0x7] =	stream.linear.gather [hbm4b:s8+s19], $0x50, $0x38;
	[tilespmem:$0x1DB00] =	vst v63  }
0x13f: {  	v0 =	vmov s19;
	s20 =	simm.s32 $0x2  }
0x140: {  	v0 =	vand.u32 $0xFFFFFFFC, v0;
	v1 =	vmov s20;
	[tilespmem:s23], [sflag:$0x1] =	stream.indirect.gather [hbm4b:s5+s22], $0x80, s1, s22, $0xb8;
	[tilespmem:$0x1DB00] =	vst v63  }
0x141: {  	v0 =	vbroadcast v0, $0x0;
	v1 =	vand.u32 $0xFFFFFFFE, v1;
	_ =	swait.ge [sflag:s15], $0x2800  }
0x142: {  	v1 =	vbroadcast v1, $0x0;
	[sflag:s15] =	ssyncset.done $0x0  }
0x143: {  	[sflag:s15] =	ssyncadd.s32 $0xFFFFD800  }
0x144: {  	_ =	swait.ge [sflag:s25], $0x50  }
0x145: {  	[sflag:s25] =	ssyncset.done $0x0  }
0x146: {  	[sflag:s25] =	ssyncadd.s32 $0xFFFFFFB0  }
0x147: {  	v0 =	vld.idx.msk [tilespmem:v0+s0+$0x0], $0xffff  }
0x148: {  	s9 =	simm.s32 $0x1;
	s19 =	simm.s32 $0x7B80;
	v1 =	vld.idx.msk [tilespmem:v1+s0+$0x0], $0xffff  }
0x149: {  	v2 =	vmov s9;
	v3 =	vld [tilespmem:s19+$0x70]  }
0x14a: {  	v2 =	vand.u32 $0xFFFFFFFD, v2;
	v4 =	vld [tilespmem:s19+$0xFFFFFF00]  }
0x14b: {  	v2 =	vbroadcast v2, $0x0;
	v5 =	vld [tilespmem:s19+$0xFFFFFF10]  }
0x14c: {  	v6 =	vld [tilespmem:s19+$0xFFFFFF20]  }
0x14d: {  	v7 =	vld [tilespmem:s19+$0xFFFFFF30]  }
0x14e: {  	v8 =	vld [tilespmem:s19+$0xFFFFFF40]  }
0x14f: {  	v9 =	vld [tilespmem:s19+$0xFFFFFF50]  }
0x150: {  	v10 =	vld [tilespmem:s19+$0xFFFFFF60];
	v4 =	vmul.f32 v4, v0  }
0x151: {  	v2 =	vld.idx.msk [tilespmem:v2+s0+$0x0], $0xffff;
	v3 =	vmul.f32 v3, v1  }
0x152: {  	v63 =	vld [tilespmem:s19+$0x40];
	[tilespmem:s19+$0xFFFFFF00] =	vst v4;
	v4 =	vmul.f32 v5, v0  }
0x153: {  	v5 =	vld [tilespmem:s19+$0xFFFFFF70];
	[tilespmem:s19+$0x70] =	vst v3;
	v3 =	vmul.f32 v6, v0  }
0x154: {  	v6 =	vld [tilespmem:s19+$0xFFFFFF80];
	[tilespmem:s19+$0xFFFFFF10] =	vst v4;
	v4 =	vmul.f32 v7, v0  }
0x155: {  	v7 =	vld [tilespmem:s19+$0xFFFFFF90];
	[tilespmem:s19+$0xFFFFFF20] =	vst v3;
	v3 =	vmul.f32 v8, v0  }
0x156: {  	v8 =	vld [tilespmem:s19+$0xFFFFFFA0];
	[tilespmem:s19+$0xFFFFFF30] =	vst v4;
	v4 =	vmul.f32 v9, v0  }
0x157: {  	v9 =	vld [tilespmem:s19+$0xFFFFFFB0];
	[tilespmem:s19+$0xFFFFFF40] =	vst v3;
	v3 =	vmul.f32 v10, v0  }
0x158: {  	v10 =	vld [tilespmem:s19+$0xFFFFFFC0];
	v5 =	vmul.f32 v5, v0;
	[tilespmem:s19+$0xFFFFFF50] =	vst v4  }
0x159: {  	v4 =	vmul.f32 v6, v2;
	v6 =	vld [tilespmem:s19+$0xFFFFFFD0];
	[tilespmem:s19+$0xFFFFFF60] =	vst v3  }
0x15a: {  	s20 =	simm.s32 $0x3;
	v3 =	vld [tilespmem:s19+$0xFFFFFFE0];
	v7 =	vmul.f32 v7, v2;
	[tilespmem:s19+$0xFFFFFF70] =	vst v5  }
0x15b: {  	v11 =	vmov s20;
	v5 =	vld [tilespmem:s19+$0xFFFFFFF0];
	[tilespmem:s19+$0xFFFFFF80] =	vst v4;
	v4 =	vmul.f32 v8, v2  }
0x15c: {  	v8 =	vld [tilespmem:s19+$0x0];
	[tilespmem:s19+$0xFFFFFF90] =	vst v7;
	v7 =	vmul.f32 v9, v2  }
0x15d: {  	v9 =	vld [tilespmem:s19+$0x10];
	[tilespmem:s19+$0xFFFFFFA0] =	vst v4;
	v4 =	vmul.f32 v10, v2  }
0x15e: {  	[tilespmem:s19+$0xFFFFFFB0] =	vst v7;
	v6 =	vmul.f32 v6, v2;
	v7 =	vld [tilespmem:s19+$0x20]  }
0x15f: {  	v10 =	vld [tilespmem:s19+$0x30];
	v3 =	vmul.f32 v3, v2;
	[tilespmem:s19+$0xFFFFFFC0] =	vst v4  }
0x160: {  	v0 =	vld.idx.msk [tilespmem:v11+s0+$0x0], $0xffff;
	v2 =	vmul.f32 v5, v2;
	[tilespmem:s19+$0xFFFFFFD0] =	vst v6  }
0x161: {  	[tilespmem:s19+$0xFFFFFFE0] =	vst v3;
	v4 =	vmul.f32 v8, v1;
	v3 =	vld [tilespmem:s19+$0x50]  }
0x162: {  	s8 =	simm.s32 $0x4;
	[tilespmem:s19+$0xFFFFFFF0] =	vst v2;
	v5 =	vmul.f32 v9, v1;
	v2 =	vld [tilespmem:s19+$0x60]  }
0x163: {  	s9 =	simm.s32 $0x7;
	v6 =	vmov s8;
	[tilespmem:s19+$0x0] =	vst v4;
	v8 =	vmul.f32 v7, v1;
	v7 =	vld [tilespmem:s19+$0x80]  }
0x164: {  	s20 =	simm.s32 $0x5;
	v11 =	vand.u32 $0xFFFFFFFC, v6;
	v6 =	vld [tilespmem:s19+$0x90];
	v4 =	vmov s9;
	v9 =	vmul.f32 v10, v1;
	[tilespmem:s19+$0x10] =	vst v5  }
0x165: {  	s1 =	simm.s32 $0x8;
	s8 =	simm.s32 $0x7B80;
	s9 =	simm.s32 $0x6;
	v10 =	vmul.f32 v63, v1;
	v5 =	vbroadcast v11, $0x0;
	v11 =	vmov s20;
	[tilespmem:s19+$0x20] =	vst v8;
	v8 =	vld [tilespmem:s19+$0xA0]  }
.LBB2_7:
0x166: {  	p1 =	slt.u32 s1, $0x4C;
	v11 =	vand.u32 $0xFFFFFFFD, v11;
	v12 =	vmov s9;
	[tilespmem:s19+$0x30] =	vst v9;
	v3 =	vmul.f32 v3, v1;
	v9 =	vld [tilespmem:s19+$0xB0]  }
0x167: {  	v11 =	vbroadcast v11, $0x0;
	v12 =	vand.u32 $0xFFFFFFFE, v12;
	[tilespmem:s19+$0x40] =	vst v10;
	v1 =	vmul.f32 v2, v1;
	v2 =	vld [tilespmem:s19+$0xC0]  }
0x168: {  	v10 =	vbroadcast v12, $0x0;
	[tilespmem:s19+$0x50] =	vst v3;
	v3 =	vmul.f32 v7, v0;
	v7 =	vld [tilespmem:s19+$0xD0]  }
0x169: {  	[tilespmem:s19+$0x60] =	vst v1;
	v1 =	vmul.f32 v6, v0;
	v6 =	vld [tilespmem:s19+$0xE0]  }
0x16a: {  	[tilespmem:s19+$0x80] =	vst v3;
	v3 =	vmul.f32 v8, v0;
	v8 =	vld [tilespmem:s19+$0xF0]  }
0x16b: {  	v4 =	vld.idx.msk [tilespmem:v4+s0+$0x0], $0xffff;
	[tilespmem:s19+$0x90] =	vst v1;
	v1 =	vmul.f32 v9, v0  }
0x16c: {  	v5 =	vld.idx.msk [tilespmem:v5+s0+$0x0], $0xffff;
	[tilespmem:s19+$0xA0] =	vst v3;
	v2 =	vmul.f32 v2, v0  }
0x16d: {  	v3 =	vld.idx.msk [tilespmem:v11+s0+$0x0], $0xffff;
	[tilespmem:s19+$0xB0] =	vst v1;
	v7 =	vmul.f32 v7, v0  }
0x16e: {  	s19 =	sadd.s32 $0x200, s19;
	v1 =	vld.idx.msk [tilespmem:v10+s0+$0x0], $0xffff;
	[tilespmem:s8+$0xC0] =	vst v2;
	v2 =	vmul.f32 v6, v0  }
0x16f: {  	v6 =	vld [tilespmem:s19+$0x70];
	[tilespmem:s8+$0xD0] =	vst v7;
	v8 =	vmul.f32 v8, v0  }
0x170: {  	v7 =	vld [tilespmem:s19+$0xFFFFFF00];
	[tilespmem:s8+$0xE0] =	vst v2  }
0x171: {  	v0 =	vmov v4;
	v2 =	vld [tilespmem:s19+$0xFFFFFF10];
	[tilespmem:s8+$0xF0] =	vst v8;
	s8 =	smov.u32 s19  }
0x172: {  	v4 =	vld [tilespmem:s19+$0xFFFFFF20]  }
0x173: {  	v8 =	vld [tilespmem:s19+$0xFFFFFF30]  }
0x174: {  	v9 =	vld [tilespmem:s19+$0xFFFFFF40];
	v6 =	vmul.f32 v6, v1  }
0x175: {  	v7 =	vmul.f32 v7, v5;
	v10 =	vld [tilespmem:s19+$0xFFFFFF50]  }
0x176: {  	v2 =	vmul.f32 v2, v5;
	v11 =	vld [tilespmem:s19+$0xFFFFFF60];
	[tilespmem:s19+$0x70] =	vst v6  }
0x177: {  	[tilespmem:s19+$0xFFFFFF00] =	vst v7;
	v4 =	vmul.f32 v4, v5;
	v6 =	vld [tilespmem:s19+$0xFFFFFF70]  }
0x178: {  	[tilespmem:s19+$0xFFFFFF10] =	vst v2;
	v2 =	vmul.f32 v8, v5;
	v7 =	vld [tilespmem:s19+$0xFFFFFF80]  }
0x179: {  	[tilespmem:s19+$0xFFFFFF20] =	vst v4;
	v4 =	vmul.f32 v9, v5;
	v8 =	vld [tilespmem:s19+$0xFFFFFF90]  }
0x17a: {  	[tilespmem:s19+$0xFFFFFF30] =	vst v2;
	v2 =	vmul.f32 v10, v5;
	v9 =	vld [tilespmem:s19+$0xFFFFFFA0]  }
0x17b: {  	[tilespmem:s19+$0xFFFFFF40] =	vst v4;
	v4 =	vmul.f32 v11, v5;
	v10 =	vld [tilespmem:s19+$0xFFFFFFB0]  }
0x17c: {  	[tilespmem:s19+$0xFFFFFF50] =	vst v2;
	v2 =	vmul.f32 v6, v5;
	v5 =	vld [tilespmem:s19+$0xFFFFFFC0]  }
0x17d: {  	[tilespmem:s19+$0xFFFFFF60] =	vst v4;
	v4 =	vmul.f32 v7, v3;
	v6 =	vld [tilespmem:s19+$0xFFFFFFD0]  }
0x17e: {  	[tilespmem:s19+$0xFFFFFF70] =	vst v2;
	v2 =	vmul.f32 v8, v3;
	v7 =	vld [tilespmem:s19+$0xFFFFFFE0]  }
0x17f: {  	[tilespmem:s19+$0xFFFFFF80] =	vst v4;
	v4 =	vmul.f32 v9, v3;
	v8 =	vld [tilespmem:s19+$0xFFFFFFF0]  }
0x180: {  	[tilespmem:s19+$0xFFFFFF90] =	vst v2;
	v2 =	vmul.f32 v10, v3;
	v9 =	vld [tilespmem:s19+$0x0]  }
0x181: {  	[tilespmem:s19+$0xFFFFFFA0] =	vst v4;
	v4 =	vmul.f32 v5, v3;
	v5 =	vld [tilespmem:s19+$0x10]  }
0x182: {  	[tilespmem:s19+$0xFFFFFFB0] =	vst v2;
	v2 =	vmul.f32 v6, v3;
	v6 =	vld [tilespmem:s19+$0x20]  }
0x183: {  	[tilespmem:s19+$0xFFFFFFC0] =	vst v4;
	v4 =	vmul.f32 v7, v3;
	v10 =	vld [tilespmem:s19+$0x30]  }
0x184: {  	[tilespmem:s19+$0xFFFFFFD0] =	vst v2;
	v2 =	vmul.f32 v8, v3;
	v8 =	vld [tilespmem:s19+$0x40]  }
.Ltmp2:
0x185: {  	[tilespmem:s19+$0xFFFFFFE0] =	vst v4;
	v4 =	vmul.f32 v9, v1;
	v3 =	vld [tilespmem:s19+$0x50];
	(pc) =	sbr.rel @p1 .LBB2_7-.Ltmp2, $4  }
0x186: {  	[tilespmem:s19+$0xFFFFFFF0] =	vst v2;
	v5 =	vmul.f32 v5, v1;
	v2 =	vld [tilespmem:s19+$0x60]  }
0x187: {  	s9 =	sadd.s32 $0x3, s1;
	v9 =	vmov s1;
	[tilespmem:s19+$0x0] =	vst v4;
	v12 =	vmul.f32 v6, v1;
	v7 =	vld [tilespmem:s19+$0x80]  }
0x188: {  	s20 =	sadd.s32 $0x1, s1;
	v11 =	vand.u32 $0xFFFFFFFC, v9;
	v4 =	vmov s9;
	[tilespmem:s19+$0x10] =	vst v5;
	v9 =	vmul.f32 v10, v1;
	v6 =	vld [tilespmem:s19+$0x90]  }
0x189: {  	s9 =	sadd.s32 $0x2, s1;
	s1 =	sadd.s32 $0x4, s1;
	v5 =	vbroadcast v11, $0x0;
	v11 =	vmov s20;
	[tilespmem:s19+$0x20] =	vst v12;
	v10 =	vmul.f32 v8, v1;
	v8 =	vld [tilespmem:s19+$0xA0]  }
0x18a: {  	v12 =	vld [tilespmem:s19+$0xB0]  }
0x18b: {  	v14 =	vld [tilespmem:s19+$0xC0]  }
0x18c: {  	v15 =	vld [tilespmem:s19+$0xD0]  }
0x18d: {  	v16 =	vld [tilespmem:s19+$0xE0]  }
0x18e: {  	v44 =	vld [tilespmem:s19+$0xF0];
	[tilespmem:s19+$0x30] =	vst v9;
	v3 =	vmul.f32 v3, v1  }
0x18f: {  	v4 =	vld.idx.msk [tilespmem:v4+s0+$0x0], $0xffff;
	[tilespmem:s19+$0x40] =	vst v10;
	v45 =	vmul.f32 v2, v1  }
0x190: {  	s1 =	sadd.s32 $0x200, s19;
	v46 =	vld.idx.msk [tilespmem:v5+s0+$0x0], $0xffff;
	v7 =	vmul.f32 v7, v0;
	[tilespmem:s19+$0x50] =	vst v3  }
0x191: {  	v51 =	vld [tilespmem:s1+$0x70];
	v47 =	vmul.f32 v6, v0;
	[tilespmem:s19+$0x60] =	vst v45  }
0x192: {  	v53 =	vld [tilespmem:s1+$0xFFFFFF00];
	[tilespmem:s19+$0x80] =	vst v7;
	v49 =	vmul.f32 v8, v0  }
0x193: {  	v55 =	vld [tilespmem:s1+$0xFFFFFF10];
	[tilespmem:s19+$0x90] =	vst v47;
	v50 =	vmul.f32 v12, v0  }
0x194: {  	v11 =	vand.u32 $0xFFFFFFFD, v11;
	v57 =	vld [tilespmem:s1+$0xFFFFFF20];
	v52 =	vmul.f32 v14, v0;
	[tilespmem:s19+$0xA0] =	vst v49  }
0x195: {  	v11 =	vbroadcast v11, $0x0;
	v59 =	vld [tilespmem:s1+$0xFFFFFF30];
	v54 =	vmul.f32 v15, v0;
	[tilespmem:s19+$0xB0] =	vst v50  }
0x196: {  	v60 =	vld [tilespmem:s1+$0xFFFFFF40];
	v56 =	vmul.f32 v16, v0;
	[tilespmem:s8+$0xC0] =	vst v52  }
0x197: {  	v63 =	vld [tilespmem:s1+$0xFFFFFF50];
	v58 =	vmul.f32 v44, v0;
	[tilespmem:s8+$0xD0] =	vst v54  }
0x198: {  	v15 =	vld [tilespmem:s1+$0xFFFFFF70];
	v62 =	vmul.f32 v53, v46;
	[tilespmem:s8+$0xE0] =	vst v56  }
0x199: {  	v16 =	vld [tilespmem:s1+$0xFFFFFF80];
	v12 =	vmul.f32 v55, v46;
	[tilespmem:s8+$0xF0] =	vst v58  }
0x19a: {  	v44 =	vld [tilespmem:s1+$0x80];
	v14 =	vmul.f32 v57, v46;
	[tilespmem:s1+$0xFFFFFF00] =	vst v62  }
0x19b: {  	v3 =	vmul.f32 v59, v46;
	v48 =	vld.idx.msk [tilespmem:v11+s0+$0x0], $0xffff;
	[tilespmem:s1+$0xFFFFFF10] =	vst v12  }
0x19c: {  	v13 =	vmov s9;
	v18 =	vld [tilespmem:s1+$0xFFFFFF90];
	v17 =	vmul.f32 v60, v46;
	[tilespmem:s1+$0xFFFFFF20] =	vst v14  }
0x19d: {  	v13 =	vand.u32 $0xFFFFFFFE, v13;
	v20 =	vld [tilespmem:s1+$0xFFFFFFA0];
	v19 =	vmul.f32 v63, v46;
	[tilespmem:s1+$0xFFFFFF30] =	vst v3  }
0x19e: {  	v22 =	vld [tilespmem:s1+$0xFFFFFFB0];
	v13 =	vbroadcast v13, $0x0;
	[tilespmem:s1+$0xFFFFFF40] =	vst v17;
	v2 =	vmul.f32 v15, v46  }
0x19f: {  	v23 =	vld [tilespmem:s1+$0xFFFFFFC0];
	[tilespmem:s1+$0xFFFFFF50] =	vst v19;
	v53 =	vmul.f32 v44, v4  }
0x1a0: {  	v25 =	vld [tilespmem:s1+$0xFFFFFFD0];
	v24 =	vmul.f32 v16, v48;
	[tilespmem:s1+$0xFFFFFF70] =	vst v2  }
0x1a1: {  	v26 =	vld [tilespmem:s1+$0xFFFFFFE0];
	v1 =	vmul.f32 v18, v48;
	[tilespmem:s1+$0x80] =	vst v53  }
0x1a2: {  	v28 =	vld [tilespmem:s1+$0xFFFFFFF0];
	v27 =	vmul.f32 v20, v48;
	[tilespmem:s1+$0xFFFFFF80] =	vst v24  }
0x1a3: {  	v50 =	vld [tilespmem:s1+$0xB0];
	v29 =	vmul.f32 v22, v48;
	[tilespmem:s1+$0xFFFFFF90] =	vst v1  }
0x1a4: {  	v6 =	vld.idx.msk [tilespmem:v13+s0+$0x0], $0xffff;
	v31 =	vmul.f32 v23, v48;
	[tilespmem:s1+$0xFFFFFFA0] =	vst v27  }
0x1a5: {  	v13 =	vld [tilespmem:s1+$0xFFFFFF60];
	v33 =	vmul.f32 v25, v48;
	[tilespmem:s1+$0xFFFFFFB0] =	vst v29  }
0x1a6: {  	v30 =	vld [tilespmem:s1+$0x0];
	v35 =	vmul.f32 v26, v48;
	[tilespmem:s1+$0xFFFFFFC0] =	vst v31  }
0x1a7: {  	v32 =	vld [tilespmem:s1+$0x10];
	v37 =	vmul.f32 v28, v48;
	[tilespmem:s1+$0xFFFFFFD0] =	vst v33  }
0x1a8: {  	v34 =	vld [tilespmem:s1+$0x20];
	v59 =	vmul.f32 v50, v4;
	[tilespmem:s1+$0xFFFFFFE0] =	vst v35  }
0x1a9: {  	v36 =	vld [tilespmem:s1+$0x30];
	v61 =	vmul.f32 v51, v6;
	[tilespmem:s1+$0xFFFFFFF0] =	vst v37  }
0x1aa: {  	v38 =	vld [tilespmem:s1+$0x40];
	v21 =	vmul.f32 v13, v46;
	[tilespmem:s1+$0xB0] =	vst v59  }
0x1ab: {  	v40 =	vld [tilespmem:s1+$0x50];
	v39 =	vmul.f32 v30, v6;
	[tilespmem:s1+$0x70] =	vst v61  }
0x1ac: {  	v42 =	vld [tilespmem:s1+$0x60];
	v41 =	vmul.f32 v32, v6;
	[tilespmem:s1+$0xFFFFFF60] =	vst v21  }
0x1ad: {  	v52 =	vld [tilespmem:s1+$0xC0];
	v43 =	vmul.f32 v34, v6;
	[tilespmem:s1+$0x0] =	vst v39  }
0x1ae: {  	v56 =	vld [tilespmem:s1+$0xE0];
	v45 =	vmul.f32 v36, v6;
	[tilespmem:s1+$0x10] =	vst v41  }
0x1af: {  	v58 =	vld [tilespmem:s1+$0xF0];
	v47 =	vmul.f32 v38, v6;
	[tilespmem:s1+$0x20] =	vst v43  }
0x1b0: {  	v54 =	vld [tilespmem:s1+$0xD0];
	v49 =	vmul.f32 v40, v6;
	[tilespmem:s1+$0x30] =	vst v45  }
0x1b1: {  	v48 =	vld [tilespmem:s1+$0xA0];
	v51 =	vmul.f32 v42, v6;
	[tilespmem:s1+$0x40] =	vst v47  }
0x1b2: {  	v46 =	vld [tilespmem:s1+$0x90];
	v60 =	vmul.f32 v52, v4;
	[tilespmem:s1+$0x50] =	vst v49  }
0x1b3: {  	v62 =	vmul.f32 v56, v4;
	[tilespmem:s1+$0x60] =	vst v51  }
0x1b4: {  	v63 =	vmul.f32 v58, v4;
	[tilespmem:s1+$0xC0] =	vst v60  }
0x1b5: {  	v61 =	vmul.f32 v54, v4;
	[tilespmem:s1+$0xE0] =	vst v62  }
0x1b6: {  	[tilespmem:s1+$0xF0] =	vst v63;
	v57 =	vmul.f32 v48, v4  }
0x1b7: {  	[tilespmem:s1+$0xD0] =	vst v61;
	v55 =	vmul.f32 v46, v4  }
0x1b8: {  	[tilespmem:s1+$0xA0] =	vst v57  }
0x1b9: {  	[tilespmem:s1+$0x90] =	vst v55  }
0x1ba: {  	_ =	swait.ge [sflag:s14], $0x50  }
0x1bb: {  	s20 =	simm.s32 $0x2880;
	[sflag:s14] =	ssyncset.done $0x0  }
0x1bc: {  	s9 =	simm.s32 $0x7A80;
	s1 =	sadd.s32 $0x140, s18;
	[sflag:s14] =	ssyncadd.s32 $0xFFFFFFB0  }
0x1bd: {  	[spmem:s2] =	stream.indirect.scatter.add.f32 [tilespmem:s9], [sflag:$0xC], $0x80, s20, s22, $0xb8;
	[tilespmem:$0x1DB00] =	vst v63  }
0x1be: {  	s18 =	sadd.s32 s4, s1;
	_ =	swait.ge [sflag:s16], $0x2800  }
0x1bf: {  	s17 =	sadd.s32 $0x1, s17;
	s8 =	sshrl.u32 s18, $0x3;
	[sflag:s16] =	ssyncset.done $0x0  }
0x1c0: {  	p1 =	sne.s32 s17, $0x29;
	s19 =	sadd.s32 s7, s8;
	[sflag:s16] =	ssyncadd.s32 $0xFFFFD800  }
0x1c1: {  	[tilespmem:s24], [sflag:$0x5] =	stream.linear.gather [hbm4b:s19+s3], $0x50, $0x38;
	[tilespmem:$0x1DB00] =	vst v63  }
.Ltmp3:
0x1c2: {  	_ = 	snop;
	(pc) =	sbr.rel @p1 .LBB2_2-.Ltmp3, $4  }
0x1c3: {  	s8 =	sadd.s32 s6, s8  }
0x1c4: {  	[tilespmem:s26], [sflag:$0x8] =	stream.linear.gather [hbm4b:s8+s3], $0x50, $0x38;
	[tilespmem:$0x1DB00] =	vst v63  }
0x1c5: {  	_ = 	snop  }
0x1c6: {  	[tilespmem:s28], [sflag:$0x2] =	stream.indirect.gather [hbm4b:s5+s22], $0x80, s1, s22, $0xb8;
	[tilespmem:$0x1DB00] =	vst v63  }
0x1c7: {  	_ =	swait.ge [sflag:s29], $0x2800  }
0x1c8: {  	s1 =	simm.s32 $0x0;
	[sflag:s29] =	ssyncset.done $0x0  }
0x1c9: {  	s19 =	simm.s32 $0x2;
	v0 =	vmov s1;
	[sflag:s29] =	ssyncadd.s32 $0xFFFFD800  }
0x1ca: {  	v1 =	vmov s19;
	v0 =	vand.u32 $0xFFFFFFFC, v0;
	_ =	swait.ge [sflag:s30], $0x50  }
0x1cb: {  	v1 =	vand.u32 $0xFFFFFFFE, v1;
	v0 =	vbroadcast v0, $0x0;
	[sflag:s30] =	ssyncset.done $0x0  }
0x1cc: {  	s17 =	simm.s32 $0x2B80;
	v1 =	vbroadcast v1, $0x0;
	[sflag:s30] =	ssyncadd.s32 $0xFFFFFFB0  }
0x1cd: {  	v3 =	vld [tilespmem:s17+$0x70]  }
0x1ce: {  	v4 =	vld [tilespmem:s17+$0xFFFFFF00]  }
0x1cf: {  	s8 =	simm.s32 $0x1;
	v5 =	vld [tilespmem:s17+$0xFFFFFF10]  }
0x1d0: {  	v2 =	vmov s8;
	v6 =	vld [tilespmem:s17+$0xFFFFFF20]  }
0x1d1: {  	v2 =	vand.u32 $0xFFFFFFFD, v2;
	v0 =	vld.idx.msk [tilespmem:v0+s21+$0x0], $0xffff  }
0x1d2: {  	v2 =	vbroadcast v2, $0x0;
	v1 =	vld.idx.msk [tilespmem:v1+s21+$0x0], $0xffff  }
0x1d3: {  	v7 =	vld [tilespmem:s17+$0xFFFFFF30]  }
0x1d4: {  	v8 =	vld [tilespmem:s17+$0xFFFFFF40]  }
0x1d5: {  	v9 =	vld [tilespmem:s17+$0xFFFFFF50]  }
0x1d6: {  	v10 =	vld [tilespmem:s17+$0xFFFFFF60];
	v4 =	vmul.f32 v4, v0  }
0x1d7: {  	v12 =	vld [tilespmem:s17+$0x40];
	v3 =	vmul.f32 v3, v1  }
0x1d8: {  	v2 =	vld.idx.msk [tilespmem:v2+s21+$0x0], $0xffff;
	[tilespmem:s17+$0xFFFFFF00] =	vst v4;
	v4 =	vmul.f32 v5, v0  }
0x1d9: {  	v5 =	vld [tilespmem:s17+$0xFFFFFF70];
	[tilespmem:s17+$0x70] =	vst v3;
	v3 =	vmul.f32 v6, v0  }
0x1da: {  	v6 =	vld [tilespmem:s17+$0xFFFFFF80];
	[tilespmem:s17+$0xFFFFFF10] =	vst v4;
	v4 =	vmul.f32 v7, v0  }
0x1db: {  	v7 =	vld [tilespmem:s17+$0xFFFFFF90];
	[tilespmem:s17+$0xFFFFFF20] =	vst v3;
	v3 =	vmul.f32 v8, v0  }
0x1dc: {  	v8 =	vld [tilespmem:s17+$0xFFFFFFA0];
	[tilespmem:s17+$0xFFFFFF30] =	vst v4;
	v4 =	vmul.f32 v9, v0  }
0x1dd: {  	v9 =	vld [tilespmem:s17+$0xFFFFFFB0];
	[tilespmem:s17+$0xFFFFFF40] =	vst v3;
	v3 =	vmul.f32 v10, v0  }
0x1de: {  	v10 =	vld [tilespmem:s17+$0xFFFFFFC0];
	v5 =	vmul.f32 v5, v0;
	[tilespmem:s17+$0xFFFFFF50] =	vst v4  }
0x1df: {  	v4 =	vmul.f32 v6, v2;
	v6 =	vld [tilespmem:s17+$0xFFFFFFD0];
	[tilespmem:s17+$0xFFFFFF60] =	vst v3  }
0x1e0: {  	s9 =	simm.s32 $0x3;
	v3 =	vld [tilespmem:s17+$0xFFFFFFE0];
	v7 =	vmul.f32 v7, v2;
	[tilespmem:s17+$0xFFFFFF70] =	vst v5  }
0x1e1: {  	v11 =	vmov s9;
	v5 =	vld [tilespmem:s17+$0xFFFFFFF0];
	[tilespmem:s17+$0xFFFFFF80] =	vst v4;
	v4 =	vmul.f32 v8, v2  }
0x1e2: {  	v8 =	vld [tilespmem:s17+$0x0];
	[tilespmem:s17+$0xFFFFFF90] =	vst v7;
	v7 =	vmul.f32 v9, v2  }
0x1e3: {  	v9 =	vld [tilespmem:s17+$0x10];
	[tilespmem:s17+$0xFFFFFFA0] =	vst v4;
	v4 =	vmul.f32 v10, v2  }
0x1e4: {  	[tilespmem:s17+$0xFFFFFFB0] =	vst v7;
	v6 =	vmul.f32 v6, v2;
	v7 =	vld [tilespmem:s17+$0x20]  }
0x1e5: {  	v10 =	vld [tilespmem:s17+$0x30];
	v3 =	vmul.f32 v3, v2;
	[tilespmem:s17+$0xFFFFFFC0] =	vst v4  }
0x1e6: {  	v0 =	vld.idx.msk [tilespmem:v11+s21+$0x0], $0xffff;
	v2 =	vmul.f32 v5, v2;
	[tilespmem:s17+$0xFFFFFFD0] =	vst v6  }
0x1e7: {  	[tilespmem:s17+$0xFFFFFFE0] =	vst v3;
	v4 =	vmul.f32 v8, v1;
	v3 =	vld [tilespmem:s17+$0x50]  }
0x1e8: {  	s18 =	simm.s32 $0x4;
	[tilespmem:s17+$0xFFFFFFF0] =	vst v2;
	v5 =	vmul.f32 v9, v1;
	v2 =	vld [tilespmem:s17+$0x60]  }
0x1e9: {  	s19 =	simm.s32 $0x7;
	v6 =	vmov s18;
	[tilespmem:s17+$0x0] =	vst v4;
	v8 =	vmul.f32 v7, v1;
	v7 =	vld [tilespmem:s17+$0x80]  }
0x1ea: {  	s8 =	simm.s32 $0x5;
	v11 =	vand.u32 $0xFFFFFFFC, v6;
	v6 =	vld [tilespmem:s17+$0x90];
	v4 =	vmov s19;
	v9 =	vmul.f32 v10, v1;
	[tilespmem:s17+$0x10] =	vst v5  }
0x1eb: {  	s9 =	simm.s32 $0x6;
	s1 =	simm.s32 $0x8;
	v10 =	vmul.f32 v12, v1;
	v5 =	vbroadcast v11, $0x0;
	v11 =	vmov s8;
	s8 =	simm.s32 $0x2B80;
	[tilespmem:s17+$0x20] =	vst v8;
	v8 =	vld [tilespmem:s17+$0xA0]  }
.LBB2_10:
0x1ec: {  	p1 =	slt.u32 s1, $0x4C;
	v11 =	vand.u32 $0xFFFFFFFD, v11;
	v12 =	vmov s9;
	[tilespmem:s17+$0x30] =	vst v9;
	v3 =	vmul.f32 v3, v1;
	v9 =	vld [tilespmem:s17+$0xB0]  }
0x1ed: {  	v11 =	vbroadcast v11, $0x0;
	v12 =	vand.u32 $0xFFFFFFFE, v12;
	[tilespmem:s17+$0x40] =	vst v10;
	v1 =	vmul.f32 v2, v1;
	v2 =	vld [tilespmem:s17+$0xC0]  }
0x1ee: {  	v10 =	vbroadcast v12, $0x0;
	[tilespmem:s17+$0x50] =	vst v3;
	v3 =	vmul.f32 v7, v0;
	v7 =	vld [tilespmem:s17+$0xD0]  }
0x1ef: {  	[tilespmem:s17+$0x60] =	vst v1;
	v1 =	vmul.f32 v6, v0;
	v6 =	vld [tilespmem:s17+$0xE0]  }
0x1f0: {  	[tilespmem:s17+$0x80] =	vst v3;
	v3 =	vmul.f32 v8, v0;
	v8 =	vld [tilespmem:s17+$0xF0]  }
0x1f1: {  	v4 =	vld.idx.msk [tilespmem:v4+s21+$0x0], $0xffff;
	[tilespmem:s17+$0x90] =	vst v1;
	v1 =	vmul.f32 v9, v0  }
0x1f2: {  	v5 =	vld.idx.msk [tilespmem:v5+s21+$0x0], $0xffff;
	[tilespmem:s17+$0xA0] =	vst v3;
	v2 =	vmul.f32 v2, v0  }
0x1f3: {  	v3 =	vld.idx.msk [tilespmem:v11+s21+$0x0], $0xffff;
	[tilespmem:s17+$0xB0] =	vst v1;
	v7 =	vmul.f32 v7, v0  }
0x1f4: {  	s17 =	sadd.s32 $0x200, s17;
	v1 =	vld.idx.msk [tilespmem:v10+s21+$0x0], $0xffff;
	[tilespmem:s8+$0xC0] =	vst v2;
	v2 =	vmul.f32 v6, v0  }
0x1f5: {  	v6 =	vld [tilespmem:s17+$0x70];
	[tilespmem:s8+$0xD0] =	vst v7;
	v8 =	vmul.f32 v8, v0  }
0x1f6: {  	v7 =	vld [tilespmem:s17+$0xFFFFFF00];
	[tilespmem:s8+$0xE0] =	vst v2  }
0x1f7: {  	v0 =	vmov v4;
	v2 =	vld [tilespmem:s17+$0xFFFFFF10];
	[tilespmem:s8+$0xF0] =	vst v8;
	s8 =	smov.u32 s17  }
0x1f8: {  	v4 =	vld [tilespmem:s17+$0xFFFFFF20]  }
0x1f9: {  	v8 =	vld [tilespmem:s17+$0xFFFFFF30]  }
0x1fa: {  	v9 =	vld [tilespmem:s17+$0xFFFFFF40];
	v6 =	vmul.f32 v6, v1  }
0x1fb: {  	v7 =	vmul.f32 v7, v5;
	v10 =	vld [tilespmem:s17+$0xFFFFFF50]  }
0x1fc: {  	v2 =	vmul.f32 v2, v5;
	v11 =	vld [tilespmem:s17+$0xFFFFFF60];
	[tilespmem:s17+$0x70] =	vst v6  }
0x1fd: {  	[tilespmem:s17+$0xFFFFFF00] =	vst v7;
	v4 =	vmul.f32 v4, v5;
	v6 =	vld [tilespmem:s17+$0xFFFFFF70]  }
0x1fe: {  	[tilespmem:s17+$0xFFFFFF10] =	vst v2;
	v2 =	vmul.f32 v8, v5;
	v7 =	vld [tilespmem:s17+$0xFFFFFF80]  }
0x1ff: {  	[tilespmem:s17+$0xFFFFFF20] =	vst v4;
	v4 =	vmul.f32 v9, v5;
	v8 =	vld [tilespmem:s17+$0xFFFFFF90]  }
0x200: {  	[tilespmem:s17+$0xFFFFFF30] =	vst v2;
	v2 =	vmul.f32 v10, v5;
	v9 =	vld [tilespmem:s17+$0xFFFFFFA0]  }
0x201: {  	[tilespmem:s17+$0xFFFFFF40] =	vst v4;
	v4 =	vmul.f32 v11, v5;
	v10 =	vld [tilespmem:s17+$0xFFFFFFB0]  }
0x202: {  	[tilespmem:s17+$0xFFFFFF50] =	vst v2;
	v2 =	vmul.f32 v6, v5;
	v5 =	vld [tilespmem:s17+$0xFFFFFFC0]  }
0x203: {  	[tilespmem:s17+$0xFFFFFF60] =	vst v4;
	v4 =	vmul.f32 v7, v3;
	v6 =	vld [tilespmem:s17+$0xFFFFFFD0]  }
0x204: {  	[tilespmem:s17+$0xFFFFFF70] =	vst v2;
	v2 =	vmul.f32 v8, v3;
	v7 =	vld [tilespmem:s17+$0xFFFFFFE0]  }
0x205: {  	[tilespmem:s17+$0xFFFFFF80] =	vst v4;
	v4 =	vmul.f32 v9, v3;
	v8 =	vld [tilespmem:s17+$0xFFFFFFF0]  }
0x206: {  	[tilespmem:s17+$0xFFFFFF90] =	vst v2;
	v2 =	vmul.f32 v10, v3;
	v9 =	vld [tilespmem:s17+$0x0]  }
0x207: {  	[tilespmem:s17+$0xFFFFFFA0] =	vst v4;
	v4 =	vmul.f32 v5, v3;
	v5 =	vld [tilespmem:s17+$0x10]  }
0x208: {  	[tilespmem:s17+$0xFFFFFFB0] =	vst v2;
	v2 =	vmul.f32 v6, v3;
	v6 =	vld [tilespmem:s17+$0x20]  }
0x209: {  	[tilespmem:s17+$0xFFFFFFC0] =	vst v4;
	v4 =	vmul.f32 v7, v3;
	v10 =	vld [tilespmem:s17+$0x30]  }
0x20a: {  	[tilespmem:s17+$0xFFFFFFD0] =	vst v2;
	v2 =	vmul.f32 v8, v3;
	v8 =	vld [tilespmem:s17+$0x40]  }
.Ltmp4:
0x20b: {  	[tilespmem:s17+$0xFFFFFFE0] =	vst v4;
	v4 =	vmul.f32 v9, v1;
	v3 =	vld [tilespmem:s17+$0x50];
	(pc) =	sbr.rel @p1 .LBB2_10-.Ltmp4, $4  }
0x20c: {  	[tilespmem:s17+$0xFFFFFFF0] =	vst v2;
	v5 =	vmul.f32 v5, v1;
	v2 =	vld [tilespmem:s17+$0x60]  }
0x20d: {  	s9 =	sadd.s32 $0x3, s1;
	v9 =	vmov s1;
	[tilespmem:s17+$0x0] =	vst v4;
	v12 =	vmul.f32 v6, v1;
	v7 =	vld [tilespmem:s17+$0x80]  }
0x20e: {  	s18 =	sadd.s32 $0x1, s1;
	v11 =	vand.u32 $0xFFFFFFFC, v9;
	v4 =	vmov s9;
	[tilespmem:s17+$0x10] =	vst v5;
	v9 =	vmul.f32 v10, v1;
	v6 =	vld [tilespmem:s17+$0x90]  }
0x20f: {  	s9 =	sadd.s32 $0x2, s1;
	s1 =	sadd.s32 $0x4, s1;
	v5 =	vbroadcast v11, $0x0;
	v11 =	vmov s18;
	[tilespmem:s17+$0x20] =	vst v12;
	v10 =	vmul.f32 v8, v1;
	v8 =	vld [tilespmem:s17+$0xA0]  }
0x210: {  	v12 =	vld [tilespmem:s17+$0xB0]  }
0x211: {  	v14 =	vld [tilespmem:s17+$0xC0]  }
0x212: {  	v13 =	vmov s9;
	v15 =	vld [tilespmem:s17+$0xD0]  }
0x213: {  	v16 =	vld [tilespmem:s17+$0xE0];
	[tilespmem:s17+$0x30] =	vst v9;
	v3 =	vmul.f32 v3, v1;
	v13 =	vand.u32 $0xFFFFFFFE, v13  }
0x214: {  	v11 =	vand.u32 $0xFFFFFFFD, v11;
	v4 =	vld.idx.msk [tilespmem:v4+s21+$0x0], $0xffff;
	[tilespmem:s17+$0x40] =	vst v10;
	v1 =	vmul.f32 v2, v1;
	v13 =	vbroadcast v13, $0x0  }
0x215: {  	s1 =	sadd.s32 $0x200, s17;
	v11 =	vbroadcast v11, $0x0;
	v2 =	vld.idx.msk [tilespmem:v5+s21+$0x0], $0xffff;
	v7 =	vmul.f32 v7, v0;
	[tilespmem:s17+$0x50] =	vst v3  }
0x216: {  	v9 =	vld [tilespmem:s1+$0xFFFFFF00];
	v3 =	vmul.f32 v6, v0;
	[tilespmem:s17+$0x60] =	vst v1  }
0x217: {  	[tilespmem:s17+$0x80] =	vst v7;
	v7 =	vld [tilespmem:s17+$0xF0];
	v1 =	vmul.f32 v8, v0  }
0x218: {  	v10 =	vld [tilespmem:s1+$0xFFFFFF10];
	[tilespmem:s17+$0x90] =	vst v3;
	v3 =	vmul.f32 v12, v0  }
0x219: {  	v8 =	vld [tilespmem:s1+$0x70];
	[tilespmem:s17+$0xA0] =	vst v1;
	v1 =	vmul.f32 v14, v0  }
0x21a: {  	[tilespmem:s17+$0xB0] =	vst v3;
	v3 =	vmul.f32 v15, v0;
	v6 =	vld.idx.msk [tilespmem:v13+s21+$0x0], $0xffff  }
0x21b: {  	v5 =	vld.idx.msk [tilespmem:v11+s21+$0x0], $0xffff;
	[tilespmem:s8+$0xC0] =	vst v1;
	v1 =	vmul.f32 v16, v0  }
0x21c: {  	v11 =	vld [tilespmem:s1+$0xFFFFFF20];
	[tilespmem:s8+$0xD0] =	vst v3;
	v0 =	vmul.f32 v7, v0  }
0x21d: {  	v3 =	vld [tilespmem:s1+$0xFFFFFF30];
	[tilespmem:s8+$0xE0] =	vst v1  }
0x21e: {  	v1 =	vld [tilespmem:s1+$0xFFFFFF40];
	[tilespmem:s8+$0xF0] =	vst v0;
	v0 =	vmul.f32 v9, v2  }
0x21f: {  	v7 =	vmul.f32 v8, v6;
	v8 =	vld [tilespmem:s1+$0xFFFFFF50]  }
0x220: {  	v9 =	vmul.f32 v10, v2;
	v10 =	vld [tilespmem:s1+$0xFFFFFF60];
	[tilespmem:s1+$0xFFFFFF00] =	vst v0  }
0x221: {  	v0 =	vmul.f32 v11, v2;
	[tilespmem:s1+$0x70] =	vst v7;
	v7 =	vld [tilespmem:s1+$0xFFFFFF70]  }
0x222: {  	[tilespmem:s1+$0xFFFFFF10] =	vst v9;
	v9 =	vld [tilespmem:s1+$0xFFFFFF80];
	v3 =	vmul.f32 v3, v2  }
0x223: {  	[tilespmem:s1+$0xFFFFFF20] =	vst v0;
	v0 =	vmul.f32 v1, v2;
	v1 =	vld [tilespmem:s1+$0xFFFFFF90]  }
0x224: {  	[tilespmem:s1+$0xFFFFFF30] =	vst v3;
	v3 =	vmul.f32 v8, v2;
	v8 =	vld [tilespmem:s1+$0xFFFFFFA0]  }
0x225: {  	[tilespmem:s1+$0xFFFFFF40] =	vst v0;
	v0 =	vmul.f32 v10, v2;
	v10 =	vld [tilespmem:s1+$0xFFFFFFB0]  }
0x226: {  	[tilespmem:s1+$0xFFFFFF50] =	vst v3;
	v2 =	vmul.f32 v7, v2;
	v3 =	vld [tilespmem:s1+$0xFFFFFFC0]  }
0x227: {  	[tilespmem:s1+$0xFFFFFF60] =	vst v0;
	v0 =	vmul.f32 v9, v5;
	v7 =	vld [tilespmem:s1+$0xFFFFFFD0]  }
0x228: {  	v1 =	vmul.f32 v1, v5;
	[tilespmem:s1+$0xFFFFFF70] =	vst v2;
	v2 =	vld [tilespmem:s1+$0xFFFFFFE0]  }
0x229: {  	[tilespmem:s1+$0xFFFFFF80] =	vst v0;
	v0 =	vmul.f32 v8, v5;
	v8 =	vld [tilespmem:s1+$0xFFFFFFF0]  }
0x22a: {  	v9 =	vld [tilespmem:s1+$0x0];
	[tilespmem:s1+$0xFFFFFF90] =	vst v1;
	v1 =	vmul.f32 v10, v5  }
0x22b: {  	[tilespmem:s1+$0xFFFFFFA0] =	vst v0;
	v0 =	vmul.f32 v3, v5;
	v3 =	vld [tilespmem:s1+$0x10]  }
0x22c: {  	[tilespmem:s1+$0xFFFFFFB0] =	vst v1;
	v1 =	vmul.f32 v7, v5;
	v7 =	vld [tilespmem:s1+$0x20]  }
0x22d: {  	[tilespmem:s1+$0xFFFFFFC0] =	vst v0;
	v0 =	vmul.f32 v2, v5;
	v2 =	vld [tilespmem:s1+$0x30]  }
0x22e: {  	[tilespmem:s1+$0xFFFFFFD0] =	vst v1;
	v1 =	vmul.f32 v8, v5;
	v5 =	vld [tilespmem:s1+$0x40]  }
0x22f: {  	v8 =	vld [tilespmem:s1+$0x50];
	[tilespmem:s1+$0xFFFFFFE0] =	vst v0;
	v0 =	vmul.f32 v9, v6  }
0x230: {  	[tilespmem:s1+$0xFFFFFFF0] =	vst v1;
	v1 =	vmul.f32 v3, v6;
	v3 =	vld [tilespmem:s1+$0x60]  }
0x231: {  	[tilespmem:s1+$0x0] =	vst v0;
	v0 =	vmul.f32 v7, v6;
	v7 =	vld [tilespmem:s1+$0x80]  }
0x232: {  	[tilespmem:s1+$0x10] =	vst v1;
	v1 =	vmul.f32 v2, v6;
	v2 =	vld [tilespmem:s1+$0x90]  }
0x233: {  	[tilespmem:s1+$0x20] =	vst v0;
	v0 =	vmul.f32 v5, v6;
	v5 =	vld [tilespmem:s1+$0xA0]  }
0x234: {  	[tilespmem:s1+$0x30] =	vst v1;
	v1 =	vmul.f32 v8, v6;
	v8 =	vld [tilespmem:s1+$0xB0]  }
0x235: {  	[tilespmem:s1+$0x40] =	vst v0;
	v0 =	vmul.f32 v3, v6;
	v3 =	vld [tilespmem:s1+$0xC0]  }
0x236: {  	v6 =	vld [tilespmem:s1+$0xD0];
	[tilespmem:s1+$0x50] =	vst v1;
	v1 =	vmul.f32 v7, v4  }
0x237: {  	[tilespmem:s1+$0x60] =	vst v0;
	v0 =	vmul.f32 v2, v4;
	v2 =	vld [tilespmem:s1+$0xE0]  }
0x238: {  	[tilespmem:s1+$0x80] =	vst v1;
	v1 =	vmul.f32 v5, v4;
	v5 =	vld [tilespmem:s1+$0xF0]  }
0x239: {  	[tilespmem:s1+$0x90] =	vst v0;
	v0 =	vmul.f32 v8, v4  }
0x23a: {  	[tilespmem:s1+$0xA0] =	vst v1;
	v1 =	vmul.f32 v3, v4  }
0x23b: {  	[tilespmem:s1+$0xB0] =	vst v0;
	v0 =	vmul.f32 v6, v4  }
0x23c: {  	[tilespmem:s1+$0xC0] =	vst v1;
	v1 =	vmul.f32 v2, v4  }
0x23d: {  	[tilespmem:s1+$0xD0] =	vst v0;
	v0 =	vmul.f32 v5, v4  }
0x23e: {  	[tilespmem:s1+$0xE0] =	vst v1  }
0x23f: {  	[tilespmem:s1+$0xF0] =	vst v0  }
0x240: {  	_ =	swait.ge [sflag:s31], $0x50  }
0x241: {  	s9 =	simm.s32 $0x0;
	[sflag:s31] =	ssyncset.done $0x0  }
0x242: {  	s18 =	simm.s32 $0x2780;
	s17 =	simm.s32 $0x2;
	v0 =	vmov s9;
	[sflag:s31] =	ssyncadd.s32 $0xFFFFFFB0  }
0x243: {  	v1 =	vmov s17;
	v0 =	vand.u32 $0xFFFFFFFC, v0;
	[spmem:s2] =	stream.indirect.scatter.add.f32 [tilespmem:s23], [sflag:$0xA], $0x80, s18, s22, $0xb8;
	[tilespmem:$0x1DB00] =	vst v63  }
0x244: {  	v1 =	vand.u32 $0xFFFFFFFE, v1;
	v0 =	vbroadcast v0, $0x0;
	_ =	swait.ge [sflag:s10], $0x2800  }
0x245: {  	v1 =	vbroadcast v1, $0x0;
	[sflag:s10] =	ssyncset.done $0x0  }
0x246: {  	[sflag:s10] =	ssyncadd.s32 $0xFFFFD800  }
0x247: {  	_ =	swait.ge [sflag:s11], $0x50  }
0x248: {  	[sflag:s11] =	ssyncset.done $0x0  }
0x249: {  	[sflag:s11] =	ssyncadd.s32 $0xFFFFFFB0  }
0x24a: {  	v0 =	vld.idx.msk [tilespmem:v0+s26+$0x0], $0xffff  }
0x24b: {  	s19 =	simm.s32 $0x1;
	s17 =	simm.s32 $0x5380;
	v1 =	vld.idx.msk [tilespmem:v1+s26+$0x0], $0xffff  }
0x24c: {  	v2 =	vmov s19;
	v3 =	vld [tilespmem:s17+$0x70]  }
0x24d: {  	v2 =	vand.u32 $0xFFFFFFFD, v2;
	v4 =	vld [tilespmem:s17+$0xFFFFFF00]  }
0x24e: {  	v2 =	vbroadcast v2, $0x0;
	v5 =	vld [tilespmem:s17+$0xFFFFFF10]  }
0x24f: {  	v6 =	vld [tilespmem:s17+$0xFFFFFF20]  }
0x250: {  	v7 =	vld [tilespmem:s17+$0xFFFFFF30]  }
0x251: {  	v8 =	vld [tilespmem:s17+$0xFFFFFF40]  }
0x252: {  	v9 =	vld [tilespmem:s17+$0xFFFFFF50];
	v4 =	vmul.f32 v4, v0  }
0x253: {  	v10 =	vld [tilespmem:s17+$0xFFFFFF60];
	v3 =	vmul.f32 v3, v1  }
0x254: {  	v2 =	vld.idx.msk [tilespmem:v2+s26+$0x0], $0xffff;
	[tilespmem:s17+$0xFFFFFF00] =	vst v4;
	v4 =	vmul.f32 v5, v0  }
0x255: {  	v5 =	vld [tilespmem:s17+$0xFFFFFF70];
	[tilespmem:s17+$0x70] =	vst v3;
	v3 =	vmul.f32 v6, v0  }
0x256: {  	v6 =	vld [tilespmem:s17+$0xFFFFFF80];
	[tilespmem:s17+$0xFFFFFF10] =	vst v4;
	v4 =	vmul.f32 v7, v0  }
0x257: {  	v7 =	vld [tilespmem:s17+$0xFFFFFF90];
	[tilespmem:s17+$0xFFFFFF20] =	vst v3;
	v3 =	vmul.f32 v8, v0  }
0x258: {  	v8 =	vld [tilespmem:s17+$0xFFFFFFA0];
	[tilespmem:s17+$0xFFFFFF30] =	vst v4;
	v4 =	vmul.f32 v9, v0  }
0x259: {  	v9 =	vld [tilespmem:s17+$0xFFFFFFB0];
	[tilespmem:s17+$0xFFFFFF40] =	vst v3;
	v3 =	vmul.f32 v10, v0  }
0x25a: {  	v10 =	vld [tilespmem:s17+$0xFFFFFFC0];
	v5 =	vmul.f32 v5, v0;
	[tilespmem:s17+$0xFFFFFF50] =	vst v4  }
0x25b: {  	v4 =	vmul.f32 v6, v2;
	v6 =	vld [tilespmem:s17+$0xFFFFFFD0];
	[tilespmem:s17+$0xFFFFFF60] =	vst v3  }
0x25c: {  	v3 =	vld [tilespmem:s17+$0xFFFFFFE0];
	v7 =	vmul.f32 v7, v2;
	[tilespmem:s17+$0xFFFFFF70] =	vst v5  }
0x25d: {  	s8 =	simm.s32 $0x3;
	v5 =	vld [tilespmem:s17+$0xFFFFFFF0];
	[tilespmem:s17+$0xFFFFFF80] =	vst v4;
	v4 =	vmul.f32 v8, v2  }
0x25e: {  	v11 =	vmov s8;
	v8 =	vld [tilespmem:s17+$0x0];
	[tilespmem:s17+$0xFFFFFF90] =	vst v7;
	v7 =	vmul.f32 v9, v2  }
0x25f: {  	v9 =	vld [tilespmem:s17+$0x10];
	[tilespmem:s17+$0xFFFFFFA0] =	vst v4;
	v4 =	vmul.f32 v10, v2  }
0x260: {  	[tilespmem:s17+$0xFFFFFFB0] =	vst v7;
	v6 =	vmul.f32 v6, v2;
	v7 =	vld [tilespmem:s17+$0x20]  }
0x261: {  	v63 =	vld [tilespmem:s17+$0x40];
	v3 =	vmul.f32 v3, v2;
	[tilespmem:s17+$0xFFFFFFC0] =	vst v4  }
0x262: {  	v10 =	vld [tilespmem:s17+$0x30];
	v2 =	vmul.f32 v5, v2;
	[tilespmem:s17+$0xFFFFFFD0] =	vst v6  }
0x263: {  	v0 =	vld.idx.msk [tilespmem:v11+s26+$0x0], $0xffff;
	[tilespmem:s17+$0xFFFFFFE0] =	vst v3;
	v4 =	vmul.f32 v8, v1  }
0x264: {  	v3 =	vld [tilespmem:s17+$0x50];
	[tilespmem:s17+$0xFFFFFFF0] =	vst v2;
	v5 =	vmul.f32 v9, v1  }
0x265: {  	s9 =	simm.s32 $0x4;
	v2 =	vld [tilespmem:s17+$0x60];
	[tilespmem:s17+$0x0] =	vst v4;
	v8 =	vmul.f32 v7, v1  }
0x266: {  	s18 =	simm.s32 $0x7;
	v6 =	vmov s9;
	v7 =	vld [tilespmem:s17+$0x80];
	[tilespmem:s17+$0x10] =	vst v5  }
0x267: {  	s8 =	simm.s32 $0x5380;
	s19 =	simm.s32 $0x5;
	v11 =	vand.u32 $0xFFFFFFFC, v6;
	v6 =	vld [tilespmem:s17+$0x90];
	v4 =	vmov s18;
	v9 =	vmul.f32 v10, v1;
	[tilespmem:s17+$0x20] =	vst v8  }
0x268: {  	s1 =	simm.s32 $0x8;
	s9 =	simm.s32 $0x6;
	v10 =	vmul.f32 v63, v1;
	v5 =	vbroadcast v11, $0x0;
	v11 =	vmov s19;
	v8 =	vld [tilespmem:s17+$0xA0];
	s19 =	rddreg [dreg:$0xf]  }
.LBB2_12:
0x269: {  	p1 =	slt.u32 s1, $0x4C;
	v11 =	vand.u32 $0xFFFFFFFD, v11;
	v12 =	vmov s9;
	[tilespmem:s17+$0x30] =	vst v9;
	v3 =	vmul.f32 v3, v1;
	v9 =	vld [tilespmem:s17+$0xB0]  }
0x26a: {  	v11 =	vbroadcast v11, $0x0;
	v12 =	vand.u32 $0xFFFFFFFE, v12;
	[tilespmem:s17+$0x40] =	vst v10;
	v1 =	vmul.f32 v2, v1;
	v2 =	vld [tilespmem:s17+$0xC0]  }
0x26b: {  	v10 =	vbroadcast v12, $0x0;
	[tilespmem:s17+$0x50] =	vst v3;
	v3 =	vmul.f32 v7, v0;
	v7 =	vld [tilespmem:s17+$0xD0]  }
0x26c: {  	[tilespmem:s17+$0x60] =	vst v1;
	v1 =	vmul.f32 v6, v0;
	v6 =	vld [tilespmem:s17+$0xE0]  }
0x26d: {  	[tilespmem:s17+$0x80] =	vst v3;
	v3 =	vmul.f32 v8, v0;
	v8 =	vld [tilespmem:s17+$0xF0]  }
0x26e: {  	v4 =	vld.idx.msk [tilespmem:v4+s26+$0x0], $0xffff;
	[tilespmem:s17+$0x90] =	vst v1;
	v1 =	vmul.f32 v9, v0  }
0x26f: {  	v5 =	vld.idx.msk [tilespmem:v5+s26+$0x0], $0xffff;
	[tilespmem:s17+$0xA0] =	vst v3;
	v2 =	vmul.f32 v2, v0  }
0x270: {  	v3 =	vld.idx.msk [tilespmem:v11+s26+$0x0], $0xffff;
	[tilespmem:s17+$0xB0] =	vst v1;
	v7 =	vmul.f32 v7, v0  }
0x271: {  	s17 =	sadd.s32 $0x200, s17;
	v1 =	vld.idx.msk [tilespmem:v10+s26+$0x0], $0xffff;
	[tilespmem:s8+$0xC0] =	vst v2;
	v2 =	vmul.f32 v6, v0  }
0x272: {  	v6 =	vld [tilespmem:s17+$0x70];
	[tilespmem:s8+$0xD0] =	vst v7;
	v8 =	vmul.f32 v8, v0  }
0x273: {  	v7 =	vld [tilespmem:s17+$0xFFFFFF00];
	[tilespmem:s8+$0xE0] =	vst v2  }
0x274: {  	v0 =	vmov v4;
	v2 =	vld [tilespmem:s17+$0xFFFFFF10];
	[tilespmem:s8+$0xF0] =	vst v8;
	s8 =	smov.u32 s17  }
0x275: {  	v4 =	vld [tilespmem:s17+$0xFFFFFF20]  }
0x276: {  	v8 =	vld [tilespmem:s17+$0xFFFFFF30]  }
0x277: {  	v9 =	vld [tilespmem:s17+$0xFFFFFF40];
	v6 =	vmul.f32 v6, v1  }
0x278: {  	v7 =	vmul.f32 v7, v5;
	v10 =	vld [tilespmem:s17+$0xFFFFFF50]  }
0x279: {  	v2 =	vmul.f32 v2, v5;
	v11 =	vld [tilespmem:s17+$0xFFFFFF60];
	[tilespmem:s17+$0x70] =	vst v6  }
0x27a: {  	[tilespmem:s17+$0xFFFFFF00] =	vst v7;
	v4 =	vmul.f32 v4, v5;
	v6 =	vld [tilespmem:s17+$0xFFFFFF70]  }
0x27b: {  	[tilespmem:s17+$0xFFFFFF10] =	vst v2;
	v2 =	vmul.f32 v8, v5;
	v7 =	vld [tilespmem:s17+$0xFFFFFF80]  }
0x27c: {  	[tilespmem:s17+$0xFFFFFF20] =	vst v4;
	v4 =	vmul.f32 v9, v5;
	v8 =	vld [tilespmem:s17+$0xFFFFFF90]  }
0x27d: {  	[tilespmem:s17+$0xFFFFFF30] =	vst v2;
	v2 =	vmul.f32 v10, v5;
	v9 =	vld [tilespmem:s17+$0xFFFFFFA0]  }
0x27e: {  	[tilespmem:s17+$0xFFFFFF40] =	vst v4;
	v4 =	vmul.f32 v11, v5;
	v10 =	vld [tilespmem:s17+$0xFFFFFFB0]  }
0x27f: {  	[tilespmem:s17+$0xFFFFFF50] =	vst v2;
	v2 =	vmul.f32 v6, v5;
	v5 =	vld [tilespmem:s17+$0xFFFFFFC0]  }
0x280: {  	[tilespmem:s17+$0xFFFFFF60] =	vst v4;
	v4 =	vmul.f32 v7, v3;
	v6 =	vld [tilespmem:s17+$0xFFFFFFD0]  }
0x281: {  	[tilespmem:s17+$0xFFFFFF70] =	vst v2;
	v2 =	vmul.f32 v8, v3;
	v7 =	vld [tilespmem:s17+$0xFFFFFFE0]  }
0x282: {  	[tilespmem:s17+$0xFFFFFF80] =	vst v4;
	v4 =	vmul.f32 v9, v3;
	v8 =	vld [tilespmem:s17+$0xFFFFFFF0]  }
0x283: {  	[tilespmem:s17+$0xFFFFFF90] =	vst v2;
	v2 =	vmul.f32 v10, v3;
	v9 =	vld [tilespmem:s17+$0x0]  }
0x284: {  	[tilespmem:s17+$0xFFFFFFA0] =	vst v4;
	v4 =	vmul.f32 v5, v3;
	v5 =	vld [tilespmem:s17+$0x10]  }
0x285: {  	[tilespmem:s17+$0xFFFFFFB0] =	vst v2;
	v2 =	vmul.f32 v6, v3;
	v6 =	vld [tilespmem:s17+$0x20]  }
0x286: {  	[tilespmem:s17+$0xFFFFFFC0] =	vst v4;
	v4 =	vmul.f32 v7, v3;
	v10 =	vld [tilespmem:s17+$0x30]  }
0x287: {  	[tilespmem:s17+$0xFFFFFFD0] =	vst v2;
	v2 =	vmul.f32 v8, v3;
	v8 =	vld [tilespmem:s17+$0x40]  }
.Ltmp5:
0x288: {  	[tilespmem:s17+$0xFFFFFFE0] =	vst v4;
	v4 =	vmul.f32 v9, v1;
	v3 =	vld [tilespmem:s17+$0x50];
	(pc) =	sbr.rel @p1 .LBB2_12-.Ltmp5, $4  }
0x289: {  	[tilespmem:s17+$0xFFFFFFF0] =	vst v2;
	v5 =	vmul.f32 v5, v1;
	v2 =	vld [tilespmem:s17+$0x60]  }
0x28a: {  	s9 =	sadd.s32 $0x3, s1;
	v9 =	vmov s1;
	[tilespmem:s17+$0x0] =	vst v4;
	v12 =	vmul.f32 v6, v1;
	v7 =	vld [tilespmem:s17+$0x80]  }
0x28b: {  	s18 =	sadd.s32 $0x1, s1;
	v11 =	vand.u32 $0xFFFFFFFC, v9;
	v4 =	vmov s9;
	[tilespmem:s17+$0x10] =	vst v5;
	v9 =	vmul.f32 v10, v1;
	v6 =	vld [tilespmem:s17+$0x90]  }
0x28c: {  	s9 =	sadd.s32 $0x2, s1;
	s1 =	sadd.s32 $0x4, s1;
	v5 =	vbroadcast v11, $0x0;
	v11 =	vmov s18;
	[tilespmem:s17+$0x20] =	vst v12;
	v10 =	vmul.f32 v8, v1;
	v8 =	vld [tilespmem:s17+$0xA0]  }
0x28d: {  	v12 =	vld [tilespmem:s17+$0xB0]  }
0x28e: {  	v14 =	vld [tilespmem:s17+$0xC0]  }
0x28f: {  	v15 =	vld [tilespmem:s17+$0xD0]  }
0x290: {  	v16 =	vld [tilespmem:s17+$0xE0]  }
0x291: {  	v44 =	vld [tilespmem:s17+$0xF0];
	[tilespmem:s17+$0x30] =	vst v9;
	v3 =	vmul.f32 v3, v1  }
0x292: {  	v4 =	vld.idx.msk [tilespmem:v4+s26+$0x0], $0xffff;
	[tilespmem:s17+$0x40] =	vst v10;
	v45 =	vmul.f32 v2, v1  }
0x293: {  	s1 =	sadd.s32 $0x200, s17;
	v46 =	vld.idx.msk [tilespmem:v5+s26+$0x0], $0xffff;
	v7 =	vmul.f32 v7, v0;
	[tilespmem:s17+$0x50] =	vst v3  }
0x294: {  	v51 =	vld [tilespmem:s1+$0x70];
	v47 =	vmul.f32 v6, v0;
	[tilespmem:s17+$0x60] =	vst v45  }
0x295: {  	v53 =	vld [tilespmem:s1+$0xFFFFFF00];
	[tilespmem:s17+$0x80] =	vst v7;
	v49 =	vmul.f32 v8, v0  }
0x296: {  	v55 =	vld [tilespmem:s1+$0xFFFFFF10];
	[tilespmem:s17+$0x90] =	vst v47;
	v50 =	vmul.f32 v12, v0  }
0x297: {  	v11 =	vand.u32 $0xFFFFFFFD, v11;
	v57 =	vld [tilespmem:s1+$0xFFFFFF20];
	v52 =	vmul.f32 v14, v0;
	[tilespmem:s17+$0xA0] =	vst v49  }
0x298: {  	v11 =	vbroadcast v11, $0x0;
	v59 =	vld [tilespmem:s1+$0xFFFFFF30];
	v54 =	vmul.f32 v15, v0;
	[tilespmem:s17+$0xB0] =	vst v50  }
0x299: {  	v60 =	vld [tilespmem:s1+$0xFFFFFF40];
	v56 =	vmul.f32 v16, v0;
	[tilespmem:s8+$0xC0] =	vst v52  }
0x29a: {  	v63 =	vld [tilespmem:s1+$0xFFFFFF50];
	v58 =	vmul.f32 v44, v0;
	[tilespmem:s8+$0xD0] =	vst v54  }
0x29b: {  	v15 =	vld [tilespmem:s1+$0xFFFFFF70];
	v62 =	vmul.f32 v53, v46;
	[tilespmem:s8+$0xE0] =	vst v56  }
0x29c: {  	v16 =	vld [tilespmem:s1+$0xFFFFFF80];
	v12 =	vmul.f32 v55, v46;
	[tilespmem:s8+$0xF0] =	vst v58  }
0x29d: {  	v44 =	vld [tilespmem:s1+$0x80];
	v14 =	vmul.f32 v57, v46;
	[tilespmem:s1+$0xFFFFFF00] =	vst v62  }
0x29e: {  	v3 =	vmul.f32 v59, v46;
	v48 =	vld.idx.msk [tilespmem:v11+s26+$0x0], $0xffff;
	[tilespmem:s1+$0xFFFFFF10] =	vst v12  }
0x29f: {  	v13 =	vmov s9;
	v18 =	vld [tilespmem:s1+$0xFFFFFF90];
	v17 =	vmul.f32 v60, v46;
	[tilespmem:s1+$0xFFFFFF20] =	vst v14  }
0x2a0: {  	v13 =	vand.u32 $0xFFFFFFFE, v13;
	v20 =	vld [tilespmem:s1+$0xFFFFFFA0];
	v19 =	vmul.f32 v63, v46;
	[tilespmem:s1+$0xFFFFFF30] =	vst v3  }
0x2a1: {  	v22 =	vld [tilespmem:s1+$0xFFFFFFB0];
	v13 =	vbroadcast v13, $0x0;
	[tilespmem:s1+$0xFFFFFF40] =	vst v17;
	v2 =	vmul.f32 v15, v46  }
0x2a2: {  	v23 =	vld [tilespmem:s1+$0xFFFFFFC0];
	[tilespmem:s1+$0xFFFFFF50] =	vst v19;
	v53 =	vmul.f32 v44, v4  }
0x2a3: {  	v25 =	vld [tilespmem:s1+$0xFFFFFFD0];
	v24 =	vmul.f32 v16, v48;
	[tilespmem:s1+$0xFFFFFF70] =	vst v2  }
0x2a4: {  	v26 =	vld [tilespmem:s1+$0xFFFFFFE0];
	v1 =	vmul.f32 v18, v48;
	[tilespmem:s1+$0x80] =	vst v53  }
0x2a5: {  	v28 =	vld [tilespmem:s1+$0xFFFFFFF0];
	v27 =	vmul.f32 v20, v48;
	[tilespmem:s1+$0xFFFFFF80] =	vst v24  }
0x2a6: {  	v50 =	vld [tilespmem:s1+$0xB0];
	v29 =	vmul.f32 v22, v48;
	[tilespmem:s1+$0xFFFFFF90] =	vst v1  }
0x2a7: {  	v6 =	vld.idx.msk [tilespmem:v13+s26+$0x0], $0xffff;
	v31 =	vmul.f32 v23, v48;
	[tilespmem:s1+$0xFFFFFFA0] =	vst v27  }
0x2a8: {  	v13 =	vld [tilespmem:s1+$0xFFFFFF60];
	v33 =	vmul.f32 v25, v48;
	[tilespmem:s1+$0xFFFFFFB0] =	vst v29  }
0x2a9: {  	v30 =	vld [tilespmem:s1+$0x0];
	v35 =	vmul.f32 v26, v48;
	[tilespmem:s1+$0xFFFFFFC0] =	vst v31  }
0x2aa: {  	v32 =	vld [tilespmem:s1+$0x10];
	v37 =	vmul.f32 v28, v48;
	[tilespmem:s1+$0xFFFFFFD0] =	vst v33  }
0x2ab: {  	v34 =	vld [tilespmem:s1+$0x20];
	v59 =	vmul.f32 v50, v4;
	[tilespmem:s1+$0xFFFFFFE0] =	vst v35  }
0x2ac: {  	v36 =	vld [tilespmem:s1+$0x30];
	v61 =	vmul.f32 v51, v6;
	[tilespmem:s1+$0xFFFFFFF0] =	vst v37  }
0x2ad: {  	v38 =	vld [tilespmem:s1+$0x40];
	v21 =	vmul.f32 v13, v46;
	[tilespmem:s1+$0xB0] =	vst v59  }
0x2ae: {  	v40 =	vld [tilespmem:s1+$0x50];
	v39 =	vmul.f32 v30, v6;
	[tilespmem:s1+$0x70] =	vst v61  }
0x2af: {  	v42 =	vld [tilespmem:s1+$0x60];
	v41 =	vmul.f32 v32, v6;
	[tilespmem:s1+$0xFFFFFF60] =	vst v21  }
0x2b0: {  	v52 =	vld [tilespmem:s1+$0xC0];
	v43 =	vmul.f32 v34, v6;
	[tilespmem:s1+$0x0] =	vst v39  }
0x2b1: {  	v56 =	vld [tilespmem:s1+$0xE0];
	v45 =	vmul.f32 v36, v6;
	[tilespmem:s1+$0x10] =	vst v41  }
0x2b2: {  	v58 =	vld [tilespmem:s1+$0xF0];
	v47 =	vmul.f32 v38, v6;
	[tilespmem:s1+$0x20] =	vst v43  }
0x2b3: {  	v54 =	vld [tilespmem:s1+$0xD0];
	v49 =	vmul.f32 v40, v6;
	[tilespmem:s1+$0x30] =	vst v45  }
0x2b4: {  	v48 =	vld [tilespmem:s1+$0xA0];
	v51 =	vmul.f32 v42, v6;
	[tilespmem:s1+$0x40] =	vst v47  }
0x2b5: {  	v46 =	vld [tilespmem:s1+$0x90];
	v60 =	vmul.f32 v52, v4;
	[tilespmem:s1+$0x50] =	vst v49  }
0x2b6: {  	v62 =	vmul.f32 v56, v4;
	[tilespmem:s1+$0x60] =	vst v51  }
0x2b7: {  	v63 =	vmul.f32 v58, v4;
	[tilespmem:s1+$0xC0] =	vst v60  }
0x2b8: {  	v61 =	vmul.f32 v54, v4;
	[tilespmem:s1+$0xE0] =	vst v62  }
0x2b9: {  	[tilespmem:s1+$0xF0] =	vst v63;
	v57 =	vmul.f32 v48, v4  }
0x2ba: {  	[tilespmem:s1+$0xD0] =	vst v61;
	v55 =	vmul.f32 v46, v4  }
0x2bb: {  	[tilespmem:s1+$0xA0] =	vst v57  }
0x2bc: {  	[tilespmem:s1+$0x90] =	vst v55  }
0x2bd: {  	_ =	swait.ge [sflag:s12], $0x50  }
0x2be: {  	[sflag:s12] =	ssyncset.done $0x0  }
0x2bf: {  	s18 =	simm.s32 $0xC;
	[sflag:s12] =	ssyncadd.s32 $0xFFFFFFB0  }
0x2c0: {  	[spmem:s2] =	stream.indirect.scatter.add.f32 [tilespmem:s28], [sflag:$0xB], $0x80, s24, s22, $0xb8;
	[tilespmem:$0x1DB00] =	vst v63  }
0x2c1: {  	_ =	swait.ge [sflag:s18], $0x2800  }
0x2c2: {  	[sflag:s18] =	ssyncset.done $0x0  }
0x2c3: {  	[sflag:s18] =	ssyncadd.s32 $0xFFFFD800  }
0x2c4: {  	_ =	swait.ge [sflag:s13], $0x2800  }
0x2c5: {  	[sflag:s13] =	ssyncset.done $0x0  }
0x2c6: {  	[sflag:s13] =	ssyncadd.s32 $0xFFFFD800  }
0x2c7: {  	_ =	swait.ge [sflag:s16], $0x2800  }
0x2c8: {  	[sflag:s16] =	ssyncset.done $0x0  }
0x2c9: {  	[sflag:s16] =	ssyncadd.s32 $0xFFFFD800  }
0x2ca: {  	[bflag:$0x0] =	sbarrier.arrive $0xFFFF  }
0x2cb: {  	s1 =	rddreg [dreg:$0x9]  }
0x2cc: {  	s8 =	simm.s32 @p0 $0x1FCD;
	s17 =	rddreg [dreg:$0xb];
	s1 =	sadd.s32 @p0 $0x25800, s1  }
0x2cd: {  	[hbm:s1], [sflag:s8] =	dma.local @p0 [spmem:s17], $0x1900  }
0x2ce: {  	s1 =	simm.s32 @p0 $0xD  }
0x2cf: {  	_ =	swait.ge @p0 [sflag:s1], $0x1900  }
0x2d0: {  	s18 =	rddreg [dreg:$0xc]  }
0x2d1: {  	[sflag:s1] =	ssyncset.done @p0 $0x0;
	s9 =	rddreg [dreg:$0xd]  }
0x2d2: {  	[sflag:s1] =	ssyncadd.s32 @p0 $0xFFFFE700;
	s1 =	rddreg [dreg:$0xe]  }
0x2d3: {  	[hbm:s1], [sflag:s18] =	dma.local @!p0 [spmem:s9], $0x2800  }
0x2d4: {  	s1 =	simm.s32 @!p0 $0xD  }
0x2d5: {  	_ =	swait.ge @!p0 [sflag:s1], $0x2800  }
0x2d6: {  	s19 =	sadd.s32 $0x1, s19;
	s8 =	rddreg [dreg:$0xa]  }
0x2d7: {  	p1 =	sne.s32 s19, s8  }
.Ltmp6:
0x2d8: {  	_ = 	snop;
	(pc) =	sbr.rel @p1 .LBB2_1-.Ltmp6, $3  }
0x2d9: {  	_ =	sdelay $0x1  }
0x2da: {  	[sflag:s1] =	ssyncset.done @!p0 $0x0  }
0x2db: {  	[sflag:s1] =	ssyncadd.s32 @!p0 $0xFFFFD800  }
0x2dc: {  	_ =	sfence.sel $0x180000  }
0x2dd: {  	[bflag:$0x0] =	sbarrier.arrive $0xFFFF  }
0x2de: {  	_ =	strace $0x90000050  }
0x2df: {  	s0 =	stileid.u32;
	[bflag:$0x2] =	sbarrier.arrive $0xFFFF  }
0x2e0: {  	p0 =	sne.s32 s0, $0x0;
	s0 =	rddreg [dreg:$0x2]  }
0x2e1: {  	s0 =	sadd.s32 @!p0 $0x100000, s0  }
0x2e2: {  	[sflag:s0] =	ssyncadd.tile.s32 @!p0 $0x1;
	_ =	shalt  }
.Lfunc_end2:
_tile_overlayer_lowered:
.L_overlay_start_2:
0x2e3: {  	(tag) =	ssettag $0x2  }
0x2e4: {  	s0 =	rddreg [dreg:$0x0];
	s2 =	stileid.u32  }
0x2e5: {  	s1 =	rddreg [dreg:$0x1];
	p0 =	sne.s32 s2, $0x0  }
0x2e6: {  	s3 =	rddreg [dreg:$0x2];
	[bflag:$0x3] =	sbarrier.arrive $0xFFFF;
	s2 =	simm.s32 @!p0 $0x1C0D  }
0x2e7: {  	[timem:s3], [sflag:s2] =	dma.local @!p0 [hbm:s0], s1  }
0x2e8: {  	s0 =	simm.s32 @!p0 $0xD  }
0x2e9: {  	_ =	swait.ge @!p0 [sflag:s0], s1  }
0x2ea: {  	s1 =	ssub.s32 @!p0 $0x0, s1;
	[sflag:s0] =	ssyncset.done @!p0 $0x0  }
0x2eb: {  	[sflag:s0] =	ssyncadd.s32 @!p0 s1  }
0x2ec: {  	[bflag:$0x3] =	sbarrier.arrive $0xFFFF  }
0x2ed: {  	_ =	shalt  }

// kernel: kernel.9.cloned.1.call-start
scs
__scs_entry_jumppad:
0x0: {  	(pc) =	sbr.rel $0x88, $3  }
0x1: {  	(tag) =	ssettag $0x0;
	lr =	simm.s32 $0x1  }
0x2: {  	[smem:$0x3F8B] =	sst lr;
	_ =	strace $0xD0000000  }
0x3: {  	_ = 	snop  }
0x4: {  	_ = 	snop  }
0x5: {  	_ = 	snop  }
0x6: {  	_ = 	snop  }
0x7: {  	_ = 	snop  }
__scs_overlays_trampoline_lowered:
0x8: {  	[smem:$0x3F9A] =	sst s0  }
0x9: {  	[smem:$0x3F9B] =	sst s1  }
0xa: {  	[smem:$0x3F9C] =	sst s2  }
0xb: {  	[smem:$0x3F9D] =	sst s3  }
0xc: {  	[smem:$0x3F9E] =	sst s4  }
0xd: {  	[smem:$0x3F9F] =	sst s5  }
0xe: {  	[smem:$0x3FA0] =	sst s6  }
0xf: {  	[smem:$0x3FA1] =	sst s7  }
0x10: {  	[smem:$0x3FA2] =	sst s8  }
0x11: {  	[smem:$0x3FA3] =	sst s9;
	s0 =	simm.s32 @!p0 $0x0  }
0x12: {  	s1 =	sld [smem:$0x3F89];
	s0 =	simm.s32 @p0 $0x1  }
0x13: {  	[smem:$0x3FA4] =	sst s0;
	s0 =	simm.s32 @!p1 $0x0  }
0x14: {  	s2 =	sld [smem:$0x3F88];
	s0 =	simm.s32 @p1 $0x1  }
0x15: {  	[smem:$0x3FA5] =	sst s0;
	s0 =	simm.s32 @!p2 $0x0  }
0x16: {  	s3 =	sld [smem:$0x3FDB];
	s0 =	simm.s32 @p2 $0x1  }
0x17: {  	s4 =	simm.s32 $0x1BF5;
	[smem:$0x3FA7] =	sst s0  }
0x18: {  	s0 =	sld [smem:$0x3F8A];
	_ =	swait.ge [sflag:s4], $0x0  }
0x19: {  	s7 =	sld [smem:$0x3F8B]  }
0x1a: {  	s8 =	sadd.s32 $0xFFFFE003, lr  }
0x1b: {  	s9 =	sadd.s32 $0xFFFFFEF7, lr;
	s5 =	simm.s32 $0xFFFFFFFF;
	p2 =	slt.u32 s8, $0xFFFFF086  }
0x1c: {  	p1 =	slt.u32 s9, $0xF7A;
	s5 =	simm.s32 @!p2 $0x0  }
0x1d: {  	s5 =	simm.s32 @p1 $0x1;
	p0 =	seq.s32 s7, s2  }
0x1e: {  	s7 =	smul.u32 @!p0 $0xF7A, s2;
	p2 =	seq.s32 @!p0 s5, $0x0  }
0x1f: {  	s9 =	smul.u32 $0xF7A, s1;
	s8 =	simm.s32 @!p0 $0x1BF5;
	p2 =	por !p2, p0  }
0x20: {  	[sflag:s8] =	ssyncset.s32 @!p0 $0xFFFFF086;
	s6 =	sadd.s32 @!p0 s3, s7;
	s7 =	simm.s32 @!p0 $0x108  }
0x21: {  	s3 =	sadd.s32 s3, s9;
	s6 =	sadd.s32 @!p0 $0x88, s6;
	s7 =	simm.s32 @p2 $0x1082  }
0x22: {  	[simem:s7], [sflag:s8] =	dma.local @!p0 [hbm:s6], $0xF7A  }
0x23: {  	s9 =	sor.u32 $0xD0000000, s2;
	s6 =	simm.s32 $0x108;
	_ =	swait.ge @!p0 [sflag:s8], $0x0  }
0x24: {  	s3 =	sadd.s32 $0x88, s3;
	s6 =	simm.s32 @!p1 $0x1082;
	[sflag:s4] =	ssyncset.s32 $0xFFFFF086  }
0x25: {  	[simem:s6], [sflag:s4] =	dma.local [hbm:s3], $0xF7A  }
0x26: {  	[smem:$0x3F8B] =	sst s1;
	(tag) =	ssettag s2;
	_ =	strace s9  }
0x27: {  	s1 =	sld [smem:$0x3F9B]  }
0x28: {  	s2 =	sld [smem:$0x3F9C]  }
0x29: {  	s4 =	sld [smem:$0x3F9E]  }
0x2a: {  	p0 =	seq.s32 s5, $0x0;
	s5 =	sld [smem:$0x3F9F]  }
0x2b: {  	s6 =	sld [smem:$0x3FA0]  }
0x2c: {  	s7 =	sld [smem:$0x3FA1]  }
0x2d: {  	s3 =	simm.s32 $0x108;
	s8 =	sld [smem:$0x3FA2]  }
0x2e: {  	s3 =	simm.s32 @!p0 $0x1082;
	s9 =	sld [smem:$0x3FA3]  }
0x2f: {  	lr =	sadd.s32 s0, s3;
	s0 =	sld [smem:$0x3F9A]  }
0x30: {  	s3 =	sld [smem:$0x3F9D]  }
0x31: {  	[smem:$0x3FA6] =	sst s10  }
0x32: {  	s10 =	sld [smem:$0x3FA4];
	_ =	sdelay $0x3  }
0x33: {  	p0 =	seq.s32 s10, $0x1;
	s10 =	sld [smem:$0x3FA6];
	_ =	sdelay $0x3  }
0x34: {  	[smem:$0x3FA6] =	sst s10  }
0x35: {  	s10 =	sld [smem:$0x3FA5];
	_ =	sdelay $0x3  }
0x36: {  	p1 =	seq.s32 s10, $0x1;
	s10 =	sld [smem:$0x3FA6];
	_ =	sdelay $0x3  }
0x37: {  	[smem:$0x3FA6] =	sst s10  }
0x38: {  	s10 =	sld [smem:$0x3FA7]  }
0x39: {  	_ = 	snop;
	(pc) =	sbr.ind lr, $3  }
0x3a: {  	_ = 	snop  }
0x3b: {  	_ = 	snop  }
0x3c: {  	p2 =	seq.s32 s10, $0x1;
	s10 =	sld [smem:$0x3FA6]  }
0x3d: {  	_ =	shalt  }
0x3e: {  	_ =	shalt  }
0x3f: {  	_ =	shalt  }
0x40: {  	_ =	shalt  }
0x41: {  	_ =	shalt  }
0x42: {  	_ =	shalt  }
0x43: {  	_ =	shalt  }
0x44: {  	_ =	shalt  }
0x45: {  	_ =	shalt  }
0x46: {  	_ =	shalt  }
0x47: {  	_ =	shalt  }
0x48: {  	_ =	shalt  }
0x49: {  	_ =	shalt  }
0x4a: {  	_ =	shalt  }
0x4b: {  	_ =	shalt  }
0x4c: {  	_ =	shalt  }
0x4d: {  	_ =	shalt  }
0x4e: {  	_ =	shalt  }
0x4f: {  	_ =	shalt  }
0x50: {  	_ =	shalt  }
0x51: {  	_ =	shalt  }
0x52: {  	_ =	shalt  }
0x53: {  	_ =	shalt  }
0x54: {  	_ =	shalt  }
0x55: {  	_ =	shalt  }
0x56: {  	_ =	shalt  }
0x57: {  	_ =	shalt  }
0x58: {  	_ =	shalt  }
0x59: {  	_ =	shalt  }
0x5a: {  	_ =	shalt  }
0x5b: {  	_ =	shalt  }
0x5c: {  	_ =	shalt  }
0x5d: {  	_ =	shalt  }
0x5e: {  	_ =	shalt  }
0x5f: {  	_ =	shalt  }
0x60: {  	_ =	shalt  }
0x61: {  	_ =	shalt  }
0x62: {  	_ =	shalt  }
0x63: {  	_ =	shalt  }
0x64: {  	_ =	shalt  }
0x65: {  	_ =	shalt  }
0x66: {  	_ =	shalt  }
0x67: {  	_ =	shalt  }
0x68: {  	_ =	shalt  }
0x69: {  	_ =	shalt  }
0x6a: {  	_ =	shalt  }
0x6b: {  	_ =	shalt  }
0x6c: {  	_ =	shalt  }
0x6d: {  	_ =	shalt  }
0x6e: {  	_ =	shalt  }
0x6f: {  	_ =	shalt  }
0x70: {  	_ =	shalt  }
0x71: {  	_ =	shalt  }
0x72: {  	_ =	shalt  }
0x73: {  	_ =	shalt  }
0x74: {  	_ =	shalt  }
0x75: {  	_ =	shalt  }
0x76: {  	_ =	shalt  }
0x77: {  	_ =	shalt  }
0x78: {  	_ =	shalt  }
0x79: {  	_ =	shalt  }
0x7a: {  	_ =	shalt  }
0x7b: {  	_ =	shalt  }
0x7c: {  	_ =	shalt  }
0x7d: {  	_ =	shalt  }
0x7e: {  	_ =	shalt  }
0x7f: {  	_ =	shalt  }
0x80: {  	_ =	shalt  }
0x81: {  	_ =	shalt  }
0x82: {  	_ =	shalt  }
0x83: {  	_ =	shalt  }
0x84: {  	_ =	shalt  }
0x85: {  	_ =	shalt  }
0x86: {  	_ =	shalt  }
0x87: {  	_ =	shalt  }
.Lfunc_end0:
.L_simem_size_0:
called_computation_lowered:
.L_overlay_start_0:
0x88: {  	s2 =	sld [smem:$0x3FD9]  }
0x89: {  	s3 =	sld [smem:$0x3FFE];
	_ =	sdelay $0x1  }
0x8a: {  	s1 =	srdreg.scid  }
0x8b: {  	s0 =	sand.u32 $0x1, s1  }
0x8c: {  	s16 =	sshll.u32 s0, $0xA;
	s2 =	sadd.s32 s3, s2  }
0x8d: {  	s2 =	sadd.s32 s2, s16  }
0x8e: {  	[smem:$0x3FB2] =	sst s2  }
0x8f: {  	_ = 	snop  }
0x90: {  	(tm) =	ssettm $0x1  }
0x91: {  	s17 =	sld [smem:$0x3FFB];
	_ =	sdelay $0x3  }
0x92: {  	_ =	strace s17  }
0x93: {  	s2 =	sld [smem:$0x3FFC];
	_ =	sdelay $0x3  }
0x94: {  	_ =	strace s2  }
0x95: {  	s2 =	sld [smem:$0x3FFD];
	_ =	sdelay $0x3  }
0x96: {  	_ =	strace s2  }
0x97: {  	_ =	strace $0x8FFFFFFF  }
0x98: {  	s18 =	sld [smem:$0x3FDB];
	_ =	sdelay $0x1  }
0x99: {  	s19 =	simm.s32 $_scs_section_size  }
0x9a: {  	s4 =	simm.s32 $_size__tile_overlayer_lowered;
	s5 =	simm.s32 $_tile_overlayer_lowered  }
0x9b: {  	s22 =	simm.s32 $0x1BFF;
	s21 =	sshll.u32 s5, $0x1;
	s2 =	sadd.s32 s19, s18  }
0x9c: {  	s6 =	simm.s32 $0x0;
	s20 =	sshll.u32 s4, $0x1;
	s4 =	sadd.s32 s21, s2  }
0x9d: {  	[timem:s6], [sflag:s22] =	dma.local [hbm:s4], s20  }
0x9e: {  	_ =	swait.ge [sflag:s22], s20  }
0x9f: {  	s3 =	ssub.s32 $0x0, s20;
	[sflag:s22] =	ssyncset.done $0x0  }
0xa0: {  	[sflag:s22] =	ssyncadd.s32 s3;
	_ =	sdelay $0x1  }
0xa1: {  	s23 =	simm.s32 $0x1B8B  }
0xa2: {  	_ =	swait.ge [sflag:s23], $0x1  }
0xa3: {  	[sflag:s23] =	ssyncset.done $0x0  }
0xa4: {  	s25 =	simm.s32 $0x1B8E;
	s24 =	sld [smem:$0x3FFE];
	[sflag:s23] =	ssyncadd.s32 $0xFFFFFFFF  }
0xa5: {  	s26 =	simm.s32 $execute0_lowered;
	[smem:$0x3FD2] =	sst s25  }
0xa6: {  	s4 =	sshll.u32 s26, $0x1;
	_ =	strace $0x80000046;
	[dreg:$0x1] =	wrdreg $0xFFFFFFFF  }
0xa7: {  	s28 =	simm.s32 $_size_execute0_lowered;
	s2 =	sadd.s32 s2, s4;
	[dreg:$0x0] =	wrdreg $0x0  }
0xa8: {  	s4 =	sshll.u32 s28, $0x1;
	[dreg:$0x2] =	wrdreg s2  }
0xa9: {  	[dreg:$0x3] =	wrdreg s4  }
0xaa: {  	[dreg:$0x4] =	wrdreg $0xC0  }
0xab: {  	_ =	task [dreg:s6], $0x5FFFF  }
0xac: {  	[dreg:$0x1] =	wrdreg $0xFFFFFFFF  }
0xad: {  	[dreg:$0x0] =	wrdreg $0x60  }
0xae: {  	[dreg:$0x2] =	wrdreg s24  }
0xaf: {  	[dreg:$0x3] =	wrdreg $0x9  }
0xb0: {  	_ =	task.clear_ibuf [dreg:s6], $0x4FFFF;
	_ =	strace $0x90000046  }
0xb1: {  	s29 =	simm.s32 $0x9;
	_ =	strace $0x80000048  }
0xb2: {  	_ =	swait.ge [sflag:s29], $0x1  }
0xb3: {  	[sflag:s29] =	ssyncadd.s32 $0xFFFFFFFF  }
0xb4: {  	_ =	strace $0x90000048  }
0xb5: {  	_ =	sfence  }
0xb6: {  	s30 =	sld [smem:$0x0];
	_ =	sdelay $0x2  }
0xb7: {  	s31 =	sshll.u32 s1, $0xD;
	s1 =	sshrl.u32 s1, $0x2  }
0xb8: {  	s3 =	sand.u32 $0x4000, s31;
	s1 =	sadd.s32 s1, s30  }
0xb9: {  	s0 =	sor.u32 s3, s0;
	s1 =	sshll.u32 s1, $0x11  }
0xba: {  	s0 =	sor.u32 s1, s0  }
0xbb: {  	s0 =	sadd.s32 $0x8F2B, s0  }
0xbc: {  	[sflag:s0] =	ssyncadd.remote.s32 $0x1  }
0xbd: {  	_ =	sfence.sel $0xFFFF  }
0xbe: {  	[dreg:$0x0] =	wrdreg $0xFFFFFFFF;
	(pc) =	sbr.abs _section_cstart, $3  }
0xbf: {  	[dreg:$0x1] =	wrdreg $0xFFFFFFFF  }
0xc0: {  	_ =	task.clear_ibuf [dreg:s6], $0x2FFFF;
	_ =	strace $0x9FFFFFFF  }
0xc1: {  	(tm) =	ssettm $0x7FFFFFFF  }
tec
execute0_lowered:
.L_overlay_start_1:
0x0: {  	(tag) =	ssettag $0x1  }
0x1: {  	s1 =	srdreg.scid  }
0x2: {  	s0 =	stileid.u32;
	s5 =	rddreg [dreg:$0x0];
	s2 =	simm.s32 $0x0  }
0x3: {  	s13 =	simm.s32 $0x2;
	s14 =	simm.s32 $0x3;
	s15 =	simm.s32 $0x4  }
0x4: {  	s16 =	simm.s32 $0xF780;
	s17 =	simm.s32 $0xD000;
	s18 =	simm.s32 $0x5  }
0x5: {  	s21 =	simm.s32 $0x400;
	s6 =	sand.u32 $0x1, s1;
	s1 =	rddreg [dreg:$0x1]  }
0x6: {  	s22 =	simm.s32 $0x0;
	s3 =	sshll.u32 s0, $0x1;
	[smem:$0x7FF] =	sst s2  }
0x7: {  	s10 =	sshrl.u32 s0, $0x3;
	s12 =	sshll.u32 s0, $0x7;
	s4 =	sor.u32 s6, s3  }
0x8: {  	_ =	strace $0x80000047;
	s3 =	sadd.s32 $0x5E200, s5;
	s9 =	smul.u32 $0x5000, s6  }
0x9: {  	s6 =	ssub.s32 $0x2, s6;
	s10 =	smul.u32 $0x14000, s10;
	s12 =	sand.u32 $0x380, s12  }
0xa: {  	s7 =	smul.u32 $0x4E2, s4;
	s8 =	sshll.u32 s4, $0xB;
	s4 =	sadd.s32 $0x5E800, s5  }
0xb: {  	s11 =	sshrl.u32 s6, $0x1;
	s8 =	sadd.s32 s8, s5;
	s9 =	sadd.s32 s9, s5  }
0xc: {  	s11 =	ssub.s32 s6, s11;
	s31 =	sor.u32 s12, s10;
	s10 =	simm.s32 $0x9000  }
0xd: {  	s12 =	simm.s32 $0x1;
	s7 =	sadd.s32 s7, s5;
	s5 =	sadd.s32 $0x17000, s8  }
0xe: {  	s6 =	sadd.s32 $0x27000, s8;
	s19 =	sadd.s32 $0x68C00, s9;
	s20 =	sshrl.u32 s31, $0x3  }
0xf: {  	s8 =	smax.u32 s11, $0x1;
	s9 =	simm.s32 $0x5000;
	s11 =	simm.s32 $0x2800  }
0x10: {  	v0 =	vimm.f32 $0.0e+00;
	s7 =	sadd.s32 $0x5EE00, s7;
	s19 =	sadd.s32 s20, s19;
	s20 =	simm.s32 $0x80  }
.LBB2_1:
0x11: {  	[tilespmem:s9], [sflag:$0x1] =	stream.linear.gather [hbm4b:s5+s2], $0x3E80, $0x38;
	[tilespmem:$0x11F80] =	vst v63  }
0x12: {  	_ = 	snop  }
0x13: {  	[tilespmem:s10], [sflag:$0x2] =	stream.linear.gather [hbm4b:s6+s2], $0x3E80, $0x38;
	[tilespmem:$0x11F80] =	vst v63  }
0x14: {  	_ = 	snop  }
0x15: {  	[tilespmem:s2], [sflag:$0x3] =	stream.linear.gather [hbm4b:s3+s2], $0x2800, $0x38;
	[tilespmem:$0x11F80] =	vst v63  }
0x16: {  	s23 =	simm.s32 $0xF7C0  }
0x17: {  	[tilespmem:s11], [sflag:$0x4] =	stream.linear.gather [hbm4b:s4+s2], $0x2800, $0x38;
	[tilespmem:$0x11F80] =	vst v63  }
0x18: {  	[tilespmem:s23+$0xFFFFFFC0] =	vst v0  }
0x19: {  	[tilespmem:s23+$0x30] =	vst v0  }
0x1a: {  	[tilespmem:s23+$0x20] =	vst v0  }
0x1b: {  	[tilespmem:s23+$0x10] =	vst v0  }
0x1c: {  	[tilespmem:s23+$0x0] =	vst v0  }
0x1d: {  	[tilespmem:s23+$0xFFFFFFF0] =	vst v0  }
0x1e: {  	s24 =	simm.s32 $0x0;
	[tilespmem:s23+$0xFFFFFFE0] =	vst v0  }
.LBB2_2:
0x1f: {  	s24 =	sadd.s32 $0x8, s24;
	[tilespmem:s23+$0xFFFFFFD0] =	vst v0;
	s23 =	sadd.s32 $0x80, s23  }
0x20: {  	[tilespmem:s23+$0xFFFFFFC0] =	vst v0;
	p0 =	slt.u32 s24, $0x278  }
0x21: {  	[tilespmem:s23+$0x30] =	vst v0  }
.Ltmp0:
0x22: {  	[tilespmem:s23+$0x20] =	vst v0;
	(pc) =	sbr.rel @p0 .LBB2_2-.Ltmp0, $4  }
0x23: {  	[tilespmem:s23+$0x10] =	vst v0  }
0x24: {  	[tilespmem:s23+$0x0] =	vst v0  }
0x25: {  	[tilespmem:s23+$0xFFFFFFF0] =	vst v0  }
0x26: {  	[tilespmem:s23+$0xFFFFFFE0] =	vst v0  }
0x27: {  	[tilespmem:s23+$0xFFFFFFD0] =	vst v0  }
0x28: {  	_ =	swait.ge [sflag:s12], $0x3E80  }
0x29: {  	[sflag:s12] =	ssyncset.done $0x0  }
0x2a: {  	[sflag:s12] =	ssyncadd.s32 $0xFFFFC180  }
0x2b: {  	_ =	swait.ge [sflag:s13], $0x3E80  }
0x2c: {  	[sflag:s13] =	ssyncset.done $0x0  }
0x2d: {  	[sflag:s13] =	ssyncadd.s32 $0xFFFFC180  }
0x2e: {  	_ =	swait.ge [sflag:s14], $0x2800  }
0x2f: {  	[sflag:s14] =	ssyncset.done $0x0  }
0x30: {  	[sflag:s14] =	ssyncadd.s32 $0xFFFFD800  }
0x31: {  	_ =	swait.ge [sflag:s15], $0x2800  }
0x32: {  	[sflag:s15] =	ssyncset.done $0x0  }
0x33: {  	[sflag:s15] =	ssyncadd.s32 $0xFFFFD800  }
0x34: {  	s23 =	simm.s32 $0x0;
	s24 =	simm.s32 $0xD020;
	v1 =	vld [tilespmem:$0x4FF0]  }
.LBB2_4:
0x35: {  	s25 =	sshra.s32 s23, $0x2  }
0x36: {  	v2 =	vld [tilespmem:s25+$0x5000]  }
0x37: {  	v3 =	vld [tilespmem:s25+$0x9000];
	_ =	sdelay $0x6  }
0x38: {  	v2 =	vld.idx.msk [tilespmem:v2+s2+$0x0], $0xffff  }
0x39: {  	v4 =	vld.idx.msk [tilespmem:v3+s11+$0x0], $0xffff;
	_ =	sdelay $0x4  }
0x3a: {  	v2 =	vadd.f32 v4, v2;
	_ =	sdelay $0x1  }
0x3b: {  	v4 =	vmul.f32 $2.000000030e-01, v2  }
0x3c: {  	vm0 =	vge.f32 v2, $0.0e+00  }
0x3d: {  	v2 =	vsel vm0, v2, v4  }
0x3e: {  	v2 =	vsub.f32 v2, v1;
	_ =	sdelay $0x1  }
0x3f: {  	v2 =	vmul.f32 $1.442695020e+00, v2;
	_ =	sdelay $0x1  }
0x40: {  	(erf) = vpow2.f32 v2;
	_ =	sdelay $0x8  }
0x41: {  	v2 =	vpop (erf)  }
0x42: {  	[tilespmem:s24+$0xFFFFFFE0] =	vst v2  }
0x43: {  	[tilespmem:v3+s16+$0x0] =	vst.idx.add.f32.msk $0xffff, v2  }
0x44: {  	v2 =	vld [tilespmem:s25+$0x5010]  }
0x45: {  	v3 =	vld [tilespmem:s25+$0x9010];
	_ =	sdelay $0x6  }
0x46: {  	v2 =	vld.idx.msk [tilespmem:v2+s2+$0x0], $0xffff  }
0x47: {  	v60 =	vld.idx.msk [tilespmem:v3+s11+$0x0], $0xffff;
	_ =	sdelay $0x4  }
0x48: {  	v2 =	vadd.f32 v60, v2;
	_ =	sdelay $0x1  }
0x49: {  	v4 =	vmul.f32 $2.000000030e-01, v2  }
0x4a: {  	vm12 =	vge.f32 v2, $0.0e+00  }
0x4b: {  	v2 =	vsel vm12, v2, v4  }
0x4c: {  	v2 =	vsub.f32 v2, v1;
	_ =	sdelay $0x1  }
0x4d: {  	v2 =	vmul.f32 $1.442695020e+00, v2;
	_ =	sdelay $0x1  }
0x4e: {  	(erf) = vpow2.f32 v2;
	_ =	sdelay $0x8  }
0x4f: {  	v2 =	vpop (erf)  }
0x50: {  	[tilespmem:s24+$0xFFFFFFF0] =	vst v2  }
0x51: {  	[tilespmem:v3+s16+$0x0] =	vst.idx.add.f32.msk $0xffff, v2  }
0x52: {  	v2 =	vld [tilespmem:s25+$0x5020]  }
0x53: {  	v3 =	vld [tilespmem:s25+$0x9020];
	_ =	sdelay $0x6  }
0x54: {  	v2 =	vld.idx.msk [tilespmem:v2+s2+$0x0], $0xffff  }
0x55: {  	v61 =	vld.idx.msk [tilespmem:v3+s11+$0x0], $0xffff;
	_ =	sdelay $0x4  }
0x56: {  	v2 =	vadd.f32 v61, v2;
	_ =	sdelay $0x1  }
0x57: {  	v4 =	vmul.f32 $2.000000030e-01, v2  }
0x58: {  	vm13 =	vge.f32 v2, $0.0e+00  }
0x59: {  	v2 =	vsel vm13, v2, v4  }
0x5a: {  	v2 =	vsub.f32 v2, v1;
	_ =	sdelay $0x1  }
0x5b: {  	v2 =	vmul.f32 $1.442695020e+00, v2;
	_ =	sdelay $0x1  }
0x5c: {  	(erf) = vpow2.f32 v2;
	_ =	sdelay $0x8  }
0x5d: {  	v2 =	vpop (erf)  }
0x5e: {  	[tilespmem:s24+$0x0] =	vst v2  }
0x5f: {  	[tilespmem:v3+s16+$0x0] =	vst.idx.add.f32.msk $0xffff, v2  }
0x60: {  	v2 =	vld [tilespmem:s25+$0x5030]  }
0x61: {  	v3 =	vld [tilespmem:s25+$0x9030];
	_ =	sdelay $0x6  }
0x62: {  	v2 =	vld.idx.msk [tilespmem:v2+s2+$0x0], $0xffff  }
0x63: {  	v62 =	vld.idx.msk [tilespmem:v3+s11+$0x0], $0xffff;
	_ =	sdelay $0x4  }
0x64: {  	v2 =	vadd.f32 v62, v2;
	_ =	sdelay $0x1  }
0x65: {  	v4 =	vmul.f32 $2.000000030e-01, v2  }
0x66: {  	vm14 =	vge.f32 v2, $0.0e+00  }
0x67: {  	v2 =	vsel vm14, v2, v4  }
0x68: {  	v2 =	vsub.f32 v2, v1;
	_ =	sdelay $0x1  }
0x69: {  	v2 =	vmul.f32 $1.442695020e+00, v2;
	_ =	sdelay $0x1  }
0x6a: {  	(erf) = vpow2.f32 v2;
	_ =	sdelay $0x8  }
0x6b: {  	v2 =	vpop (erf)  }
0x6c: {  	[tilespmem:s24+$0x10] =	vst v2  }
0x6d: {  	[tilespmem:v3+s16+$0x0] =	vst.idx.add.f32.msk $0xffff, v2  }
0x6e: {  	v2 =	vld [tilespmem:s25+$0x5040]  }
0x6f: {  	v3 =	vld [tilespmem:s25+$0x9040];
	_ =	sdelay $0x6  }
0x70: {  	v2 =	vld.idx.msk [tilespmem:v2+s2+$0x0], $0xffff  }
0x71: {  	v63 =	vld.idx.msk [tilespmem:v3+s11+$0x0], $0xffff;
	_ =	sdelay $0x4  }
0x72: {  	v2 =	vadd.f32 v63, v2;
	_ =	sdelay $0x1  }
0x73: {  	v4 =	vmul.f32 $2.000000030e-01, v2  }
0x74: {  	vm15 =	vge.f32 v2, $0.0e+00  }
0x75: {  	v2 =	vsel vm15, v2, v4  }
0x76: {  	v2 =	vsub.f32 v2, v1;
	_ =	sdelay $0x1  }
0x77: {  	v2 =	vmul.f32 $1.442695020e+00, v2;
	_ =	sdelay $0x1  }
0x78: {  	(erf) = vpow2.f32 v2;
	_ =	sdelay $0x5  }
0x79: {  	p0 =	sne.s32 s23, $0xF800  }
.Ltmp1:
0x7a: {  	_ = 	snop;
	(pc) =	sbr.rel @p0 .LBB2_4-.Ltmp1, $4  }
0x7b: {  	_ = 	snop  }
0x7c: {  	v2 =	vpop (erf)  }
0x7d: {  	[tilespmem:s24+$0x20] =	vst v2  }
0x7e: {  	s23 =	sadd.s32 $0x200, s23;
	s24 =	sadd.s32 $0x50, s24;
	[tilespmem:v3+s16+$0x0] =	vst.idx.add.f32.msk $0xffff, v2  }
0x7f: {  	[hbm4b:s7+s2] =	stream.linear.scatter [tilespmem:s17], [sflag:$0x5], $0x2710, $0x38;
	[tilespmem:$0x11F80] =	vst v63  }
0x80: {  	s22 =	sadd.s32 $0x1, s22;
	_ =	swait.ge [sflag:s18], $0x2710  }
0x81: {  	p0 =	sne.s32 s22, s8;
	[sflag:s18] =	ssyncset.done $0x0  }
.Ltmp2:
0x82: {  	[sflag:s18] =	ssyncadd.s32 $0xFFFFD8F0;
	(pc) =	sbr.rel @p0 .LBB2_1-.Ltmp2, $4  }
0x83: {  	[hbm4b:s19+s20] =	stream.strided.scatter [tilespmem:s16], [sflag:$0x5], $0x2800, s21, s20, $0x38;
	[tilespmem:$0x11F80] =	vst v63  }
0x84: {  	_ =	swait.ge [sflag:s18], $0x2800  }
0x85: {  	[sflag:s18] =	ssyncset.done $0x0  }
0x86: {  	[sflag:s18] =	ssyncadd.s32 $0xFFFFD800  }
0x87: {  	_ =	sfence.sel $0x180000  }
0x88: {  	[bflag:$0x0] =	sbarrier.arrive $0xFFFF  }
0x89: {  	p0 =	sne.s32 s0, $0x0;
	_ =	strace $0x90000047  }
0x8a: {  	s0 =	sadd.s32 @!p0 $0x100000, s1;
	[bflag:$0x2] =	sbarrier.arrive $0xFFFF  }
0x8b: {  	[sflag:s0] =	ssyncadd.tile.s32 @!p0 $0x1;
	_ =	shalt  }
.Lfunc_end2:
_tile_overlayer_lowered:
.L_overlay_start_2:
0x8c: {  	(tag) =	ssettag $0x2  }
0x8d: {  	s0 =	rddreg [dreg:$0x0];
	s2 =	stileid.u32  }
0x8e: {  	s1 =	rddreg [dreg:$0x1];
	p0 =	sne.s32 s2, $0x0  }
0x8f: {  	s3 =	rddreg [dreg:$0x2];
	[bflag:$0x3] =	sbarrier.arrive $0xFFFF;
	s2 =	simm.s32 @!p0 $0x1C05  }
0x90: {  	[timem:s3], [sflag:s2] =	dma.local @!p0 [hbm:s0], s1  }
0x91: {  	s0 =	simm.s32 @!p0 $0x5  }
0x92: {  	_ =	swait.ge @!p0 [sflag:s0], s1  }
0x93: {  	s1 =	ssub.s32 @!p0 $0x0, s1;
	[sflag:s0] =	ssyncset.done @!p0 $0x0  }
0x94: {  	[sflag:s0] =	ssyncadd.s32 @!p0 s1  }
0x95: {  	[bflag:$0x3] =	sbarrier.arrive $0xFFFF  }
0x96: {  	_ =	shalt  }

</sc_bundles>
